<compile_context>
chip_gen: v7x
topology: tpu7x:2x2x1
jax: 0.10.2.dev20260603
libtpu: 0.0.44.dev20260713+nightly
codegen_flags: <defaults>
</compile_context>

<pallas_src>
import functools

import jax
import jax.numpy as jnp
from jax import lax
from jax.experimental import pallas as pl
from jax.experimental.pallas import tpu as pltpu
from jax.experimental.pallas import tpu_sc as plsc

_H, _W, _C, _N = 2048, 2048, 8, 1048576
_NC, _NS, _L = 2, 16, 16
_NW = _NC * _NS
_NPW = _N // _NW
_B = 1024
_NCHUNK = _NPW // _B
_JR = _B // 128

_f32 = jnp.float32
_i32 = jnp.int32


def _phase1(uv_v, idx, wxr, wyr):
    i00, i01, i10, i11 = idx
    iota2 = lax.iota(_i32, _L) * 2

    def p1(i, carry):
        j = i // 8
        cc = (i % 8) * 16
        o2 = iota2 + i * 32
        u = plsc.load_gather(uv_v, [o2])
        v = plsc.load_gather(uv_v, [o2 + 1])
        x = u * float(_W - 1)
        y = v * float(_H - 1)
        xi = jnp.minimum(x.astype(_i32), _W - 2)
        yi = jnp.minimum(y.astype(_i32), _H - 2)
        wx = x - xi.astype(_f32)
        wy = y - yi.astype(_f32)
        k00 = (yi << 11) + xi
        i00[j, pl.ds(cc, 16)] = k00
        i01[j, pl.ds(cc, 16)] = k00 + 1
        i10[j, pl.ds(cc, 16)] = k00 + _W
        i11[j, pl.ds(cc, 16)] = k00 + _W + 1
        wxr[pl.ds(i * 16, 16)] = wx
        wyr[pl.ds(i * 16, 16)] = wy
        return carry
    lax.fori_loop(0, _B // 16, p1, 0)


def _fire(tex_hbm, idx, tex, sem):
    i00, i01, i10, i11 = idx
    t00, t01, t10, t11 = tex
    for j in range(_JR):
        d = pl.ds(j * 128, 128)
        pltpu.async_copy(tex_hbm.at[i00.at[j]], t00.at[d, :], sem)
        pltpu.async_copy(tex_hbm.at[i01.at[j]], t01.at[d, :], sem)
        pltpu.async_copy(tex_hbm.at[i10.at[j]], t10.at[d, :], sem)
        pltpu.async_copy(tex_hbm.at[i11.at[j]], t11.at[d, :], sem)


def _drain(tex_hbm, idx, tex, sem):
    i00, i01, i10, i11 = idx
    t00, t01, t10, t11 = tex
    for j in range(_JR):
        d = pl.ds(j * 128, 128)
        pltpu.make_async_copy(tex_hbm.at[i00.at[j]], t00.at[d, :], sem).wait()
        pltpu.make_async_copy(tex_hbm.at[i01.at[j]], t01.at[d, :], sem).wait()
        pltpu.make_async_copy(tex_hbm.at[i10.at[j]], t10.at[d, :], sem).wait()
        pltpu.make_async_copy(tex_hbm.at[i11.at[j]], t11.at[d, :], sem).wait()


def _phase2(tex, wxr, wyr, vnn_v, vals_v, hom_v, c7):
    t00, t01, t10, t11 = tex
    c7a, c7b, c7g, c7d = c7
    iota = lax.iota(_i32, _L)
    idx7 = iota * 7
    idx8 = iota * 8
    cols = [jnp.full((_L,), c, _i32) for c in range(_C)]

    def p2(g, carry):
        q = g * 16
        rows = iota + q
        wx = wxr[pl.ds(q, 16)]
        wy = wyr[pl.ds(q, 16)]
        omx = 1.0 - wx
        omy = 1.0 - wy

        def corners(c):
            a = plsc.load_gather(t00, [rows, cols[c]])
            b = plsc.load_gather(t01, [rows, cols[c]])
            g_ = plsc.load_gather(t10, [rows, cols[c]])
            d_ = plsc.load_gather(t11, [rows, cols[c]])
            return a, b, g_, d_

        def mix(a, b, g_, d_):
            return (a * omx * omy + b * wx * omy
                    + g_ * omx * wy + d_ * wx * wy)

        a7, b7, g7, d7 = corners(_C - 1)
        c7a[pl.ds(q, 16)] = a7
        c7b[pl.ds(q, 16)] = b7
        c7g[pl.ds(q, 16)] = g7
        c7d[pl.ds(q, 16)] = d7
        h = mix(a7, b7, g7, d7)
        hd = h + 1e-05
        hom_v[pl.ds(q, 16)] = h
        plsc.store_scatter(vnn_v, [idx8 + (q * 8 + 7)], h)
        for c in range(_C - 1):
            vnn_c = mix(*corners(c))
            plsc.store_scatter(vnn_v, [idx8 + (q * 8 + c)], vnn_c)
            plsc.store_scatter(vals_v, [idx7 + (q * 7 + c)], vnn_c / hd)
        return carry
    lax.fori_loop(0, _B // 16, p2, 0)


def _sc_body(tex_hbm, uv_hbm, vals_hbm, hom_hbm, vnn_hbm,
             c7a_hbm, c7b_hbm, c7g_hbm, c7d_hbm,
             uv_v,
             i00a, i01a, i10a, i11a, i00b, i01b, i10b, i11b,
             wxa, wya, wxb, wyb,
             t00a, t01a, t10a, t11a, t00b, t01b, t10b, t11b,
             vnn_v, vals_v, hom_v, c7a, c7b, c7g, c7d, sema, semb):
    wid = lax.axis_index("s") * _NC + lax.axis_index("c")
    base0 = wid * _NPW

    idxa = (i00a, i01a, i10a, i11a)
    idxb = (i00b, i01b, i10b, i11b)
    texa = (t00a, t01a, t10a, t11a)
    texb = (t00b, t01b, t10b, t11b)

    def load_fire(ci, idx, wxr, wyr, tex, sem):
        base = base0 + ci * _B
        pltpu.sync_copy(uv_hbm.at[pl.ds(base * 2, 2 * _B)], uv_v)
        _phase1(uv_v, idx, wxr, wyr)
        _fire(tex_hbm, idx, tex, sem)

    def finish(ci, idx, wxr, wyr, tex, sem):
        base = base0 + ci * _B
        _drain(tex_hbm, idx, tex, sem)
        _phase2(tex, wxr, wyr, vnn_v, vals_v, hom_v, (c7a, c7b, c7g, c7d))
        pltpu.sync_copy(vals_v, vals_hbm.at[pl.ds(base * 7, 7 * _B)])
        pltpu.sync_copy(hom_v, hom_hbm.at[pl.ds(base, _B)])
        pltpu.sync_copy(vnn_v, vnn_hbm.at[pl.ds(base * 8, 8 * _B)])
        pltpu.sync_copy(c7a, c7a_hbm.at[pl.ds(base, _B)])
        pltpu.sync_copy(c7b, c7b_hbm.at[pl.ds(base, _B)])
        pltpu.sync_copy(c7g, c7g_hbm.at[pl.ds(base, _B)])
        pltpu.sync_copy(c7d, c7d_hbm.at[pl.ds(base, _B)])

    load_fire(0, idxa, wxa, wya, texa, sema)

    def pair(p, carry):
        c0 = 2 * p
        load_fire(c0 + 1, idxb, wxb, wyb, texb, semb)
        finish(c0, idxa, wxa, wya, texa, sema)
        load_fire(lax.rem(c0 + 2, _NCHUNK), idxa, wxa, wya, texa, sema)
        finish(c0 + 1, idxb, wxb, wyb, texb, semb)
        return carry
    lax.fori_loop(0, _NCHUNK // 2, pair, 0)

    _drain(tex_hbm, idxa, texa, sema)


_sc_kernel = functools.partial(
    pl.kernel,
    out_type=(
        jax.ShapeDtypeStruct((_N * 7,), _f32),
        jax.ShapeDtypeStruct((_N,), _f32),
        jax.ShapeDtypeStruct((_N * 8,), _f32),
        jax.ShapeDtypeStruct((_N,), _f32),
        jax.ShapeDtypeStruct((_N,), _f32),
        jax.ShapeDtypeStruct((_N,), _f32),
        jax.ShapeDtypeStruct((_N,), _f32),
    ),
    mesh=plsc.VectorSubcoreMesh(core_axis_name="c", subcore_axis_name="s"),
    compiler_params=pltpu.CompilerParams(
        needs_layout_passes=False, use_tc_tiling_on_sc=False),
    scratch_types=[
        pltpu.VMEM((2 * _B,), _f32),
        pltpu.VMEM((_JR, 128), _i32),
        pltpu.VMEM((_JR, 128), _i32),
        pltpu.VMEM((_JR, 128), _i32),
        pltpu.VMEM((_JR, 128), _i32),
        pltpu.VMEM((_JR, 128), _i32),
        pltpu.VMEM((_JR, 128), _i32),
        pltpu.VMEM((_JR, 128), _i32),
        pltpu.VMEM((_JR, 128), _i32),
        pltpu.VMEM((_B,), _f32),
        pltpu.VMEM((_B,), _f32),
        pltpu.VMEM((_B,), _f32),
        pltpu.VMEM((_B,), _f32),
        pltpu.VMEM((_B, _C), _f32),
        pltpu.VMEM((_B, _C), _f32),
        pltpu.VMEM((_B, _C), _f32),
        pltpu.VMEM((_B, _C), _f32),
        pltpu.VMEM((_B, _C), _f32),
        pltpu.VMEM((_B, _C), _f32),
        pltpu.VMEM((_B, _C), _f32),
        pltpu.VMEM((_B, _C), _f32),
        pltpu.VMEM((8 * _B,), _f32),
        pltpu.VMEM((7 * _B,), _f32),
        pltpu.VMEM((_B,), _f32),
        pltpu.VMEM((_B,), _f32),
        pltpu.VMEM((_B,), _f32),
        pltpu.VMEM((_B,), _f32),
        pltpu.VMEM((_B,), _f32),
        pltpu.SemaphoreType.DMA,
        pltpu.SemaphoreType.DMA,
    ],
)(_sc_body)


def kernel(texture, uv_tensor):
    tex = texture.reshape(_H * _W, _C)
    uv = uv_tensor.reshape(-1)
    _, _, vnn, c00, c01, c10, c11 = _sc_kernel(tex, uv)
    vnn = vnn.reshape(_N, _C)
    x = uv_tensor[:, 0] * float(_W - 1)
    y = uv_tensor[:, 1] * float(_H - 1)
    x0 = jnp.clip(jnp.floor(x), 0, _W - 1)
    y0 = jnp.clip(jnp.floor(y), 0, _H - 1)
    wx = x - x0
    wy = y - y0
    h = (c00 * (1.0 - wx) * (1.0 - wy) + c01 * wx * (1.0 - wy)
         + c10 * (1.0 - wx) * wy + c11 * wx * wy)
    hom = h[:, None]
    vals = vnn[:, 0:7] / (hom + 1e-05)
    return (vals, hom, vnn)

# --- scband reference (transcript-rebuilt; emitter-appended) ---
"""Pipeline reference for scband-slice-texture-module-28664611733894 (READ-ONLY COPY).

The authoritative reference and input builder live on the scoring server;
editing this copy changes nothing except your own understanding.
"""

import jax, jax.numpy as jnp
import numpy as np

H, W, C, N = 2048, 2048, 8, 1048576

def setup_inputs(seed: int = 0) -> dict:
    key = jax.random.key(seed)
    k1, k2 = jax.random.split(key)
    texture = jax.random.normal(k1, (H, W, C), dtype=jnp.float32)
    uv_tensor = jax.random.uniform(k2, (N, 2), dtype=jnp.float32)
    return {"texture": texture, "uv_tensor": uv_tensor}

def _slice_texture(texture, uv):
    # Bilinear sample of a homogeneous texture at uv in [0,1]^2 -> [N, C]
    Ht, Wt, Ct = texture.shape
    x = uv[:, 0] * (Wt - 1)
    y = uv[:, 1] * (Ht - 1)
    x0 = jnp.clip(jnp.floor(x), 0, Wt - 1)
    y0 = jnp.clip(jnp.floor(y), 0, Ht - 1)
    x1 = jnp.clip(x0 + 1.0, 0, Wt - 1)
    y1 = jnp.clip(y0 + 1.0, 0, Ht - 1)
    wx = (x - x0)[:, None]
    wy = (y - y0)[:, None]
    x0i = x0.astype(jnp.int32); x1i = x1.astype(jnp.int32)
    y0i = y0.astype(jnp.int32); y1i = y1.astype(jnp.int32)
    flat = texture.reshape(Ht * Wt, Ct)
    v00 = jnp.take(flat, y0i * Wt + x0i, axis=0)
    v01 = jnp.take(flat, y0i * Wt + x1i, axis=0)
    v10 = jnp.take(flat, y1i * Wt + x0i, axis=0)
    v11 = jnp.take(flat, y1i * Wt + x1i, axis=0)
    return (v00 * (1.0 - wx) * (1.0 - wy)
            + v01 * wx * (1.0 - wy)
            + v10 * (1.0 - wx) * wy
            + v11 * wx * wy)

def reference(texture, uv_tensor):
    values_not_normalized = _slice_texture(texture, uv_tensor)
    val_dim = values_not_normalized.shape[1] - 1
    homogeneous = values_not_normalized[:, val_dim:val_dim + 1]
    values = values_not_normalized[:, 0:val_dim] / (homogeneous + 1e-05)
    return (values, homogeneous, values_not_normalized)

if __name__ == "__main__":
    import jax
    _d = setup_inputs()
    print(jax.jit(kernel)(*tuple(_d.values())))

</pallas_src>

<mosaic_0001>
#map = affine_map<(d0, d1) -> (0, 0)>
#map1 = affine_map<(d0, d1) -> (0)>
module attributes {stable_mosaic.version = 14 : i64} {
  func.func @_sc_body(%arg0: i32, %arg1: i32, %arg2: memref<4194304x8xf32, #tpu.memory_space<hbm>>, %arg3: memref<2097152xf32, #tpu.memory_space<hbm>>, %arg4: memref<7340032xf32, #tpu.memory_space<hbm>>, %arg5: memref<1048576xf32, #tpu.memory_space<hbm>>, %arg6: memref<8388608xf32, #tpu.memory_space<hbm>>, %arg7: memref<1048576xf32, #tpu.memory_space<hbm>>, %arg8: memref<1048576xf32, #tpu.memory_space<hbm>>, %arg9: memref<1048576xf32, #tpu.memory_space<hbm>>, %arg10: memref<1048576xf32, #tpu.memory_space<hbm>>, %arg11: memref<2048xf32, #tpu.memory_space<vmem>>, %arg12: memref<8x128xi32, #tpu.memory_space<vmem>>, %arg13: memref<8x128xi32, #tpu.memory_space<vmem>>, %arg14: memref<8x128xi32, #tpu.memory_space<vmem>>, %arg15: memref<8x128xi32, #tpu.memory_space<vmem>>, %arg16: memref<8x128xi32, #tpu.memory_space<vmem>>, %arg17: memref<8x128xi32, #tpu.memory_space<vmem>>, %arg18: memref<8x128xi32, #tpu.memory_space<vmem>>, %arg19: memref<8x128xi32, #tpu.memory_space<vmem>>, %arg20: memref<1024xf32, #tpu.memory_space<vmem>>, %arg21: memref<1024xf32, #tpu.memory_space<vmem>>, %arg22: memref<1024xf32, #tpu.memory_space<vmem>>, %arg23: memref<1024xf32, #tpu.memory_space<vmem>>, %arg24: memref<1024x8xf32, #tpu.memory_space<vmem>>, %arg25: memref<1024x8xf32, #tpu.memory_space<vmem>>, %arg26: memref<1024x8xf32, #tpu.memory_space<vmem>>, %arg27: memref<1024x8xf32, #tpu.memory_space<vmem>>, %arg28: memref<1024x8xf32, #tpu.memory_space<vmem>>, %arg29: memref<1024x8xf32, #tpu.memory_space<vmem>>, %arg30: memref<1024x8xf32, #tpu.memory_space<vmem>>, %arg31: memref<1024x8xf32, #tpu.memory_space<vmem>>, %arg32: memref<8192xf32, #tpu.memory_space<vmem>>, %arg33: memref<7168xf32, #tpu.memory_space<vmem>>, %arg34: memref<1024xf32, #tpu.memory_space<vmem>>, %arg35: memref<1024xf32, #tpu.memory_space<vmem>>, %arg36: memref<1024xf32, #tpu.memory_space<vmem>>, %arg37: memref<1024xf32, #tpu.memory_space<vmem>>, %arg38: memref<1024xf32, #tpu.memory_space<vmem>>, %arg39: memref<!tpu.dma_semaphore, #tpu.memory_space<semaphore_mem>>, %arg40: memref<!tpu.dma_semaphore, #tpu.memory_space<semaphore_mem>>) attributes {dimension_semantics = [#tpu.dimension_semantics<core_parallel>, #tpu.dimension_semantics<subcore_parallel>], iteration_bounds = array<i64: 2, 16>, scalar_prefetch = 0 : i64, scratch_operands = 30 : i64, tpu.core_type = #tpu.core_type<sc_vector_subcore>, window_params = [{transform_indices = #map}, {transform_indices = #map1}, {transform_indices = #map1}, {transform_indices = #map1}, {transform_indices = #map1}, {transform_indices = #map1}, {transform_indices = #map1}, {transform_indices = #map1}, {transform_indices = #map1}]} {
    %mul3A = arith.constant 2 : i32
    %mul3A_0 = arith.muli %arg1, %mul3A : i32
    %add3A = arith.addi %mul3A_0, %arg0 : i32
    %mul3A_1 = arith.constant 32768 : i32
    %mul3A_2 = arith.muli %add3A, %mul3A_1 : i32
    %add3A_3 = arith.constant 0 : i32
    %add3A_4 = arith.addi %mul3A_2, %add3A_3 : i32
    %mul3A_5 = arith.constant 2 : i32
    %mul3A_6 = arith.muli %add3A_4, %mul3A_5 : i32
    "tpu.region"() ({
      %run_scoped3A = tpu.sem_alloc : memref<!tpu.dma_semaphore, #tpu.memory_space<semaphore_mem>>
      %dma_start3A_659 = tpu.memref_slice %arg3[%mul3A_6] : memref<2097152xf32, #tpu.memory_space<hbm>> -> memref<2048xf32, #tpu.memory_space<hbm>>
      %dma_start3A_660 = tpu.memref_slice %arg3[%mul3A_6] : memref<2097152xf32, #tpu.memory_space<hbm>> -> memref<2048xf32, #tpu.memory_space<hbm>>
      tpu.enqueue_dma source(%dma_start3A_660 : memref<2048xf32, #tpu.memory_space<hbm>>) target(%arg11 : memref<2048xf32, #tpu.memory_space<vmem>>) target_semaphore(%run_scoped3A : memref<!tpu.dma_semaphore, #tpu.memory_space<semaphore_mem>>)
      %dma_wait3A_661 = tpu.memref_slice %arg3[%mul3A_6] : memref<2097152xf32, #tpu.memory_space<hbm>> -> memref<2048xf32, #tpu.memory_space<hbm>>
      %dma_wait3A_662 = tpu.memref_slice %arg3[%mul3A_6] : memref<2097152xf32, #tpu.memory_space<hbm>> -> memref<2048xf32, #tpu.memory_space<hbm>>
      tpu.wait_dma2 semaphore(%run_scoped3A : memref<!tpu.dma_semaphore, #tpu.memory_space<semaphore_mem>>) src(%dma_wait3A_662 : memref<2048xf32, #tpu.memory_space<hbm>>) dst(%arg11 : memref<2048xf32, #tpu.memory_space<vmem>>)
      tpu.yield
    }) : () -> ()
    %iota3A = tpu.iota {dimensions = array<i32: 0>} : vector<16xi32>
    %mul3A_7 = arith.constant 2 : i32
    %mul3A_8 = vector.broadcast %mul3A_7 : i32 to vector<16xi32>
    %mul3A_9 = arith.muli %iota3A, %mul3A_8 : vector<16xi32>
    %scan3A = arith.constant 0 : i32
    %scan3A_10 = arith.constant 0 : i32
    %scan3A_11 = arith.constant 64 : i32
    %scan3A_12 = arith.addi %scan3A_10, %scan3A_11 : i32
    %scan3A_13 = arith.constant 1 : i32
    scf.for %scan3A_659 = %scan3A_10 to %scan3A_12 step %scan3A_13  : i32 {
      %jit3A = arith.constant 8 : i32
      %div3A = arith.divsi %scan3A_659, %jit3A : i32
      %sign3A = arith.constant 0 : i32
      %sign3A_660 = arith.cmpi sgt, %scan3A_659, %sign3A : i32
      %sign3A_661 = arith.extui %sign3A_660 : i1 to i32
      %sign3A_662 = arith.constant 0 : i32
      %sign3A_663 = arith.cmpi slt, %scan3A_659, %sign3A_662 : i32
      %sign3A_664 = arith.extui %sign3A_663 : i1 to i32
      %sign3A_665 = arith.subi %sign3A_661, %sign3A_664 : i32
      %sign3A_666 = arith.constant 0 : i32
      %sign3A_667 = arith.cmpi sgt, %jit3A, %sign3A_666 : i32
      %sign3A_668 = arith.extui %sign3A_667 : i1 to i32
      %sign3A_669 = arith.constant 0 : i32
      %sign3A_670 = arith.cmpi slt, %jit3A, %sign3A_669 : i32
      %sign3A_671 = arith.extui %sign3A_670 : i1 to i32
      %sign3A_672 = arith.subi %sign3A_668, %sign3A_671 : i32
      %ne3A = arith.cmpi ne, %sign3A_665, %sign3A_672 : i32
      %rem3A = arith.remsi %scan3A_659, %jit3A : i32
      %ne3A_673 = arith.constant 0 : i32
      %ne3A_674 = arith.cmpi ne, %rem3A, %ne3A_673 : i32
      %and3A = arith.andi %ne3A, %ne3A_674 : i1
      %sub3A = arith.constant 1 : i32
      %sub3A_675 = arith.subi %div3A, %sub3A : i32
      %select_n3A = arith.select %and3A, %sub3A_675, %div3A : i32
      %jit3A_676 = arith.constant 8 : i32
      %eq3A = arith.constant 0 : i32
      %eq3A_677 = arith.cmpi eq, %jit3A_676, %eq3A : i32
      %jit3A_678 = arith.constant 1 : i32
      %select_n3A_679 = arith.select %eq3A_677, %jit3A_678, %jit3A_676 : i32
      %rem3A_680 = arith.remsi %scan3A_659, %select_n3A_679 : i32
      %ne3A_681 = arith.constant 0 : i32
      %ne3A_682 = arith.cmpi ne, %rem3A_680, %ne3A_681 : i32
      %lt3A = arith.constant 0 : i32
      %lt3A_683 = arith.cmpi slt, %rem3A_680, %lt3A : i32
      %lt3A_684 = arith.constant 0 : i32
      %lt3A_685 = arith.cmpi slt, %select_n3A_679, %lt3A_684 : i32
      %ne3A_686 = arith.xori %lt3A_683, %lt3A_685 : i1
      %and3A_687 = arith.andi %ne3A_686, %ne3A_682 : i1
      %add3A_688 = arith.addi %rem3A_680, %select_n3A_679 : i32
      %select_n3A_689 = arith.select %and3A_687, %add3A_688, %rem3A_680 : i32
      %mul3A_690 = arith.constant 16 : i32
      %mul3A_691 = arith.muli %select_n3A_689, %mul3A_690 : i32
      %mul3A_692 = arith.constant 32 : i32
      %mul3A_693 = arith.muli %scan3A_659, %mul3A_692 : i32
      %add3A_694 = vector.broadcast %mul3A_693 : i32 to vector<16xi32>
      %add3A_695 = arith.addi %mul3A_9, %add3A_694 : vector<16xi32>
      %gather3A = tpu.vector_load_idx %arg11[%add3A_695] : memref<2048xf32, #tpu.memory_space<vmem>>[vector<16xi32>], vector<16xf32>,
      %add3A_696 = arith.constant 1 : i32
      %add3A_697 = vector.broadcast %add3A_696 : i32 to vector<16xi32>
      %add3A_698 = arith.addi %add3A_695, %add3A_697 : vector<16xi32>
      %gather3A_699 = tpu.vector_load_idx %arg11[%add3A_698] : memref<2048xf32, #tpu.memory_space<vmem>>[vector<16xi32>], vector<16xf32>,
      %mul3A_700 = arith.constant 2.047000e+03 : f32
      %mul3A_701 = vector.broadcast %mul3A_700 : f32 to vector<16xf32>
      %mul3A_702 = arith.mulf %gather3A, %mul3A_701 : vector<16xf32>
      %mul3A_703 = arith.constant 2.047000e+03 : f32
      %mul3A_704 = vector.broadcast %mul3A_703 : f32 to vector<16xf32>
      %mul3A_705 = arith.mulf %gather3A_699, %mul3A_704 : vector<16xf32>
      %convert_element_type3A = arith.fptosi %mul3A_702 : vector<16xf32> to vector<16xi32>
      %min3A = arith.constant 2046 : i32
      %min3A_706 = vector.broadcast %min3A : i32 to vector<16xi32>
      %min3A_707 = arith.minsi %convert_element_type3A, %min3A_706 : vector<16xi32>
      %convert_element_type3A_708 = arith.fptosi %mul3A_705 : vector<16xf32> to vector<16xi32>
      %min3A_709 = arith.constant 2046 : i32
      %min3A_710 = vector.broadcast %min3A_709 : i32 to vector<16xi32>
      %min3A_711 = arith.minsi %convert_element_type3A_708, %min3A_710 : vector<16xi32>
      %convert_element_type3A_712 = arith.sitofp %min3A_707 : vector<16xi32> to vector<16xf32>
      %sub3A_713 = arith.subf %mul3A_702, %convert_element_type3A_712 : vector<16xf32>
      %convert_element_type3A_714 = arith.sitofp %min3A_711 : vector<16xi32> to vector<16xf32>
      %sub3A_715 = arith.subf %mul3A_705, %convert_element_type3A_714 : vector<16xf32>
      %shift_left3A = arith.constant 11 : i32
      %shift_left3A_716 = vector.broadcast %shift_left3A : i32 to vector<16xi32>
      %shift_left3A_717 = arith.shli %min3A_711, %shift_left3A_716 : vector<16xi32>
      %add3A_718 = arith.addi %shift_left3A_717, %min3A_707 : vector<16xi32>
      %swap3A = arith.index_cast %select_n3A : i32 to index
      %swap3A_719 = arith.index_cast %mul3A_691 : i32 to index
      %swap3A_720 = tpu.vector_load %arg12[%swap3A, %swap3A_719] {strides = array<i32>} : memref<8x128xi32, #tpu.memory_space<vmem>>, vector<16xi32>,
      tpu.vector_store %arg12[%swap3A, %swap3A_719], %add3A_718 {strides = array<i32>} : memref<8x128xi32, #tpu.memory_space<vmem>>, vector<16xi32>,
      %add3A_721 = arith.constant 1 : i32
      %add3A_722 = vector.broadcast %add3A_721 : i32 to vector<16xi32>
      %add3A_723 = arith.addi %add3A_718, %add3A_722 : vector<16xi32>
      %swap3A_724 = arith.index_cast %select_n3A : i32 to index
      %swap3A_725 = arith.index_cast %mul3A_691 : i32 to index
      %swap3A_726 = tpu.vector_load %arg13[%swap3A_724, %swap3A_725] {strides = array<i32>} : memref<8x128xi32, #tpu.memory_space<vmem>>, vector<16xi32>,
      tpu.vector_store %arg13[%swap3A_724, %swap3A_725], %add3A_723 {strides = array<i32>} : memref<8x128xi32, #tpu.memory_space<vmem>>, vector<16xi32>,
      %add3A_727 = arith.constant 2048 : i32
      %add3A_728 = vector.broadcast %add3A_727 : i32 to vector<16xi32>
      %add3A_729 = arith.addi %add3A_718, %add3A_728 : vector<16xi32>
      %swap3A_730 = arith.index_cast %select_n3A : i32 to index
      %swap3A_731 = arith.index_cast %mul3A_691 : i32 to index
      %swap3A_732 = tpu.vector_load %arg14[%swap3A_730, %swap3A_731] {strides = array<i32>} : memref<8x128xi32, #tpu.memory_space<vmem>>, vector<16xi32>,
      tpu.vector_store %arg14[%swap3A_730, %swap3A_731], %add3A_729 {strides = array<i32>} : memref<8x128xi32, #tpu.memory_space<vmem>>, vector<16xi32>,
      %add3A_733 = arith.constant 2048 : i32
      %add3A_734 = vector.broadcast %add3A_733 : i32 to vector<16xi32>
      %add3A_735 = arith.addi %add3A_718, %add3A_734 : vector<16xi32>
      %add3A_736 = arith.constant 1 : i32
      %add3A_737 = vector.broadcast %add3A_736 : i32 to vector<16xi32>
      %add3A_738 = arith.addi %add3A_735, %add3A_737 : vector<16xi32>
      %swap3A_739 = arith.index_cast %select_n3A : i32 to index
      %swap3A_740 = arith.index_cast %mul3A_691 : i32 to index
      %swap3A_741 = tpu.vector_load %arg15[%swap3A_739, %swap3A_740] {strides = array<i32>} : memref<8x128xi32, #tpu.memory_space<vmem>>, vector<16xi32>,
      tpu.vector_store %arg15[%swap3A_739, %swap3A_740], %add3A_738 {strides = array<i32>} : memref<8x128xi32, #tpu.memory_space<vmem>>, vector<16xi32>,
      %mul3A_742 = arith.constant 16 : i32
      %mul3A_743 = arith.muli %scan3A_659, %mul3A_742 : i32
      %swap3A_744 = arith.index_cast %mul3A_743 : i32 to index
      %swap3A_745 = tpu.vector_load %arg20[%swap3A_744] {strides = array<i32>} : memref<1024xf32, #tpu.memory_space<vmem>>, vector<16xf32>,
      tpu.vector_store %arg20[%swap3A_744], %sub3A_713 {strides = array<i32>} : memref<1024xf32, #tpu.memory_space<vmem>>, vector<16xf32>,
      %mul3A_746 = arith.constant 16 : i32
      %mul3A_747 = arith.muli %scan3A_659, %mul3A_746 : i32
      %swap3A_748 = arith.index_cast %mul3A_747 : i32 to index
      %swap3A_749 = tpu.vector_load %arg21[%swap3A_748] {strides = array<i32>} : memref<1024xf32, #tpu.memory_space<vmem>>, vector<16xf32>,
      tpu.vector_store %arg21[%swap3A_748], %sub3A_715 {strides = array<i32>} : memref<1024xf32, #tpu.memory_space<vmem>>, vector<16xf32>,
    }
    %scan3A_14 = arith.constant 64 : i32
    %dma_start3A = arith.constant 0 : i32
    %dma_start3A_15 = arith.constant 0 : i32
    %dma_start3A_16 = arith.constant 0 : i32
    %dma_start3A_17 = tpu.memref_slice %arg24[%dma_start3A_15, %dma_start3A_16] : memref<1024x8xf32, #tpu.memory_space<vmem>> -> memref<128x8xf32, #tpu.memory_space<vmem>>
    %dma_start3A_18 = arith.constant 0 : i32
    %dma_start3A_19 = tpu.memref_slice %arg12[%dma_start3A, %dma_start3A_18] : memref<8x128xi32, #tpu.memory_space<vmem>> -> memref<1x128xi32, #tpu.memory_space<vmem>>
    %dma_start3A_20 = tpu.memref_squeeze %dma_start3A_19 : memref<1x128xi32, #tpu.memory_space<vmem>> -> memref<128xi32, #tpu.memory_space<vmem>>
    %dma_start3A_21 = arith.constant 0 : i32
    %dma_start3A_22 = arith.constant 0 : i32
    %dma_start3A_23 = tpu.memref_slice %arg2[%dma_start3A_21, %dma_start3A_22] : memref<4194304x8xf32, #tpu.memory_space<hbm>> -> memref<4194304x8xf32, #tpu.memory_space<hbm>>
    tpu.enqueue_indirect_dma source(%dma_start3A_23 : memref<4194304x8xf32, #tpu.memory_space<hbm>>) target(%dma_start3A_17 : memref<128x8xf32, #tpu.memory_space<vmem>>) offsets(%dma_start3A_20 : memref<128xi32, #tpu.memory_space<vmem>>) semaphore(%arg39 : memref<!tpu.dma_semaphore, #tpu.memory_space<semaphore_mem>>)
    %dma_start3A_24 = arith.constant 0 : i32
    %dma_start3A_25 = arith.constant 0 : i32
    %dma_start3A_26 = arith.constant 0 : i32
    %dma_start3A_27 = tpu.memref_slice %arg25[%dma_start3A_25, %dma_start3A_26] : memref<1024x8xf32, #tpu.memory_space<vmem>> -> memref<128x8xf32, #tpu.memory_space<vmem>>
    %dma_start3A_28 = arith.constant 0 : i32
    %dma_start3A_29 = tpu.memref_slice %arg13[%dma_start3A_24, %dma_start3A_28] : memref<8x128xi32, #tpu.memory_space<vmem>> -> memref<1x128xi32, #tpu.memory_space<vmem>>
    %dma_start3A_30 = tpu.memref_squeeze %dma_start3A_29 : memref<1x128xi32, #tpu.memory_space<vmem>> -> memref<128xi32, #tpu.memory_space<vmem>>
    %dma_start3A_31 = arith.constant 0 : i32
    %dma_start3A_32 = arith.constant 0 : i32
    %dma_start3A_33 = tpu.memref_slice %arg2[%dma_start3A_31, %dma_start3A_32] : memref<4194304x8xf32, #tpu.memory_space<hbm>> -> memref<4194304x8xf32, #tpu.memory_space<hbm>>
    tpu.enqueue_indirect_dma source(%dma_start3A_33 : memref<4194304x8xf32, #tpu.memory_space<hbm>>) target(%dma_start3A_27 : memref<128x8xf32, #tpu.memory_space<vmem>>) offsets(%dma_start3A_30 : memref<128xi32, #tpu.memory_space<vmem>>) semaphore(%arg39 : memref<!tpu.dma_semaphore, #tpu.memory_space<semaphore_mem>>)
    %dma_start3A_34 = arith.constant 0 : i32
    %dma_start3A_35 = arith.constant 0 : i32
    %dma_start3A_36 = arith.constant 0 : i32
    %dma_start3A_37 = tpu.memref_slice %arg26[%dma_start3A_35, %dma_start3A_36] : memref<1024x8xf32, #tpu.memory_space<vmem>> -> memref<128x8xf32, #tpu.memory_space<vmem>>
    %dma_start3A_38 = arith.constant 0 : i32
    %dma_start3A_39 = tpu.memref_slice %arg14[%dma_start3A_34, %dma_start3A_38] : memref<8x128xi32, #tpu.memory_space<vmem>> -> memref<1x128xi32, #tpu.memory_space<vmem>>
    %dma_start3A_40 = tpu.memref_squeeze %dma_start3A_39 : memref<1x128xi32, #tpu.memory_space<vmem>> -> memref<128xi32, #tpu.memory_space<vmem>>
    %dma_start3A_41 = arith.constant 0 : i32
    %dma_start3A_42 = arith.constant 0 : i32
    %dma_start3A_43 = tpu.memref_slice %arg2[%dma_start3A_41, %dma_start3A_42] : memref<4194304x8xf32, #tpu.memory_space<hbm>> -> memref<4194304x8xf32, #tpu.memory_space<hbm>>
    tpu.enqueue_indirect_dma source(%dma_start3A_43 : memref<4194304x8xf32, #tpu.memory_space<hbm>>) target(%dma_start3A_37 : memref<128x8xf32, #tpu.memory_space<vmem>>) offsets(%dma_start3A_40 : memref<128xi32, #tpu.memory_space<vmem>>) semaphore(%arg39 : memref<!tpu.dma_semaphore, #tpu.memory_space<semaphore_mem>>)
    %dma_start3A_44 = arith.constant 0 : i32
    %dma_start3A_45 = arith.constant 0 : i32
    %dma_start3A_46 = arith.constant 0 : i32
    %dma_start3A_47 = tpu.memref_slice %arg27[%dma_start3A_45, %dma_start3A_46] : memref<1024x8xf32, #tpu.memory_space<vmem>> -> memref<128x8xf32, #tpu.memory_space<vmem>>
    %dma_start3A_48 = arith.constant 0 : i32
    %dma_start3A_49 = tpu.memref_slice %arg15[%dma_start3A_44, %dma_start3A_48] : memref<8x128xi32, #tpu.memory_space<vmem>> -> memref<1x128xi32, #tpu.memory_space<vmem>>
    %dma_start3A_50 = tpu.memref_squeeze %dma_start3A_49 : memref<1x128xi32, #tpu.memory_space<vmem>> -> memref<128xi32, #tpu.memory_space<vmem>>
    %dma_start3A_51 = arith.constant 0 : i32
    %dma_start3A_52 = arith.constant 0 : i32
    %dma_start3A_53 = tpu.memref_slice %arg2[%dma_start3A_51, %dma_start3A_52] : memref<4194304x8xf32, #tpu.memory_space<hbm>> -> memref<4194304x8xf32, #tpu.memory_space<hbm>>
    tpu.enqueue_indirect_dma source(%dma_start3A_53 : memref<4194304x8xf32, #tpu.memory_space<hbm>>) target(%dma_start3A_47 : memref<128x8xf32, #tpu.memory_space<vmem>>) offsets(%dma_start3A_50 : memref<128xi32, #tpu.memory_space<vmem>>) semaphore(%arg39 : memref<!tpu.dma_semaphore, #tpu.memory_space<semaphore_mem>>)
    %dma_start3A_54 = arith.constant 1 : i32
    %dma_start3A_55 = arith.constant 128 : i32
    %dma_start3A_56 = arith.constant 0 : i32
    %dma_start3A_57 = tpu.memref_slice %arg24[%dma_start3A_55, %dma_start3A_56] : memref<1024x8xf32, #tpu.memory_space<vmem>> -> memref<128x8xf32, #tpu.memory_space<vmem>>
    %dma_start3A_58 = arith.constant 0 : i32
    %dma_start3A_59 = tpu.memref_slice %arg12[%dma_start3A_54, %dma_start3A_58] : memref<8x128xi32, #tpu.memory_space<vmem>> -> memref<1x128xi32, #tpu.memory_space<vmem>>
    %dma_start3A_60 = tpu.memref_squeeze %dma_start3A_59 : memref<1x128xi32, #tpu.memory_space<vmem>> -> memref<128xi32, #tpu.memory_space<vmem>>
    %dma_start3A_61 = arith.constant 0 : i32
    %dma_start3A_62 = arith.constant 0 : i32
    %dma_start3A_63 = tpu.memref_slice %arg2[%dma_start3A_61, %dma_start3A_62] : memref<4194304x8xf32, #tpu.memory_space<hbm>> -> memref<4194304x8xf32, #tpu.memory_space<hbm>>
    tpu.enqueue_indirect_dma source(%dma_start3A_63 : memref<4194304x8xf32, #tpu.memory_space<hbm>>) target(%dma_start3A_57 : memref<128x8xf32, #tpu.memory_space<vmem>>) offsets(%dma_start3A_60 : memref<128xi32, #tpu.memory_space<vmem>>) semaphore(%arg39 : memref<!tpu.dma_semaphore, #tpu.memory_space<semaphore_mem>>)
    %dma_start3A_64 = arith.constant 1 : i32
    %dma_start3A_65 = arith.constant 128 : i32
    %dma_start3A_66 = arith.constant 0 : i32
    %dma_start3A_67 = tpu.memref_slice %arg25[%dma_start3A_65, %dma_start3A_66] : memref<1024x8xf32, #tpu.memory_space<vmem>> -> memref<128x8xf32, #tpu.memory_space<vmem>>
    %dma_start3A_68 = arith.constant 0 : i32
    %dma_start3A_69 = tpu.memref_slice %arg13[%dma_start3A_64, %dma_start3A_68] : memref<8x128xi32, #tpu.memory_space<vmem>> -> memref<1x128xi32, #tpu.memory_space<vmem>>
    %dma_start3A_70 = tpu.memref_squeeze %dma_start3A_69 : memref<1x128xi32, #tpu.memory_space<vmem>> -> memref<128xi32, #tpu.memory_space<vmem>>
    %dma_start3A_71 = arith.constant 0 : i32
    %dma_start3A_72 = arith.constant 0 : i32
    %dma_start3A_73 = tpu.memref_slice %arg2[%dma_start3A_71, %dma_start3A_72] : memref<4194304x8xf32, #tpu.memory_space<hbm>> -> memref<4194304x8xf32, #tpu.memory_space<hbm>>
    tpu.enqueue_indirect_dma source(%dma_start3A_73 : memref<4194304x8xf32, #tpu.memory_space<hbm>>) target(%dma_start3A_67 : memref<128x8xf32, #tpu.memory_space<vmem>>) offsets(%dma_start3A_70 : memref<128xi32, #tpu.memory_space<vmem>>) semaphore(%arg39 : memref<!tpu.dma_semaphore, #tpu.memory_space<semaphore_mem>>)
    %dma_start3A_74 = arith.constant 1 : i32
    %dma_start3A_75 = arith.constant 128 : i32
    %dma_start3A_76 = arith.constant 0 : i32
    %dma_start3A_77 = tpu.memref_slice %arg26[%dma_start3A_75, %dma_start3A_76] : memref<1024x8xf32, #tpu.memory_space<vmem>> -> memref<128x8xf32, #tpu.memory_space<vmem>>
    %dma_start3A_78 = arith.constant 0 : i32
    %dma_start3A_79 = tpu.memref_slice %arg14[%dma_start3A_74, %dma_start3A_78] : memref<8x128xi32, #tpu.memory_space<vmem>> -> memref<1x128xi32, #tpu.memory_space<vmem>>
    %dma_start3A_80 = tpu.memref_squeeze %dma_start3A_79 : memref<1x128xi32, #tpu.memory_space<vmem>> -> memref<128xi32, #tpu.memory_space<vmem>>
    %dma_start3A_81 = arith.constant 0 : i32
    %dma_start3A_82 = arith.constant 0 : i32
    %dma_start3A_83 = tpu.memref_slice %arg2[%dma_start3A_81, %dma_start3A_82] : memref<4194304x8xf32, #tpu.memory_space<hbm>> -> memref<4194304x8xf32, #tpu.memory_space<hbm>>
    tpu.enqueue_indirect_dma source(%dma_start3A_83 : memref<4194304x8xf32, #tpu.memory_space<hbm>>) target(%dma_start3A_77 : memref<128x8xf32, #tpu.memory_space<vmem>>) offsets(%dma_start3A_80 : memref<128xi32, #tpu.memory_space<vmem>>) semaphore(%arg39 : memref<!tpu.dma_semaphore, #tpu.memory_space<semaphore_mem>>)
    %dma_start3A_84 = arith.constant 1 : i32
    %dma_start3A_85 = arith.constant 128 : i32
    %dma_start3A_86 = arith.constant 0 : i32
    %dma_start3A_87 = tpu.memref_slice %arg27[%dma_start3A_85, %dma_start3A_86] : memref<1024x8xf32, #tpu.memory_space<vmem>> -> memref<128x8xf32, #tpu.memory_space<vmem>>
    %dma_start3A_88 = arith.constant 0 : i32
    %dma_start3A_89 = tpu.memref_slice %arg15[%dma_start3A_84, %dma_start3A_88] : memref<8x128xi32, #tpu.memory_space<vmem>> -> memref<1x128xi32, #tpu.memory_space<vmem>>
    %dma_start3A_90 = tpu.memref_squeeze %dma_start3A_89 : memref<1x128xi32, #tpu.memory_space<vmem>> -> memref<128xi32, #tpu.memory_space<vmem>>
    %dma_start3A_91 = arith.constant 0 : i32
    %dma_start3A_92 = arith.constant 0 : i32
    %dma_start3A_93 = tpu.memref_slice %arg2[%dma_start3A_91, %dma_start3A_92] : memref<4194304x8xf32, #tpu.memory_space<hbm>> -> memref<4194304x8xf32, #tpu.memory_space<hbm>>
    tpu.enqueue_indirect_dma source(%dma_start3A_93 : memref<4194304x8xf32, #tpu.memory_space<hbm>>) target(%dma_start3A_87 : memref<128x8xf32, #tpu.memory_space<vmem>>) offsets(%dma_start3A_90 : memref<128xi32, #tpu.memory_space<vmem>>) semaphore(%arg39 : memref<!tpu.dma_semaphore, #tpu.memory_space<semaphore_mem>>)
    %dma_start3A_94 = arith.constant 2 : i32
    %dma_start3A_95 = arith.constant 256 : i32
    %dma_start3A_96 = arith.constant 0 : i32
    %dma_start3A_97 = tpu.memref_slice %arg24[%dma_start3A_95, %dma_start3A_96] : memref<1024x8xf32, #tpu.memory_space<vmem>> -> memref<128x8xf32, #tpu.memory_space<vmem>>
    %dma_start3A_98 = arith.constant 0 : i32
    %dma_start3A_99 = tpu.memref_slice %arg12[%dma_start3A_94, %dma_start3A_98] : memref<8x128xi32, #tpu.memory_space<vmem>> -> memref<1x128xi32, #tpu.memory_space<vmem>>
    %dma_start3A_100 = tpu.memref_squeeze %dma_start3A_99 : memref<1x128xi32, #tpu.memory_space<vmem>> -> memref<128xi32, #tpu.memory_space<vmem>>
    %dma_start3A_101 = arith.constant 0 : i32
    %dma_start3A_102 = arith.constant 0 : i32
    %dma_start3A_103 = tpu.memref_slice %arg2[%dma_start3A_101, %dma_start3A_102] : memref<4194304x8xf32, #tpu.memory_space<hbm>> -> memref<4194304x8xf32, #tpu.memory_space<hbm>>
    tpu.enqueue_indirect_dma source(%dma_start3A_103 : memref<4194304x8xf32, #tpu.memory_space<hbm>>) target(%dma_start3A_97 : memref<128x8xf32, #tpu.memory_space<vmem>>) offsets(%dma_start3A_100 : memref<128xi32, #tpu.memory_space<vmem>>) semaphore(%arg39 : memref<!tpu.dma_semaphore, #tpu.memory_space<semaphore_mem>>)
    %dma_start3A_104 = arith.constant 2 : i32
    %dma_start3A_105 = arith.constant 256 : i32
    %dma_start3A_106 = arith.constant 0 : i32
    %dma_start3A_107 = tpu.memref_slice %arg25[%dma_start3A_105, %dma_start3A_106] : memref<1024x8xf32, #tpu.memory_space<vmem>> -> memref<128x8xf32, #tpu.memory_space<vmem>>
    %dma_start3A_108 = arith.constant 0 : i32
    %dma_start3A_109 = tpu.memref_slice %arg13[%dma_start3A_104, %dma_start3A_108] : memref<8x128xi32, #tpu.memory_space<vmem>> -> memref<1x128xi32, #tpu.memory_space<vmem>>
    %dma_start3A_110 = tpu.memref_squeeze %dma_start3A_109 : memref<1x128xi32, #tpu.memory_space<vmem>> -> memref<128xi32, #tpu.memory_space<vmem>>
    %dma_start3A_111 = arith.constant 0 : i32
    %dma_start3A_112 = arith.constant 0 : i32
    %dma_start3A_113 = tpu.memref_slice %arg2[%dma_start3A_111, %dma_start3A_112] : memref<4194304x8xf32, #tpu.memory_space<hbm>> -> memref<4194304x8xf32, #tpu.memory_space<hbm>>
    tpu.enqueue_indirect_dma source(%dma_start3A_113 : memref<4194304x8xf32, #tpu.memory_space<hbm>>) target(%dma_start3A_107 : memref<128x8xf32, #tpu.memory_space<vmem>>) offsets(%dma_start3A_110 : memref<128xi32, #tpu.memory_space<vmem>>) semaphore(%arg39 : memref<!tpu.dma_semaphore, #tpu.memory_space<semaphore_mem>>)
    %dma_start3A_114 = arith.constant 2 : i32
    %dma_start3A_115 = arith.constant 256 : i32
    %dma_start3A_116 = arith.constant 0 : i32
    %dma_start3A_117 = tpu.memref_slice %arg26[%dma_start3A_115, %dma_start3A_116] : memref<1024x8xf32, #tpu.memory_space<vmem>> -> memref<128x8xf32, #tpu.memory_space<vmem>>
    %dma_start3A_118 = arith.constant 0 : i32
    %dma_start3A_119 = tpu.memref_slice %arg14[%dma_start3A_114, %dma_start3A_118] : memref<8x128xi32, #tpu.memory_space<vmem>> -> memref<1x128xi32, #tpu.memory_space<vmem>>
    %dma_start3A_120 = tpu.memref_squeeze %dma_start3A_119 : memref<1x128xi32, #tpu.memory_space<vmem>> -> memref<128xi32, #tpu.memory_space<vmem>>
    %dma_start3A_121 = arith.constant 0 : i32
    %dma_start3A_122 = arith.constant 0 : i32
    %dma_start3A_123 = tpu.memref_slice %arg2[%dma_start3A_121, %dma_start3A_122] : memref<4194304x8xf32, #tpu.memory_space<hbm>> -> memref<4194304x8xf32, #tpu.memory_space<hbm>>
    tpu.enqueue_indirect_dma source(%dma_start3A_123 : memref<4194304x8xf32, #tpu.memory_space<hbm>>) target(%dma_start3A_117 : memref<128x8xf32, #tpu.memory_space<vmem>>) offsets(%dma_start3A_120 : memref<128xi32, #tpu.memory_space<vmem>>) semaphore(%arg39 : memref<!tpu.dma_semaphore, #tpu.memory_space<semaphore_mem>>)
    %dma_start3A_124 = arith.constant 2 : i32
    %dma_start3A_125 = arith.constant 256 : i32
    %dma_start3A_126 = arith.constant 0 : i32
    %dma_start3A_127 = tpu.memref_slice %arg27[%dma_start3A_125, %dma_start3A_126] : memref<1024x8xf32, #tpu.memory_space<vmem>> -> memref<128x8xf32, #tpu.memory_space<vmem>>
    %dma_start3A_128 = arith.constant 0 : i32
    %dma_start3A_129 = tpu.memref_slice %arg15[%dma_start3A_124, %dma_start3A_128] : memref<8x128xi32, #tpu.memory_space<vmem>> -> memref<1x128xi32, #tpu.memory_space<vmem>>
    %dma_start3A_130 = tpu.memref_squeeze %dma_start3A_129 : memref<1x128xi32, #tpu.memory_space<vmem>> -> memref<128xi32, #tpu.memory_space<vmem>>
    %dma_start3A_131 = arith.constant 0 : i32
    %dma_start3A_132 = arith.constant 0 : i32
    %dma_start3A_133 = tpu.memref_slice %arg2[%dma_start3A_131, %dma_start3A_132] : memref<4194304x8xf32, #tpu.memory_space<hbm>> -> memref<4194304x8xf32, #tpu.memory_space<hbm>>
    tpu.enqueue_indirect_dma source(%dma_start3A_133 : memref<4194304x8xf32, #tpu.memory_space<hbm>>) target(%dma_start3A_127 : memref<128x8xf32, #tpu.memory_space<vmem>>) offsets(%dma_start3A_130 : memref<128xi32, #tpu.memory_space<vmem>>) semaphore(%arg39 : memref<!tpu.dma_semaphore, #tpu.memory_space<semaphore_mem>>)
    %dma_start3A_134 = arith.constant 3 : i32
    %dma_start3A_135 = arith.constant 384 : i32
    %dma_start3A_136 = arith.constant 0 : i32
    %dma_start3A_137 = tpu.memref_slice %arg24[%dma_start3A_135, %dma_start3A_136] : memref<1024x8xf32, #tpu.memory_space<vmem>> -> memref<128x8xf32, #tpu.memory_space<vmem>>
    %dma_start3A_138 = arith.constant 0 : i32
    %dma_start3A_139 = tpu.memref_slice %arg12[%dma_start3A_134, %dma_start3A_138] : memref<8x128xi32, #tpu.memory_space<vmem>> -> memref<1x128xi32, #tpu.memory_space<vmem>>
    %dma_start3A_140 = tpu.memref_squeeze %dma_start3A_139 : memref<1x128xi32, #tpu.memory_space<vmem>> -> memref<128xi32, #tpu.memory_space<vmem>>
    %dma_start3A_141 = arith.constant 0 : i32
    %dma_start3A_142 = arith.constant 0 : i32
    %dma_start3A_143 = tpu.memref_slice %arg2[%dma_start3A_141, %dma_start3A_142] : memref<4194304x8xf32, #tpu.memory_space<hbm>> -> memref<4194304x8xf32, #tpu.memory_space<hbm>>
    tpu.enqueue_indirect_dma source(%dma_start3A_143 : memref<4194304x8xf32, #tpu.memory_space<hbm>>) target(%dma_start3A_137 : memref<128x8xf32, #tpu.memory_space<vmem>>) offsets(%dma_start3A_140 : memref<128xi32, #tpu.memory_space<vmem>>) semaphore(%arg39 : memref<!tpu.dma_semaphore, #tpu.memory_space<semaphore_mem>>)
    %dma_start3A_144 = arith.constant 3 : i32
    %dma_start3A_145 = arith.constant 384 : i32
    %dma_start3A_146 = arith.constant 0 : i32
    %dma_start3A_147 = tpu.memref_slice %arg25[%dma_start3A_145, %dma_start3A_146] : memref<1024x8xf32, #tpu.memory_space<vmem>> -> memref<128x8xf32, #tpu.memory_space<vmem>>
    %dma_start3A_148 = arith.constant 0 : i32
    %dma_start3A_149 = tpu.memref_slice %arg13[%dma_start3A_144, %dma_start3A_148] : memref<8x128xi32, #tpu.memory_space<vmem>> -> memref<1x128xi32, #tpu.memory_space<vmem>>
    %dma_start3A_150 = tpu.memref_squeeze %dma_start3A_149 : memref<1x128xi32, #tpu.memory_space<vmem>> -> memref<128xi32, #tpu.memory_space<vmem>>
    %dma_start3A_151 = arith.constant 0 : i32
    %dma_start3A_152 = arith.constant 0 : i32
    %dma_start3A_153 = tpu.memref_slice %arg2[%dma_start3A_151, %dma_start3A_152] : memref<4194304x8xf32, #tpu.memory_space<hbm>> -> memref<4194304x8xf32, #tpu.memory_space<hbm>>
    tpu.enqueue_indirect_dma source(%dma_start3A_153 : memref<4194304x8xf32, #tpu.memory_space<hbm>>) target(%dma_start3A_147 : memref<128x8xf32, #tpu.memory_space<vmem>>) offsets(%dma_start3A_150 : memref<128xi32, #tpu.memory_space<vmem>>) semaphore(%arg39 : memref<!tpu.dma_semaphore, #tpu.memory_space<semaphore_mem>>)
    %dma_start3A_154 = arith.constant 3 : i32
    %dma_start3A_155 = arith.constant 384 : i32
    %dma_start3A_156 = arith.constant 0 : i32
    %dma_start3A_157 = tpu.memref_slice %arg26[%dma_start3A_155, %dma_start3A_156] : memref<1024x8xf32, #tpu.memory_space<vmem>> -> memref<128x8xf32, #tpu.memory_space<vmem>>
    %dma_start3A_158 = arith.constant 0 : i32
    %dma_start3A_159 = tpu.memref_slice %arg14[%dma_start3A_154, %dma_start3A_158] : memref<8x128xi32, #tpu.memory_space<vmem>> -> memref<1x128xi32, #tpu.memory_space<vmem>>
    %dma_start3A_160 = tpu.memref_squeeze %dma_start3A_159 : memref<1x128xi32, #tpu.memory_space<vmem>> -> memref<128xi32, #tpu.memory_space<vmem>>
    %dma_start3A_161 = arith.constant 0 : i32
    %dma_start3A_162 = arith.constant 0 : i32
    %dma_start3A_163 = tpu.memref_slice %arg2[%dma_start3A_161, %dma_start3A_162] : memref<4194304x8xf32, #tpu.memory_space<hbm>> -> memref<4194304x8xf32, #tpu.memory_space<hbm>>
    tpu.enqueue_indirect_dma source(%dma_start3A_163 : memref<4194304x8xf32, #tpu.memory_space<hbm>>) target(%dma_start3A_157 : memref<128x8xf32, #tpu.memory_space<vmem>>) offsets(%dma_start3A_160 : memref<128xi32, #tpu.memory_space<vmem>>) semaphore(%arg39 : memref<!tpu.dma_semaphore, #tpu.memory_space<semaphore_mem>>)
    %dma_start3A_164 = arith.constant 3 : i32
    %dma_start3A_165 = arith.constant 384 : i32
    %dma_start3A_166 = arith.constant 0 : i32
    %dma_start3A_167 = tpu.memref_slice %arg27[%dma_start3A_165, %dma_start3A_166] : memref<1024x8xf32, #tpu.memory_space<vmem>> -> memref<128x8xf32, #tpu.memory_space<vmem>>
    %dma_start3A_168 = arith.constant 0 : i32
    %dma_start3A_169 = tpu.memref_slice %arg15[%dma_start3A_164, %dma_start3A_168] : memref<8x128xi32, #tpu.memory_space<vmem>> -> memref<1x128xi32, #tpu.memory_space<vmem>>
    %dma_start3A_170 = tpu.memref_squeeze %dma_start3A_169 : memref<1x128xi32, #tpu.memory_space<vmem>> -> memref<128xi32, #tpu.memory_space<vmem>>
    %dma_start3A_171 = arith.constant 0 : i32
    %dma_start3A_172 = arith.constant 0 : i32
    %dma_start3A_173 = tpu.memref_slice %arg2[%dma_start3A_171, %dma_start3A_172] : memref<4194304x8xf32, #tpu.memory_space<hbm>> -> memref<4194304x8xf32, #tpu.memory_space<hbm>>
    tpu.enqueue_indirect_dma source(%dma_start3A_173 : memref<4194304x8xf32, #tpu.memory_space<hbm>>) target(%dma_start3A_167 : memref<128x8xf32, #tpu.memory_space<vmem>>) offsets(%dma_start3A_170 : memref<128xi32, #tpu.memory_space<vmem>>) semaphore(%arg39 : memref<!tpu.dma_semaphore, #tpu.memory_space<semaphore_mem>>)
    %dma_start3A_174 = arith.constant 4 : i32
    %dma_start3A_175 = arith.constant 512 : i32
    %dma_start3A_176 = arith.constant 0 : i32
    %dma_start3A_177 = tpu.memref_slice %arg24[%dma_start3A_175, %dma_start3A_176] : memref<1024x8xf32, #tpu.memory_space<vmem>> -> memref<128x8xf32, #tpu.memory_space<vmem>>
    %dma_start3A_178 = arith.constant 0 : i32
    %dma_start3A_179 = tpu.memref_slice %arg12[%dma_start3A_174, %dma_start3A_178] : memref<8x128xi32, #tpu.memory_space<vmem>> -> memref<1x128xi32, #tpu.memory_space<vmem>>
    %dma_start3A_180 = tpu.memref_squeeze %dma_start3A_179 : memref<1x128xi32, #tpu.memory_space<vmem>> -> memref<128xi32, #tpu.memory_space<vmem>>
    %dma_start3A_181 = arith.constant 0 : i32
    %dma_start3A_182 = arith.constant 0 : i32
    %dma_start3A_183 = tpu.memref_slice %arg2[%dma_start3A_181, %dma_start3A_182] : memref<4194304x8xf32, #tpu.memory_space<hbm>> -> memref<4194304x8xf32, #tpu.memory_space<hbm>>
    tpu.enqueue_indirect_dma source(%dma_start3A_183 : memref<4194304x8xf32, #tpu.memory_space<hbm>>) target(%dma_start3A_177 : memref<128x8xf32, #tpu.memory_space<vmem>>) offsets(%dma_start3A_180 : memref<128xi32, #tpu.memory_space<vmem>>) semaphore(%arg39 : memref<!tpu.dma_semaphore, #tpu.memory_space<semaphore_mem>>)
    %dma_start3A_184 = arith.constant 4 : i32
    %dma_start3A_185 = arith.constant 512 : i32
    %dma_start3A_186 = arith.constant 0 : i32
    %dma_start3A_187 = tpu.memref_slice %arg25[%dma_start3A_185, %dma_start3A_186] : memref<1024x8xf32, #tpu.memory_space<vmem>> -> memref<128x8xf32, #tpu.memory_space<vmem>>
    %dma_start3A_188 = arith.constant 0 : i32
    %dma_start3A_189 = tpu.memref_slice %arg13[%dma_start3A_184, %dma_start3A_188] : memref<8x128xi32, #tpu.memory_space<vmem>> -> memref<1x128xi32, #tpu.memory_space<vmem>>
    %dma_start3A_190 = tpu.memref_squeeze %dma_start3A_189 : memref<1x128xi32, #tpu.memory_space<vmem>> -> memref<128xi32, #tpu.memory_space<vmem>>
    %dma_start3A_191 = arith.constant 0 : i32
    %dma_start3A_192 = arith.constant 0 : i32
    %dma_start3A_193 = tpu.memref_slice %arg2[%dma_start3A_191, %dma_start3A_192] : memref<4194304x8xf32, #tpu.memory_space<hbm>> -> memref<4194304x8xf32, #tpu.memory_space<hbm>>
    tpu.enqueue_indirect_dma source(%dma_start3A_193 : memref<4194304x8xf32, #tpu.memory_space<hbm>>) target(%dma_start3A_187 : memref<128x8xf32, #tpu.memory_space<vmem>>) offsets(%dma_start3A_190 : memref<128xi32, #tpu.memory_space<vmem>>) semaphore(%arg39 : memref<!tpu.dma_semaphore, #tpu.memory_space<semaphore_mem>>)
    %dma_start3A_194 = arith.constant 4 : i32
    %dma_start3A_195 = arith.constant 512 : i32
    %dma_start3A_196 = arith.constant 0 : i32
    %dma_start3A_197 = tpu.memref_slice %arg26[%dma_start3A_195, %dma_start3A_196] : memref<1024x8xf32, #tpu.memory_space<vmem>> -> memref<128x8xf32, #tpu.memory_space<vmem>>
    %dma_start3A_198 = arith.constant 0 : i32
    %dma_start3A_199 = tpu.memref_slice %arg14[%dma_start3A_194, %dma_start3A_198] : memref<8x128xi32, #tpu.memory_space<vmem>> -> memref<1x128xi32, #tpu.memory_space<vmem>>
    %dma_start3A_200 = tpu.memref_squeeze %dma_start3A_199 : memref<1x128xi32, #tpu.memory_space<vmem>> -> memref<128xi32, #tpu.memory_space<vmem>>
    %dma_start3A_201 = arith.constant 0 : i32
    %dma_start3A_202 = arith.constant 0 : i32
    %dma_start3A_203 = tpu.memref_slice %arg2[%dma_start3A_201, %dma_start3A_202] : memref<4194304x8xf32, #tpu.memory_space<hbm>> -> memref<4194304x8xf32, #tpu.memory_space<hbm>>
    tpu.enqueue_indirect_dma source(%dma_start3A_203 : memref<4194304x8xf32, #tpu.memory_space<hbm>>) target(%dma_start3A_197 : memref<128x8xf32, #tpu.memory_space<vmem>>) offsets(%dma_start3A_200 : memref<128xi32, #tpu.memory_space<vmem>>) semaphore(%arg39 : memref<!tpu.dma_semaphore, #tpu.memory_space<semaphore_mem>>)
    %dma_start3A_204 = arith.constant 4 : i32
    %dma_start3A_205 = arith.constant 512 : i32
    %dma_start3A_206 = arith.constant 0 : i32
    %dma_start3A_207 = tpu.memref_slice %arg27[%dma_start3A_205, %dma_start3A_206] : memref<1024x8xf32, #tpu.memory_space<vmem>> -> memref<128x8xf32, #tpu.memory_space<vmem>>
    %dma_start3A_208 = arith.constant 0 : i32
    %dma_start3A_209 = tpu.memref_slice %arg15[%dma_start3A_204, %dma_start3A_208] : memref<8x128xi32, #tpu.memory_space<vmem>> -> memref<1x128xi32, #tpu.memory_space<vmem>>
    %dma_start3A_210 = tpu.memref_squeeze %dma_start3A_209 : memref<1x128xi32, #tpu.memory_space<vmem>> -> memref<128xi32, #tpu.memory_space<vmem>>
    %dma_start3A_211 = arith.constant 0 : i32
    %dma_start3A_212 = arith.constant 0 : i32
    %dma_start3A_213 = tpu.memref_slice %arg2[%dma_start3A_211, %dma_start3A_212] : memref<4194304x8xf32, #tpu.memory_space<hbm>> -> memref<4194304x8xf32, #tpu.memory_space<hbm>>
    tpu.enqueue_indirect_dma source(%dma_start3A_213 : memref<4194304x8xf32, #tpu.memory_space<hbm>>) target(%dma_start3A_207 : memref<128x8xf32, #tpu.memory_space<vmem>>) offsets(%dma_start3A_210 : memref<128xi32, #tpu.memory_space<vmem>>) semaphore(%arg39 : memref<!tpu.dma_semaphore, #tpu.memory_space<semaphore_mem>>)
    %dma_start3A_214 = arith.constant 5 : i32
    %dma_start3A_215 = arith.constant 640 : i32
    %dma_start3A_216 = arith.constant 0 : i32
    %dma_start3A_217 = tpu.memref_slice %arg24[%dma_start3A_215, %dma_start3A_216] : memref<1024x8xf32, #tpu.memory_space<vmem>> -> memref<128x8xf32, #tpu.memory_space<vmem>>
    %dma_start3A_218 = arith.constant 0 : i32
    %dma_start3A_219 = tpu.memref_slice %arg12[%dma_start3A_214, %dma_start3A_218] : memref<8x128xi32, #tpu.memory_space<vmem>> -> memref<1x128xi32, #tpu.memory_space<vmem>>
    %dma_start3A_220 = tpu.memref_squeeze %dma_start3A_219 : memref<1x128xi32, #tpu.memory_space<vmem>> -> memref<128xi32, #tpu.memory_space<vmem>>
    %dma_start3A_221 = arith.constant 0 : i32
    %dma_start3A_222 = arith.constant 0 : i32
    %dma_start3A_223 = tpu.memref_slice %arg2[%dma_start3A_221, %dma_start3A_222] : memref<4194304x8xf32, #tpu.memory_space<hbm>> -> memref<4194304x8xf32, #tpu.memory_space<hbm>>
    tpu.enqueue_indirect_dma source(%dma_start3A_223 : memref<4194304x8xf32, #tpu.memory_space<hbm>>) target(%dma_start3A_217 : memref<128x8xf32, #tpu.memory_space<vmem>>) offsets(%dma_start3A_220 : memref<128xi32, #tpu.memory_space<vmem>>) semaphore(%arg39 : memref<!tpu.dma_semaphore, #tpu.memory_space<semaphore_mem>>)
    %dma_start3A_224 = arith.constant 5 : i32
    %dma_start3A_225 = arith.constant 640 : i32
    %dma_start3A_226 = arith.constant 0 : i32
    %dma_start3A_227 = tpu.memref_slice %arg25[%dma_start3A_225, %dma_start3A_226] : memref<1024x8xf32, #tpu.memory_space<vmem>> -> memref<128x8xf32, #tpu.memory_space<vmem>>
    %dma_start3A_228 = arith.constant 0 : i32
    %dma_start3A_229 = tpu.memref_slice %arg13[%dma_start3A_224, %dma_start3A_228] : memref<8x128xi32, #tpu.memory_space<vmem>> -> memref<1x128xi32, #tpu.memory_space<vmem>>
    %dma_start3A_230 = tpu.memref_squeeze %dma_start3A_229 : memref<1x128xi32, #tpu.memory_space<vmem>> -> memref<128xi32, #tpu.memory_space<vmem>>
    %dma_start3A_231 = arith.constant 0 : i32
    %dma_start3A_232 = arith.constant 0 : i32
    %dma_start3A_233 = tpu.memref_slice %arg2[%dma_start3A_231, %dma_start3A_232] : memref<4194304x8xf32, #tpu.memory_space<hbm>> -> memref<4194304x8xf32, #tpu.memory_space<hbm>>
    tpu.enqueue_indirect_dma source(%dma_start3A_233 : memref<4194304x8xf32, #tpu.memory_space<hbm>>) target(%dma_start3A_227 : memref<128x8xf32, #tpu.memory_space<vmem>>) offsets(%dma_start3A_230 : memref<128xi32, #tpu.memory_space<vmem>>) semaphore(%arg39 : memref<!tpu.dma_semaphore, #tpu.memory_space<semaphore_mem>>)
    %dma_start3A_234 = arith.constant 5 : i32
    %dma_start3A_235 = arith.constant 640 : i32
    %dma_start3A_236 = arith.constant 0 : i32
    %dma_start3A_237 = tpu.memref_slice %arg26[%dma_start3A_235, %dma_start3A_236] : memref<1024x8xf32, #tpu.memory_space<vmem>> -> memref<128x8xf32, #tpu.memory_space<vmem>>
    %dma_start3A_238 = arith.constant 0 : i32
    %dma_start3A_239 = tpu.memref_slice %arg14[%dma_start3A_234, %dma_start3A_238] : memref<8x128xi32, #tpu.memory_space<vmem>> -> memref<1x128xi32, #tpu.memory_space<vmem>>
    %dma_start3A_240 = tpu.memref_squeeze %dma_start3A_239 : memref<1x128xi32, #tpu.memory_space<vmem>> -> memref<128xi32, #tpu.memory_space<vmem>>
    %dma_start3A_241 = arith.constant 0 : i32
    %dma_start3A_242 = arith.constant 0 : i32
    %dma_start3A_243 = tpu.memref_slice %arg2[%dma_start3A_241, %dma_start3A_242] : memref<4194304x8xf32, #tpu.memory_space<hbm>> -> memref<4194304x8xf32, #tpu.memory_space<hbm>>
    tpu.enqueue_indirect_dma source(%dma_start3A_243 : memref<4194304x8xf32, #tpu.memory_space<hbm>>) target(%dma_start3A_237 : memref<128x8xf32, #tpu.memory_space<vmem>>) offsets(%dma_start3A_240 : memref<128xi32, #tpu.memory_space<vmem>>) semaphore(%arg39 : memref<!tpu.dma_semaphore, #tpu.memory_space<semaphore_mem>>)
    %dma_start3A_244 = arith.constant 5 : i32
    %dma_start3A_245 = arith.constant 640 : i32
    %dma_start3A_246 = arith.constant 0 : i32
    %dma_start3A_247 = tpu.memref_slice %arg27[%dma_start3A_245, %dma_start3A_246] : memref<1024x8xf32, #tpu.memory_space<vmem>> -> memref<128x8xf32, #tpu.memory_space<vmem>>
    %dma_start3A_248 = arith.constant 0 : i32
    %dma_start3A_249 = tpu.memref_slice %arg15[%dma_start3A_244, %dma_start3A_248] : memref<8x128xi32, #tpu.memory_space<vmem>> -> memref<1x128xi32, #tpu.memory_space<vmem>>
    %dma_start3A_250 = tpu.memref_squeeze %dma_start3A_249 : memref<1x128xi32, #tpu.memory_space<vmem>> -> memref<128xi32, #tpu.memory_space<vmem>>
    %dma_start3A_251 = arith.constant 0 : i32
    %dma_start3A_252 = arith.constant 0 : i32
    %dma_start3A_253 = tpu.memref_slice %arg2[%dma_start3A_251, %dma_start3A_252] : memref<4194304x8xf32, #tpu.memory_space<hbm>> -> memref<4194304x8xf32, #tpu.memory_space<hbm>>
    tpu.enqueue_indirect_dma source(%dma_start3A_253 : memref<4194304x8xf32, #tpu.memory_space<hbm>>) target(%dma_start3A_247 : memref<128x8xf32, #tpu.memory_space<vmem>>) offsets(%dma_start3A_250 : memref<128xi32, #tpu.memory_space<vmem>>) semaphore(%arg39 : memref<!tpu.dma_semaphore, #tpu.memory_space<semaphore_mem>>)
    %dma_start3A_254 = arith.constant 6 : i32
    %dma_start3A_255 = arith.constant 768 : i32
    %dma_start3A_256 = arith.constant 0 : i32
    %dma_start3A_257 = tpu.memref_slice %arg24[%dma_start3A_255, %dma_start3A_256] : memref<1024x8xf32, #tpu.memory_space<vmem>> -> memref<128x8xf32, #tpu.memory_space<vmem>>
    %dma_start3A_258 = arith.constant 0 : i32
    %dma_start3A_259 = tpu.memref_slice %arg12[%dma_start3A_254, %dma_start3A_258] : memref<8x128xi32, #tpu.memory_space<vmem>> -> memref<1x128xi32, #tpu.memory_space<vmem>>
    %dma_start3A_260 = tpu.memref_squeeze %dma_start3A_259 : memref<1x128xi32, #tpu.memory_space<vmem>> -> memref<128xi32, #tpu.memory_space<vmem>>
    %dma_start3A_261 = arith.constant 0 : i32
    %dma_start3A_262 = arith.constant 0 : i32
    %dma_start3A_263 = tpu.memref_slice %arg2[%dma_start3A_261, %dma_start3A_262] : memref<4194304x8xf32, #tpu.memory_space<hbm>> -> memref<4194304x8xf32, #tpu.memory_space<hbm>>
    tpu.enqueue_indirect_dma source(%dma_start3A_263 : memref<4194304x8xf32, #tpu.memory_space<hbm>>) target(%dma_start3A_257 : memref<128x8xf32, #tpu.memory_space<vmem>>) offsets(%dma_start3A_260 : memref<128xi32, #tpu.memory_space<vmem>>) semaphore(%arg39 : memref<!tpu.dma_semaphore, #tpu.memory_space<semaphore_mem>>)
    %dma_start3A_264 = arith.constant 6 : i32
    %dma_start3A_265 = arith.constant 768 : i32
    %dma_start3A_266 = arith.constant 0 : i32
    %dma_start3A_267 = tpu.memref_slice %arg25[%dma_start3A_265, %dma_start3A_266] : memref<1024x8xf32, #tpu.memory_space<vmem>> -> memref<128x8xf32, #tpu.memory_space<vmem>>
    %dma_start3A_268 = arith.constant 0 : i32
    %dma_start3A_269 = tpu.memref_slice %arg13[%dma_start3A_264, %dma_start3A_268] : memref<8x128xi32, #tpu.memory_space<vmem>> -> memref<1x128xi32, #tpu.memory_space<vmem>>
    %dma_start3A_270 = tpu.memref_squeeze %dma_start3A_269 : memref<1x128xi32, #tpu.memory_space<vmem>> -> memref<128xi32, #tpu.memory_space<vmem>>
    %dma_start3A_271 = arith.constant 0 : i32
    %dma_start3A_272 = arith.constant 0 : i32
    %dma_start3A_273 = tpu.memref_slice %arg2[%dma_start3A_271, %dma_start3A_272] : memref<4194304x8xf32, #tpu.memory_space<hbm>> -> memref<4194304x8xf32, #tpu.memory_space<hbm>>
    tpu.enqueue_indirect_dma source(%dma_start3A_273 : memref<4194304x8xf32, #tpu.memory_space<hbm>>) target(%dma_start3A_267 : memref<128x8xf32, #tpu.memory_space<vmem>>) offsets(%dma_start3A_270 : memref<128xi32, #tpu.memory_space<vmem>>) semaphore(%arg39 : memref<!tpu.dma_semaphore, #tpu.memory_space<semaphore_mem>>)
    %dma_start3A_274 = arith.constant 6 : i32
    %dma_start3A_275 = arith.constant 768 : i32
    %dma_start3A_276 = arith.constant 0 : i32
    %dma_start3A_277 = tpu.memref_slice %arg26[%dma_start3A_275, %dma_start3A_276] : memref<1024x8xf32, #tpu.memory_space<vmem>> -> memref<128x8xf32, #tpu.memory_space<vmem>>
    %dma_start3A_278 = arith.constant 0 : i32
    %dma_start3A_279 = tpu.memref_slice %arg14[%dma_start3A_274, %dma_start3A_278] : memref<8x128xi32, #tpu.memory_space<vmem>> -> memref<1x128xi32, #tpu.memory_space<vmem>>
    %dma_start3A_280 = tpu.memref_squeeze %dma_start3A_279 : memref<1x128xi32, #tpu.memory_space<vmem>> -> memref<128xi32, #tpu.memory_space<vmem>>
    %dma_start3A_281 = arith.constant 0 : i32
    %dma_start3A_282 = arith.constant 0 : i32
    %dma_start3A_283 = tpu.memref_slice %arg2[%dma_start3A_281, %dma_start3A_282] : memref<4194304x8xf32, #tpu.memory_space<hbm>> -> memref<4194304x8xf32, #tpu.memory_space<hbm>>
    tpu.enqueue_indirect_dma source(%dma_start3A_283 : memref<4194304x8xf32, #tpu.memory_space<hbm>>) target(%dma_start3A_277 : memref<128x8xf32, #tpu.memory_space<vmem>>) offsets(%dma_start3A_280 : memref<128xi32, #tpu.memory_space<vmem>>) semaphore(%arg39 : memref<!tpu.dma_semaphore, #tpu.memory_space<semaphore_mem>>)
    %dma_start3A_284 = arith.constant 6 : i32
    %dma_start3A_285 = arith.constant 768 : i32
    %dma_start3A_286 = arith.constant 0 : i32
    %dma_start3A_287 = tpu.memref_slice %arg27[%dma_start3A_285, %dma_start3A_286] : memref<1024x8xf32, #tpu.memory_space<vmem>> -> memref<128x8xf32, #tpu.memory_space<vmem>>
    %dma_start3A_288 = arith.constant 0 : i32
    %dma_start3A_289 = tpu.memref_slice %arg15[%dma_start3A_284, %dma_start3A_288] : memref<8x128xi32, #tpu.memory_space<vmem>> -> memref<1x128xi32, #tpu.memory_space<vmem>>
    %dma_start3A_290 = tpu.memref_squeeze %dma_start3A_289 : memref<1x128xi32, #tpu.memory_space<vmem>> -> memref<128xi32, #tpu.memory_space<vmem>>
    %dma_start3A_291 = arith.constant 0 : i32
    %dma_start3A_292 = arith.constant 0 : i32
    %dma_start3A_293 = tpu.memref_slice %arg2[%dma_start3A_291, %dma_start3A_292] : memref<4194304x8xf32, #tpu.memory_space<hbm>> -> memref<4194304x8xf32, #tpu.memory_space<hbm>>
    tpu.enqueue_indirect_dma source(%dma_start3A_293 : memref<4194304x8xf32, #tpu.memory_space<hbm>>) target(%dma_start3A_287 : memref<128x8xf32, #tpu.memory_space<vmem>>) offsets(%dma_start3A_290 : memref<128xi32, #tpu.memory_space<vmem>>) semaphore(%arg39 : memref<!tpu.dma_semaphore, #tpu.memory_space<semaphore_mem>>)
    %dma_start3A_294 = arith.constant 7 : i32
    %dma_start3A_295 = arith.constant 896 : i32
    %dma_start3A_296 = arith.constant 0 : i32
    %dma_start3A_297 = tpu.memref_slice %arg24[%dma_start3A_295, %dma_start3A_296] : memref<1024x8xf32, #tpu.memory_space<vmem>> -> memref<128x8xf32, #tpu.memory_space<vmem>>
    %dma_start3A_298 = arith.constant 0 : i32
    %dma_start3A_299 = tpu.memref_slice %arg12[%dma_start3A_294, %dma_start3A_298] : memref<8x128xi32, #tpu.memory_space<vmem>> -> memref<1x128xi32, #tpu.memory_space<vmem>>
    %dma_start3A_300 = tpu.memref_squeeze %dma_start3A_299 : memref<1x128xi32, #tpu.memory_space<vmem>> -> memref<128xi32, #tpu.memory_space<vmem>>
    %dma_start3A_301 = arith.constant 0 : i32
    %dma_start3A_302 = arith.constant 0 : i32
    %dma_start3A_303 = tpu.memref_slice %arg2[%dma_start3A_301, %dma_start3A_302] : memref<4194304x8xf32, #tpu.memory_space<hbm>> -> memref<4194304x8xf32, #tpu.memory_space<hbm>>
    tpu.enqueue_indirect_dma source(%dma_start3A_303 : memref<4194304x8xf32, #tpu.memory_space<hbm>>) target(%dma_start3A_297 : memref<128x8xf32, #tpu.memory_space<vmem>>) offsets(%dma_start3A_300 : memref<128xi32, #tpu.memory_space<vmem>>) semaphore(%arg39 : memref<!tpu.dma_semaphore, #tpu.memory_space<semaphore_mem>>)
    %dma_start3A_304 = arith.constant 7 : i32
    %dma_start3A_305 = arith.constant 896 : i32
    %dma_start3A_306 = arith.constant 0 : i32
    %dma_start3A_307 = tpu.memref_slice %arg25[%dma_start3A_305, %dma_start3A_306] : memref<1024x8xf32, #tpu.memory_space<vmem>> -> memref<128x8xf32, #tpu.memory_space<vmem>>
    %dma_start3A_308 = arith.constant 0 : i32
    %dma_start3A_309 = tpu.memref_slice %arg13[%dma_start3A_304, %dma_start3A_308] : memref<8x128xi32, #tpu.memory_space<vmem>> -> memref<1x128xi32, #tpu.memory_space<vmem>>
    %dma_start3A_310 = tpu.memref_squeeze %dma_start3A_309 : memref<1x128xi32, #tpu.memory_space<vmem>> -> memref<128xi32, #tpu.memory_space<vmem>>
    %dma_start3A_311 = arith.constant 0 : i32
    %dma_start3A_312 = arith.constant 0 : i32
    %dma_start3A_313 = tpu.memref_slice %arg2[%dma_start3A_311, %dma_start3A_312] : memref<4194304x8xf32, #tpu.memory_space<hbm>> -> memref<4194304x8xf32, #tpu.memory_space<hbm>>
    tpu.enqueue_indirect_dma source(%dma_start3A_313 : memref<4194304x8xf32, #tpu.memory_space<hbm>>) target(%dma_start3A_307 : memref<128x8xf32, #tpu.memory_space<vmem>>) offsets(%dma_start3A_310 : memref<128xi32, #tpu.memory_space<vmem>>) semaphore(%arg39 : memref<!tpu.dma_semaphore, #tpu.memory_space<semaphore_mem>>)
    %dma_start3A_314 = arith.constant 7 : i32
    %dma_start3A_315 = arith.constant 896 : i32
    %dma_start3A_316 = arith.constant 0 : i32
    %dma_start3A_317 = tpu.memref_slice %arg26[%dma_start3A_315, %dma_start3A_316] : memref<1024x8xf32, #tpu.memory_space<vmem>> -> memref<128x8xf32, #tpu.memory_space<vmem>>
    %dma_start3A_318 = arith.constant 0 : i32
    %dma_start3A_319 = tpu.memref_slice %arg14[%dma_start3A_314, %dma_start3A_318] : memref<8x128xi32, #tpu.memory_space<vmem>> -> memref<1x128xi32, #tpu.memory_space<vmem>>
    %dma_start3A_320 = tpu.memref_squeeze %dma_start3A_319 : memref<1x128xi32, #tpu.memory_space<vmem>> -> memref<128xi32, #tpu.memory_space<vmem>>
    %dma_start3A_321 = arith.constant 0 : i32
    %dma_start3A_322 = arith.constant 0 : i32
    %dma_start3A_323 = tpu.memref_slice %arg2[%dma_start3A_321, %dma_start3A_322] : memref<4194304x8xf32, #tpu.memory_space<hbm>> -> memref<4194304x8xf32, #tpu.memory_space<hbm>>
    tpu.enqueue_indirect_dma source(%dma_start3A_323 : memref<4194304x8xf32, #tpu.memory_space<hbm>>) target(%dma_start3A_317 : memref<128x8xf32, #tpu.memory_space<vmem>>) offsets(%dma_start3A_320 : memref<128xi32, #tpu.memory_space<vmem>>) semaphore(%arg39 : memref<!tpu.dma_semaphore, #tpu.memory_space<semaphore_mem>>)
    %dma_start3A_324 = arith.constant 7 : i32
    %dma_start3A_325 = arith.constant 896 : i32
    %dma_start3A_326 = arith.constant 0 : i32
    %dma_start3A_327 = tpu.memref_slice %arg27[%dma_start3A_325, %dma_start3A_326] : memref<1024x8xf32, #tpu.memory_space<vmem>> -> memref<128x8xf32, #tpu.memory_space<vmem>>
    %dma_start3A_328 = arith.constant 0 : i32
    %dma_start3A_329 = tpu.memref_slice %arg15[%dma_start3A_324, %dma_start3A_328] : memref<8x128xi32, #tpu.memory_space<vmem>> -> memref<1x128xi32, #tpu.memory_space<vmem>>
    %dma_start3A_330 = tpu.memref_squeeze %dma_start3A_329 : memref<1x128xi32, #tpu.memory_space<vmem>> -> memref<128xi32, #tpu.memory_space<vmem>>
    %dma_start3A_331 = arith.constant 0 : i32
    %dma_start3A_332 = arith.constant 0 : i32
    %dma_start3A_333 = tpu.memref_slice %arg2[%dma_start3A_331, %dma_start3A_332] : memref<4194304x8xf32, #tpu.memory_space<hbm>> -> memref<4194304x8xf32, #tpu.memory_space<hbm>>
    tpu.enqueue_indirect_dma source(%dma_start3A_333 : memref<4194304x8xf32, #tpu.memory_space<hbm>>) target(%dma_start3A_327 : memref<128x8xf32, #tpu.memory_space<vmem>>) offsets(%dma_start3A_330 : memref<128xi32, #tpu.memory_space<vmem>>) semaphore(%arg39 : memref<!tpu.dma_semaphore, #tpu.memory_space<semaphore_mem>>)
    %scan3A_334 = arith.constant 0 : i32
    %scan3A_335 = arith.constant 0 : i32
    %scan3A_336 = arith.constant 16 : i32
    %scan3A_337 = arith.addi %scan3A_335, %scan3A_336 : i32
    %scan3A_338 = arith.constant 1 : i32
    scf.for %scan3A_659 = %scan3A_335 to %scan3A_337 step %scan3A_338  : i32 {
      %mul3A_660 = arith.constant 2 : i32
      %mul3A_661 = arith.muli %mul3A_660, %scan3A_659 : i32
      %add3A_662 = arith.constant 1 : i32
      %add3A_663 = arith.addi %mul3A_661, %add3A_662 : i32
      %mul3A_664 = arith.constant 1024 : i32
      %mul3A_665 = arith.muli %add3A_663, %mul3A_664 : i32
      %add3A_666 = arith.addi %mul3A_2, %mul3A_665 : i32
      %mul3A_667 = arith.constant 2 : i32
      %mul3A_668 = arith.muli %add3A_666, %mul3A_667 : i32
      "tpu.region"() ({
        %run_scoped3A = tpu.sem_alloc : memref<!tpu.dma_semaphore, #tpu.memory_space<semaphore_mem>>
        %dma_start3A_2050 = tpu.memref_slice %arg3[%mul3A_668] : memref<2097152xf32, #tpu.memory_space<hbm>> -> memref<2048xf32, #tpu.memory_space<hbm>>
        %dma_start3A_2051 = tpu.memref_slice %arg3[%mul3A_668] : memref<2097152xf32, #tpu.memory_space<hbm>> -> memref<2048xf32, #tpu.memory_space<hbm>>
        tpu.enqueue_dma source(%dma_start3A_2051 : memref<2048xf32, #tpu.memory_space<hbm>>) target(%arg11 : memref<2048xf32, #tpu.memory_space<vmem>>) target_semaphore(%run_scoped3A : memref<!tpu.dma_semaphore, #tpu.memory_space<semaphore_mem>>)
        %dma_wait3A_2052 = tpu.memref_slice %arg3[%mul3A_668] : memref<2097152xf32, #tpu.memory_space<hbm>> -> memref<2048xf32, #tpu.memory_space<hbm>>
        %dma_wait3A_2053 = tpu.memref_slice %arg3[%mul3A_668] : memref<2097152xf32, #tpu.memory_space<hbm>> -> memref<2048xf32, #tpu.memory_space<hbm>>
        tpu.wait_dma2 semaphore(%run_scoped3A : memref<!tpu.dma_semaphore, #tpu.memory_space<semaphore_mem>>) src(%dma_wait3A_2053 : memref<2048xf32, #tpu.memory_space<hbm>>) dst(%arg11 : memref<2048xf32, #tpu.memory_space<vmem>>)
        tpu.yield
      }) : () -> ()
      %iota3A_669 = tpu.iota {dimensions = array<i32: 0>} : vector<16xi32>
      %mul3A_670 = arith.constant 2 : i32
      %mul3A_671 = vector.broadcast %mul3A_670 : i32 to vector<16xi32>
      %mul3A_672 = arith.muli %iota3A_669, %mul3A_671 : vector<16xi32>
      %scan3A_673 = arith.constant 0 : i32
      %scan3A_674 = arith.constant 0 : i32
      %scan3A_675 = arith.constant 64 : i32
      %scan3A_676 = arith.addi %scan3A_674, %scan3A_675 : i32
      %scan3A_677 = arith.constant 1 : i32
      scf.for %scan3A_2050 = %scan3A_674 to %scan3A_676 step %scan3A_677  : i32 {
        %jit3A = arith.constant 8 : i32
        %div3A = arith.divsi %scan3A_2050, %jit3A : i32
        %sign3A = arith.constant 0 : i32
        %sign3A_2051 = arith.cmpi sgt, %scan3A_2050, %sign3A : i32
        %sign3A_2052 = arith.extui %sign3A_2051 : i1 to i32
        %sign3A_2053 = arith.constant 0 : i32
        %sign3A_2054 = arith.cmpi slt, %scan3A_2050, %sign3A_2053 : i32
        %sign3A_2055 = arith.extui %sign3A_2054 : i1 to i32
        %sign3A_2056 = arith.subi %sign3A_2052, %sign3A_2055 : i32
        %sign3A_2057 = arith.constant 0 : i32
        %sign3A_2058 = arith.cmpi sgt, %jit3A, %sign3A_2057 : i32
        %sign3A_2059 = arith.extui %sign3A_2058 : i1 to i32
        %sign3A_2060 = arith.constant 0 : i32
        %sign3A_2061 = arith.cmpi slt, %jit3A, %sign3A_2060 : i32
        %sign3A_2062 = arith.extui %sign3A_2061 : i1 to i32
        %sign3A_2063 = arith.subi %sign3A_2059, %sign3A_2062 : i32
        %ne3A = arith.cmpi ne, %sign3A_2056, %sign3A_2063 : i32
        %rem3A_2064 = arith.remsi %scan3A_2050, %jit3A : i32
        %ne3A_2065 = arith.constant 0 : i32
        %ne3A_2066 = arith.cmpi ne, %rem3A_2064, %ne3A_2065 : i32
        %and3A = arith.andi %ne3A, %ne3A_2066 : i1
        %sub3A = arith.constant 1 : i32
        %sub3A_2067 = arith.subi %div3A, %sub3A : i32
        %select_n3A = arith.select %and3A, %sub3A_2067, %div3A : i32
        %jit3A_2068 = arith.constant 8 : i32
        %eq3A = arith.constant 0 : i32
        %eq3A_2069 = arith.cmpi eq, %jit3A_2068, %eq3A : i32
        %jit3A_2070 = arith.constant 1 : i32
        %select_n3A_2071 = arith.select %eq3A_2069, %jit3A_2070, %jit3A_2068 : i32
        %rem3A_2072 = arith.remsi %scan3A_2050, %select_n3A_2071 : i32
        %ne3A_2073 = arith.constant 0 : i32
        %ne3A_2074 = arith.cmpi ne, %rem3A_2072, %ne3A_2073 : i32
        %lt3A = arith.constant 0 : i32
        %lt3A_2075 = arith.cmpi slt, %rem3A_2072, %lt3A : i32
        %lt3A_2076 = arith.constant 0 : i32
        %lt3A_2077 = arith.cmpi slt, %select_n3A_2071, %lt3A_2076 : i32
        %ne3A_2078 = arith.xori %lt3A_2075, %lt3A_2077 : i1
        %and3A_2079 = arith.andi %ne3A_2078, %ne3A_2074 : i1
        %add3A_2080 = arith.addi %rem3A_2072, %select_n3A_2071 : i32
        %select_n3A_2081 = arith.select %and3A_2079, %add3A_2080, %rem3A_2072 : i32
        %mul3A_2082 = arith.constant 16 : i32
        %mul3A_2083 = arith.muli %select_n3A_2081, %mul3A_2082 : i32
        %mul3A_2084 = arith.constant 32 : i32
        %mul3A_2085 = arith.muli %scan3A_2050, %mul3A_2084 : i32
        %add3A_2086 = vector.broadcast %mul3A_2085 : i32 to vector<16xi32>
        %add3A_2087 = arith.addi %mul3A_672, %add3A_2086 : vector<16xi32>
        %gather3A = tpu.vector_load_idx %arg11[%add3A_2087] : memref<2048xf32, #tpu.memory_space<vmem>>[vector<16xi32>], vector<16xf32>,
        %add3A_2088 = arith.constant 1 : i32
        %add3A_2089 = vector.broadcast %add3A_2088 : i32 to vector<16xi32>
        %add3A_2090 = arith.addi %add3A_2087, %add3A_2089 : vector<16xi32>
        %gather3A_2091 = tpu.vector_load_idx %arg11[%add3A_2090] : memref<2048xf32, #tpu.memory_space<vmem>>[vector<16xi32>], vector<16xf32>,
        %mul3A_2092 = arith.constant 2.047000e+03 : f32
        %mul3A_2093 = vector.broadcast %mul3A_2092 : f32 to vector<16xf32>
        %mul3A_2094 = arith.mulf %gather3A, %mul3A_2093 : vector<16xf32>
        %mul3A_2095 = arith.constant 2.047000e+03 : f32
        %mul3A_2096 = vector.broadcast %mul3A_2095 : f32 to vector<16xf32>
        %mul3A_2097 = arith.mulf %gather3A_2091, %mul3A_2096 : vector<16xf32>
        %convert_element_type3A = arith.fptosi %mul3A_2094 : vector<16xf32> to vector<16xi32>
        %min3A = arith.constant 2046 : i32
        %min3A_2098 = vector.broadcast %min3A : i32 to vector<16xi32>
        %min3A_2099 = arith.minsi %convert_element_type3A, %min3A_2098 : vector<16xi32>
        %convert_element_type3A_2100 = arith.fptosi %mul3A_2097 : vector<16xf32> to vector<16xi32>
        %min3A_2101 = arith.constant 2046 : i32
        %min3A_2102 = vector.broadcast %min3A_2101 : i32 to vector<16xi32>
        %min3A_2103 = arith.minsi %convert_element_type3A_2100, %min3A_2102 : vector<16xi32>
        %convert_element_type3A_2104 = arith.sitofp %min3A_2099 : vector<16xi32> to vector<16xf32>
        %sub3A_2105 = arith.subf %mul3A_2094, %convert_element_type3A_2104 : vector<16xf32>
        %convert_element_type3A_2106 = arith.sitofp %min3A_2103 : vector<16xi32> to vector<16xf32>
        %sub3A_2107 = arith.subf %mul3A_2097, %convert_element_type3A_2106 : vector<16xf32>
        %shift_left3A = arith.constant 11 : i32
        %shift_left3A_2108 = vector.broadcast %shift_left3A : i32 to vector<16xi32>
        %shift_left3A_2109 = arith.shli %min3A_2103, %shift_left3A_2108 : vector<16xi32>
        %add3A_2110 = arith.addi %shift_left3A_2109, %min3A_2099 : vector<16xi32>
        %swap3A = arith.index_cast %select_n3A : i32 to index
        %swap3A_2111 = arith.index_cast %mul3A_2083 : i32 to index
        %swap3A_2112 = tpu.vector_load %arg16[%swap3A, %swap3A_2111] {strides = array<i32>} : memref<8x128xi32, #tpu.memory_space<vmem>>, vector<16xi32>,
        tpu.vector_store %arg16[%swap3A, %swap3A_2111], %add3A_2110 {strides = array<i32>} : memref<8x128xi32, #tpu.memory_space<vmem>>, vector<16xi32>,
        %add3A_2113 = arith.constant 1 : i32
        %add3A_2114 = vector.broadcast %add3A_2113 : i32 to vector<16xi32>
        %add3A_2115 = arith.addi %add3A_2110, %add3A_2114 : vector<16xi32>
        %swap3A_2116 = arith.index_cast %select_n3A : i32 to index
        %swap3A_2117 = arith.index_cast %mul3A_2083 : i32 to index
        %swap3A_2118 = tpu.vector_load %arg17[%swap3A_2116, %swap3A_2117] {strides = array<i32>} : memref<8x128xi32, #tpu.memory_space<vmem>>, vector<16xi32>,
        tpu.vector_store %arg17[%swap3A_2116, %swap3A_2117], %add3A_2115 {strides = array<i32>} : memref<8x128xi32, #tpu.memory_space<vmem>>, vector<16xi32>,
        %add3A_2119 = arith.constant 2048 : i32
        %add3A_2120 = vector.broadcast %add3A_2119 : i32 to vector<16xi32>
        %add3A_2121 = arith.addi %add3A_2110, %add3A_2120 : vector<16xi32>
        %swap3A_2122 = arith.index_cast %select_n3A : i32 to index
        %swap3A_2123 = arith.index_cast %mul3A_2083 : i32 to index
        %swap3A_2124 = tpu.vector_load %arg18[%swap3A_2122, %swap3A_2123] {strides = array<i32>} : memref<8x128xi32, #tpu.memory_space<vmem>>, vector<16xi32>,
        tpu.vector_store %arg18[%swap3A_2122, %swap3A_2123], %add3A_2121 {strides = array<i32>} : memref<8x128xi32, #tpu.memory_space<vmem>>, vector<16xi32>,
        %add3A_2125 = arith.constant 2048 : i32
        %add3A_2126 = vector.broadcast %add3A_2125 : i32 to vector<16xi32>
        %add3A_2127 = arith.addi %add3A_2110, %add3A_2126 : vector<16xi32>
        %add3A_2128 = arith.constant 1 : i32
        %add3A_2129 = vector.broadcast %add3A_2128 : i32 to vector<16xi32>
        %add3A_2130 = arith.addi %add3A_2127, %add3A_2129 : vector<16xi32>
        %swap3A_2131 = arith.index_cast %select_n3A : i32 to index
        %swap3A_2132 = arith.index_cast %mul3A_2083 : i32 to index
        %swap3A_2133 = tpu.vector_load %arg19[%swap3A_2131, %swap3A_2132] {strides = array<i32>} : memref<8x128xi32, #tpu.memory_space<vmem>>, vector<16xi32>,
        tpu.vector_store %arg19[%swap3A_2131, %swap3A_2132], %add3A_2130 {strides = array<i32>} : memref<8x128xi32, #tpu.memory_space<vmem>>, vector<16xi32>,
        %mul3A_2134 = arith.constant 16 : i32
        %mul3A_2135 = arith.muli %scan3A_2050, %mul3A_2134 : i32
        %swap3A_2136 = arith.index_cast %mul3A_2135 : i32 to index
        %swap3A_2137 = tpu.vector_load %arg22[%swap3A_2136] {strides = array<i32>} : memref<1024xf32, #tpu.memory_space<vmem>>, vector<16xf32>,
        tpu.vector_store %arg22[%swap3A_2136], %sub3A_2105 {strides = array<i32>} : memref<1024xf32, #tpu.memory_space<vmem>>, vector<16xf32>,
        %mul3A_2138 = arith.constant 16 : i32
        %mul3A_2139 = arith.muli %scan3A_2050, %mul3A_2138 : i32
        %swap3A_2140 = arith.index_cast %mul3A_2139 : i32 to index
        %swap3A_2141 = tpu.vector_load %arg23[%swap3A_2140] {strides = array<i32>} : memref<1024xf32, #tpu.memory_space<vmem>>, vector<16xf32>,
        tpu.vector_store %arg23[%swap3A_2140], %sub3A_2107 {strides = array<i32>} : memref<1024xf32, #tpu.memory_space<vmem>>, vector<16xf32>,
      }
      %scan3A_678 = arith.constant 64 : i32
      %dma_start3A_679 = arith.constant 0 : i32
      %dma_start3A_680 = arith.constant 0 : i32
      %dma_start3A_681 = arith.constant 0 : i32
      %dma_start3A_682 = tpu.memref_slice %arg28[%dma_start3A_680, %dma_start3A_681] : memref<1024x8xf32, #tpu.memory_space<vmem>> -> memref<128x8xf32, #tpu.memory_space<vmem>>
      %dma_start3A_683 = arith.constant 0 : i32
      %dma_start3A_684 = tpu.memref_slice %arg16[%dma_start3A_679, %dma_start3A_683] : memref<8x128xi32, #tpu.memory_space<vmem>> -> memref<1x128xi32, #tpu.memory_space<vmem>>
      %dma_start3A_685 = tpu.memref_squeeze %dma_start3A_684 : memref<1x128xi32, #tpu.memory_space<vmem>> -> memref<128xi32, #tpu.memory_space<vmem>>
      %dma_start3A_686 = arith.constant 0 : i32
      %dma_start3A_687 = arith.constant 0 : i32
      %dma_start3A_688 = tpu.memref_slice %arg2[%dma_start3A_686, %dma_start3A_687] : memref<4194304x8xf32, #tpu.memory_space<hbm>> -> memref<4194304x8xf32, #tpu.memory_space<hbm>>
      tpu.enqueue_indirect_dma source(%dma_start3A_688 : memref<4194304x8xf32, #tpu.memory_space<hbm>>) target(%dma_start3A_682 : memref<128x8xf32, #tpu.memory_space<vmem>>) offsets(%dma_start3A_685 : memref<128xi32, #tpu.memory_space<vmem>>) semaphore(%arg40 : memref<!tpu.dma_semaphore, #tpu.memory_space<semaphore_mem>>)
      %dma_start3A_689 = arith.constant 0 : i32
      %dma_start3A_690 = arith.constant 0 : i32
      %dma_start3A_691 = arith.constant 0 : i32
      %dma_start3A_692 = tpu.memref_slice %arg29[%dma_start3A_690, %dma_start3A_691] : memref<1024x8xf32, #tpu.memory_space<vmem>> -> memref<128x8xf32, #tpu.memory_space<vmem>>
      %dma_start3A_693 = arith.constant 0 : i32
      %dma_start3A_694 = tpu.memref_slice %arg17[%dma_start3A_689, %dma_start3A_693] : memref<8x128xi32, #tpu.memory_space<vmem>> -> memref<1x128xi32, #tpu.memory_space<vmem>>
      %dma_start3A_695 = tpu.memref_squeeze %dma_start3A_694 : memref<1x128xi32, #tpu.memory_space<vmem>> -> memref<128xi32, #tpu.memory_space<vmem>>
      %dma_start3A_696 = arith.constant 0 : i32
      %dma_start3A_697 = arith.constant 0 : i32
      %dma_start3A_698 = tpu.memref_slice %arg2[%dma_start3A_696, %dma_start3A_697] : memref<4194304x8xf32, #tpu.memory_space<hbm>> -> memref<4194304x8xf32, #tpu.memory_space<hbm>>
      tpu.enqueue_indirect_dma source(%dma_start3A_698 : memref<4194304x8xf32, #tpu.memory_space<hbm>>) target(%dma_start3A_692 : memref<128x8xf32, #tpu.memory_space<vmem>>) offsets(%dma_start3A_695 : memref<128xi32, #tpu.memory_space<vmem>>) semaphore(%arg40 : memref<!tpu.dma_semaphore, #tpu.memory_space<semaphore_mem>>)
      %dma_start3A_699 = arith.constant 0 : i32
      %dma_start3A_700 = arith.constant 0 : i32
      %dma_start3A_701 = arith.constant 0 : i32
      %dma_start3A_702 = tpu.memref_slice %arg30[%dma_start3A_700, %dma_start3A_701] : memref<1024x8xf32, #tpu.memory_space<vmem>> -> memref<128x8xf32, #tpu.memory_space<vmem>>
      %dma_start3A_703 = arith.constant 0 : i32
      %dma_start3A_704 = tpu.memref_slice %arg18[%dma_start3A_699, %dma_start3A_703] : memref<8x128xi32, #tpu.memory_space<vmem>> -> memref<1x128xi32, #tpu.memory_space<vmem>>
      %dma_start3A_705 = tpu.memref_squeeze %dma_start3A_704 : memref<1x128xi32, #tpu.memory_space<vmem>> -> memref<128xi32, #tpu.memory_space<vmem>>
      %dma_start3A_706 = arith.constant 0 : i32
      %dma_start3A_707 = arith.constant 0 : i32
      %dma_start3A_708 = tpu.memref_slice %arg2[%dma_start3A_706, %dma_start3A_707] : memref<4194304x8xf32, #tpu.memory_space<hbm>> -> memref<4194304x8xf32, #tpu.memory_space<hbm>>
      tpu.enqueue_indirect_dma source(%dma_start3A_708 : memref<4194304x8xf32, #tpu.memory_space<hbm>>) target(%dma_start3A_702 : memref<128x8xf32, #tpu.memory_space<vmem>>) offsets(%dma_start3A_705 : memref<128xi32, #tpu.memory_space<vmem>>) semaphore(%arg40 : memref<!tpu.dma_semaphore, #tpu.memory_space<semaphore_mem>>)
      %dma_start3A_709 = arith.constant 0 : i32
      %dma_start3A_710 = arith.constant 0 : i32
      %dma_start3A_711 = arith.constant 0 : i32
      %dma_start3A_712 = tpu.memref_slice %arg31[%dma_start3A_710, %dma_start3A_711] : memref<1024x8xf32, #tpu.memory_space<vmem>> -> memref<128x8xf32, #tpu.memory_space<vmem>>
      %dma_start3A_713 = arith.constant 0 : i32
      %dma_start3A_714 = tpu.memref_slice %arg19[%dma_start3A_709, %dma_start3A_713] : memref<8x128xi32, #tpu.memory_space<vmem>> -> memref<1x128xi32, #tpu.memory_space<vmem>>
      %dma_start3A_715 = tpu.memref_squeeze %dma_start3A_714 : memref<1x128xi32, #tpu.memory_space<vmem>> -> memref<128xi32, #tpu.memory_space<vmem>>
      %dma_start3A_716 = arith.constant 0 : i32
      %dma_start3A_717 = arith.constant 0 : i32
      %dma_start3A_718 = tpu.memref_slice %arg2[%dma_start3A_716, %dma_start3A_717] : memref<4194304x8xf32, #tpu.memory_space<hbm>> -> memref<4194304x8xf32, #tpu.memory_space<hbm>>
      tpu.enqueue_indirect_dma source(%dma_start3A_718 : memref<4194304x8xf32, #tpu.memory_space<hbm>>) target(%dma_start3A_712 : memref<128x8xf32, #tpu.memory_space<vmem>>) offsets(%dma_start3A_715 : memref<128xi32, #tpu.memory_space<vmem>>) semaphore(%arg40 : memref<!tpu.dma_semaphore, #tpu.memory_space<semaphore_mem>>)
      %dma_start3A_719 = arith.constant 1 : i32
      %dma_start3A_720 = arith.constant 128 : i32
      %dma_start3A_721 = arith.constant 0 : i32
      %dma_start3A_722 = tpu.memref_slice %arg28[%dma_start3A_720, %dma_start3A_721] : memref<1024x8xf32, #tpu.memory_space<vmem>> -> memref<128x8xf32, #tpu.memory_space<vmem>>
      %dma_start3A_723 = arith.constant 0 : i32
      %dma_start3A_724 = tpu.memref_slice %arg16[%dma_start3A_719, %dma_start3A_723] : memref<8x128xi32, #tpu.memory_space<vmem>> -> memref<1x128xi32, #tpu.memory_space<vmem>>
      %dma_start3A_725 = tpu.memref_squeeze %dma_start3A_724 : memref<1x128xi32, #tpu.memory_space<vmem>> -> memref<128xi32, #tpu.memory_space<vmem>>
      %dma_start3A_726 = arith.constant 0 : i32
      %dma_start3A_727 = arith.constant 0 : i32
      %dma_start3A_728 = tpu.memref_slice %arg2[%dma_start3A_726, %dma_start3A_727] : memref<4194304x8xf32, #tpu.memory_space<hbm>> -> memref<4194304x8xf32, #tpu.memory_space<hbm>>
      tpu.enqueue_indirect_dma source(%dma_start3A_728 : memref<4194304x8xf32, #tpu.memory_space<hbm>>) target(%dma_start3A_722 : memref<128x8xf32, #tpu.memory_space<vmem>>) offsets(%dma_start3A_725 : memref<128xi32, #tpu.memory_space<vmem>>) semaphore(%arg40 : memref<!tpu.dma_semaphore, #tpu.memory_space<semaphore_mem>>)
      %dma_start3A_729 = arith.constant 1 : i32
      %dma_start3A_730 = arith.constant 128 : i32
      %dma_start3A_731 = arith.constant 0 : i32
      %dma_start3A_732 = tpu.memref_slice %arg29[%dma_start3A_730, %dma_start3A_731] : memref<1024x8xf32, #tpu.memory_space<vmem>> -> memref<128x8xf32, #tpu.memory_space<vmem>>
      %dma_start3A_733 = arith.constant 0 : i32
      %dma_start3A_734 = tpu.memref_slice %arg17[%dma_start3A_729, %dma_start3A_733] : memref<8x128xi32, #tpu.memory_space<vmem>> -> memref<1x128xi32, #tpu.memory_space<vmem>>
      %dma_start3A_735 = tpu.memref_squeeze %dma_start3A_734 : memref<1x128xi32, #tpu.memory_space<vmem>> -> memref<128xi32, #tpu.memory_space<vmem>>
      %dma_start3A_736 = arith.constant 0 : i32
      %dma_start3A_737 = arith.constant 0 : i32
      %dma_start3A_738 = tpu.memref_slice %arg2[%dma_start3A_736, %dma_start3A_737] : memref<4194304x8xf32, #tpu.memory_space<hbm>> -> memref<4194304x8xf32, #tpu.memory_space<hbm>>
      tpu.enqueue_indirect_dma source(%dma_start3A_738 : memref<4194304x8xf32, #tpu.memory_space<hbm>>) target(%dma_start3A_732 : memref<128x8xf32, #tpu.memory_space<vmem>>) offsets(%dma_start3A_735 : memref<128xi32, #tpu.memory_space<vmem>>) semaphore(%arg40 : memref<!tpu.dma_semaphore, #tpu.memory_space<semaphore_mem>>)
      %dma_start3A_739 = arith.constant 1 : i32
      %dma_start3A_740 = arith.constant 128 : i32
      %dma_start3A_741 = arith.constant 0 : i32
      %dma_start3A_742 = tpu.memref_slice %arg30[%dma_start3A_740, %dma_start3A_741] : memref<1024x8xf32, #tpu.memory_space<vmem>> -> memref<128x8xf32, #tpu.memory_space<vmem>>
      %dma_start3A_743 = arith.constant 0 : i32
      %dma_start3A_744 = tpu.memref_slice %arg18[%dma_start3A_739, %dma_start3A_743] : memref<8x128xi32, #tpu.memory_space<vmem>> -> memref<1x128xi32, #tpu.memory_space<vmem>>
      %dma_start3A_745 = tpu.memref_squeeze %dma_start3A_744 : memref<1x128xi32, #tpu.memory_space<vmem>> -> memref<128xi32, #tpu.memory_space<vmem>>
      %dma_start3A_746 = arith.constant 0 : i32
      %dma_start3A_747 = arith.constant 0 : i32
      %dma_start3A_748 = tpu.memref_slice %arg2[%dma_start3A_746, %dma_start3A_747] : memref<4194304x8xf32, #tpu.memory_space<hbm>> -> memref<4194304x8xf32, #tpu.memory_space<hbm>>
      tpu.enqueue_indirect_dma source(%dma_start3A_748 : memref<4194304x8xf32, #tpu.memory_space<hbm>>) target(%dma_start3A_742 : memref<128x8xf32, #tpu.memory_space<vmem>>) offsets(%dma_start3A_745 : memref<128xi32, #tpu.memory_space<vmem>>) semaphore(%arg40 : memref<!tpu.dma_semaphore, #tpu.memory_space<semaphore_mem>>)
      %dma_start3A_749 = arith.constant 1 : i32
      %dma_start3A_750 = arith.constant 128 : i32
      %dma_start3A_751 = arith.constant 0 : i32
      %dma_start3A_752 = tpu.memref_slice %arg31[%dma_start3A_750, %dma_start3A_751] : memref<1024x8xf32, #tpu.memory_space<vmem>> -> memref<128x8xf32, #tpu.memory_space<vmem>>
      %dma_start3A_753 = arith.constant 0 : i32
      %dma_start3A_754 = tpu.memref_slice %arg19[%dma_start3A_749, %dma_start3A_753] : memref<8x128xi32, #tpu.memory_space<vmem>> -> memref<1x128xi32, #tpu.memory_space<vmem>>
      %dma_start3A_755 = tpu.memref_squeeze %dma_start3A_754 : memref<1x128xi32, #tpu.memory_space<vmem>> -> memref<128xi32, #tpu.memory_space<vmem>>
      %dma_start3A_756 = arith.constant 0 : i32
      %dma_start3A_757 = arith.constant 0 : i32
      %dma_start3A_758 = tpu.memref_slice %arg2[%dma_start3A_756, %dma_start3A_757] : memref<4194304x8xf32, #tpu.memory_space<hbm>> -> memref<4194304x8xf32, #tpu.memory_space<hbm>>
      tpu.enqueue_indirect_dma source(%dma_start3A_758 : memref<4194304x8xf32, #tpu.memory_space<hbm>>) target(%dma_start3A_752 : memref<128x8xf32, #tpu.memory_space<vmem>>) offsets(%dma_start3A_755 : memref<128xi32, #tpu.memory_space<vmem>>) semaphore(%arg40 : memref<!tpu.dma_semaphore, #tpu.memory_space<semaphore_mem>>)
      %dma_start3A_759 = arith.constant 2 : i32
      %dma_start3A_760 = arith.constant 256 : i32
      %dma_start3A_761 = arith.constant 0 : i32
      %dma_start3A_762 = tpu.memref_slice %arg28[%dma_start3A_760, %dma_start3A_761] : memref<1024x8xf32, #tpu.memory_space<vmem>> -> memref<128x8xf32, #tpu.memory_space<vmem>>
      %dma_start3A_763 = arith.constant 0 : i32
      %dma_start3A_764 = tpu.memref_slice %arg16[%dma_start3A_759, %dma_start3A_763] : memref<8x128xi32, #tpu.memory_space<vmem>> -> memref<1x128xi32, #tpu.memory_space<vmem>>
      %dma_start3A_765 = tpu.memref_squeeze %dma_start3A_764 : memref<1x128xi32, #tpu.memory_space<vmem>> -> memref<128xi32, #tpu.memory_space<vmem>>
      %dma_start3A_766 = arith.constant 0 : i32
      %dma_start3A_767 = arith.constant 0 : i32
      %dma_start3A_768 = tpu.memref_slice %arg2[%dma_start3A_766, %dma_start3A_767] : memref<4194304x8xf32, #tpu.memory_space<hbm>> -> memref<4194304x8xf32, #tpu.memory_space<hbm>>
      tpu.enqueue_indirect_dma source(%dma_start3A_768 : memref<4194304x8xf32, #tpu.memory_space<hbm>>) target(%dma_start3A_762 : memref<128x8xf32, #tpu.memory_space<vmem>>) offsets(%dma_start3A_765 : memref<128xi32, #tpu.memory_space<vmem>>) semaphore(%arg40 : memref<!tpu.dma_semaphore, #tpu.memory_space<semaphore_mem>>)
      %dma_start3A_769 = arith.constant 2 : i32
      %dma_start3A_770 = arith.constant 256 : i32
      %dma_start3A_771 = arith.constant 0 : i32
      %dma_start3A_772 = tpu.memref_slice %arg29[%dma_start3A_770, %dma_start3A_771] : memref<1024x8xf32, #tpu.memory_space<vmem>> -> memref<128x8xf32, #tpu.memory_space<vmem>>
      %dma_start3A_773 = arith.constant 0 : i32
      %dma_start3A_774 = tpu.memref_slice %arg17[%dma_start3A_769, %dma_start3A_773] : memref<8x128xi32, #tpu.memory_space<vmem>> -> memref<1x128xi32, #tpu.memory_space<vmem>>
      %dma_start3A_775 = tpu.memref_squeeze %dma_start3A_774 : memref<1x128xi32, #tpu.memory_space<vmem>> -> memref<128xi32, #tpu.memory_space<vmem>>
      %dma_start3A_776 = arith.constant 0 : i32
      %dma_start3A_777 = arith.constant 0 : i32
      %dma_start3A_778 = tpu.memref_slice %arg2[%dma_start3A_776, %dma_start3A_777] : memref<4194304x8xf32, #tpu.memory_space<hbm>> -> memref<4194304x8xf32, #tpu.memory_space<hbm>>
      tpu.enqueue_indirect_dma source(%dma_start3A_778 : memref<4194304x8xf32, #tpu.memory_space<hbm>>) target(%dma_start3A_772 : memref<128x8xf32, #tpu.memory_space<vmem>>) offsets(%dma_start3A_775 : memref<128xi32, #tpu.memory_space<vmem>>) semaphore(%arg40 : memref<!tpu.dma_semaphore, #tpu.memory_space<semaphore_mem>>)
      %dma_start3A_779 = arith.constant 2 : i32
      %dma_start3A_780 = arith.constant 256 : i32
      %dma_start3A_781 = arith.constant 0 : i32
      %dma_start3A_782 = tpu.memref_slice %arg30[%dma_start3A_780, %dma_start3A_781] : memref<1024x8xf32, #tpu.memory_space<vmem>> -> memref<128x8xf32, #tpu.memory_space<vmem>>
      %dma_start3A_783 = arith.constant 0 : i32
      %dma_start3A_784 = tpu.memref_slice %arg18[%dma_start3A_779, %dma_start3A_783] : memref<8x128xi32, #tpu.memory_space<vmem>> -> memref<1x128xi32, #tpu.memory_space<vmem>>
      %dma_start3A_785 = tpu.memref_squeeze %dma_start3A_784 : memref<1x128xi32, #tpu.memory_space<vmem>> -> memref<128xi32, #tpu.memory_space<vmem>>
      %dma_start3A_786 = arith.constant 0 : i32
      %dma_start3A_787 = arith.constant 0 : i32
      %dma_start3A_788 = tpu.memref_slice %arg2[%dma_start3A_786, %dma_start3A_787] : memref<4194304x8xf32, #tpu.memory_space<hbm>> -> memref<4194304x8xf32, #tpu.memory_space<hbm>>
      tpu.enqueue_indirect_dma source(%dma_start3A_788 : memref<4194304x8xf32, #tpu.memory_space<hbm>>) target(%dma_start3A_782 : memref<128x8xf32, #tpu.memory_space<vmem>>) offsets(%dma_start3A_785 : memref<128xi32, #tpu.memory_space<vmem>>) semaphore(%arg40 : memref<!tpu.dma_semaphore, #tpu.memory_space<semaphore_mem>>)
      %dma_start3A_789 = arith.constant 2 : i32
      %dma_start3A_790 = arith.constant 256 : i32
      %dma_start3A_791 = arith.constant 0 : i32
      %dma_start3A_792 = tpu.memref_slice %arg31[%dma_start3A_790, %dma_start3A_791] : memref<1024x8xf32, #tpu.memory_space<vmem>> -> memref<128x8xf32, #tpu.memory_space<vmem>>
      %dma_start3A_793 = arith.constant 0 : i32
      %dma_start3A_794 = tpu.memref_slice %arg19[%dma_start3A_789, %dma_start3A_793] : memref<8x128xi32, #tpu.memory_space<vmem>> -> memref<1x128xi32, #tpu.memory_space<vmem>>
      %dma_start3A_795 = tpu.memref_squeeze %dma_start3A_794 : memref<1x128xi32, #tpu.memory_space<vmem>> -> memref<128xi32, #tpu.memory_space<vmem>>
      %dma_start3A_796 = arith.constant 0 : i32
      %dma_start3A_797 = arith.constant 0 : i32
      %dma_start3A_798 = tpu.memref_slice %arg2[%dma_start3A_796, %dma_start3A_797] : memref<4194304x8xf32, #tpu.memory_space<hbm>> -> memref<4194304x8xf32, #tpu.memory_space<hbm>>
      tpu.enqueue_indirect_dma source(%dma_start3A_798 : memref<4194304x8xf32, #tpu.memory_space<hbm>>) target(%dma_start3A_792 : memref<128x8xf32, #tpu.memory_space<vmem>>) offsets(%dma_start3A_795 : memref<128xi32, #tpu.memory_space<vmem>>) semaphore(%arg40 : memref<!tpu.dma_semaphore, #tpu.memory_space<semaphore_mem>>)
      %dma_start3A_799 = arith.constant 3 : i32
      %dma_start3A_800 = arith.constant 384 : i32
      %dma_start3A_801 = arith.constant 0 : i32
      %dma_start3A_802 = tpu.memref_slice %arg28[%dma_start3A_800, %dma_start3A_801] : memref<1024x8xf32, #tpu.memory_space<vmem>> -> memref<128x8xf32, #tpu.memory_space<vmem>>
      %dma_start3A_803 = arith.constant 0 : i32
      %dma_start3A_804 = tpu.memref_slice %arg16[%dma_start3A_799, %dma_start3A_803] : memref<8x128xi32, #tpu.memory_space<vmem>> -> memref<1x128xi32, #tpu.memory_space<vmem>>
      %dma_start3A_805 = tpu.memref_squeeze %dma_start3A_804 : memref<1x128xi32, #tpu.memory_space<vmem>> -> memref<128xi32, #tpu.memory_space<vmem>>
      %dma_start3A_806 = arith.constant 0 : i32
      %dma_start3A_807 = arith.constant 0 : i32
      %dma_start3A_808 = tpu.memref_slice %arg2[%dma_start3A_806, %dma_start3A_807] : memref<4194304x8xf32, #tpu.memory_space<hbm>> -> memref<4194304x8xf32, #tpu.memory_space<hbm>>
      tpu.enqueue_indirect_dma source(%dma_start3A_808 : memref<4194304x8xf32, #tpu.memory_space<hbm>>) target(%dma_start3A_802 : memref<128x8xf32, #tpu.memory_space<vmem>>) offsets(%dma_start3A_805 : memref<128xi32, #tpu.memory_space<vmem>>) semaphore(%arg40 : memref<!tpu.dma_semaphore, #tpu.memory_space<semaphore_mem>>)
      %dma_start3A_809 = arith.constant 3 : i32
      %dma_start3A_810 = arith.constant 384 : i32
      %dma_start3A_811 = arith.constant 0 : i32
      %dma_start3A_812 = tpu.memref_slice %arg29[%dma_start3A_810, %dma_start3A_811] : memref<1024x8xf32, #tpu.memory_space<vmem>> -> memref<128x8xf32, #tpu.memory_space<vmem>>
      %dma_start3A_813 = arith.constant 0 : i32
      %dma_start3A_814 = tpu.memref_slice %arg17[%dma_start3A_809, %dma_start3A_813] : memref<8x128xi32, #tpu.memory_space<vmem>> -> memref<1x128xi32, #tpu.memory_space<vmem>>
      %dma_start3A_815 = tpu.memref_squeeze %dma_start3A_814 : memref<1x128xi32, #tpu.memory_space<vmem>> -> memref<128xi32, #tpu.memory_space<vmem>>
      %dma_start3A_816 = arith.constant 0 : i32
      %dma_start3A_817 = arith.constant 0 : i32
      %dma_start3A_818 = tpu.memref_slice %arg2[%dma_start3A_816, %dma_start3A_817] : memref<4194304x8xf32, #tpu.memory_space<hbm>> -> memref<4194304x8xf32, #tpu.memory_space<hbm>>
      tpu.enqueue_indirect_dma source(%dma_start3A_818 : memref<4194304x8xf32, #tpu.memory_space<hbm>>) target(%dma_start3A_812 : memref<128x8xf32, #tpu.memory_space<vmem>>) offsets(%dma_start3A_815 : memref<128xi32, #tpu.memory_space<vmem>>) semaphore(%arg40 : memref<!tpu.dma_semaphore, #tpu.memory_space<semaphore_mem>>)
      %dma_start3A_819 = arith.constant 3 : i32
      %dma_start3A_820 = arith.constant 384 : i32
      %dma_start3A_821 = arith.constant 0 : i32
      %dma_start3A_822 = tpu.memref_slice %arg30[%dma_start3A_820, %dma_start3A_821] : memref<1024x8xf32, #tpu.memory_space<vmem>> -> memref<128x8xf32, #tpu.memory_space<vmem>>
      %dma_start3A_823 = arith.constant 0 : i32
      %dma_start3A_824 = tpu.memref_slice %arg18[%dma_start3A_819, %dma_start3A_823] : memref<8x128xi32, #tpu.memory_space<vmem>> -> memref<1x128xi32, #tpu.memory_space<vmem>>
      %dma_start3A_825 = tpu.memref_squeeze %dma_start3A_824 : memref<1x128xi32, #tpu.memory_space<vmem>> -> memref<128xi32, #tpu.memory_space<vmem>>
      %dma_start3A_826 = arith.constant 0 : i32
      %dma_start3A_827 = arith.constant 0 : i32
      %dma_start3A_828 = tpu.memref_slice %arg2[%dma_start3A_826, %dma_start3A_827] : memref<4194304x8xf32, #tpu.memory_space<hbm>> -> memref<4194304x8xf32, #tpu.memory_space<hbm>>
      tpu.enqueue_indirect_dma source(%dma_start3A_828 : memref<4194304x8xf32, #tpu.memory_space<hbm>>) target(%dma_start3A_822 : memref<128x8xf32, #tpu.memory_space<vmem>>) offsets(%dma_start3A_825 : memref<128xi32, #tpu.memory_space<vmem>>) semaphore(%arg40 : memref<!tpu.dma_semaphore, #tpu.memory_space<semaphore_mem>>)
      %dma_start3A_829 = arith.constant 3 : i32
      %dma_start3A_830 = arith.constant 384 : i32
      %dma_start3A_831 = arith.constant 0 : i32
      %dma_start3A_832 = tpu.memref_slice %arg31[%dma_start3A_830, %dma_start3A_831] : memref<1024x8xf32, #tpu.memory_space<vmem>> -> memref<128x8xf32, #tpu.memory_space<vmem>>
      %dma_start3A_833 = arith.constant 0 : i32
      %dma_start3A_834 = tpu.memref_slice %arg19[%dma_start3A_829, %dma_start3A_833] : memref<8x128xi32, #tpu.memory_space<vmem>> -> memref<1x128xi32, #tpu.memory_space<vmem>>
      %dma_start3A_835 = tpu.memref_squeeze %dma_start3A_834 : memref<1x128xi32, #tpu.memory_space<vmem>> -> memref<128xi32, #tpu.memory_space<vmem>>
      %dma_start3A_836 = arith.constant 0 : i32
      %dma_start3A_837 = arith.constant 0 : i32
      %dma_start3A_838 = tpu.memref_slice %arg2[%dma_start3A_836, %dma_start3A_837] : memref<4194304x8xf32, #tpu.memory_space<hbm>> -> memref<4194304x8xf32, #tpu.memory_space<hbm>>
      tpu.enqueue_indirect_dma source(%dma_start3A_838 : memref<4194304x8xf32, #tpu.memory_space<hbm>>) target(%dma_start3A_832 : memref<128x8xf32, #tpu.memory_space<vmem>>) offsets(%dma_start3A_835 : memref<128xi32, #tpu.memory_space<vmem>>) semaphore(%arg40 : memref<!tpu.dma_semaphore, #tpu.memory_space<semaphore_mem>>)
      %dma_start3A_839 = arith.constant 4 : i32
      %dma_start3A_840 = arith.constant 512 : i32
      %dma_start3A_841 = arith.constant 0 : i32
      %dma_start3A_842 = tpu.memref_slice %arg28[%dma_start3A_840, %dma_start3A_841] : memref<1024x8xf32, #tpu.memory_space<vmem>> -> memref<128x8xf32, #tpu.memory_space<vmem>>
      %dma_start3A_843 = arith.constant 0 : i32
      %dma_start3A_844 = tpu.memref_slice %arg16[%dma_start3A_839, %dma_start3A_843] : memref<8x128xi32, #tpu.memory_space<vmem>> -> memref<1x128xi32, #tpu.memory_space<vmem>>
      %dma_start3A_845 = tpu.memref_squeeze %dma_start3A_844 : memref<1x128xi32, #tpu.memory_space<vmem>> -> memref<128xi32, #tpu.memory_space<vmem>>
      %dma_start3A_846 = arith.constant 0 : i32
      %dma_start3A_847 = arith.constant 0 : i32
      %dma_start3A_848 = tpu.memref_slice %arg2[%dma_start3A_846, %dma_start3A_847] : memref<4194304x8xf32, #tpu.memory_space<hbm>> -> memref<4194304x8xf32, #tpu.memory_space<hbm>>
      tpu.enqueue_indirect_dma source(%dma_start3A_848 : memref<4194304x8xf32, #tpu.memory_space<hbm>>) target(%dma_start3A_842 : memref<128x8xf32, #tpu.memory_space<vmem>>) offsets(%dma_start3A_845 : memref<128xi32, #tpu.memory_space<vmem>>) semaphore(%arg40 : memref<!tpu.dma_semaphore, #tpu.memory_space<semaphore_mem>>)
      %dma_start3A_849 = arith.constant 4 : i32
      %dma_start3A_850 = arith.constant 512 : i32
      %dma_start3A_851 = arith.constant 0 : i32
      %dma_start3A_852 = tpu.memref_slice %arg29[%dma_start3A_850, %dma_start3A_851] : memref<1024x8xf32, #tpu.memory_space<vmem>> -> memref<128x8xf32, #tpu.memory_space<vmem>>
      %dma_start3A_853 = arith.constant 0 : i32
      %dma_start3A_854 = tpu.memref_slice %arg17[%dma_start3A_849, %dma_start3A_853] : memref<8x128xi32, #tpu.memory_space<vmem>> -> memref<1x128xi32, #tpu.memory_space<vmem>>
      %dma_start3A_855 = tpu.memref_squeeze %dma_start3A_854 : memref<1x128xi32, #tpu.memory_space<vmem>> -> memref<128xi32, #tpu.memory_space<vmem>>
      %dma_start3A_856 = arith.constant 0 : i32
      %dma_start3A_857 = arith.constant 0 : i32
      %dma_start3A_858 = tpu.memref_slice %arg2[%dma_start3A_856, %dma_start3A_857] : memref<4194304x8xf32, #tpu.memory_space<hbm>> -> memref<4194304x8xf32, #tpu.memory_space<hbm>>
      tpu.enqueue_indirect_dma source(%dma_start3A_858 : memref<4194304x8xf32, #tpu.memory_space<hbm>>) target(%dma_start3A_852 : memref<128x8xf32, #tpu.memory_space<vmem>>) offsets(%dma_start3A_855 : memref<128xi32, #tpu.memory_space<vmem>>) semaphore(%arg40 : memref<!tpu.dma_semaphore, #tpu.memory_space<semaphore_mem>>)
      %dma_start3A_859 = arith.constant 4 : i32
      %dma_start3A_860 = arith.constant 512 : i32
      %dma_start3A_861 = arith.constant 0 : i32
      %dma_start3A_862 = tpu.memref_slice %arg30[%dma_start3A_860, %dma_start3A_861] : memref<1024x8xf32, #tpu.memory_space<vmem>> -> memref<128x8xf32, #tpu.memory_space<vmem>>
      %dma_start3A_863 = arith.constant 0 : i32
      %dma_start3A_864 = tpu.memref_slice %arg18[%dma_start3A_859, %dma_start3A_863] : memref<8x128xi32, #tpu.memory_space<vmem>> -> memref<1x128xi32, #tpu.memory_space<vmem>>
      %dma_start3A_865 = tpu.memref_squeeze %dma_start3A_864 : memref<1x128xi32, #tpu.memory_space<vmem>> -> memref<128xi32, #tpu.memory_space<vmem>>
      %dma_start3A_866 = arith.constant 0 : i32
      %dma_start3A_867 = arith.constant 0 : i32
      %dma_start3A_868 = tpu.memref_slice %arg2[%dma_start3A_866, %dma_start3A_867] : memref<4194304x8xf32, #tpu.memory_space<hbm>> -> memref<4194304x8xf32, #tpu.memory_space<hbm>>
      tpu.enqueue_indirect_dma source(%dma_start3A_868 : memref<4194304x8xf32, #tpu.memory_space<hbm>>) target(%dma_start3A_862 : memref<128x8xf32, #tpu.memory_space<vmem>>) offsets(%dma_start3A_865 : memref<128xi32, #tpu.memory_space<vmem>>) semaphore(%arg40 : memref<!tpu.dma_semaphore, #tpu.memory_space<semaphore_mem>>)
      %dma_start3A_869 = arith.constant 4 : i32
      %dma_start3A_870 = arith.constant 512 : i32
      %dma_start3A_871 = arith.constant 0 : i32
      %dma_start3A_872 = tpu.memref_slice %arg31[%dma_start3A_870, %dma_start3A_871] : memref<1024x8xf32, #tpu.memory_space<vmem>> -> memref<128x8xf32, #tpu.memory_space<vmem>>
      %dma_start3A_873 = arith.constant 0 : i32
      %dma_start3A_874 = tpu.memref_slice %arg19[%dma_start3A_869, %dma_start3A_873] : memref<8x128xi32, #tpu.memory_space<vmem>> -> memref<1x128xi32, #tpu.memory_space<vmem>>
      %dma_start3A_875 = tpu.memref_squeeze %dma_start3A_874 : memref<1x128xi32, #tpu.memory_space<vmem>> -> memref<128xi32, #tpu.memory_space<vmem>>
      %dma_start3A_876 = arith.constant 0 : i32
      %dma_start3A_877 = arith.constant 0 : i32
      %dma_start3A_878 = tpu.memref_slice %arg2[%dma_start3A_876, %dma_start3A_877] : memref<4194304x8xf32, #tpu.memory_space<hbm>> -> memref<4194304x8xf32, #tpu.memory_space<hbm>>
      tpu.enqueue_indirect_dma source(%dma_start3A_878 : memref<4194304x8xf32, #tpu.memory_space<hbm>>) target(%dma_start3A_872 : memref<128x8xf32, #tpu.memory_space<vmem>>) offsets(%dma_start3A_875 : memref<128xi32, #tpu.memory_space<vmem>>) semaphore(%arg40 : memref<!tpu.dma_semaphore, #tpu.memory_space<semaphore_mem>>)
      %dma_start3A_879 = arith.constant 5 : i32
      %dma_start3A_880 = arith.constant 640 : i32
      %dma_start3A_881 = arith.constant 0 : i32
      %dma_start3A_882 = tpu.memref_slice %arg28[%dma_start3A_880, %dma_start3A_881] : memref<1024x8xf32, #tpu.memory_space<vmem>> -> memref<128x8xf32, #tpu.memory_space<vmem>>
      %dma_start3A_883 = arith.constant 0 : i32
      %dma_start3A_884 = tpu.memref_slice %arg16[%dma_start3A_879, %dma_start3A_883] : memref<8x128xi32, #tpu.memory_space<vmem>> -> memref<1x128xi32, #tpu.memory_space<vmem>>
      %dma_start3A_885 = tpu.memref_squeeze %dma_start3A_884 : memref<1x128xi32, #tpu.memory_space<vmem>> -> memref<128xi32, #tpu.memory_space<vmem>>
      %dma_start3A_886 = arith.constant 0 : i32
      %dma_start3A_887 = arith.constant 0 : i32
      %dma_start3A_888 = tpu.memref_slice %arg2[%dma_start3A_886, %dma_start3A_887] : memref<4194304x8xf32, #tpu.memory_space<hbm>> -> memref<4194304x8xf32, #tpu.memory_space<hbm>>
      tpu.enqueue_indirect_dma source(%dma_start3A_888 : memref<4194304x8xf32, #tpu.memory_space<hbm>>) target(%dma_start3A_882 : memref<128x8xf32, #tpu.memory_space<vmem>>) offsets(%dma_start3A_885 : memref<128xi32, #tpu.memory_space<vmem>>) semaphore(%arg40 : memref<!tpu.dma_semaphore, #tpu.memory_space<semaphore_mem>>)
      %dma_start3A_889 = arith.constant 5 : i32
      %dma_start3A_890 = arith.constant 640 : i32
      %dma_start3A_891 = arith.constant 0 : i32
      %dma_start3A_892 = tpu.memref_slice %arg29[%dma_start3A_890, %dma_start3A_891] : memref<1024x8xf32, #tpu.memory_space<vmem>> -> memref<128x8xf32, #tpu.memory_space<vmem>>
      %dma_start3A_893 = arith.constant 0 : i32
      %dma_start3A_894 = tpu.memref_slice %arg17[%dma_start3A_889, %dma_start3A_893] : memref<8x128xi32, #tpu.memory_space<vmem>> -> memref<1x128xi32, #tpu.memory_space<vmem>>
      %dma_start3A_895 = tpu.memref_squeeze %dma_start3A_894 : memref<1x128xi32, #tpu.memory_space<vmem>> -> memref<128xi32, #tpu.memory_space<vmem>>
      %dma_start3A_896 = arith.constant 0 : i32
      %dma_start3A_897 = arith.constant 0 : i32
      %dma_start3A_898 = tpu.memref_slice %arg2[%dma_start3A_896, %dma_start3A_897] : memref<4194304x8xf32, #tpu.memory_space<hbm>> -> memref<4194304x8xf32, #tpu.memory_space<hbm>>
      tpu.enqueue_indirect_dma source(%dma_start3A_898 : memref<4194304x8xf32, #tpu.memory_space<hbm>>) target(%dma_start3A_892 : memref<128x8xf32, #tpu.memory_space<vmem>>) offsets(%dma_start3A_895 : memref<128xi32, #tpu.memory_space<vmem>>) semaphore(%arg40 : memref<!tpu.dma_semaphore, #tpu.memory_space<semaphore_mem>>)
      %dma_start3A_899 = arith.constant 5 : i32
      %dma_start3A_900 = arith.constant 640 : i32
      %dma_start3A_901 = arith.constant 0 : i32
      %dma_start3A_902 = tpu.memref_slice %arg30[%dma_start3A_900, %dma_start3A_901] : memref<1024x8xf32, #tpu.memory_space<vmem>> -> memref<128x8xf32, #tpu.memory_space<vmem>>
      %dma_start3A_903 = arith.constant 0 : i32
      %dma_start3A_904 = tpu.memref_slice %arg18[%dma_start3A_899, %dma_start3A_903] : memref<8x128xi32, #tpu.memory_space<vmem>> -> memref<1x128xi32, #tpu.memory_space<vmem>>
      %dma_start3A_905 = tpu.memref_squeeze %dma_start3A_904 : memref<1x128xi32, #tpu.memory_space<vmem>> -> memref<128xi32, #tpu.memory_space<vmem>>
      %dma_start3A_906 = arith.constant 0 : i32
      %dma_start3A_907 = arith.constant 0 : i32
      %dma_start3A_908 = tpu.memref_slice %arg2[%dma_start3A_906, %dma_start3A_907] : memref<4194304x8xf32, #tpu.memory_space<hbm>> -> memref<4194304x8xf32, #tpu.memory_space<hbm>>
      tpu.enqueue_indirect_dma source(%dma_start3A_908 : memref<4194304x8xf32, #tpu.memory_space<hbm>>) target(%dma_start3A_902 : memref<128x8xf32, #tpu.memory_space<vmem>>) offsets(%dma_start3A_905 : memref<128xi32, #tpu.memory_space<vmem>>) semaphore(%arg40 : memref<!tpu.dma_semaphore, #tpu.memory_space<semaphore_mem>>)
      %dma_start3A_909 = arith.constant 5 : i32
      %dma_start3A_910 = arith.constant 640 : i32
      %dma_start3A_911 = arith.constant 0 : i32
      %dma_start3A_912 = tpu.memref_slice %arg31[%dma_start3A_910, %dma_start3A_911] : memref<1024x8xf32, #tpu.memory_space<vmem>> -> memref<128x8xf32, #tpu.memory_space<vmem>>
      %dma_start3A_913 = arith.constant 0 : i32
      %dma_start3A_914 = tpu.memref_slice %arg19[%dma_start3A_909, %dma_start3A_913] : memref<8x128xi32, #tpu.memory_space<vmem>> -> memref<1x128xi32, #tpu.memory_space<vmem>>
      %dma_start3A_915 = tpu.memref_squeeze %dma_start3A_914 : memref<1x128xi32, #tpu.memory_space<vmem>> -> memref<128xi32, #tpu.memory_space<vmem>>
      %dma_start3A_916 = arith.constant 0 : i32
      %dma_start3A_917 = arith.constant 0 : i32
      %dma_start3A_918 = tpu.memref_slice %arg2[%dma_start3A_916, %dma_start3A_917] : memref<4194304x8xf32, #tpu.memory_space<hbm>> -> memref<4194304x8xf32, #tpu.memory_space<hbm>>
      tpu.enqueue_indirect_dma source(%dma_start3A_918 : memref<4194304x8xf32, #tpu.memory_space<hbm>>) target(%dma_start3A_912 : memref<128x8xf32, #tpu.memory_space<vmem>>) offsets(%dma_start3A_915 : memref<128xi32, #tpu.memory_space<vmem>>) semaphore(%arg40 : memref<!tpu.dma_semaphore, #tpu.memory_space<semaphore_mem>>)
      %dma_start3A_919 = arith.constant 6 : i32
      %dma_start3A_920 = arith.constant 768 : i32
      %dma_start3A_921 = arith.constant 0 : i32
      %dma_start3A_922 = tpu.memref_slice %arg28[%dma_start3A_920, %dma_start3A_921] : memref<1024x8xf32, #tpu.memory_space<vmem>> -> memref<128x8xf32, #tpu.memory_space<vmem>>
      %dma_start3A_923 = arith.constant 0 : i32
      %dma_start3A_924 = tpu.memref_slice %arg16[%dma_start3A_919, %dma_start3A_923] : memref<8x128xi32, #tpu.memory_space<vmem>> -> memref<1x128xi32, #tpu.memory_space<vmem>>
      %dma_start3A_925 = tpu.memref_squeeze %dma_start3A_924 : memref<1x128xi32, #tpu.memory_space<vmem>> -> memref<128xi32, #tpu.memory_space<vmem>>
      %dma_start3A_926 = arith.constant 0 : i32
      %dma_start3A_927 = arith.constant 0 : i32
      %dma_start3A_928 = tpu.memref_slice %arg2[%dma_start3A_926, %dma_start3A_927] : memref<4194304x8xf32, #tpu.memory_space<hbm>> -> memref<4194304x8xf32, #tpu.memory_space<hbm>>
      tpu.enqueue_indirect_dma source(%dma_start3A_928 : memref<4194304x8xf32, #tpu.memory_space<hbm>>) target(%dma_start3A_922 : memref<128x8xf32, #tpu.memory_space<vmem>>) offsets(%dma_start3A_925 : memref<128xi32, #tpu.memory_space<vmem>>) semaphore(%arg40 : memref<!tpu.dma_semaphore, #tpu.memory_space<semaphore_mem>>)
      %dma_start3A_929 = arith.constant 6 : i32
      %dma_start3A_930 = arith.constant 768 : i32
      %dma_start3A_931 = arith.constant 0 : i32
      %dma_start3A_932 = tpu.memref_slice %arg29[%dma_start3A_930, %dma_start3A_931] : memref<1024x8xf32, #tpu.memory_space<vmem>> -> memref<128x8xf32, #tpu.memory_space<vmem>>
      %dma_start3A_933 = arith.constant 0 : i32
      %dma_start3A_934 = tpu.memref_slice %arg17[%dma_start3A_929, %dma_start3A_933] : memref<8x128xi32, #tpu.memory_space<vmem>> -> memref<1x128xi32, #tpu.memory_space<vmem>>
      %dma_start3A_935 = tpu.memref_squeeze %dma_start3A_934 : memref<1x128xi32, #tpu.memory_space<vmem>> -> memref<128xi32, #tpu.memory_space<vmem>>
      %dma_start3A_936 = arith.constant 0 : i32
      %dma_start3A_937 = arith.constant 0 : i32
      %dma_start3A_938 = tpu.memref_slice %arg2[%dma_start3A_936, %dma_start3A_937] : memref<4194304x8xf32, #tpu.memory_space<hbm>> -> memref<4194304x8xf32, #tpu.memory_space<hbm>>
      tpu.enqueue_indirect_dma source(%dma_start3A_938 : memref<4194304x8xf32, #tpu.memory_space<hbm>>) target(%dma_start3A_932 : memref<128x8xf32, #tpu.memory_space<vmem>>) offsets(%dma_start3A_935 : memref<128xi32, #tpu.memory_space<vmem>>) semaphore(%arg40 : memref<!tpu.dma_semaphore, #tpu.memory_space<semaphore_mem>>)
      %dma_start3A_939 = arith.constant 6 : i32
      %dma_start3A_940 = arith.constant 768 : i32
      %dma_start3A_941 = arith.constant 0 : i32
      %dma_start3A_942 = tpu.memref_slice %arg30[%dma_start3A_940, %dma_start3A_941] : memref<1024x8xf32, #tpu.memory_space<vmem>> -> memref<128x8xf32, #tpu.memory_space<vmem>>
      %dma_start3A_943 = arith.constant 0 : i32
      %dma_start3A_944 = tpu.memref_slice %arg18[%dma_start3A_939, %dma_start3A_943] : memref<8x128xi32, #tpu.memory_space<vmem>> -> memref<1x128xi32, #tpu.memory_space<vmem>>
      %dma_start3A_945 = tpu.memref_squeeze %dma_start3A_944 : memref<1x128xi32, #tpu.memory_space<vmem>> -> memref<128xi32, #tpu.memory_space<vmem>>
      %dma_start3A_946 = arith.constant 0 : i32
      %dma_start3A_947 = arith.constant 0 : i32
      %dma_start3A_948 = tpu.memref_slice %arg2[%dma_start3A_946, %dma_start3A_947] : memref<4194304x8xf32, #tpu.memory_space<hbm>> -> memref<4194304x8xf32, #tpu.memory_space<hbm>>
      tpu.enqueue_indirect_dma source(%dma_start3A_948 : memref<4194304x8xf32, #tpu.memory_space<hbm>>) target(%dma_start3A_942 : memref<128x8xf32, #tpu.memory_space<vmem>>) offsets(%dma_start3A_945 : memref<128xi32, #tpu.memory_space<vmem>>) semaphore(%arg40 : memref<!tpu.dma_semaphore, #tpu.memory_space<semaphore_mem>>)
      %dma_start3A_949 = arith.constant 6 : i32
      %dma_start3A_950 = arith.constant 768 : i32
      %dma_start3A_951 = arith.constant 0 : i32
      %dma_start3A_952 = tpu.memref_slice %arg31[%dma_start3A_950, %dma_start3A_951] : memref<1024x8xf32, #tpu.memory_space<vmem>> -> memref<128x8xf32, #tpu.memory_space<vmem>>
      %dma_start3A_953 = arith.constant 0 : i32
      %dma_start3A_954 = tpu.memref_slice %arg19[%dma_start3A_949, %dma_start3A_953] : memref<8x128xi32, #tpu.memory_space<vmem>> -> memref<1x128xi32, #tpu.memory_space<vmem>>
      %dma_start3A_955 = tpu.memref_squeeze %dma_start3A_954 : memref<1x128xi32, #tpu.memory_space<vmem>> -> memref<128xi32, #tpu.memory_space<vmem>>
      %dma_start3A_956 = arith.constant 0 : i32
      %dma_start3A_957 = arith.constant 0 : i32
      %dma_start3A_958 = tpu.memref_slice %arg2[%dma_start3A_956, %dma_start3A_957] : memref<4194304x8xf32, #tpu.memory_space<hbm>> -> memref<4194304x8xf32, #tpu.memory_space<hbm>>
      tpu.enqueue_indirect_dma source(%dma_start3A_958 : memref<4194304x8xf32, #tpu.memory_space<hbm>>) target(%dma_start3A_952 : memref<128x8xf32, #tpu.memory_space<vmem>>) offsets(%dma_start3A_955 : memref<128xi32, #tpu.memory_space<vmem>>) semaphore(%arg40 : memref<!tpu.dma_semaphore, #tpu.memory_space<semaphore_mem>>)
      %dma_start3A_959 = arith.constant 7 : i32
      %dma_start3A_960 = arith.constant 896 : i32
      %dma_start3A_961 = arith.constant 0 : i32
      %dma_start3A_962 = tpu.memref_slice %arg28[%dma_start3A_960, %dma_start3A_961] : memref<1024x8xf32, #tpu.memory_space<vmem>> -> memref<128x8xf32, #tpu.memory_space<vmem>>
      %dma_start3A_963 = arith.constant 0 : i32
      %dma_start3A_964 = tpu.memref_slice %arg16[%dma_start3A_959, %dma_start3A_963] : memref<8x128xi32, #tpu.memory_space<vmem>> -> memref<1x128xi32, #tpu.memory_space<vmem>>
      %dma_start3A_965 = tpu.memref_squeeze %dma_start3A_964 : memref<1x128xi32, #tpu.memory_space<vmem>> -> memref<128xi32, #tpu.memory_space<vmem>>
      %dma_start3A_966 = arith.constant 0 : i32
      %dma_start3A_967 = arith.constant 0 : i32
      %dma_start3A_968 = tpu.memref_slice %arg2[%dma_start3A_966, %dma_start3A_967] : memref<4194304x8xf32, #tpu.memory_space<hbm>> -> memref<4194304x8xf32, #tpu.memory_space<hbm>>
      tpu.enqueue_indirect_dma source(%dma_start3A_968 : memref<4194304x8xf32, #tpu.memory_space<hbm>>) target(%dma_start3A_962 : memref<128x8xf32, #tpu.memory_space<vmem>>) offsets(%dma_start3A_965 : memref<128xi32, #tpu.memory_space<vmem>>) semaphore(%arg40 : memref<!tpu.dma_semaphore, #tpu.memory_space<semaphore_mem>>)
      %dma_start3A_969 = arith.constant 7 : i32
      %dma_start3A_970 = arith.constant 896 : i32
      %dma_start3A_971 = arith.constant 0 : i32
      %dma_start3A_972 = tpu.memref_slice %arg29[%dma_start3A_970, %dma_start3A_971] : memref<1024x8xf32, #tpu.memory_space<vmem>> -> memref<128x8xf32, #tpu.memory_space<vmem>>
      %dma_start3A_973 = arith.constant 0 : i32
      %dma_start3A_974 = tpu.memref_slice %arg17[%dma_start3A_969, %dma_start3A_973] : memref<8x128xi32, #tpu.memory_space<vmem>> -> memref<1x128xi32, #tpu.memory_space<vmem>>
      %dma_start3A_975 = tpu.memref_squeeze %dma_start3A_974 : memref<1x128xi32, #tpu.memory_space<vmem>> -> memref<128xi32, #tpu.memory_space<vmem>>
      %dma_start3A_976 = arith.constant 0 : i32
      %dma_start3A_977 = arith.constant 0 : i32
      %dma_start3A_978 = tpu.memref_slice %arg2[%dma_start3A_976, %dma_start3A_977] : memref<4194304x8xf32, #tpu.memory_space<hbm>> -> memref<4194304x8xf32, #tpu.memory_space<hbm>>
      tpu.enqueue_indirect_dma source(%dma_start3A_978 : memref<4194304x8xf32, #tpu.memory_space<hbm>>) target(%dma_start3A_972 : memref<128x8xf32, #tpu.memory_space<vmem>>) offsets(%dma_start3A_975 : memref<128xi32, #tpu.memory_space<vmem>>) semaphore(%arg40 : memref<!tpu.dma_semaphore, #tpu.memory_space<semaphore_mem>>)
      %dma_start3A_979 = arith.constant 7 : i32
      %dma_start3A_980 = arith.constant 896 : i32
      %dma_start3A_981 = arith.constant 0 : i32
      %dma_start3A_982 = tpu.memref_slice %arg30[%dma_start3A_980, %dma_start3A_981] : memref<1024x8xf32, #tpu.memory_space<vmem>> -> memref<128x8xf32, #tpu.memory_space<vmem>>
      %dma_start3A_983 = arith.constant 0 : i32
      %dma_start3A_984 = tpu.memref_slice %arg18[%dma_start3A_979, %dma_start3A_983] : memref<8x128xi32, #tpu.memory_space<vmem>> -> memref<1x128xi32, #tpu.memory_space<vmem>>
      %dma_start3A_985 = tpu.memref_squeeze %dma_start3A_984 : memref<1x128xi32, #tpu.memory_space<vmem>> -> memref<128xi32, #tpu.memory_space<vmem>>
      %dma_start3A_986 = arith.constant 0 : i32
      %dma_start3A_987 = arith.constant 0 : i32
      %dma_start3A_988 = tpu.memref_slice %arg2[%dma_start3A_986, %dma_start3A_987] : memref<4194304x8xf32, #tpu.memory_space<hbm>> -> memref<4194304x8xf32, #tpu.memory_space<hbm>>
      tpu.enqueue_indirect_dma source(%dma_start3A_988 : memref<4194304x8xf32, #tpu.memory_space<hbm>>) target(%dma_start3A_982 : memref<128x8xf32, #tpu.memory_space<vmem>>) offsets(%dma_start3A_985 : memref<128xi32, #tpu.memory_space<vmem>>) semaphore(%arg40 : memref<!tpu.dma_semaphore, #tpu.memory_space<semaphore_mem>>)
      %dma_start3A_989 = arith.constant 7 : i32
      %dma_start3A_990 = arith.constant 896 : i32
      %dma_start3A_991 = arith.constant 0 : i32
      %dma_start3A_992 = tpu.memref_slice %arg31[%dma_start3A_990, %dma_start3A_991] : memref<1024x8xf32, #tpu.memory_space<vmem>> -> memref<128x8xf32, #tpu.memory_space<vmem>>
      %dma_start3A_993 = arith.constant 0 : i32
      %dma_start3A_994 = tpu.memref_slice %arg19[%dma_start3A_989, %dma_start3A_993] : memref<8x128xi32, #tpu.memory_space<vmem>> -> memref<1x128xi32, #tpu.memory_space<vmem>>
      %dma_start3A_995 = tpu.memref_squeeze %dma_start3A_994 : memref<1x128xi32, #tpu.memory_space<vmem>> -> memref<128xi32, #tpu.memory_space<vmem>>
      %dma_start3A_996 = arith.constant 0 : i32
      %dma_start3A_997 = arith.constant 0 : i32
      %dma_start3A_998 = tpu.memref_slice %arg2[%dma_start3A_996, %dma_start3A_997] : memref<4194304x8xf32, #tpu.memory_space<hbm>> -> memref<4194304x8xf32, #tpu.memory_space<hbm>>
      tpu.enqueue_indirect_dma source(%dma_start3A_998 : memref<4194304x8xf32, #tpu.memory_space<hbm>>) target(%dma_start3A_992 : memref<128x8xf32, #tpu.memory_space<vmem>>) offsets(%dma_start3A_995 : memref<128xi32, #tpu.memory_space<vmem>>) semaphore(%arg40 : memref<!tpu.dma_semaphore, #tpu.memory_space<semaphore_mem>>)
      %mul3A_999 = arith.constant 1024 : i32
      %mul3A_1000 = arith.muli %mul3A_661, %mul3A_999 : i32
      %add3A_1001 = arith.addi %mul3A_2, %mul3A_1000 : i32
      %dma_wait3A_1002 = arith.constant 0 : i32
      %dma_wait3A_1003 = arith.constant 0 : i32
      %dma_wait3A_1004 = arith.constant 0 : i32
      %dma_wait3A_1005 = tpu.memref_slice %arg24[%dma_wait3A_1003, %dma_wait3A_1004] : memref<1024x8xf32, #tpu.memory_space<vmem>> -> memref<128x8xf32, #tpu.memory_space<vmem>>
      %dma_wait3A_1006 = arith.constant 0 : i32
      %dma_wait3A_1007 = tpu.memref_slice %arg12[%dma_wait3A_1002, %dma_wait3A_1006] : memref<8x128xi32, #tpu.memory_space<vmem>> -> memref<1x128xi32, #tpu.memory_space<vmem>>
      %dma_wait3A_1008 = tpu.memref_squeeze %dma_wait3A_1007 : memref<1x128xi32, #tpu.memory_space<vmem>> -> memref<128xi32, #tpu.memory_space<vmem>>
      %dma_wait3A_1009 = arith.constant 0 : i32
      %dma_wait3A_1010 = arith.constant 0 : i32
      %dma_wait3A_1011 = tpu.memref_slice %arg2[%dma_wait3A_1009, %dma_wait3A_1010] : memref<4194304x8xf32, #tpu.memory_space<hbm>> -> memref<4194304x8xf32, #tpu.memory_space<hbm>>
      tpu.wait_indirect_dma semaphore(%arg39 : memref<!tpu.dma_semaphore, #tpu.memory_space<semaphore_mem>>) src(%dma_wait3A_1011 : memref<4194304x8xf32, #tpu.memory_space<hbm>>) dst(%dma_wait3A_1005 : memref<128x8xf32, #tpu.memory_space<vmem>>)
      %dma_wait3A_1012 = arith.constant 0 : i32
      %dma_wait3A_1013 = arith.constant 0 : i32
      %dma_wait3A_1014 = arith.constant 0 : i32
      %dma_wait3A_1015 = tpu.memref_slice %arg25[%dma_wait3A_1013, %dma_wait3A_1014] : memref<1024x8xf32, #tpu.memory_space<vmem>> -> memref<128x8xf32, #tpu.memory_space<vmem>>
      %dma_wait3A_1016 = arith.constant 0 : i32
      %dma_wait3A_1017 = tpu.memref_slice %arg13[%dma_wait3A_1012, %dma_wait3A_1016] : memref<8x128xi32, #tpu.memory_space<vmem>> -> memref<1x128xi32, #tpu.memory_space<vmem>>
      %dma_wait3A_1018 = tpu.memref_squeeze %dma_wait3A_1017 : memref<1x128xi32, #tpu.memory_space<vmem>> -> memref<128xi32, #tpu.memory_space<vmem>>
      %dma_wait3A_1019 = arith.constant 0 : i32
      %dma_wait3A_1020 = arith.constant 0 : i32
      %dma_wait3A_1021 = tpu.memref_slice %arg2[%dma_wait3A_1019, %dma_wait3A_1020] : memref<4194304x8xf32, #tpu.memory_space<hbm>> -> memref<4194304x8xf32, #tpu.memory_space<hbm>>
      tpu.wait_indirect_dma semaphore(%arg39 : memref<!tpu.dma_semaphore, #tpu.memory_space<semaphore_mem>>) src(%dma_wait3A_1021 : memref<4194304x8xf32, #tpu.memory_space<hbm>>) dst(%dma_wait3A_1015 : memref<128x8xf32, #tpu.memory_space<vmem>>)
      %dma_wait3A_1022 = arith.constant 0 : i32
      %dma_wait3A_1023 = arith.constant 0 : i32
      %dma_wait3A_1024 = arith.constant 0 : i32
      %dma_wait3A_1025 = tpu.memref_slice %arg26[%dma_wait3A_1023, %dma_wait3A_1024] : memref<1024x8xf32, #tpu.memory_space<vmem>> -> memref<128x8xf32, #tpu.memory_space<vmem>>
      %dma_wait3A_1026 = arith.constant 0 : i32
      %dma_wait3A_1027 = tpu.memref_slice %arg14[%dma_wait3A_1022, %dma_wait3A_1026] : memref<8x128xi32, #tpu.memory_space<vmem>> -> memref<1x128xi32, #tpu.memory_space<vmem>>
      %dma_wait3A_1028 = tpu.memref_squeeze %dma_wait3A_1027 : memref<1x128xi32, #tpu.memory_space<vmem>> -> memref<128xi32, #tpu.memory_space<vmem>>
      %dma_wait3A_1029 = arith.constant 0 : i32
      %dma_wait3A_1030 = arith.constant 0 : i32
      %dma_wait3A_1031 = tpu.memref_slice %arg2[%dma_wait3A_1029, %dma_wait3A_1030] : memref<4194304x8xf32, #tpu.memory_space<hbm>> -> memref<4194304x8xf32, #tpu.memory_space<hbm>>
      tpu.wait_indirect_dma semaphore(%arg39 : memref<!tpu.dma_semaphore, #tpu.memory_space<semaphore_mem>>) src(%dma_wait3A_1031 : memref<4194304x8xf32, #tpu.memory_space<hbm>>) dst(%dma_wait3A_1025 : memref<128x8xf32, #tpu.memory_space<vmem>>)
      %dma_wait3A_1032 = arith.constant 0 : i32
      %dma_wait3A_1033 = arith.constant 0 : i32
      %dma_wait3A_1034 = arith.constant 0 : i32
      %dma_wait3A_1035 = tpu.memref_slice %arg27[%dma_wait3A_1033, %dma_wait3A_1034] : memref<1024x8xf32, #tpu.memory_space<vmem>> -> memref<128x8xf32, #tpu.memory_space<vmem>>
      %dma_wait3A_1036 = arith.constant 0 : i32
      %dma_wait3A_1037 = tpu.memref_slice %arg15[%dma_wait3A_1032, %dma_wait3A_1036] : memref<8x128xi32, #tpu.memory_space<vmem>> -> memref<1x128xi32, #tpu.memory_space<vmem>>
      %dma_wait3A_1038 = tpu.memref_squeeze %dma_wait3A_1037 : memref<1x128xi32, #tpu.memory_space<vmem>> -> memref<128xi32, #tpu.memory_space<vmem>>
      %dma_wait3A_1039 = arith.constant 0 : i32
      %dma_wait3A_1040 = arith.constant 0 : i32
      %dma_wait3A_1041 = tpu.memref_slice %arg2[%dma_wait3A_1039, %dma_wait3A_1040] : memref<4194304x8xf32, #tpu.memory_space<hbm>> -> memref<4194304x8xf32, #tpu.memory_space<hbm>>
      tpu.wait_indirect_dma semaphore(%arg39 : memref<!tpu.dma_semaphore, #tpu.memory_space<semaphore_mem>>) src(%dma_wait3A_1041 : memref<4194304x8xf32, #tpu.memory_space<hbm>>) dst(%dma_wait3A_1035 : memref<128x8xf32, #tpu.memory_space<vmem>>)
      %dma_wait3A_1042 = arith.constant 1 : i32
      %dma_wait3A_1043 = arith.constant 128 : i32
      %dma_wait3A_1044 = arith.constant 0 : i32
      %dma_wait3A_1045 = tpu.memref_slice %arg24[%dma_wait3A_1043, %dma_wait3A_1044] : memref<1024x8xf32, #tpu.memory_space<vmem>> -> memref<128x8xf32, #tpu.memory_space<vmem>>
      %dma_wait3A_1046 = arith.constant 0 : i32
      %dma_wait3A_1047 = tpu.memref_slice %arg12[%dma_wait3A_1042, %dma_wait3A_1046] : memref<8x128xi32, #tpu.memory_space<vmem>> -> memref<1x128xi32, #tpu.memory_space<vmem>>
      %dma_wait3A_1048 = tpu.memref_squeeze %dma_wait3A_1047 : memref<1x128xi32, #tpu.memory_space<vmem>> -> memref<128xi32, #tpu.memory_space<vmem>>
      %dma_wait3A_1049 = arith.constant 0 : i32
      %dma_wait3A_1050 = arith.constant 0 : i32
      %dma_wait3A_1051 = tpu.memref_slice %arg2[%dma_wait3A_1049, %dma_wait3A_1050] : memref<4194304x8xf32, #tpu.memory_space<hbm>> -> memref<4194304x8xf32, #tpu.memory_space<hbm>>
      tpu.wait_indirect_dma semaphore(%arg39 : memref<!tpu.dma_semaphore, #tpu.memory_space<semaphore_mem>>) src(%dma_wait3A_1051 : memref<4194304x8xf32, #tpu.memory_space<hbm>>) dst(%dma_wait3A_1045 : memref<128x8xf32, #tpu.memory_space<vmem>>)
      %dma_wait3A_1052 = arith.constant 1 : i32
      %dma_wait3A_1053 = arith.constant 128 : i32
      %dma_wait3A_1054 = arith.constant 0 : i32
      %dma_wait3A_1055 = tpu.memref_slice %arg25[%dma_wait3A_1053, %dma_wait3A_1054] : memref<1024x8xf32, #tpu.memory_space<vmem>> -> memref<128x8xf32, #tpu.memory_space<vmem>>
      %dma_wait3A_1056 = arith.constant 0 : i32
      %dma_wait3A_1057 = tpu.memref_slice %arg13[%dma_wait3A_1052, %dma_wait3A_1056] : memref<8x128xi32, #tpu.memory_space<vmem>> -> memref<1x128xi32, #tpu.memory_space<vmem>>
      %dma_wait3A_1058 = tpu.memref_squeeze %dma_wait3A_1057 : memref<1x128xi32, #tpu.memory_space<vmem>> -> memref<128xi32, #tpu.memory_space<vmem>>
      %dma_wait3A_1059 = arith.constant 0 : i32
      %dma_wait3A_1060 = arith.constant 0 : i32
      %dma_wait3A_1061 = tpu.memref_slice %arg2[%dma_wait3A_1059, %dma_wait3A_1060] : memref<4194304x8xf32, #tpu.memory_space<hbm>> -> memref<4194304x8xf32, #tpu.memory_space<hbm>>
      tpu.wait_indirect_dma semaphore(%arg39 : memref<!tpu.dma_semaphore, #tpu.memory_space<semaphore_mem>>) src(%dma_wait3A_1061 : memref<4194304x8xf32, #tpu.memory_space<hbm>>) dst(%dma_wait3A_1055 : memref<128x8xf32, #tpu.memory_space<vmem>>)
      %dma_wait3A_1062 = arith.constant 1 : i32
      %dma_wait3A_1063 = arith.constant 128 : i32
      %dma_wait3A_1064 = arith.constant 0 : i32
      %dma_wait3A_1065 = tpu.memref_slice %arg26[%dma_wait3A_1063, %dma_wait3A_1064] : memref<1024x8xf32, #tpu.memory_space<vmem>> -> memref<128x8xf32, #tpu.memory_space<vmem>>
      %dma_wait3A_1066 = arith.constant 0 : i32
      %dma_wait3A_1067 = tpu.memref_slice %arg14[%dma_wait3A_1062, %dma_wait3A_1066] : memref<8x128xi32, #tpu.memory_space<vmem>> -> memref<1x128xi32, #tpu.memory_space<vmem>>
      %dma_wait3A_1068 = tpu.memref_squeeze %dma_wait3A_1067 : memref<1x128xi32, #tpu.memory_space<vmem>> -> memref<128xi32, #tpu.memory_space<vmem>>
      %dma_wait3A_1069 = arith.constant 0 : i32
      %dma_wait3A_1070 = arith.constant 0 : i32
      %dma_wait3A_1071 = tpu.memref_slice %arg2[%dma_wait3A_1069, %dma_wait3A_1070] : memref<4194304x8xf32, #tpu.memory_space<hbm>> -> memref<4194304x8xf32, #tpu.memory_space<hbm>>
      tpu.wait_indirect_dma semaphore(%arg39 : memref<!tpu.dma_semaphore, #tpu.memory_space<semaphore_mem>>) src(%dma_wait3A_1071 : memref<4194304x8xf32, #tpu.memory_space<hbm>>) dst(%dma_wait3A_1065 : memref<128x8xf32, #tpu.memory_space<vmem>>)
      %dma_wait3A_1072 = arith.constant 1 : i32
      %dma_wait3A_1073 = arith.constant 128 : i32
      %dma_wait3A_1074 = arith.constant 0 : i32
      %dma_wait3A_1075 = tpu.memref_slice %arg27[%dma_wait3A_1073, %dma_wait3A_1074] : memref<1024x8xf32, #tpu.memory_space<vmem>> -> memref<128x8xf32, #tpu.memory_space<vmem>>
      %dma_wait3A_1076 = arith.constant 0 : i32
      %dma_wait3A_1077 = tpu.memref_slice %arg15[%dma_wait3A_1072, %dma_wait3A_1076] : memref<8x128xi32, #tpu.memory_space<vmem>> -> memref<1x128xi32, #tpu.memory_space<vmem>>
      %dma_wait3A_1078 = tpu.memref_squeeze %dma_wait3A_1077 : memref<1x128xi32, #tpu.memory_space<vmem>> -> memref<128xi32, #tpu.memory_space<vmem>>
      %dma_wait3A_1079 = arith.constant 0 : i32
      %dma_wait3A_1080 = arith.constant 0 : i32
      %dma_wait3A_1081 = tpu.memref_slice %arg2[%dma_wait3A_1079, %dma_wait3A_1080] : memref<4194304x8xf32, #tpu.memory_space<hbm>> -> memref<4194304x8xf32, #tpu.memory_space<hbm>>
      tpu.wait_indirect_dma semaphore(%arg39 : memref<!tpu.dma_semaphore, #tpu.memory_space<semaphore_mem>>) src(%dma_wait3A_1081 : memref<4194304x8xf32, #tpu.memory_space<hbm>>) dst(%dma_wait3A_1075 : memref<128x8xf32, #tpu.memory_space<vmem>>)
      %dma_wait3A_1082 = arith.constant 2 : i32
      %dma_wait3A_1083 = arith.constant 256 : i32
      %dma_wait3A_1084 = arith.constant 0 : i32
      %dma_wait3A_1085 = tpu.memref_slice %arg24[%dma_wait3A_1083, %dma_wait3A_1084] : memref<1024x8xf32, #tpu.memory_space<vmem>> -> memref<128x8xf32, #tpu.memory_space<vmem>>
      %dma_wait3A_1086 = arith.constant 0 : i32
      %dma_wait3A_1087 = tpu.memref_slice %arg12[%dma_wait3A_1082, %dma_wait3A_1086] : memref<8x128xi32, #tpu.memory_space<vmem>> -> memref<1x128xi32, #tpu.memory_space<vmem>>
      %dma_wait3A_1088 = tpu.memref_squeeze %dma_wait3A_1087 : memref<1x128xi32, #tpu.memory_space<vmem>> -> memref<128xi32, #tpu.memory_space<vmem>>
      %dma_wait3A_1089 = arith.constant 0 : i32
      %dma_wait3A_1090 = arith.constant 0 : i32
      %dma_wait3A_1091 = tpu.memref_slice %arg2[%dma_wait3A_1089, %dma_wait3A_1090] : memref<4194304x8xf32, #tpu.memory_space<hbm>> -> memref<4194304x8xf32, #tpu.memory_space<hbm>>
      tpu.wait_indirect_dma semaphore(%arg39 : memref<!tpu.dma_semaphore, #tpu.memory_space<semaphore_mem>>) src(%dma_wait3A_1091 : memref<4194304x8xf32, #tpu.memory_space<hbm>>) dst(%dma_wait3A_1085 : memref<128x8xf32, #tpu.memory_space<vmem>>)
      %dma_wait3A_1092 = arith.constant 2 : i32
      %dma_wait3A_1093 = arith.constant 256 : i32
      %dma_wait3A_1094 = arith.constant 0 : i32
      %dma_wait3A_1095 = tpu.memref_slice %arg25[%dma_wait3A_1093, %dma_wait3A_1094] : memref<1024x8xf32, #tpu.memory_space<vmem>> -> memref<128x8xf32, #tpu.memory_space<vmem>>
      %dma_wait3A_1096 = arith.constant 0 : i32
      %dma_wait3A_1097 = tpu.memref_slice %arg13[%dma_wait3A_1092, %dma_wait3A_1096] : memref<8x128xi32, #tpu.memory_space<vmem>> -> memref<1x128xi32, #tpu.memory_space<vmem>>
      %dma_wait3A_1098 = tpu.memref_squeeze %dma_wait3A_1097 : memref<1x128xi32, #tpu.memory_space<vmem>> -> memref<128xi32, #tpu.memory_space<vmem>>
      %dma_wait3A_1099 = arith.constant 0 : i32
      %dma_wait3A_1100 = arith.constant 0 : i32
      %dma_wait3A_1101 = tpu.memref_slice %arg2[%dma_wait3A_1099, %dma_wait3A_1100] : memref<4194304x8xf32, #tpu.memory_space<hbm>> -> memref<4194304x8xf32, #tpu.memory_space<hbm>>
      tpu.wait_indirect_dma semaphore(%arg39 : memref<!tpu.dma_semaphore, #tpu.memory_space<semaphore_mem>>) src(%dma_wait3A_1101 : memref<4194304x8xf32, #tpu.memory_space<hbm>>) dst(%dma_wait3A_1095 : memref<128x8xf32, #tpu.memory_space<vmem>>)
      %dma_wait3A_1102 = arith.constant 2 : i32
      %dma_wait3A_1103 = arith.constant 256 : i32
      %dma_wait3A_1104 = arith.constant 0 : i32
      %dma_wait3A_1105 = tpu.memref_slice %arg26[%dma_wait3A_1103, %dma_wait3A_1104] : memref<1024x8xf32, #tpu.memory_space<vmem>> -> memref<128x8xf32, #tpu.memory_space<vmem>>
      %dma_wait3A_1106 = arith.constant 0 : i32
      %dma_wait3A_1107 = tpu.memref_slice %arg14[%dma_wait3A_1102, %dma_wait3A_1106] : memref<8x128xi32, #tpu.memory_space<vmem>> -> memref<1x128xi32, #tpu.memory_space<vmem>>
      %dma_wait3A_1108 = tpu.memref_squeeze %dma_wait3A_1107 : memref<1x128xi32, #tpu.memory_space<vmem>> -> memref<128xi32, #tpu.memory_space<vmem>>
      %dma_wait3A_1109 = arith.constant 0 : i32
      %dma_wait3A_1110 = arith.constant 0 : i32
      %dma_wait3A_1111 = tpu.memref_slice %arg2[%dma_wait3A_1109, %dma_wait3A_1110] : memref<4194304x8xf32, #tpu.memory_space<hbm>> -> memref<4194304x8xf32, #tpu.memory_space<hbm>>
      tpu.wait_indirect_dma semaphore(%arg39 : memref<!tpu.dma_semaphore, #tpu.memory_space<semaphore_mem>>) src(%dma_wait3A_1111 : memref<4194304x8xf32, #tpu.memory_space<hbm>>) dst(%dma_wait3A_1105 : memref<128x8xf32, #tpu.memory_space<vmem>>)
      %dma_wait3A_1112 = arith.constant 2 : i32
      %dma_wait3A_1113 = arith.constant 256 : i32
      %dma_wait3A_1114 = arith.constant 0 : i32
      %dma_wait3A_1115 = tpu.memref_slice %arg27[%dma_wait3A_1113, %dma_wait3A_1114] : memref<1024x8xf32, #tpu.memory_space<vmem>> -> memref<128x8xf32, #tpu.memory_space<vmem>>
      %dma_wait3A_1116 = arith.constant 0 : i32
      %dma_wait3A_1117 = tpu.memref_slice %arg15[%dma_wait3A_1112, %dma_wait3A_1116] : memref<8x128xi32, #tpu.memory_space<vmem>> -> memref<1x128xi32, #tpu.memory_space<vmem>>
      %dma_wait3A_1118 = tpu.memref_squeeze %dma_wait3A_1117 : memref<1x128xi32, #tpu.memory_space<vmem>> -> memref<128xi32, #tpu.memory_space<vmem>>
      %dma_wait3A_1119 = arith.constant 0 : i32
      %dma_wait3A_1120 = arith.constant 0 : i32
      %dma_wait3A_1121 = tpu.memref_slice %arg2[%dma_wait3A_1119, %dma_wait3A_1120] : memref<4194304x8xf32, #tpu.memory_space<hbm>> -> memref<4194304x8xf32, #tpu.memory_space<hbm>>
      tpu.wait_indirect_dma semaphore(%arg39 : memref<!tpu.dma_semaphore, #tpu.memory_space<semaphore_mem>>) src(%dma_wait3A_1121 : memref<4194304x8xf32, #tpu.memory_space<hbm>>) dst(%dma_wait3A_1115 : memref<128x8xf32, #tpu.memory_space<vmem>>)
      %dma_wait3A_1122 = arith.constant 3 : i32
      %dma_wait3A_1123 = arith.constant 384 : i32
      %dma_wait3A_1124 = arith.constant 0 : i32
      %dma_wait3A_1125 = tpu.memref_slice %arg24[%dma_wait3A_1123, %dma_wait3A_1124] : memref<1024x8xf32, #tpu.memory_space<vmem>> -> memref<128x8xf32, #tpu.memory_space<vmem>>
      %dma_wait3A_1126 = arith.constant 0 : i32
      %dma_wait3A_1127 = tpu.memref_slice %arg12[%dma_wait3A_1122, %dma_wait3A_1126] : memref<8x128xi32, #tpu.memory_space<vmem>> -> memref<1x128xi32, #tpu.memory_space<vmem>>
      %dma_wait3A_1128 = tpu.memref_squeeze %dma_wait3A_1127 : memref<1x128xi32, #tpu.memory_space<vmem>> -> memref<128xi32, #tpu.memory_space<vmem>>
      %dma_wait3A_1129 = arith.constant 0 : i32
      %dma_wait3A_1130 = arith.constant 0 : i32
      %dma_wait3A_1131 = tpu.memref_slice %arg2[%dma_wait3A_1129, %dma_wait3A_1130] : memref<4194304x8xf32, #tpu.memory_space<hbm>> -> memref<4194304x8xf32, #tpu.memory_space<hbm>>
      tpu.wait_indirect_dma semaphore(%arg39 : memref<!tpu.dma_semaphore, #tpu.memory_space<semaphore_mem>>) src(%dma_wait3A_1131 : memref<4194304x8xf32, #tpu.memory_space<hbm>>) dst(%dma_wait3A_1125 : memref<128x8xf32, #tpu.memory_space<vmem>>)
      %dma_wait3A_1132 = arith.constant 3 : i32
      %dma_wait3A_1133 = arith.constant 384 : i32
      %dma_wait3A_1134 = arith.constant 0 : i32
      %dma_wait3A_1135 = tpu.memref_slice %arg25[%dma_wait3A_1133, %dma_wait3A_1134] : memref<1024x8xf32, #tpu.memory_space<vmem>> -> memref<128x8xf32, #tpu.memory_space<vmem>>
      %dma_wait3A_1136 = arith.constant 0 : i32
      %dma_wait3A_1137 = tpu.memref_slice %arg13[%dma_wait3A_1132, %dma_wait3A_1136] : memref<8x128xi32, #tpu.memory_space<vmem>> -> memref<1x128xi32, #tpu.memory_space<vmem>>
      %dma_wait3A_1138 = tpu.memref_squeeze %dma_wait3A_1137 : memref<1x128xi32, #tpu.memory_space<vmem>> -> memref<128xi32, #tpu.memory_space<vmem>>
      %dma_wait3A_1139 = arith.constant 0 : i32
      %dma_wait3A_1140 = arith.constant 0 : i32
      %dma_wait3A_1141 = tpu.memref_slice %arg2[%dma_wait3A_1139, %dma_wait3A_1140] : memref<4194304x8xf32, #tpu.memory_space<hbm>> -> memref<4194304x8xf32, #tpu.memory_space<hbm>>
      tpu.wait_indirect_dma semaphore(%arg39 : memref<!tpu.dma_semaphore, #tpu.memory_space<semaphore_mem>>) src(%dma_wait3A_1141 : memref<4194304x8xf32, #tpu.memory_space<hbm>>) dst(%dma_wait3A_1135 : memref<128x8xf32, #tpu.memory_space<vmem>>)
      %dma_wait3A_1142 = arith.constant 3 : i32
      %dma_wait3A_1143 = arith.constant 384 : i32
      %dma_wait3A_1144 = arith.constant 0 : i32
      %dma_wait3A_1145 = tpu.memref_slice %arg26[%dma_wait3A_1143, %dma_wait3A_1144] : memref<1024x8xf32, #tpu.memory_space<vmem>> -> memref<128x8xf32, #tpu.memory_space<vmem>>
      %dma_wait3A_1146 = arith.constant 0 : i32
      %dma_wait3A_1147 = tpu.memref_slice %arg14[%dma_wait3A_1142, %dma_wait3A_1146] : memref<8x128xi32, #tpu.memory_space<vmem>> -> memref<1x128xi32, #tpu.memory_space<vmem>>
      %dma_wait3A_1148 = tpu.memref_squeeze %dma_wait3A_1147 : memref<1x128xi32, #tpu.memory_space<vmem>> -> memref<128xi32, #tpu.memory_space<vmem>>
      %dma_wait3A_1149 = arith.constant 0 : i32
      %dma_wait3A_1150 = arith.constant 0 : i32
      %dma_wait3A_1151 = tpu.memref_slice %arg2[%dma_wait3A_1149, %dma_wait3A_1150] : memref<4194304x8xf32, #tpu.memory_space<hbm>> -> memref<4194304x8xf32, #tpu.memory_space<hbm>>
      tpu.wait_indirect_dma semaphore(%arg39 : memref<!tpu.dma_semaphore, #tpu.memory_space<semaphore_mem>>) src(%dma_wait3A_1151 : memref<4194304x8xf32, #tpu.memory_space<hbm>>) dst(%dma_wait3A_1145 : memref<128x8xf32, #tpu.memory_space<vmem>>)
      %dma_wait3A_1152 = arith.constant 3 : i32
      %dma_wait3A_1153 = arith.constant 384 : i32
      %dma_wait3A_1154 = arith.constant 0 : i32
      %dma_wait3A_1155 = tpu.memref_slice %arg27[%dma_wait3A_1153, %dma_wait3A_1154] : memref<1024x8xf32, #tpu.memory_space<vmem>> -> memref<128x8xf32, #tpu.memory_space<vmem>>
      %dma_wait3A_1156 = arith.constant 0 : i32
      %dma_wait3A_1157 = tpu.memref_slice %arg15[%dma_wait3A_1152, %dma_wait3A_1156] : memref<8x128xi32, #tpu.memory_space<vmem>> -> memref<1x128xi32, #tpu.memory_space<vmem>>
      %dma_wait3A_1158 = tpu.memref_squeeze %dma_wait3A_1157 : memref<1x128xi32, #tpu.memory_space<vmem>> -> memref<128xi32, #tpu.memory_space<vmem>>
      %dma_wait3A_1159 = arith.constant 0 : i32
      %dma_wait3A_1160 = arith.constant 0 : i32
      %dma_wait3A_1161 = tpu.memref_slice %arg2[%dma_wait3A_1159, %dma_wait3A_1160] : memref<4194304x8xf32, #tpu.memory_space<hbm>> -> memref<4194304x8xf32, #tpu.memory_space<hbm>>
      tpu.wait_indirect_dma semaphore(%arg39 : memref<!tpu.dma_semaphore, #tpu.memory_space<semaphore_mem>>) src(%dma_wait3A_1161 : memref<4194304x8xf32, #tpu.memory_space<hbm>>) dst(%dma_wait3A_1155 : memref<128x8xf32, #tpu.memory_space<vmem>>)
      %dma_wait3A_1162 = arith.constant 4 : i32
      %dma_wait3A_1163 = arith.constant 512 : i32
      %dma_wait3A_1164 = arith.constant 0 : i32
      %dma_wait3A_1165 = tpu.memref_slice %arg24[%dma_wait3A_1163, %dma_wait3A_1164] : memref<1024x8xf32, #tpu.memory_space<vmem>> -> memref<128x8xf32, #tpu.memory_space<vmem>>
      %dma_wait3A_1166 = arith.constant 0 : i32
      %dma_wait3A_1167 = tpu.memref_slice %arg12[%dma_wait3A_1162, %dma_wait3A_1166] : memref<8x128xi32, #tpu.memory_space<vmem>> -> memref<1x128xi32, #tpu.memory_space<vmem>>
      %dma_wait3A_1168 = tpu.memref_squeeze %dma_wait3A_1167 : memref<1x128xi32, #tpu.memory_space<vmem>> -> memref<128xi32, #tpu.memory_space<vmem>>
      %dma_wait3A_1169 = arith.constant 0 : i32
      %dma_wait3A_1170 = arith.constant 0 : i32
      %dma_wait3A_1171 = tpu.memref_slice %arg2[%dma_wait3A_1169, %dma_wait3A_1170] : memref<4194304x8xf32, #tpu.memory_space<hbm>> -> memref<4194304x8xf32, #tpu.memory_space<hbm>>
      tpu.wait_indirect_dma semaphore(%arg39 : memref<!tpu.dma_semaphore, #tpu.memory_space<semaphore_mem>>) src(%dma_wait3A_1171 : memref<4194304x8xf32, #tpu.memory_space<hbm>>) dst(%dma_wait3A_1165 : memref<128x8xf32, #tpu.memory_space<vmem>>)
      %dma_wait3A_1172 = arith.constant 4 : i32
      %dma_wait3A_1173 = arith.constant 512 : i32
      %dma_wait3A_1174 = arith.constant 0 : i32
      %dma_wait3A_1175 = tpu.memref_slice %arg25[%dma_wait3A_1173, %dma_wait3A_1174] : memref<1024x8xf32, #tpu.memory_space<vmem>> -> memref<128x8xf32, #tpu.memory_space<vmem>>
      %dma_wait3A_1176 = arith.constant 0 : i32
      %dma_wait3A_1177 = tpu.memref_slice %arg13[%dma_wait3A_1172, %dma_wait3A_1176] : memref<8x128xi32, #tpu.memory_space<vmem>> -> memref<1x128xi32, #tpu.memory_space<vmem>>
      %dma_wait3A_1178 = tpu.memref_squeeze %dma_wait3A_1177 : memref<1x128xi32, #tpu.memory_space<vmem>> -> memref<128xi32, #tpu.memory_space<vmem>>
      %dma_wait3A_1179 = arith.constant 0 : i32
      %dma_wait3A_1180 = arith.constant 0 : i32
      %dma_wait3A_1181 = tpu.memref_slice %arg2[%dma_wait3A_1179, %dma_wait3A_1180] : memref<4194304x8xf32, #tpu.memory_space<hbm>> -> memref<4194304x8xf32, #tpu.memory_space<hbm>>
      tpu.wait_indirect_dma semaphore(%arg39 : memref<!tpu.dma_semaphore, #tpu.memory_space<semaphore_mem>>) src(%dma_wait3A_1181 : memref<4194304x8xf32, #tpu.memory_space<hbm>>) dst(%dma_wait3A_1175 : memref<128x8xf32, #tpu.memory_space<vmem>>)
      %dma_wait3A_1182 = arith.constant 4 : i32
      %dma_wait3A_1183 = arith.constant 512 : i32
      %dma_wait3A_1184 = arith.constant 0 : i32
      %dma_wait3A_1185 = tpu.memref_slice %arg26[%dma_wait3A_1183, %dma_wait3A_1184] : memref<1024x8xf32, #tpu.memory_space<vmem>> -> memref<128x8xf32, #tpu.memory_space<vmem>>
      %dma_wait3A_1186 = arith.constant 0 : i32
      %dma_wait3A_1187 = tpu.memref_slice %arg14[%dma_wait3A_1182, %dma_wait3A_1186] : memref<8x128xi32, #tpu.memory_space<vmem>> -> memref<1x128xi32, #tpu.memory_space<vmem>>
      %dma_wait3A_1188 = tpu.memref_squeeze %dma_wait3A_1187 : memref<1x128xi32, #tpu.memory_space<vmem>> -> memref<128xi32, #tpu.memory_space<vmem>>
      %dma_wait3A_1189 = arith.constant 0 : i32
      %dma_wait3A_1190 = arith.constant 0 : i32
      %dma_wait3A_1191 = tpu.memref_slice %arg2[%dma_wait3A_1189, %dma_wait3A_1190] : memref<4194304x8xf32, #tpu.memory_space<hbm>> -> memref<4194304x8xf32, #tpu.memory_space<hbm>>
      tpu.wait_indirect_dma semaphore(%arg39 : memref<!tpu.dma_semaphore, #tpu.memory_space<semaphore_mem>>) src(%dma_wait3A_1191 : memref<4194304x8xf32, #tpu.memory_space<hbm>>) dst(%dma_wait3A_1185 : memref<128x8xf32, #tpu.memory_space<vmem>>)
      %dma_wait3A_1192 = arith.constant 4 : i32
      %dma_wait3A_1193 = arith.constant 512 : i32
      %dma_wait3A_1194 = arith.constant 0 : i32
      %dma_wait3A_1195 = tpu.memref_slice %arg27[%dma_wait3A_1193, %dma_wait3A_1194] : memref<1024x8xf32, #tpu.memory_space<vmem>> -> memref<128x8xf32, #tpu.memory_space<vmem>>
      %dma_wait3A_1196 = arith.constant 0 : i32
      %dma_wait3A_1197 = tpu.memref_slice %arg15[%dma_wait3A_1192, %dma_wait3A_1196] : memref<8x128xi32, #tpu.memory_space<vmem>> -> memref<1x128xi32, #tpu.memory_space<vmem>>
      %dma_wait3A_1198 = tpu.memref_squeeze %dma_wait3A_1197 : memref<1x128xi32, #tpu.memory_space<vmem>> -> memref<128xi32, #tpu.memory_space<vmem>>
      %dma_wait3A_1199 = arith.constant 0 : i32
      %dma_wait3A_1200 = arith.constant 0 : i32
      %dma_wait3A_1201 = tpu.memref_slice %arg2[%dma_wait3A_1199, %dma_wait3A_1200] : memref<4194304x8xf32, #tpu.memory_space<hbm>> -> memref<4194304x8xf32, #tpu.memory_space<hbm>>
      tpu.wait_indirect_dma semaphore(%arg39 : memref<!tpu.dma_semaphore, #tpu.memory_space<semaphore_mem>>) src(%dma_wait3A_1201 : memref<4194304x8xf32, #tpu.memory_space<hbm>>) dst(%dma_wait3A_1195 : memref<128x8xf32, #tpu.memory_space<vmem>>)
      %dma_wait3A_1202 = arith.constant 5 : i32
      %dma_wait3A_1203 = arith.constant 640 : i32
      %dma_wait3A_1204 = arith.constant 0 : i32
      %dma_wait3A_1205 = tpu.memref_slice %arg24[%dma_wait3A_1203, %dma_wait3A_1204] : memref<1024x8xf32, #tpu.memory_space<vmem>> -> memref<128x8xf32, #tpu.memory_space<vmem>>
      %dma_wait3A_1206 = arith.constant 0 : i32
      %dma_wait3A_1207 = tpu.memref_slice %arg12[%dma_wait3A_1202, %dma_wait3A_1206] : memref<8x128xi32, #tpu.memory_space<vmem>> -> memref<1x128xi32, #tpu.memory_space<vmem>>
      %dma_wait3A_1208 = tpu.memref_squeeze %dma_wait3A_1207 : memref<1x128xi32, #tpu.memory_space<vmem>> -> memref<128xi32, #tpu.memory_space<vmem>>
      %dma_wait3A_1209 = arith.constant 0 : i32
      %dma_wait3A_1210 = arith.constant 0 : i32
      %dma_wait3A_1211 = tpu.memref_slice %arg2[%dma_wait3A_1209, %dma_wait3A_1210] : memref<4194304x8xf32, #tpu.memory_space<hbm>> -> memref<4194304x8xf32, #tpu.memory_space<hbm>>
      tpu.wait_indirect_dma semaphore(%arg39 : memref<!tpu.dma_semaphore, #tpu.memory_space<semaphore_mem>>) src(%dma_wait3A_1211 : memref<4194304x8xf32, #tpu.memory_space<hbm>>) dst(%dma_wait3A_1205 : memref<128x8xf32, #tpu.memory_space<vmem>>)
      %dma_wait3A_1212 = arith.constant 5 : i32
      %dma_wait3A_1213 = arith.constant 640 : i32
      %dma_wait3A_1214 = arith.constant 0 : i32
      %dma_wait3A_1215 = tpu.memref_slice %arg25[%dma_wait3A_1213, %dma_wait3A_1214] : memref<1024x8xf32, #tpu.memory_space<vmem>> -> memref<128x8xf32, #tpu.memory_space<vmem>>
      %dma_wait3A_1216 = arith.constant 0 : i32
      %dma_wait3A_1217 = tpu.memref_slice %arg13[%dma_wait3A_1212, %dma_wait3A_1216] : memref<8x128xi32, #tpu.memory_space<vmem>> -> memref<1x128xi32, #tpu.memory_space<vmem>>
      %dma_wait3A_1218 = tpu.memref_squeeze %dma_wait3A_1217 : memref<1x128xi32, #tpu.memory_space<vmem>> -> memref<128xi32, #tpu.memory_space<vmem>>
      %dma_wait3A_1219 = arith.constant 0 : i32
      %dma_wait3A_1220 = arith.constant 0 : i32
      %dma_wait3A_1221 = tpu.memref_slice %arg2[%dma_wait3A_1219, %dma_wait3A_1220] : memref<4194304x8xf32, #tpu.memory_space<hbm>> -> memref<4194304x8xf32, #tpu.memory_space<hbm>>
      tpu.wait_indirect_dma semaphore(%arg39 : memref<!tpu.dma_semaphore, #tpu.memory_space<semaphore_mem>>) src(%dma_wait3A_1221 : memref<4194304x8xf32, #tpu.memory_space<hbm>>) dst(%dma_wait3A_1215 : memref<128x8xf32, #tpu.memory_space<vmem>>)
      %dma_wait3A_1222 = arith.constant 5 : i32
      %dma_wait3A_1223 = arith.constant 640 : i32
      %dma_wait3A_1224 = arith.constant 0 : i32
      %dma_wait3A_1225 = tpu.memref_slice %arg26[%dma_wait3A_1223, %dma_wait3A_1224] : memref<1024x8xf32, #tpu.memory_space<vmem>> -> memref<128x8xf32, #tpu.memory_space<vmem>>
      %dma_wait3A_1226 = arith.constant 0 : i32
      %dma_wait3A_1227 = tpu.memref_slice %arg14[%dma_wait3A_1222, %dma_wait3A_1226] : memref<8x128xi32, #tpu.memory_space<vmem>> -> memref<1x128xi32, #tpu.memory_space<vmem>>
      %dma_wait3A_1228 = tpu.memref_squeeze %dma_wait3A_1227 : memref<1x128xi32, #tpu.memory_space<vmem>> -> memref<128xi32, #tpu.memory_space<vmem>>
      %dma_wait3A_1229 = arith.constant 0 : i32
      %dma_wait3A_1230 = arith.constant 0 : i32
      %dma_wait3A_1231 = tpu.memref_slice %arg2[%dma_wait3A_1229, %dma_wait3A_1230] : memref<4194304x8xf32, #tpu.memory_space<hbm>> -> memref<4194304x8xf32, #tpu.memory_space<hbm>>
      tpu.wait_indirect_dma semaphore(%arg39 : memref<!tpu.dma_semaphore, #tpu.memory_space<semaphore_mem>>) src(%dma_wait3A_1231 : memref<4194304x8xf32, #tpu.memory_space<hbm>>) dst(%dma_wait3A_1225 : memref<128x8xf32, #tpu.memory_space<vmem>>)
      %dma_wait3A_1232 = arith.constant 5 : i32
      %dma_wait3A_1233 = arith.constant 640 : i32
      %dma_wait3A_1234 = arith.constant 0 : i32
      %dma_wait3A_1235 = tpu.memref_slice %arg27[%dma_wait3A_1233, %dma_wait3A_1234] : memref<1024x8xf32, #tpu.memory_space<vmem>> -> memref<128x8xf32, #tpu.memory_space<vmem>>
      %dma_wait3A_1236 = arith.constant 0 : i32
      %dma_wait3A_1237 = tpu.memref_slice %arg15[%dma_wait3A_1232, %dma_wait3A_1236] : memref<8x128xi32, #tpu.memory_space<vmem>> -> memref<1x128xi32, #tpu.memory_space<vmem>>
      %dma_wait3A_1238 = tpu.memref_squeeze %dma_wait3A_1237 : memref<1x128xi32, #tpu.memory_space<vmem>> -> memref<128xi32, #tpu.memory_space<vmem>>
      %dma_wait3A_1239 = arith.constant 0 : i32
      %dma_wait3A_1240 = arith.constant 0 : i32
      %dma_wait3A_1241 = tpu.memref_slice %arg2[%dma_wait3A_1239, %dma_wait3A_1240] : memref<4194304x8xf32, #tpu.memory_space<hbm>> -> memref<4194304x8xf32, #tpu.memory_space<hbm>>
      tpu.wait_indirect_dma semaphore(%arg39 : memref<!tpu.dma_semaphore, #tpu.memory_space<semaphore_mem>>) src(%dma_wait3A_1241 : memref<4194304x8xf32, #tpu.memory_space<hbm>>) dst(%dma_wait3A_1235 : memref<128x8xf32, #tpu.memory_space<vmem>>)
      %dma_wait3A_1242 = arith.constant 6 : i32
      %dma_wait3A_1243 = arith.constant 768 : i32
      %dma_wait3A_1244 = arith.constant 0 : i32
      %dma_wait3A_1245 = tpu.memref_slice %arg24[%dma_wait3A_1243, %dma_wait3A_1244] : memref<1024x8xf32, #tpu.memory_space<vmem>> -> memref<128x8xf32, #tpu.memory_space<vmem>>
      %dma_wait3A_1246 = arith.constant 0 : i32
      %dma_wait3A_1247 = tpu.memref_slice %arg12[%dma_wait3A_1242, %dma_wait3A_1246] : memref<8x128xi32, #tpu.memory_space<vmem>> -> memref<1x128xi32, #tpu.memory_space<vmem>>
      %dma_wait3A_1248 = tpu.memref_squeeze %dma_wait3A_1247 : memref<1x128xi32, #tpu.memory_space<vmem>> -> memref<128xi32, #tpu.memory_space<vmem>>
      %dma_wait3A_1249 = arith.constant 0 : i32
      %dma_wait3A_1250 = arith.constant 0 : i32
      %dma_wait3A_1251 = tpu.memref_slice %arg2[%dma_wait3A_1249, %dma_wait3A_1250] : memref<4194304x8xf32, #tpu.memory_space<hbm>> -> memref<4194304x8xf32, #tpu.memory_space<hbm>>
      tpu.wait_indirect_dma semaphore(%arg39 : memref<!tpu.dma_semaphore, #tpu.memory_space<semaphore_mem>>) src(%dma_wait3A_1251 : memref<4194304x8xf32, #tpu.memory_space<hbm>>) dst(%dma_wait3A_1245 : memref<128x8xf32, #tpu.memory_space<vmem>>)
      %dma_wait3A_1252 = arith.constant 6 : i32
      %dma_wait3A_1253 = arith.constant 768 : i32
      %dma_wait3A_1254 = arith.constant 0 : i32
      %dma_wait3A_1255 = tpu.memref_slice %arg25[%dma_wait3A_1253, %dma_wait3A_1254] : memref<1024x8xf32, #tpu.memory_space<vmem>> -> memref<128x8xf32, #tpu.memory_space<vmem>>
      %dma_wait3A_1256 = arith.constant 0 : i32
      %dma_wait3A_1257 = tpu.memref_slice %arg13[%dma_wait3A_1252, %dma_wait3A_1256] : memref<8x128xi32, #tpu.memory_space<vmem>> -> memref<1x128xi32, #tpu.memory_space<vmem>>
      %dma_wait3A_1258 = tpu.memref_squeeze %dma_wait3A_1257 : memref<1x128xi32, #tpu.memory_space<vmem>> -> memref<128xi32, #tpu.memory_space<vmem>>
      %dma_wait3A_1259 = arith.constant 0 : i32
      %dma_wait3A_1260 = arith.constant 0 : i32
      %dma_wait3A_1261 = tpu.memref_slice %arg2[%dma_wait3A_1259, %dma_wait3A_1260] : memref<4194304x8xf32, #tpu.memory_space<hbm>> -> memref<4194304x8xf32, #tpu.memory_space<hbm>>
      tpu.wait_indirect_dma semaphore(%arg39 : memref<!tpu.dma_semaphore, #tpu.memory_space<semaphore_mem>>) src(%dma_wait3A_1261 : memref<4194304x8xf32, #tpu.memory_space<hbm>>) dst(%dma_wait3A_1255 : memref<128x8xf32, #tpu.memory_space<vmem>>)
      %dma_wait3A_1262 = arith.constant 6 : i32
      %dma_wait3A_1263 = arith.constant 768 : i32
      %dma_wait3A_1264 = arith.constant 0 : i32
      %dma_wait3A_1265 = tpu.memref_slice %arg26[%dma_wait3A_1263, %dma_wait3A_1264] : memref<1024x8xf32, #tpu.memory_space<vmem>> -> memref<128x8xf32, #tpu.memory_space<vmem>>
      %dma_wait3A_1266 = arith.constant 0 : i32
      %dma_wait3A_1267 = tpu.memref_slice %arg14[%dma_wait3A_1262, %dma_wait3A_1266] : memref<8x128xi32, #tpu.memory_space<vmem>> -> memref<1x128xi32, #tpu.memory_space<vmem>>
      %dma_wait3A_1268 = tpu.memref_squeeze %dma_wait3A_1267 : memref<1x128xi32, #tpu.memory_space<vmem>> -> memref<128xi32, #tpu.memory_space<vmem>>
      %dma_wait3A_1269 = arith.constant 0 : i32
      %dma_wait3A_1270 = arith.constant 0 : i32
      %dma_wait3A_1271 = tpu.memref_slice %arg2[%dma_wait3A_1269, %dma_wait3A_1270] : memref<4194304x8xf32, #tpu.memory_space<hbm>> -> memref<4194304x8xf32, #tpu.memory_space<hbm>>
      tpu.wait_indirect_dma semaphore(%arg39 : memref<!tpu.dma_semaphore, #tpu.memory_space<semaphore_mem>>) src(%dma_wait3A_1271 : memref<4194304x8xf32, #tpu.memory_space<hbm>>) dst(%dma_wait3A_1265 : memref<128x8xf32, #tpu.memory_space<vmem>>)
      %dma_wait3A_1272 = arith.constant 6 : i32
      %dma_wait3A_1273 = arith.constant 768 : i32
      %dma_wait3A_1274 = arith.constant 0 : i32
      %dma_wait3A_1275 = tpu.memref_slice %arg27[%dma_wait3A_1273, %dma_wait3A_1274] : memref<1024x8xf32, #tpu.memory_space<vmem>> -> memref<128x8xf32, #tpu.memory_space<vmem>>
      %dma_wait3A_1276 = arith.constant 0 : i32
      %dma_wait3A_1277 = tpu.memref_slice %arg15[%dma_wait3A_1272, %dma_wait3A_1276] : memref<8x128xi32, #tpu.memory_space<vmem>> -> memref<1x128xi32, #tpu.memory_space<vmem>>
      %dma_wait3A_1278 = tpu.memref_squeeze %dma_wait3A_1277 : memref<1x128xi32, #tpu.memory_space<vmem>> -> memref<128xi32, #tpu.memory_space<vmem>>
      %dma_wait3A_1279 = arith.constant 0 : i32
      %dma_wait3A_1280 = arith.constant 0 : i32
      %dma_wait3A_1281 = tpu.memref_slice %arg2[%dma_wait3A_1279, %dma_wait3A_1280] : memref<4194304x8xf32, #tpu.memory_space<hbm>> -> memref<4194304x8xf32, #tpu.memory_space<hbm>>
      tpu.wait_indirect_dma semaphore(%arg39 : memref<!tpu.dma_semaphore, #tpu.memory_space<semaphore_mem>>) src(%dma_wait3A_1281 : memref<4194304x8xf32, #tpu.memory_space<hbm>>) dst(%dma_wait3A_1275 : memref<128x8xf32, #tpu.memory_space<vmem>>)
      %dma_wait3A_1282 = arith.constant 7 : i32
      %dma_wait3A_1283 = arith.constant 896 : i32
      %dma_wait3A_1284 = arith.constant 0 : i32
      %dma_wait3A_1285 = tpu.memref_slice %arg24[%dma_wait3A_1283, %dma_wait3A_1284] : memref<1024x8xf32, #tpu.memory_space<vmem>> -> memref<128x8xf32, #tpu.memory_space<vmem>>
      %dma_wait3A_1286 = arith.constant 0 : i32
      %dma_wait3A_1287 = tpu.memref_slice %arg12[%dma_wait3A_1282, %dma_wait3A_1286] : memref<8x128xi32, #tpu.memory_space<vmem>> -> memref<1x128xi32, #tpu.memory_space<vmem>>
      %dma_wait3A_1288 = tpu.memref_squeeze %dma_wait3A_1287 : memref<1x128xi32, #tpu.memory_space<vmem>> -> memref<128xi32, #tpu.memory_space<vmem>>
      %dma_wait3A_1289 = arith.constant 0 : i32
      %dma_wait3A_1290 = arith.constant 0 : i32
      %dma_wait3A_1291 = tpu.memref_slice %arg2[%dma_wait3A_1289, %dma_wait3A_1290] : memref<4194304x8xf32, #tpu.memory_space<hbm>> -> memref<4194304x8xf32, #tpu.memory_space<hbm>>
      tpu.wait_indirect_dma semaphore(%arg39 : memref<!tpu.dma_semaphore, #tpu.memory_space<semaphore_mem>>) src(%dma_wait3A_1291 : memref<4194304x8xf32, #tpu.memory_space<hbm>>) dst(%dma_wait3A_1285 : memref<128x8xf32, #tpu.memory_space<vmem>>)
      %dma_wait3A_1292 = arith.constant 7 : i32
      %dma_wait3A_1293 = arith.constant 896 : i32
      %dma_wait3A_1294 = arith.constant 0 : i32
      %dma_wait3A_1295 = tpu.memref_slice %arg25[%dma_wait3A_1293, %dma_wait3A_1294] : memref<1024x8xf32, #tpu.memory_space<vmem>> -> memref<128x8xf32, #tpu.memory_space<vmem>>
      %dma_wait3A_1296 = arith.constant 0 : i32
      %dma_wait3A_1297 = tpu.memref_slice %arg13[%dma_wait3A_1292, %dma_wait3A_1296] : memref<8x128xi32, #tpu.memory_space<vmem>> -> memref<1x128xi32, #tpu.memory_space<vmem>>
      %dma_wait3A_1298 = tpu.memref_squeeze %dma_wait3A_1297 : memref<1x128xi32, #tpu.memory_space<vmem>> -> memref<128xi32, #tpu.memory_space<vmem>>
      %dma_wait3A_1299 = arith.constant 0 : i32
      %dma_wait3A_1300 = arith.constant 0 : i32
      %dma_wait3A_1301 = tpu.memref_slice %arg2[%dma_wait3A_1299, %dma_wait3A_1300] : memref<4194304x8xf32, #tpu.memory_space<hbm>> -> memref<4194304x8xf32, #tpu.memory_space<hbm>>
      tpu.wait_indirect_dma semaphore(%arg39 : memref<!tpu.dma_semaphore, #tpu.memory_space<semaphore_mem>>) src(%dma_wait3A_1301 : memref<4194304x8xf32, #tpu.memory_space<hbm>>) dst(%dma_wait3A_1295 : memref<128x8xf32, #tpu.memory_space<vmem>>)
      %dma_wait3A_1302 = arith.constant 7 : i32
      %dma_wait3A_1303 = arith.constant 896 : i32
      %dma_wait3A_1304 = arith.constant 0 : i32
      %dma_wait3A_1305 = tpu.memref_slice %arg26[%dma_wait3A_1303, %dma_wait3A_1304] : memref<1024x8xf32, #tpu.memory_space<vmem>> -> memref<128x8xf32, #tpu.memory_space<vmem>>
      %dma_wait3A_1306 = arith.constant 0 : i32
      %dma_wait3A_1307 = tpu.memref_slice %arg14[%dma_wait3A_1302, %dma_wait3A_1306] : memref<8x128xi32, #tpu.memory_space<vmem>> -> memref<1x128xi32, #tpu.memory_space<vmem>>
      %dma_wait3A_1308 = tpu.memref_squeeze %dma_wait3A_1307 : memref<1x128xi32, #tpu.memory_space<vmem>> -> memref<128xi32, #tpu.memory_space<vmem>>
      %dma_wait3A_1309 = arith.constant 0 : i32
      %dma_wait3A_1310 = arith.constant 0 : i32
      %dma_wait3A_1311 = tpu.memref_slice %arg2[%dma_wait3A_1309, %dma_wait3A_1310] : memref<4194304x8xf32, #tpu.memory_space<hbm>> -> memref<4194304x8xf32, #tpu.memory_space<hbm>>
      tpu.wait_indirect_dma semaphore(%arg39 : memref<!tpu.dma_semaphore, #tpu.memory_space<semaphore_mem>>) src(%dma_wait3A_1311 : memref<4194304x8xf32, #tpu.memory_space<hbm>>) dst(%dma_wait3A_1305 : memref<128x8xf32, #tpu.memory_space<vmem>>)
      %dma_wait3A_1312 = arith.constant 7 : i32
      %dma_wait3A_1313 = arith.constant 896 : i32
      %dma_wait3A_1314 = arith.constant 0 : i32
      %dma_wait3A_1315 = tpu.memref_slice %arg27[%dma_wait3A_1313, %dma_wait3A_1314] : memref<1024x8xf32, #tpu.memory_space<vmem>> -> memref<128x8xf32, #tpu.memory_space<vmem>>
      %dma_wait3A_1316 = arith.constant 0 : i32
      %dma_wait3A_1317 = tpu.memref_slice %arg15[%dma_wait3A_1312, %dma_wait3A_1316] : memref<8x128xi32, #tpu.memory_space<vmem>> -> memref<1x128xi32, #tpu.memory_space<vmem>>
      %dma_wait3A_1318 = tpu.memref_squeeze %dma_wait3A_1317 : memref<1x128xi32, #tpu.memory_space<vmem>> -> memref<128xi32, #tpu.memory_space<vmem>>
      %dma_wait3A_1319 = arith.constant 0 : i32
      %dma_wait3A_1320 = arith.constant 0 : i32
      %dma_wait3A_1321 = tpu.memref_slice %arg2[%dma_wait3A_1319, %dma_wait3A_1320] : memref<4194304x8xf32, #tpu.memory_space<hbm>> -> memref<4194304x8xf32, #tpu.memory_space<hbm>>
      tpu.wait_indirect_dma semaphore(%arg39 : memref<!tpu.dma_semaphore, #tpu.memory_space<semaphore_mem>>) src(%dma_wait3A_1321 : memref<4194304x8xf32, #tpu.memory_space<hbm>>) dst(%dma_wait3A_1315 : memref<128x8xf32, #tpu.memory_space<vmem>>)
      %iota3A_1322 = tpu.iota {dimensions = array<i32: 0>} : vector<16xi32>
      %mul3A_1323 = arith.constant 7 : i32
      %mul3A_1324 = vector.broadcast %mul3A_1323 : i32 to vector<16xi32>
      %mul3A_1325 = arith.muli %iota3A_1322, %mul3A_1324 : vector<16xi32>
      %mul3A_1326 = arith.constant 8 : i32
      %mul3A_1327 = vector.broadcast %mul3A_1326 : i32 to vector<16xi32>
      %mul3A_1328 = arith.muli %iota3A_1322, %mul3A_1327 : vector<16xi32>
      %broadcast_in_dim3A = arith.constant 0 : i32
      %broadcast_in_dim3A_1329 = vector.broadcast %broadcast_in_dim3A : i32 to vector<16xi32>
      %broadcast_in_dim3A_1330 = arith.constant 1 : i32
      %broadcast_in_dim3A_1331 = vector.broadcast %broadcast_in_dim3A_1330 : i32 to vector<16xi32>
      %broadcast_in_dim3A_1332 = arith.constant 2 : i32
      %broadcast_in_dim3A_1333 = vector.broadcast %broadcast_in_dim3A_1332 : i32 to vector<16xi32>
      %broadcast_in_dim3A_1334 = arith.constant 3 : i32
      %broadcast_in_dim3A_1335 = vector.broadcast %broadcast_in_dim3A_1334 : i32 to vector<16xi32>
      %broadcast_in_dim3A_1336 = arith.constant 4 : i32
      %broadcast_in_dim3A_1337 = vector.broadcast %broadcast_in_dim3A_1336 : i32 to vector<16xi32>
      %broadcast_in_dim3A_1338 = arith.constant 5 : i32
      %broadcast_in_dim3A_1339 = vector.broadcast %broadcast_in_dim3A_1338 : i32 to vector<16xi32>
      %broadcast_in_dim3A_1340 = arith.constant 6 : i32
      %broadcast_in_dim3A_1341 = vector.broadcast %broadcast_in_dim3A_1340 : i32 to vector<16xi32>
      %broadcast_in_dim3A_1342 = arith.constant 7 : i32
      %broadcast_in_dim3A_1343 = vector.broadcast %broadcast_in_dim3A_1342 : i32 to vector<16xi32>
      %scan3A_1344 = arith.constant 0 : i32
      %scan3A_1345 = arith.constant 0 : i32
      %scan3A_1346 = arith.constant 64 : i32
      %scan3A_1347 = arith.addi %scan3A_1345, %scan3A_1346 : i32
      %scan3A_1348 = arith.constant 1 : i32
      scf.for %scan3A_2050 = %scan3A_1345 to %scan3A_1347 step %scan3A_1348  : i32 {
        %mul3A_2051 = arith.constant 16 : i32
        %mul3A_2052 = arith.muli %scan3A_2050, %mul3A_2051 : i32
        %add3A_2053 = vector.broadcast %mul3A_2052 : i32 to vector<16xi32>
        %add3A_2054 = arith.addi %iota3A_1322, %add3A_2053 : vector<16xi32>
        %get3A = arith.index_cast %mul3A_2052 : i32 to index
        %get3A_2055 = tpu.vector_load %arg20[%get3A] {strides = array<i32>} : memref<1024xf32, #tpu.memory_space<vmem>>, vector<16xf32>,
        %get3A_2056 = arith.index_cast %mul3A_2052 : i32 to index
        %get3A_2057 = tpu.vector_load %arg21[%get3A_2056] {strides = array<i32>} : memref<1024xf32, #tpu.memory_space<vmem>>, vector<16xf32>,
        %sub3A = arith.constant 1.000000e+00 : f32
        %sub3A_2058 = vector.broadcast %sub3A : f32 to vector<16xf32>
        %sub3A_2059 = arith.subf %sub3A_2058, %get3A_2055 : vector<16xf32>
        %sub3A_2060 = arith.constant 1.000000e+00 : f32
        %sub3A_2061 = vector.broadcast %sub3A_2060 : f32 to vector<16xf32>
        %sub3A_2062 = arith.subf %sub3A_2061, %get3A_2057 : vector<16xf32>
        %gather3A = tpu.vector_load_idx %arg24[%add3A_2054, %broadcast_in_dim3A_1343] : memref<1024x8xf32, #tpu.memory_space<vmem>>[vector<16xi32>, vector<16xi32>], vector<16xf32>,
        %gather3A_2063 = tpu.vector_load_idx %arg25[%add3A_2054, %broadcast_in_dim3A_1343] : memref<1024x8xf32, #tpu.memory_space<vmem>>[vector<16xi32>, vector<16xi32>], vector<16xf32>,
        %gather3A_2064 = tpu.vector_load_idx %arg26[%add3A_2054, %broadcast_in_dim3A_1343] : memref<1024x8xf32, #tpu.memory_space<vmem>>[vector<16xi32>, vector<16xi32>], vector<16xf32>,
        %gather3A_2065 = tpu.vector_load_idx %arg27[%add3A_2054, %broadcast_in_dim3A_1343] : memref<1024x8xf32, #tpu.memory_space<vmem>>[vector<16xi32>, vector<16xi32>], vector<16xf32>,
        %swap3A = arith.index_cast %mul3A_2052 : i32 to index
        %swap3A_2066 = tpu.vector_load %arg35[%swap3A] {strides = array<i32>} : memref<1024xf32, #tpu.memory_space<vmem>>, vector<16xf32>,
        tpu.vector_store %arg35[%swap3A], %gather3A {strides = array<i32>} : memref<1024xf32, #tpu.memory_space<vmem>>, vector<16xf32>,
        %swap3A_2067 = arith.index_cast %mul3A_2052 : i32 to index
        %swap3A_2068 = tpu.vector_load %arg36[%swap3A_2067] {strides = array<i32>} : memref<1024xf32, #tpu.memory_space<vmem>>, vector<16xf32>,
        tpu.vector_store %arg36[%swap3A_2067], %gather3A_2063 {strides = array<i32>} : memref<1024xf32, #tpu.memory_space<vmem>>, vector<16xf32>,
        %swap3A_2069 = arith.index_cast %mul3A_2052 : i32 to index
        %swap3A_2070 = tpu.vector_load %arg37[%swap3A_2069] {strides = array<i32>} : memref<1024xf32, #tpu.memory_space<vmem>>, vector<16xf32>,
        tpu.vector_store %arg37[%swap3A_2069], %gather3A_2064 {strides = array<i32>} : memref<1024xf32, #tpu.memory_space<vmem>>, vector<16xf32>,
        %swap3A_2071 = arith.index_cast %mul3A_2052 : i32 to index
        %swap3A_2072 = tpu.vector_load %arg38[%swap3A_2071] {strides = array<i32>} : memref<1024xf32, #tpu.memory_space<vmem>>, vector<16xf32>,
        tpu.vector_store %arg38[%swap3A_2071], %gather3A_2065 {strides = array<i32>} : memref<1024xf32, #tpu.memory_space<vmem>>, vector<16xf32>,
        %mul3A_2073 = arith.mulf %gather3A, %sub3A_2059 : vector<16xf32>
        %mul3A_2074 = arith.mulf %mul3A_2073, %sub3A_2062 : vector<16xf32>
        %mul3A_2075 = arith.mulf %gather3A_2063, %get3A_2055 : vector<16xf32>
        %mul3A_2076 = arith.mulf %mul3A_2075, %sub3A_2062 : vector<16xf32>
        %add3A_2077 = arith.addf %mul3A_2074, %mul3A_2076 : vector<16xf32>
        %mul3A_2078 = arith.mulf %gather3A_2064, %sub3A_2059 : vector<16xf32>
        %mul3A_2079 = arith.mulf %mul3A_2078, %get3A_2057 : vector<16xf32>
        %add3A_2080 = arith.addf %add3A_2077, %mul3A_2079 : vector<16xf32>
        %mul3A_2081 = arith.mulf %gather3A_2065, %get3A_2055 : vector<16xf32>
        %mul3A_2082 = arith.mulf %mul3A_2081, %get3A_2057 : vector<16xf32>
        %add3A_2083 = arith.addf %add3A_2080, %mul3A_2082 : vector<16xf32>
        %add3A_2084 = arith.constant 9.99999974E-6 : f32
        %add3A_2085 = vector.broadcast %add3A_2084 : f32 to vector<16xf32>
        %add3A_2086 = arith.addf %add3A_2083, %add3A_2085 : vector<16xf32>
        %swap3A_2087 = arith.index_cast %mul3A_2052 : i32 to index
        %swap3A_2088 = tpu.vector_load %arg34[%swap3A_2087] {strides = array<i32>} : memref<1024xf32, #tpu.memory_space<vmem>>, vector<16xf32>,
        tpu.vector_store %arg34[%swap3A_2087], %add3A_2083 {strides = array<i32>} : memref<1024xf32, #tpu.memory_space<vmem>>, vector<16xf32>,
        %mul3A_2089 = arith.constant 8 : i32
        %mul3A_2090 = arith.muli %mul3A_2052, %mul3A_2089 : i32
        %add3A_2091 = arith.constant 7 : i32
        %add3A_2092 = arith.addi %mul3A_2090, %add3A_2091 : i32
        %add3A_2093 = vector.broadcast %add3A_2092 : i32 to vector<16xi32>
        %add3A_2094 = arith.addi %mul3A_1328, %add3A_2093 : vector<16xi32>
        tpu.vector_store_idx %arg32[%add3A_2094], %add3A_2083 : memref<8192xf32, #tpu.memory_space<vmem>>[vector<16xi32>], vector<16xf32>,
        %gather3A_2095 = tpu.vector_load_idx %arg24[%add3A_2054, %broadcast_in_dim3A_1329] : memref<1024x8xf32, #tpu.memory_space<vmem>>[vector<16xi32>, vector<16xi32>], vector<16xf32>,
        %gather3A_2096 = tpu.vector_load_idx %arg25[%add3A_2054, %broadcast_in_dim3A_1329] : memref<1024x8xf32, #tpu.memory_space<vmem>>[vector<16xi32>, vector<16xi32>], vector<16xf32>,
        %gather3A_2097 = tpu.vector_load_idx %arg26[%add3A_2054, %broadcast_in_dim3A_1329] : memref<1024x8xf32, #tpu.memory_space<vmem>>[vector<16xi32>, vector<16xi32>], vector<16xf32>,
        %gather3A_2098 = tpu.vector_load_idx %arg27[%add3A_2054, %broadcast_in_dim3A_1329] : memref<1024x8xf32, #tpu.memory_space<vmem>>[vector<16xi32>, vector<16xi32>], vector<16xf32>,
        %mul3A_2099 = arith.mulf %gather3A_2095, %sub3A_2059 : vector<16xf32>
        %mul3A_2100 = arith.mulf %mul3A_2099, %sub3A_2062 : vector<16xf32>
        %mul3A_2101 = arith.mulf %gather3A_2096, %get3A_2055 : vector<16xf32>
        %mul3A_2102 = arith.mulf %mul3A_2101, %sub3A_2062 : vector<16xf32>
        %add3A_2103 = arith.addf %mul3A_2100, %mul3A_2102 : vector<16xf32>
        %mul3A_2104 = arith.mulf %gather3A_2097, %sub3A_2059 : vector<16xf32>
        %mul3A_2105 = arith.mulf %mul3A_2104, %get3A_2057 : vector<16xf32>
        %add3A_2106 = arith.addf %add3A_2103, %mul3A_2105 : vector<16xf32>
        %mul3A_2107 = arith.mulf %gather3A_2098, %get3A_2055 : vector<16xf32>
        %mul3A_2108 = arith.mulf %mul3A_2107, %get3A_2057 : vector<16xf32>
        %add3A_2109 = arith.addf %add3A_2106, %mul3A_2108 : vector<16xf32>
        %mul3A_2110 = arith.constant 8 : i32
        %mul3A_2111 = arith.muli %mul3A_2052, %mul3A_2110 : i32
        %add3A_2112 = arith.constant 0 : i32
        %add3A_2113 = arith.addi %mul3A_2111, %add3A_2112 : i32
        %add3A_2114 = vector.broadcast %add3A_2113 : i32 to vector<16xi32>
        %add3A_2115 = arith.addi %mul3A_1328, %add3A_2114 : vector<16xi32>
        tpu.vector_store_idx %arg32[%add3A_2115], %add3A_2109 : memref<8192xf32, #tpu.memory_space<vmem>>[vector<16xi32>], vector<16xf32>,
        %mul3A_2116 = arith.constant 7 : i32
        %mul3A_2117 = arith.muli %mul3A_2052, %mul3A_2116 : i32
        %add3A_2118 = arith.constant 0 : i32
        %add3A_2119 = arith.addi %mul3A_2117, %add3A_2118 : i32
        %add3A_2120 = vector.broadcast %add3A_2119 : i32 to vector<16xi32>
        %add3A_2121 = arith.addi %mul3A_1325, %add3A_2120 : vector<16xi32>
        %div3A = arith.divf %add3A_2109, %add3A_2086 : vector<16xf32>
        tpu.vector_store_idx %arg33[%add3A_2121], %div3A : memref<7168xf32, #tpu.memory_space<vmem>>[vector<16xi32>], vector<16xf32>,
        %gather3A_2122 = tpu.vector_load_idx %arg24[%add3A_2054, %broadcast_in_dim3A_1331] : memref<1024x8xf32, #tpu.memory_space<vmem>>[vector<16xi32>, vector<16xi32>], vector<16xf32>,
        %gather3A_2123 = tpu.vector_load_idx %arg25[%add3A_2054, %broadcast_in_dim3A_1331] : memref<1024x8xf32, #tpu.memory_space<vmem>>[vector<16xi32>, vector<16xi32>], vector<16xf32>,
        %gather3A_2124 = tpu.vector_load_idx %arg26[%add3A_2054, %broadcast_in_dim3A_1331] : memref<1024x8xf32, #tpu.memory_space<vmem>>[vector<16xi32>, vector<16xi32>], vector<16xf32>,
        %gather3A_2125 = tpu.vector_load_idx %arg27[%add3A_2054, %broadcast_in_dim3A_1331] : memref<1024x8xf32, #tpu.memory_space<vmem>>[vector<16xi32>, vector<16xi32>], vector<16xf32>,
        %mul3A_2126 = arith.mulf %gather3A_2122, %sub3A_2059 : vector<16xf32>
        %mul3A_2127 = arith.mulf %mul3A_2126, %sub3A_2062 : vector<16xf32>
        %mul3A_2128 = arith.mulf %gather3A_2123, %get3A_2055 : vector<16xf32>
        %mul3A_2129 = arith.mulf %mul3A_2128, %sub3A_2062 : vector<16xf32>
        %add3A_2130 = arith.addf %mul3A_2127, %mul3A_2129 : vector<16xf32>
        %mul3A_2131 = arith.mulf %gather3A_2124, %sub3A_2059 : vector<16xf32>
        %mul3A_2132 = arith.mulf %mul3A_2131, %get3A_2057 : vector<16xf32>
        %add3A_2133 = arith.addf %add3A_2130, %mul3A_2132 : vector<16xf32>
        %mul3A_2134 = arith.mulf %gather3A_2125, %get3A_2055 : vector<16xf32>
        %mul3A_2135 = arith.mulf %mul3A_2134, %get3A_2057 : vector<16xf32>
        %add3A_2136 = arith.addf %add3A_2133, %mul3A_2135 : vector<16xf32>
        %mul3A_2137 = arith.constant 8 : i32
        %mul3A_2138 = arith.muli %mul3A_2052, %mul3A_2137 : i32
        %add3A_2139 = arith.constant 1 : i32
        %add3A_2140 = arith.addi %mul3A_2138, %add3A_2139 : i32
        %add3A_2141 = vector.broadcast %add3A_2140 : i32 to vector<16xi32>
        %add3A_2142 = arith.addi %mul3A_1328, %add3A_2141 : vector<16xi32>
        tpu.vector_store_idx %arg32[%add3A_2142], %add3A_2136 : memref<8192xf32, #tpu.memory_space<vmem>>[vector<16xi32>], vector<16xf32>,
        %mul3A_2143 = arith.constant 7 : i32
        %mul3A_2144 = arith.muli %mul3A_2052, %mul3A_2143 : i32
        %add3A_2145 = arith.constant 1 : i32
        %add3A_2146 = arith.addi %mul3A_2144, %add3A_2145 : i32
        %add3A_2147 = vector.broadcast %add3A_2146 : i32 to vector<16xi32>
        %add3A_2148 = arith.addi %mul3A_1325, %add3A_2147 : vector<16xi32>
        %div3A_2149 = arith.divf %add3A_2136, %add3A_2086 : vector<16xf32>
        tpu.vector_store_idx %arg33[%add3A_2148], %div3A_2149 : memref<7168xf32, #tpu.memory_space<vmem>>[vector<16xi32>], vector<16xf32>,
        %gather3A_2150 = tpu.vector_load_idx %arg24[%add3A_2054, %broadcast_in_dim3A_1333] : memref<1024x8xf32, #tpu.memory_space<vmem>>[vector<16xi32>, vector<16xi32>], vector<16xf32>,
        %gather3A_2151 = tpu.vector_load_idx %arg25[%add3A_2054, %broadcast_in_dim3A_1333] : memref<1024x8xf32, #tpu.memory_space<vmem>>[vector<16xi32>, vector<16xi32>], vector<16xf32>,
        %gather3A_2152 = tpu.vector_load_idx %arg26[%add3A_2054, %broadcast_in_dim3A_1333] : memref<1024x8xf32, #tpu.memory_space<vmem>>[vector<16xi32>, vector<16xi32>], vector<16xf32>,
        %gather3A_2153 = tpu.vector_load_idx %arg27[%add3A_2054, %broadcast_in_dim3A_1333] : memref<1024x8xf32, #tpu.memory_space<vmem>>[vector<16xi32>, vector<16xi32>], vector<16xf32>,
        %mul3A_2154 = arith.mulf %gather3A_2150, %sub3A_2059 : vector<16xf32>
        %mul3A_2155 = arith.mulf %mul3A_2154, %sub3A_2062 : vector<16xf32>
        %mul3A_2156 = arith.mulf %gather3A_2151, %get3A_2055 : vector<16xf32>
        %mul3A_2157 = arith.mulf %mul3A_2156, %sub3A_2062 : vector<16xf32>
        %add3A_2158 = arith.addf %mul3A_2155, %mul3A_2157 : vector<16xf32>
        %mul3A_2159 = arith.mulf %gather3A_2152, %sub3A_2059 : vector<16xf32>
        %mul3A_2160 = arith.mulf %mul3A_2159, %get3A_2057 : vector<16xf32>
        %add3A_2161 = arith.addf %add3A_2158, %mul3A_2160 : vector<16xf32>
        %mul3A_2162 = arith.mulf %gather3A_2153, %get3A_2055 : vector<16xf32>
        %mul3A_2163 = arith.mulf %mul3A_2162, %get3A_2057 : vector<16xf32>
        %add3A_2164 = arith.addf %add3A_2161, %mul3A_2163 : vector<16xf32>
        %mul3A_2165 = arith.constant 8 : i32
        %mul3A_2166 = arith.muli %mul3A_2052, %mul3A_2165 : i32
        %add3A_2167 = arith.constant 2 : i32
        %add3A_2168 = arith.addi %mul3A_2166, %add3A_2167 : i32
        %add3A_2169 = vector.broadcast %add3A_2168 : i32 to vector<16xi32>
        %add3A_2170 = arith.addi %mul3A_1328, %add3A_2169 : vector<16xi32>
        tpu.vector_store_idx %arg32[%add3A_2170], %add3A_2164 : memref<8192xf32, #tpu.memory_space<vmem>>[vector<16xi32>], vector<16xf32>,
        %mul3A_2171 = arith.constant 7 : i32
        %mul3A_2172 = arith.muli %mul3A_2052, %mul3A_2171 : i32
        %add3A_2173 = arith.constant 2 : i32
        %add3A_2174 = arith.addi %mul3A_2172, %add3A_2173 : i32
        %add3A_2175 = vector.broadcast %add3A_2174 : i32 to vector<16xi32>
        %add3A_2176 = arith.addi %mul3A_1325, %add3A_2175 : vector<16xi32>
        %div3A_2177 = arith.divf %add3A_2164, %add3A_2086 : vector<16xf32>
        tpu.vector_store_idx %arg33[%add3A_2176], %div3A_2177 : memref<7168xf32, #tpu.memory_space<vmem>>[vector<16xi32>], vector<16xf32>,
        %gather3A_2178 = tpu.vector_load_idx %arg24[%add3A_2054, %broadcast_in_dim3A_1335] : memref<1024x8xf32, #tpu.memory_space<vmem>>[vector<16xi32>, vector<16xi32>], vector<16xf32>,
        %gather3A_2179 = tpu.vector_load_idx %arg25[%add3A_2054, %broadcast_in_dim3A_1335] : memref<1024x8xf32, #tpu.memory_space<vmem>>[vector<16xi32>, vector<16xi32>], vector<16xf32>,
        %gather3A_2180 = tpu.vector_load_idx %arg26[%add3A_2054, %broadcast_in_dim3A_1335] : memref<1024x8xf32, #tpu.memory_space<vmem>>[vector<16xi32>, vector<16xi32>], vector<16xf32>,
        %gather3A_2181 = tpu.vector_load_idx %arg27[%add3A_2054, %broadcast_in_dim3A_1335] : memref<1024x8xf32, #tpu.memory_space<vmem>>[vector<16xi32>, vector<16xi32>], vector<16xf32>,
        %mul3A_2182 = arith.mulf %gather3A_2178, %sub3A_2059 : vector<16xf32>
        %mul3A_2183 = arith.mulf %mul3A_2182, %sub3A_2062 : vector<16xf32>
        %mul3A_2184 = arith.mulf %gather3A_2179, %get3A_2055 : vector<16xf32>
        %mul3A_2185 = arith.mulf %mul3A_2184, %sub3A_2062 : vector<16xf32>
        %add3A_2186 = arith.addf %mul3A_2183, %mul3A_2185 : vector<16xf32>
        %mul3A_2187 = arith.mulf %gather3A_2180, %sub3A_2059 : vector<16xf32>
        %mul3A_2188 = arith.mulf %mul3A_2187, %get3A_2057 : vector<16xf32>
        %add3A_2189 = arith.addf %add3A_2186, %mul3A_2188 : vector<16xf32>
        %mul3A_2190 = arith.mulf %gather3A_2181, %get3A_2055 : vector<16xf32>
        %mul3A_2191 = arith.mulf %mul3A_2190, %get3A_2057 : vector<16xf32>
        %add3A_2192 = arith.addf %add3A_2189, %mul3A_2191 : vector<16xf32>
        %mul3A_2193 = arith.constant 8 : i32
        %mul3A_2194 = arith.muli %mul3A_2052, %mul3A_2193 : i32
        %add3A_2195 = arith.constant 3 : i32
        %add3A_2196 = arith.addi %mul3A_2194, %add3A_2195 : i32
        %add3A_2197 = vector.broadcast %add3A_2196 : i32 to vector<16xi32>
        %add3A_2198 = arith.addi %mul3A_1328, %add3A_2197 : vector<16xi32>
        tpu.vector_store_idx %arg32[%add3A_2198], %add3A_2192 : memref<8192xf32, #tpu.memory_space<vmem>>[vector<16xi32>], vector<16xf32>,
        %mul3A_2199 = arith.constant 7 : i32
        %mul3A_2200 = arith.muli %mul3A_2052, %mul3A_2199 : i32
        %add3A_2201 = arith.constant 3 : i32
        %add3A_2202 = arith.addi %mul3A_2200, %add3A_2201 : i32
        %add3A_2203 = vector.broadcast %add3A_2202 : i32 to vector<16xi32>
        %add3A_2204 = arith.addi %mul3A_1325, %add3A_2203 : vector<16xi32>
        %div3A_2205 = arith.divf %add3A_2192, %add3A_2086 : vector<16xf32>
        tpu.vector_store_idx %arg33[%add3A_2204], %div3A_2205 : memref<7168xf32, #tpu.memory_space<vmem>>[vector<16xi32>], vector<16xf32>,
        %gather3A_2206 = tpu.vector_load_idx %arg24[%add3A_2054, %broadcast_in_dim3A_1337] : memref<1024x8xf32, #tpu.memory_space<vmem>>[vector<16xi32>, vector<16xi32>], vector<16xf32>,
        %gather3A_2207 = tpu.vector_load_idx %arg25[%add3A_2054, %broadcast_in_dim3A_1337] : memref<1024x8xf32, #tpu.memory_space<vmem>>[vector<16xi32>, vector<16xi32>], vector<16xf32>,
        %gather3A_2208 = tpu.vector_load_idx %arg26[%add3A_2054, %broadcast_in_dim3A_1337] : memref<1024x8xf32, #tpu.memory_space<vmem>>[vector<16xi32>, vector<16xi32>], vector<16xf32>,
        %gather3A_2209 = tpu.vector_load_idx %arg27[%add3A_2054, %broadcast_in_dim3A_1337] : memref<1024x8xf32, #tpu.memory_space<vmem>>[vector<16xi32>, vector<16xi32>], vector<16xf32>,
        %mul3A_2210 = arith.mulf %gather3A_2206, %sub3A_2059 : vector<16xf32>
        %mul3A_2211 = arith.mulf %mul3A_2210, %sub3A_2062 : vector<16xf32>
        %mul3A_2212 = arith.mulf %gather3A_2207, %get3A_2055 : vector<16xf32>
        %mul3A_2213 = arith.mulf %mul3A_2212, %sub3A_2062 : vector<16xf32>
        %add3A_2214 = arith.addf %mul3A_2211, %mul3A_2213 : vector<16xf32>
        %mul3A_2215 = arith.mulf %gather3A_2208, %sub3A_2059 : vector<16xf32>
        %mul3A_2216 = arith.mulf %mul3A_2215, %get3A_2057 : vector<16xf32>
        %add3A_2217 = arith.addf %add3A_2214, %mul3A_2216 : vector<16xf32>
        %mul3A_2218 = arith.mulf %gather3A_2209, %get3A_2055 : vector<16xf32>
        %mul3A_2219 = arith.mulf %mul3A_2218, %get3A_2057 : vector<16xf32>
        %add3A_2220 = arith.addf %add3A_2217, %mul3A_2219 : vector<16xf32>
        %mul3A_2221 = arith.constant 8 : i32
        %mul3A_2222 = arith.muli %mul3A_2052, %mul3A_2221 : i32
        %add3A_2223 = arith.constant 4 : i32
        %add3A_2224 = arith.addi %mul3A_2222, %add3A_2223 : i32
        %add3A_2225 = vector.broadcast %add3A_2224 : i32 to vector<16xi32>
        %add3A_2226 = arith.addi %mul3A_1328, %add3A_2225 : vector<16xi32>
        tpu.vector_store_idx %arg32[%add3A_2226], %add3A_2220 : memref<8192xf32, #tpu.memory_space<vmem>>[vector<16xi32>], vector<16xf32>,
        %mul3A_2227 = arith.constant 7 : i32
        %mul3A_2228 = arith.muli %mul3A_2052, %mul3A_2227 : i32
        %add3A_2229 = arith.constant 4 : i32
        %add3A_2230 = arith.addi %mul3A_2228, %add3A_2229 : i32
        %add3A_2231 = vector.broadcast %add3A_2230 : i32 to vector<16xi32>
        %add3A_2232 = arith.addi %mul3A_1325, %add3A_2231 : vector<16xi32>
        %div3A_2233 = arith.divf %add3A_2220, %add3A_2086 : vector<16xf32>
        tpu.vector_store_idx %arg33[%add3A_2232], %div3A_2233 : memref<7168xf32, #tpu.memory_space<vmem>>[vector<16xi32>], vector<16xf32>,
        %gather3A_2234 = tpu.vector_load_idx %arg24[%add3A_2054, %broadcast_in_dim3A_1339] : memref<1024x8xf32, #tpu.memory_space<vmem>>[vector<16xi32>, vector<16xi32>], vector<16xf32>,
        %gather3A_2235 = tpu.vector_load_idx %arg25[%add3A_2054, %broadcast_in_dim3A_1339] : memref<1024x8xf32, #tpu.memory_space<vmem>>[vector<16xi32>, vector<16xi32>], vector<16xf32>,
        %gather3A_2236 = tpu.vector_load_idx %arg26[%add3A_2054, %broadcast_in_dim3A_1339] : memref<1024x8xf32, #tpu.memory_space<vmem>>[vector<16xi32>, vector<16xi32>], vector<16xf32>,
        %gather3A_2237 = tpu.vector_load_idx %arg27[%add3A_2054, %broadcast_in_dim3A_1339] : memref<1024x8xf32, #tpu.memory_space<vmem>>[vector<16xi32>, vector<16xi32>], vector<16xf32>,
        %mul3A_2238 = arith.mulf %gather3A_2234, %sub3A_2059 : vector<16xf32>
        %mul3A_2239 = arith.mulf %mul3A_2238, %sub3A_2062 : vector<16xf32>
        %mul3A_2240 = arith.mulf %gather3A_2235, %get3A_2055 : vector<16xf32>
        %mul3A_2241 = arith.mulf %mul3A_2240, %sub3A_2062 : vector<16xf32>
        %add3A_2242 = arith.addf %mul3A_2239, %mul3A_2241 : vector<16xf32>
        %mul3A_2243 = arith.mulf %gather3A_2236, %sub3A_2059 : vector<16xf32>
        %mul3A_2244 = arith.mulf %mul3A_2243, %get3A_2057 : vector<16xf32>
        %add3A_2245 = arith.addf %add3A_2242, %mul3A_2244 : vector<16xf32>
        %mul3A_2246 = arith.mulf %gather3A_2237, %get3A_2055 : vector<16xf32>
        %mul3A_2247 = arith.mulf %mul3A_2246, %get3A_2057 : vector<16xf32>
        %add3A_2248 = arith.addf %add3A_2245, %mul3A_2247 : vector<16xf32>
        %mul3A_2249 = arith.constant 8 : i32
        %mul3A_2250 = arith.muli %mul3A_2052, %mul3A_2249 : i32
        %add3A_2251 = arith.constant 5 : i32
        %add3A_2252 = arith.addi %mul3A_2250, %add3A_2251 : i32
        %add3A_2253 = vector.broadcast %add3A_2252 : i32 to vector<16xi32>
        %add3A_2254 = arith.addi %mul3A_1328, %add3A_2253 : vector<16xi32>
        tpu.vector_store_idx %arg32[%add3A_2254], %add3A_2248 : memref<8192xf32, #tpu.memory_space<vmem>>[vector<16xi32>], vector<16xf32>,
        %mul3A_2255 = arith.constant 7 : i32
        %mul3A_2256 = arith.muli %mul3A_2052, %mul3A_2255 : i32
        %add3A_2257 = arith.constant 5 : i32
        %add3A_2258 = arith.addi %mul3A_2256, %add3A_2257 : i32
        %add3A_2259 = vector.broadcast %add3A_2258 : i32 to vector<16xi32>
        %add3A_2260 = arith.addi %mul3A_1325, %add3A_2259 : vector<16xi32>
        %div3A_2261 = arith.divf %add3A_2248, %add3A_2086 : vector<16xf32>
        tpu.vector_store_idx %arg33[%add3A_2260], %div3A_2261 : memref<7168xf32, #tpu.memory_space<vmem>>[vector<16xi32>], vector<16xf32>,
        %gather3A_2262 = tpu.vector_load_idx %arg24[%add3A_2054, %broadcast_in_dim3A_1341] : memref<1024x8xf32, #tpu.memory_space<vmem>>[vector<16xi32>, vector<16xi32>], vector<16xf32>,
        %gather3A_2263 = tpu.vector_load_idx %arg25[%add3A_2054, %broadcast_in_dim3A_1341] : memref<1024x8xf32, #tpu.memory_space<vmem>>[vector<16xi32>, vector<16xi32>], vector<16xf32>,
        %gather3A_2264 = tpu.vector_load_idx %arg26[%add3A_2054, %broadcast_in_dim3A_1341] : memref<1024x8xf32, #tpu.memory_space<vmem>>[vector<16xi32>, vector<16xi32>], vector<16xf32>,
        %gather3A_2265 = tpu.vector_load_idx %arg27[%add3A_2054, %broadcast_in_dim3A_1341] : memref<1024x8xf32, #tpu.memory_space<vmem>>[vector<16xi32>, vector<16xi32>], vector<16xf32>,
        %mul3A_2266 = arith.mulf %gather3A_2262, %sub3A_2059 : vector<16xf32>
        %mul3A_2267 = arith.mulf %mul3A_2266, %sub3A_2062 : vector<16xf32>
        %mul3A_2268 = arith.mulf %gather3A_2263, %get3A_2055 : vector<16xf32>
        %mul3A_2269 = arith.mulf %mul3A_2268, %sub3A_2062 : vector<16xf32>
        %add3A_2270 = arith.addf %mul3A_2267, %mul3A_2269 : vector<16xf32>
        %mul3A_2271 = arith.mulf %gather3A_2264, %sub3A_2059 : vector<16xf32>
        %mul3A_2272 = arith.mulf %mul3A_2271, %get3A_2057 : vector<16xf32>
        %add3A_2273 = arith.addf %add3A_2270, %mul3A_2272 : vector<16xf32>
        %mul3A_2274 = arith.mulf %gather3A_2265, %get3A_2055 : vector<16xf32>
        %mul3A_2275 = arith.mulf %mul3A_2274, %get3A_2057 : vector<16xf32>
        %add3A_2276 = arith.addf %add3A_2273, %mul3A_2275 : vector<16xf32>
        %mul3A_2277 = arith.constant 8 : i32
        %mul3A_2278 = arith.muli %mul3A_2052, %mul3A_2277 : i32
        %add3A_2279 = arith.constant 6 : i32
        %add3A_2280 = arith.addi %mul3A_2278, %add3A_2279 : i32
        %add3A_2281 = vector.broadcast %add3A_2280 : i32 to vector<16xi32>
        %add3A_2282 = arith.addi %mul3A_1328, %add3A_2281 : vector<16xi32>
        tpu.vector_store_idx %arg32[%add3A_2282], %add3A_2276 : memref<8192xf32, #tpu.memory_space<vmem>>[vector<16xi32>], vector<16xf32>,
        %mul3A_2283 = arith.constant 7 : i32
        %mul3A_2284 = arith.muli %mul3A_2052, %mul3A_2283 : i32
        %add3A_2285 = arith.constant 6 : i32
        %add3A_2286 = arith.addi %mul3A_2284, %add3A_2285 : i32
        %add3A_2287 = vector.broadcast %add3A_2286 : i32 to vector<16xi32>
        %add3A_2288 = arith.addi %mul3A_1325, %add3A_2287 : vector<16xi32>
        %div3A_2289 = arith.divf %add3A_2276, %add3A_2086 : vector<16xf32>
        tpu.vector_store_idx %arg33[%add3A_2288], %div3A_2289 : memref<7168xf32, #tpu.memory_space<vmem>>[vector<16xi32>], vector<16xf32>,
      }
      %scan3A_1349 = arith.constant 64 : i32
      %mul3A_1350 = arith.constant 7 : i32
      %mul3A_1351 = arith.muli %add3A_1001, %mul3A_1350 : i32
      "tpu.region"() ({
        %run_scoped3A = tpu.sem_alloc : memref<!tpu.dma_semaphore, #tpu.memory_space<semaphore_mem>>
        %dma_start3A_2050 = tpu.memref_slice %arg4[%mul3A_1351] : memref<7340032xf32, #tpu.memory_space<hbm>> -> memref<7168xf32, #tpu.memory_space<hbm>>
        %dma_start3A_2051 = tpu.memref_slice %arg4[%mul3A_1351] : memref<7340032xf32, #tpu.memory_space<hbm>> -> memref<7168xf32, #tpu.memory_space<hbm>>
        tpu.enqueue_dma source(%arg33 : memref<7168xf32, #tpu.memory_space<vmem>>) target(%dma_start3A_2051 : memref<7168xf32, #tpu.memory_space<hbm>>) target_semaphore(%run_scoped3A : memref<!tpu.dma_semaphore, #tpu.memory_space<semaphore_mem>>)
        %dma_wait3A_2052 = tpu.memref_slice %arg4[%mul3A_1351] : memref<7340032xf32, #tpu.memory_space<hbm>> -> memref<7168xf32, #tpu.memory_space<hbm>>
        %dma_wait3A_2053 = tpu.memref_slice %arg4[%mul3A_1351] : memref<7340032xf32, #tpu.memory_space<hbm>> -> memref<7168xf32, #tpu.memory_space<hbm>>
        tpu.wait_dma2 semaphore(%run_scoped3A : memref<!tpu.dma_semaphore, #tpu.memory_space<semaphore_mem>>) src(%arg33 : memref<7168xf32, #tpu.memory_space<vmem>>) dst(%dma_wait3A_2053 : memref<7168xf32, #tpu.memory_space<hbm>>)
        tpu.yield
      }) : () -> ()
      "tpu.region"() ({
        %run_scoped3A = tpu.sem_alloc : memref<!tpu.dma_semaphore, #tpu.memory_space<semaphore_mem>>
        %dma_start3A_2050 = tpu.memref_slice %arg5[%add3A_1001] : memref<1048576xf32, #tpu.memory_space<hbm>> -> memref<1024xf32, #tpu.memory_space<hbm>>
        %dma_start3A_2051 = tpu.memref_slice %arg5[%add3A_1001] : memref<1048576xf32, #tpu.memory_space<hbm>> -> memref<1024xf32, #tpu.memory_space<hbm>>
        tpu.enqueue_dma source(%arg34 : memref<1024xf32, #tpu.memory_space<vmem>>) target(%dma_start3A_2051 : memref<1024xf32, #tpu.memory_space<hbm>>) target_semaphore(%run_scoped3A : memref<!tpu.dma_semaphore, #tpu.memory_space<semaphore_mem>>)
        %dma_wait3A_2052 = tpu.memref_slice %arg5[%add3A_1001] : memref<1048576xf32, #tpu.memory_space<hbm>> -> memref<1024xf32, #tpu.memory_space<hbm>>
        %dma_wait3A_2053 = tpu.memref_slice %arg5[%add3A_1001] : memref<1048576xf32, #tpu.memory_space<hbm>> -> memref<1024xf32, #tpu.memory_space<hbm>>
        tpu.wait_dma2 semaphore(%run_scoped3A : memref<!tpu.dma_semaphore, #tpu.memory_space<semaphore_mem>>) src(%arg34 : memref<1024xf32, #tpu.memory_space<vmem>>) dst(%dma_wait3A_2053 : memref<1024xf32, #tpu.memory_space<hbm>>)
        tpu.yield
      }) : () -> ()
      %mul3A_1352 = arith.constant 8 : i32
      %mul3A_1353 = arith.muli %add3A_1001, %mul3A_1352 : i32
      "tpu.region"() ({
        %run_scoped3A = tpu.sem_alloc : memref<!tpu.dma_semaphore, #tpu.memory_space<semaphore_mem>>
        %dma_start3A_2050 = tpu.memref_slice %arg6[%mul3A_1353] : memref<8388608xf32, #tpu.memory_space<hbm>> -> memref<8192xf32, #tpu.memory_space<hbm>>
        %dma_start3A_2051 = tpu.memref_slice %arg6[%mul3A_1353] : memref<8388608xf32, #tpu.memory_space<hbm>> -> memref<8192xf32, #tpu.memory_space<hbm>>
        tpu.enqueue_dma source(%arg32 : memref<8192xf32, #tpu.memory_space<vmem>>) target(%dma_start3A_2051 : memref<8192xf32, #tpu.memory_space<hbm>>) target_semaphore(%run_scoped3A : memref<!tpu.dma_semaphore, #tpu.memory_space<semaphore_mem>>)
        %dma_wait3A_2052 = tpu.memref_slice %arg6[%mul3A_1353] : memref<8388608xf32, #tpu.memory_space<hbm>> -> memref<8192xf32, #tpu.memory_space<hbm>>
        %dma_wait3A_2053 = tpu.memref_slice %arg6[%mul3A_1353] : memref<8388608xf32, #tpu.memory_space<hbm>> -> memref<8192xf32, #tpu.memory_space<hbm>>
        tpu.wait_dma2 semaphore(%run_scoped3A : memref<!tpu.dma_semaphore, #tpu.memory_space<semaphore_mem>>) src(%arg32 : memref<8192xf32, #tpu.memory_space<vmem>>) dst(%dma_wait3A_2053 : memref<8192xf32, #tpu.memory_space<hbm>>)
        tpu.yield
      }) : () -> ()
      "tpu.region"() ({
        %run_scoped3A = tpu.sem_alloc : memref<!tpu.dma_semaphore, #tpu.memory_space<semaphore_mem>>
        %dma_start3A_2050 = tpu.memref_slice %arg7[%add3A_1001] : memref<1048576xf32, #tpu.memory_space<hbm>> -> memref<1024xf32, #tpu.memory_space<hbm>>
        %dma_start3A_2051 = tpu.memref_slice %arg7[%add3A_1001] : memref<1048576xf32, #tpu.memory_space<hbm>> -> memref<1024xf32, #tpu.memory_space<hbm>>
        tpu.enqueue_dma source(%arg35 : memref<1024xf32, #tpu.memory_space<vmem>>) target(%dma_start3A_2051 : memref<1024xf32, #tpu.memory_space<hbm>>) target_semaphore(%run_scoped3A : memref<!tpu.dma_semaphore, #tpu.memory_space<semaphore_mem>>)
        %dma_wait3A_2052 = tpu.memref_slice %arg7[%add3A_1001] : memref<1048576xf32, #tpu.memory_space<hbm>> -> memref<1024xf32, #tpu.memory_space<hbm>>
        %dma_wait3A_2053 = tpu.memref_slice %arg7[%add3A_1001] : memref<1048576xf32, #tpu.memory_space<hbm>> -> memref<1024xf32, #tpu.memory_space<hbm>>
        tpu.wait_dma2 semaphore(%run_scoped3A : memref<!tpu.dma_semaphore, #tpu.memory_space<semaphore_mem>>) src(%arg35 : memref<1024xf32, #tpu.memory_space<vmem>>) dst(%dma_wait3A_2053 : memref<1024xf32, #tpu.memory_space<hbm>>)
        tpu.yield
      }) : () -> ()
      "tpu.region"() ({
        %run_scoped3A = tpu.sem_alloc : memref<!tpu.dma_semaphore, #tpu.memory_space<semaphore_mem>>
        %dma_start3A_2050 = tpu.memref_slice %arg8[%add3A_1001] : memref<1048576xf32, #tpu.memory_space<hbm>> -> memref<1024xf32, #tpu.memory_space<hbm>>
        %dma_start3A_2051 = tpu.memref_slice %arg8[%add3A_1001] : memref<1048576xf32, #tpu.memory_space<hbm>> -> memref<1024xf32, #tpu.memory_space<hbm>>
        tpu.enqueue_dma source(%arg36 : memref<1024xf32, #tpu.memory_space<vmem>>) target(%dma_start3A_2051 : memref<1024xf32, #tpu.memory_space<hbm>>) target_semaphore(%run_scoped3A : memref<!tpu.dma_semaphore, #tpu.memory_space<semaphore_mem>>)
        %dma_wait3A_2052 = tpu.memref_slice %arg8[%add3A_1001] : memref<1048576xf32, #tpu.memory_space<hbm>> -> memref<1024xf32, #tpu.memory_space<hbm>>
        %dma_wait3A_2053 = tpu.memref_slice %arg8[%add3A_1001] : memref<1048576xf32, #tpu.memory_space<hbm>> -> memref<1024xf32, #tpu.memory_space<hbm>>
        tpu.wait_dma2 semaphore(%run_scoped3A : memref<!tpu.dma_semaphore, #tpu.memory_space<semaphore_mem>>) src(%arg36 : memref<1024xf32, #tpu.memory_space<vmem>>) dst(%dma_wait3A_2053 : memref<1024xf32, #tpu.memory_space<hbm>>)
        tpu.yield
      }) : () -> ()
      "tpu.region"() ({
        %run_scoped3A = tpu.sem_alloc : memref<!tpu.dma_semaphore, #tpu.memory_space<semaphore_mem>>
        %dma_start3A_2050 = tpu.memref_slice %arg9[%add3A_1001] : memref<1048576xf32, #tpu.memory_space<hbm>> -> memref<1024xf32, #tpu.memory_space<hbm>>
        %dma_start3A_2051 = tpu.memref_slice %arg9[%add3A_1001] : memref<1048576xf32, #tpu.memory_space<hbm>> -> memref<1024xf32, #tpu.memory_space<hbm>>
        tpu.enqueue_dma source(%arg37 : memref<1024xf32, #tpu.memory_space<vmem>>) target(%dma_start3A_2051 : memref<1024xf32, #tpu.memory_space<hbm>>) target_semaphore(%run_scoped3A : memref<!tpu.dma_semaphore, #tpu.memory_space<semaphore_mem>>)
        %dma_wait3A_2052 = tpu.memref_slice %arg9[%add3A_1001] : memref<1048576xf32, #tpu.memory_space<hbm>> -> memref<1024xf32, #tpu.memory_space<hbm>>
        %dma_wait3A_2053 = tpu.memref_slice %arg9[%add3A_1001] : memref<1048576xf32, #tpu.memory_space<hbm>> -> memref<1024xf32, #tpu.memory_space<hbm>>
        tpu.wait_dma2 semaphore(%run_scoped3A : memref<!tpu.dma_semaphore, #tpu.memory_space<semaphore_mem>>) src(%arg37 : memref<1024xf32, #tpu.memory_space<vmem>>) dst(%dma_wait3A_2053 : memref<1024xf32, #tpu.memory_space<hbm>>)
        tpu.yield
      }) : () -> ()
      "tpu.region"() ({
        %run_scoped3A = tpu.sem_alloc : memref<!tpu.dma_semaphore, #tpu.memory_space<semaphore_mem>>
        %dma_start3A_2050 = tpu.memref_slice %arg10[%add3A_1001] : memref<1048576xf32, #tpu.memory_space<hbm>> -> memref<1024xf32, #tpu.memory_space<hbm>>
        %dma_start3A_2051 = tpu.memref_slice %arg10[%add3A_1001] : memref<1048576xf32, #tpu.memory_space<hbm>> -> memref<1024xf32, #tpu.memory_space<hbm>>
        tpu.enqueue_dma source(%arg38 : memref<1024xf32, #tpu.memory_space<vmem>>) target(%dma_start3A_2051 : memref<1024xf32, #tpu.memory_space<hbm>>) target_semaphore(%run_scoped3A : memref<!tpu.dma_semaphore, #tpu.memory_space<semaphore_mem>>)
        %dma_wait3A_2052 = tpu.memref_slice %arg10[%add3A_1001] : memref<1048576xf32, #tpu.memory_space<hbm>> -> memref<1024xf32, #tpu.memory_space<hbm>>
        %dma_wait3A_2053 = tpu.memref_slice %arg10[%add3A_1001] : memref<1048576xf32, #tpu.memory_space<hbm>> -> memref<1024xf32, #tpu.memory_space<hbm>>
        tpu.wait_dma2 semaphore(%run_scoped3A : memref<!tpu.dma_semaphore, #tpu.memory_space<semaphore_mem>>) src(%arg38 : memref<1024xf32, #tpu.memory_space<vmem>>) dst(%dma_wait3A_2053 : memref<1024xf32, #tpu.memory_space<hbm>>)
        tpu.yield
      }) : () -> ()
      %add3A_1354 = arith.constant 2 : i32
      %add3A_1355 = arith.addi %mul3A_661, %add3A_1354 : i32
      %rem3A = arith.constant 32 : i32
      %rem3A_1356 = arith.remsi %add3A_1355, %rem3A : i32
      %mul3A_1357 = arith.constant 1024 : i32
      %mul3A_1358 = arith.muli %rem3A_1356, %mul3A_1357 : i32
      %add3A_1359 = arith.addi %mul3A_2, %mul3A_1358 : i32
      %mul3A_1360 = arith.constant 2 : i32
      %mul3A_1361 = arith.muli %add3A_1359, %mul3A_1360 : i32
      "tpu.region"() ({
        %run_scoped3A = tpu.sem_alloc : memref<!tpu.dma_semaphore, #tpu.memory_space<semaphore_mem>>
        %dma_start3A_2050 = tpu.memref_slice %arg3[%mul3A_1361] : memref<2097152xf32, #tpu.memory_space<hbm>> -> memref<2048xf32, #tpu.memory_space<hbm>>
        %dma_start3A_2051 = tpu.memref_slice %arg3[%mul3A_1361] : memref<2097152xf32, #tpu.memory_space<hbm>> -> memref<2048xf32, #tpu.memory_space<hbm>>
        tpu.enqueue_dma source(%dma_start3A_2051 : memref<2048xf32, #tpu.memory_space<hbm>>) target(%arg11 : memref<2048xf32, #tpu.memory_space<vmem>>) target_semaphore(%run_scoped3A : memref<!tpu.dma_semaphore, #tpu.memory_space<semaphore_mem>>)
        %dma_wait3A_2052 = tpu.memref_slice %arg3[%mul3A_1361] : memref<2097152xf32, #tpu.memory_space<hbm>> -> memref<2048xf32, #tpu.memory_space<hbm>>
        %dma_wait3A_2053 = tpu.memref_slice %arg3[%mul3A_1361] : memref<2097152xf32, #tpu.memory_space<hbm>> -> memref<2048xf32, #tpu.memory_space<hbm>>
        tpu.wait_dma2 semaphore(%run_scoped3A : memref<!tpu.dma_semaphore, #tpu.memory_space<semaphore_mem>>) src(%dma_wait3A_2053 : memref<2048xf32, #tpu.memory_space<hbm>>) dst(%arg11 : memref<2048xf32, #tpu.memory_space<vmem>>)
        tpu.yield
      }) : () -> ()
      %iota3A_1362 = tpu.iota {dimensions = array<i32: 0>} : vector<16xi32>
      %mul3A_1363 = arith.constant 2 : i32
      %mul3A_1364 = vector.broadcast %mul3A_1363 : i32 to vector<16xi32>
      %mul3A_1365 = arith.muli %iota3A_1362, %mul3A_1364 : vector<16xi32>
      %scan3A_1366 = arith.constant 0 : i32
      %scan3A_1367 = arith.constant 0 : i32
      %scan3A_1368 = arith.constant 64 : i32
      %scan3A_1369 = arith.addi %scan3A_1367, %scan3A_1368 : i32
      %scan3A_1370 = arith.constant 1 : i32
      scf.for %scan3A_2050 = %scan3A_1367 to %scan3A_1369 step %scan3A_1370  : i32 {
        %jit3A = arith.constant 8 : i32
        %div3A = arith.divsi %scan3A_2050, %jit3A : i32
        %sign3A = arith.constant 0 : i32
        %sign3A_2051 = arith.cmpi sgt, %scan3A_2050, %sign3A : i32
        %sign3A_2052 = arith.extui %sign3A_2051 : i1 to i32
        %sign3A_2053 = arith.constant 0 : i32
        %sign3A_2054 = arith.cmpi slt, %scan3A_2050, %sign3A_2053 : i32
        %sign3A_2055 = arith.extui %sign3A_2054 : i1 to i32
        %sign3A_2056 = arith.subi %sign3A_2052, %sign3A_2055 : i32
        %sign3A_2057 = arith.constant 0 : i32
        %sign3A_2058 = arith.cmpi sgt, %jit3A, %sign3A_2057 : i32
        %sign3A_2059 = arith.extui %sign3A_2058 : i1 to i32
        %sign3A_2060 = arith.constant 0 : i32
        %sign3A_2061 = arith.cmpi slt, %jit3A, %sign3A_2060 : i32
        %sign3A_2062 = arith.extui %sign3A_2061 : i1 to i32
        %sign3A_2063 = arith.subi %sign3A_2059, %sign3A_2062 : i32
        %ne3A = arith.cmpi ne, %sign3A_2056, %sign3A_2063 : i32
        %rem3A_2064 = arith.remsi %scan3A_2050, %jit3A : i32
        %ne3A_2065 = arith.constant 0 : i32
        %ne3A_2066 = arith.cmpi ne, %rem3A_2064, %ne3A_2065 : i32
        %and3A = arith.andi %ne3A, %ne3A_2066 : i1
        %sub3A = arith.constant 1 : i32
        %sub3A_2067 = arith.subi %div3A, %sub3A : i32
        %select_n3A = arith.select %and3A, %sub3A_2067, %div3A : i32
        %jit3A_2068 = arith.constant 8 : i32
        %eq3A = arith.constant 0 : i32
        %eq3A_2069 = arith.cmpi eq, %jit3A_2068, %eq3A : i32
        %jit3A_2070 = arith.constant 1 : i32
        %select_n3A_2071 = arith.select %eq3A_2069, %jit3A_2070, %jit3A_2068 : i32
        %rem3A_2072 = arith.remsi %scan3A_2050, %select_n3A_2071 : i32
        %ne3A_2073 = arith.constant 0 : i32
        %ne3A_2074 = arith.cmpi ne, %rem3A_2072, %ne3A_2073 : i32
        %lt3A = arith.constant 0 : i32
        %lt3A_2075 = arith.cmpi slt, %rem3A_2072, %lt3A : i32
        %lt3A_2076 = arith.constant 0 : i32
        %lt3A_2077 = arith.cmpi slt, %select_n3A_2071, %lt3A_2076 : i32
        %ne3A_2078 = arith.xori %lt3A_2075, %lt3A_2077 : i1
        %and3A_2079 = arith.andi %ne3A_2078, %ne3A_2074 : i1
        %add3A_2080 = arith.addi %rem3A_2072, %select_n3A_2071 : i32
        %select_n3A_2081 = arith.select %and3A_2079, %add3A_2080, %rem3A_2072 : i32
        %mul3A_2082 = arith.constant 16 : i32
        %mul3A_2083 = arith.muli %select_n3A_2081, %mul3A_2082 : i32
        %mul3A_2084 = arith.constant 32 : i32
        %mul3A_2085 = arith.muli %scan3A_2050, %mul3A_2084 : i32
        %add3A_2086 = vector.broadcast %mul3A_2085 : i32 to vector<16xi32>
        %add3A_2087 = arith.addi %mul3A_1365, %add3A_2086 : vector<16xi32>
        %gather3A = tpu.vector_load_idx %arg11[%add3A_2087] : memref<2048xf32, #tpu.memory_space<vmem>>[vector<16xi32>], vector<16xf32>,
        %add3A_2088 = arith.constant 1 : i32
        %add3A_2089 = vector.broadcast %add3A_2088 : i32 to vector<16xi32>
        %add3A_2090 = arith.addi %add3A_2087, %add3A_2089 : vector<16xi32>
        %gather3A_2091 = tpu.vector_load_idx %arg11[%add3A_2090] : memref<2048xf32, #tpu.memory_space<vmem>>[vector<16xi32>], vector<16xf32>,
        %mul3A_2092 = arith.constant 2.047000e+03 : f32
        %mul3A_2093 = vector.broadcast %mul3A_2092 : f32 to vector<16xf32>
        %mul3A_2094 = arith.mulf %gather3A, %mul3A_2093 : vector<16xf32>
        %mul3A_2095 = arith.constant 2.047000e+03 : f32
        %mul3A_2096 = vector.broadcast %mul3A_2095 : f32 to vector<16xf32>
        %mul3A_2097 = arith.mulf %gather3A_2091, %mul3A_2096 : vector<16xf32>
        %convert_element_type3A = arith.fptosi %mul3A_2094 : vector<16xf32> to vector<16xi32>
        %min3A = arith.constant 2046 : i32
        %min3A_2098 = vector.broadcast %min3A : i32 to vector<16xi32>
        %min3A_2099 = arith.minsi %convert_element_type3A, %min3A_2098 : vector<16xi32>
        %convert_element_type3A_2100 = arith.fptosi %mul3A_2097 : vector<16xf32> to vector<16xi32>
        %min3A_2101 = arith.constant 2046 : i32
        %min3A_2102 = vector.broadcast %min3A_2101 : i32 to vector<16xi32>
        %min3A_2103 = arith.minsi %convert_element_type3A_2100, %min3A_2102 : vector<16xi32>
        %convert_element_type3A_2104 = arith.sitofp %min3A_2099 : vector<16xi32> to vector<16xf32>
        %sub3A_2105 = arith.subf %mul3A_2094, %convert_element_type3A_2104 : vector<16xf32>
        %convert_element_type3A_2106 = arith.sitofp %min3A_2103 : vector<16xi32> to vector<16xf32>
        %sub3A_2107 = arith.subf %mul3A_2097, %convert_element_type3A_2106 : vector<16xf32>
        %shift_left3A = arith.constant 11 : i32
        %shift_left3A_2108 = vector.broadcast %shift_left3A : i32 to vector<16xi32>
        %shift_left3A_2109 = arith.shli %min3A_2103, %shift_left3A_2108 : vector<16xi32>
        %add3A_2110 = arith.addi %shift_left3A_2109, %min3A_2099 : vector<16xi32>
        %swap3A = arith.index_cast %select_n3A : i32 to index
        %swap3A_2111 = arith.index_cast %mul3A_2083 : i32 to index
        %swap3A_2112 = tpu.vector_load %arg12[%swap3A, %swap3A_2111] {strides = array<i32>} : memref<8x128xi32, #tpu.memory_space<vmem>>, vector<16xi32>,
        tpu.vector_store %arg12[%swap3A, %swap3A_2111], %add3A_2110 {strides = array<i32>} : memref<8x128xi32, #tpu.memory_space<vmem>>, vector<16xi32>,
        %add3A_2113 = arith.constant 1 : i32
        %add3A_2114 = vector.broadcast %add3A_2113 : i32 to vector<16xi32>
        %add3A_2115 = arith.addi %add3A_2110, %add3A_2114 : vector<16xi32>
        %swap3A_2116 = arith.index_cast %select_n3A : i32 to index
        %swap3A_2117 = arith.index_cast %mul3A_2083 : i32 to index
        %swap3A_2118 = tpu.vector_load %arg13[%swap3A_2116, %swap3A_2117] {strides = array<i32>} : memref<8x128xi32, #tpu.memory_space<vmem>>, vector<16xi32>,
        tpu.vector_store %arg13[%swap3A_2116, %swap3A_2117], %add3A_2115 {strides = array<i32>} : memref<8x128xi32, #tpu.memory_space<vmem>>, vector<16xi32>,
        %add3A_2119 = arith.constant 2048 : i32
        %add3A_2120 = vector.broadcast %add3A_2119 : i32 to vector<16xi32>
        %add3A_2121 = arith.addi %add3A_2110, %add3A_2120 : vector<16xi32>
        %swap3A_2122 = arith.index_cast %select_n3A : i32 to index
        %swap3A_2123 = arith.index_cast %mul3A_2083 : i32 to index
        %swap3A_2124 = tpu.vector_load %arg14[%swap3A_2122, %swap3A_2123] {strides = array<i32>} : memref<8x128xi32, #tpu.memory_space<vmem>>, vector<16xi32>,
        tpu.vector_store %arg14[%swap3A_2122, %swap3A_2123], %add3A_2121 {strides = array<i32>} : memref<8x128xi32, #tpu.memory_space<vmem>>, vector<16xi32>,
        %add3A_2125 = arith.constant 2048 : i32
        %add3A_2126 = vector.broadcast %add3A_2125 : i32 to vector<16xi32>
        %add3A_2127 = arith.addi %add3A_2110, %add3A_2126 : vector<16xi32>
        %add3A_2128 = arith.constant 1 : i32
        %add3A_2129 = vector.broadcast %add3A_2128 : i32 to vector<16xi32>
        %add3A_2130 = arith.addi %add3A_2127, %add3A_2129 : vector<16xi32>
        %swap3A_2131 = arith.index_cast %select_n3A : i32 to index
        %swap3A_2132 = arith.index_cast %mul3A_2083 : i32 to index
        %swap3A_2133 = tpu.vector_load %arg15[%swap3A_2131, %swap3A_2132] {strides = array<i32>} : memref<8x128xi32, #tpu.memory_space<vmem>>, vector<16xi32>,
        tpu.vector_store %arg15[%swap3A_2131, %swap3A_2132], %add3A_2130 {strides = array<i32>} : memref<8x128xi32, #tpu.memory_space<vmem>>, vector<16xi32>,
        %mul3A_2134 = arith.constant 16 : i32
        %mul3A_2135 = arith.muli %scan3A_2050, %mul3A_2134 : i32
        %swap3A_2136 = arith.index_cast %mul3A_2135 : i32 to index
        %swap3A_2137 = tpu.vector_load %arg20[%swap3A_2136] {strides = array<i32>} : memref<1024xf32, #tpu.memory_space<vmem>>, vector<16xf32>,
        tpu.vector_store %arg20[%swap3A_2136], %sub3A_2105 {strides = array<i32>} : memref<1024xf32, #tpu.memory_space<vmem>>, vector<16xf32>,
        %mul3A_2138 = arith.constant 16 : i32
        %mul3A_2139 = arith.muli %scan3A_2050, %mul3A_2138 : i32
        %swap3A_2140 = arith.index_cast %mul3A_2139 : i32 to index
        %swap3A_2141 = tpu.vector_load %arg21[%swap3A_2140] {strides = array<i32>} : memref<1024xf32, #tpu.memory_space<vmem>>, vector<16xf32>,
        tpu.vector_store %arg21[%swap3A_2140], %sub3A_2107 {strides = array<i32>} : memref<1024xf32, #tpu.memory_space<vmem>>, vector<16xf32>,
      }
      %scan3A_1371 = arith.constant 64 : i32
      %dma_start3A_1372 = arith.constant 0 : i32
      %dma_start3A_1373 = arith.constant 0 : i32
      %dma_start3A_1374 = arith.constant 0 : i32
      %dma_start3A_1375 = tpu.memref_slice %arg24[%dma_start3A_1373, %dma_start3A_1374] : memref<1024x8xf32, #tpu.memory_space<vmem>> -> memref<128x8xf32, #tpu.memory_space<vmem>>
      %dma_start3A_1376 = arith.constant 0 : i32
      %dma_start3A_1377 = tpu.memref_slice %arg12[%dma_start3A_1372, %dma_start3A_1376] : memref<8x128xi32, #tpu.memory_space<vmem>> -> memref<1x128xi32, #tpu.memory_space<vmem>>
      %dma_start3A_1378 = tpu.memref_squeeze %dma_start3A_1377 : memref<1x128xi32, #tpu.memory_space<vmem>> -> memref<128xi32, #tpu.memory_space<vmem>>
      %dma_start3A_1379 = arith.constant 0 : i32
      %dma_start3A_1380 = arith.constant 0 : i32
      %dma_start3A_1381 = tpu.memref_slice %arg2[%dma_start3A_1379, %dma_start3A_1380] : memref<4194304x8xf32, #tpu.memory_space<hbm>> -> memref<4194304x8xf32, #tpu.memory_space<hbm>>
      tpu.enqueue_indirect_dma source(%dma_start3A_1381 : memref<4194304x8xf32, #tpu.memory_space<hbm>>) target(%dma_start3A_1375 : memref<128x8xf32, #tpu.memory_space<vmem>>) offsets(%dma_start3A_1378 : memref<128xi32, #tpu.memory_space<vmem>>) semaphore(%arg39 : memref<!tpu.dma_semaphore, #tpu.memory_space<semaphore_mem>>)
      %dma_start3A_1382 = arith.constant 0 : i32
      %dma_start3A_1383 = arith.constant 0 : i32
      %dma_start3A_1384 = arith.constant 0 : i32
      %dma_start3A_1385 = tpu.memref_slice %arg25[%dma_start3A_1383, %dma_start3A_1384] : memref<1024x8xf32, #tpu.memory_space<vmem>> -> memref<128x8xf32, #tpu.memory_space<vmem>>
      %dma_start3A_1386 = arith.constant 0 : i32
      %dma_start3A_1387 = tpu.memref_slice %arg13[%dma_start3A_1382, %dma_start3A_1386] : memref<8x128xi32, #tpu.memory_space<vmem>> -> memref<1x128xi32, #tpu.memory_space<vmem>>
      %dma_start3A_1388 = tpu.memref_squeeze %dma_start3A_1387 : memref<1x128xi32, #tpu.memory_space<vmem>> -> memref<128xi32, #tpu.memory_space<vmem>>
      %dma_start3A_1389 = arith.constant 0 : i32
      %dma_start3A_1390 = arith.constant 0 : i32
      %dma_start3A_1391 = tpu.memref_slice %arg2[%dma_start3A_1389, %dma_start3A_1390] : memref<4194304x8xf32, #tpu.memory_space<hbm>> -> memref<4194304x8xf32, #tpu.memory_space<hbm>>
      tpu.enqueue_indirect_dma source(%dma_start3A_1391 : memref<4194304x8xf32, #tpu.memory_space<hbm>>) target(%dma_start3A_1385 : memref<128x8xf32, #tpu.memory_space<vmem>>) offsets(%dma_start3A_1388 : memref<128xi32, #tpu.memory_space<vmem>>) semaphore(%arg39 : memref<!tpu.dma_semaphore, #tpu.memory_space<semaphore_mem>>)
      %dma_start3A_1392 = arith.constant 0 : i32
      %dma_start3A_1393 = arith.constant 0 : i32
      %dma_start3A_1394 = arith.constant 0 : i32
      %dma_start3A_1395 = tpu.memref_slice %arg26[%dma_start3A_1393, %dma_start3A_1394] : memref<1024x8xf32, #tpu.memory_space<vmem>> -> memref<128x8xf32, #tpu.memory_space<vmem>>
      %dma_start3A_1396 = arith.constant 0 : i32
      %dma_start3A_1397 = tpu.memref_slice %arg14[%dma_start3A_1392, %dma_start3A_1396] : memref<8x128xi32, #tpu.memory_space<vmem>> -> memref<1x128xi32, #tpu.memory_space<vmem>>
      %dma_start3A_1398 = tpu.memref_squeeze %dma_start3A_1397 : memref<1x128xi32, #tpu.memory_space<vmem>> -> memref<128xi32, #tpu.memory_space<vmem>>
      %dma_start3A_1399 = arith.constant 0 : i32
      %dma_start3A_1400 = arith.constant 0 : i32
      %dma_start3A_1401 = tpu.memref_slice %arg2[%dma_start3A_1399, %dma_start3A_1400] : memref<4194304x8xf32, #tpu.memory_space<hbm>> -> memref<4194304x8xf32, #tpu.memory_space<hbm>>
      tpu.enqueue_indirect_dma source(%dma_start3A_1401 : memref<4194304x8xf32, #tpu.memory_space<hbm>>) target(%dma_start3A_1395 : memref<128x8xf32, #tpu.memory_space<vmem>>) offsets(%dma_start3A_1398 : memref<128xi32, #tpu.memory_space<vmem>>) semaphore(%arg39 : memref<!tpu.dma_semaphore, #tpu.memory_space<semaphore_mem>>)
      %dma_start3A_1402 = arith.constant 0 : i32
      %dma_start3A_1403 = arith.constant 0 : i32
      %dma_start3A_1404 = arith.constant 0 : i32
      %dma_start3A_1405 = tpu.memref_slice %arg27[%dma_start3A_1403, %dma_start3A_1404] : memref<1024x8xf32, #tpu.memory_space<vmem>> -> memref<128x8xf32, #tpu.memory_space<vmem>>
      %dma_start3A_1406 = arith.constant 0 : i32
      %dma_start3A_1407 = tpu.memref_slice %arg15[%dma_start3A_1402, %dma_start3A_1406] : memref<8x128xi32, #tpu.memory_space<vmem>> -> memref<1x128xi32, #tpu.memory_space<vmem>>
      %dma_start3A_1408 = tpu.memref_squeeze %dma_start3A_1407 : memref<1x128xi32, #tpu.memory_space<vmem>> -> memref<128xi32, #tpu.memory_space<vmem>>
      %dma_start3A_1409 = arith.constant 0 : i32
      %dma_start3A_1410 = arith.constant 0 : i32
      %dma_start3A_1411 = tpu.memref_slice %arg2[%dma_start3A_1409, %dma_start3A_1410] : memref<4194304x8xf32, #tpu.memory_space<hbm>> -> memref<4194304x8xf32, #tpu.memory_space<hbm>>
      tpu.enqueue_indirect_dma source(%dma_start3A_1411 : memref<4194304x8xf32, #tpu.memory_space<hbm>>) target(%dma_start3A_1405 : memref<128x8xf32, #tpu.memory_space<vmem>>) offsets(%dma_start3A_1408 : memref<128xi32, #tpu.memory_space<vmem>>) semaphore(%arg39 : memref<!tpu.dma_semaphore, #tpu.memory_space<semaphore_mem>>)
      %dma_start3A_1412 = arith.constant 1 : i32
      %dma_start3A_1413 = arith.constant 128 : i32
      %dma_start3A_1414 = arith.constant 0 : i32
      %dma_start3A_1415 = tpu.memref_slice %arg24[%dma_start3A_1413, %dma_start3A_1414] : memref<1024x8xf32, #tpu.memory_space<vmem>> -> memref<128x8xf32, #tpu.memory_space<vmem>>
      %dma_start3A_1416 = arith.constant 0 : i32
      %dma_start3A_1417 = tpu.memref_slice %arg12[%dma_start3A_1412, %dma_start3A_1416] : memref<8x128xi32, #tpu.memory_space<vmem>> -> memref<1x128xi32, #tpu.memory_space<vmem>>
      %dma_start3A_1418 = tpu.memref_squeeze %dma_start3A_1417 : memref<1x128xi32, #tpu.memory_space<vmem>> -> memref<128xi32, #tpu.memory_space<vmem>>
      %dma_start3A_1419 = arith.constant 0 : i32
      %dma_start3A_1420 = arith.constant 0 : i32
      %dma_start3A_1421 = tpu.memref_slice %arg2[%dma_start3A_1419, %dma_start3A_1420] : memref<4194304x8xf32, #tpu.memory_space<hbm>> -> memref<4194304x8xf32, #tpu.memory_space<hbm>>
      tpu.enqueue_indirect_dma source(%dma_start3A_1421 : memref<4194304x8xf32, #tpu.memory_space<hbm>>) target(%dma_start3A_1415 : memref<128x8xf32, #tpu.memory_space<vmem>>) offsets(%dma_start3A_1418 : memref<128xi32, #tpu.memory_space<vmem>>) semaphore(%arg39 : memref<!tpu.dma_semaphore, #tpu.memory_space<semaphore_mem>>)
      %dma_start3A_1422 = arith.constant 1 : i32
      %dma_start3A_1423 = arith.constant 128 : i32
      %dma_start3A_1424 = arith.constant 0 : i32
      %dma_start3A_1425 = tpu.memref_slice %arg25[%dma_start3A_1423, %dma_start3A_1424] : memref<1024x8xf32, #tpu.memory_space<vmem>> -> memref<128x8xf32, #tpu.memory_space<vmem>>
      %dma_start3A_1426 = arith.constant 0 : i32
      %dma_start3A_1427 = tpu.memref_slice %arg13[%dma_start3A_1422, %dma_start3A_1426] : memref<8x128xi32, #tpu.memory_space<vmem>> -> memref<1x128xi32, #tpu.memory_space<vmem>>
      %dma_start3A_1428 = tpu.memref_squeeze %dma_start3A_1427 : memref<1x128xi32, #tpu.memory_space<vmem>> -> memref<128xi32, #tpu.memory_space<vmem>>
      %dma_start3A_1429 = arith.constant 0 : i32
      %dma_start3A_1430 = arith.constant 0 : i32
      %dma_start3A_1431 = tpu.memref_slice %arg2[%dma_start3A_1429, %dma_start3A_1430] : memref<4194304x8xf32, #tpu.memory_space<hbm>> -> memref<4194304x8xf32, #tpu.memory_space<hbm>>
      tpu.enqueue_indirect_dma source(%dma_start3A_1431 : memref<4194304x8xf32, #tpu.memory_space<hbm>>) target(%dma_start3A_1425 : memref<128x8xf32, #tpu.memory_space<vmem>>) offsets(%dma_start3A_1428 : memref<128xi32, #tpu.memory_space<vmem>>) semaphore(%arg39 : memref<!tpu.dma_semaphore, #tpu.memory_space<semaphore_mem>>)
      %dma_start3A_1432 = arith.constant 1 : i32
      %dma_start3A_1433 = arith.constant 128 : i32
      %dma_start3A_1434 = arith.constant 0 : i32
      %dma_start3A_1435 = tpu.memref_slice %arg26[%dma_start3A_1433, %dma_start3A_1434] : memref<1024x8xf32, #tpu.memory_space<vmem>> -> memref<128x8xf32, #tpu.memory_space<vmem>>
      %dma_start3A_1436 = arith.constant 0 : i32
      %dma_start3A_1437 = tpu.memref_slice %arg14[%dma_start3A_1432, %dma_start3A_1436] : memref<8x128xi32, #tpu.memory_space<vmem>> -> memref<1x128xi32, #tpu.memory_space<vmem>>
      %dma_start3A_1438 = tpu.memref_squeeze %dma_start3A_1437 : memref<1x128xi32, #tpu.memory_space<vmem>> -> memref<128xi32, #tpu.memory_space<vmem>>
      %dma_start3A_1439 = arith.constant 0 : i32
      %dma_start3A_1440 = arith.constant 0 : i32
      %dma_start3A_1441 = tpu.memref_slice %arg2[%dma_start3A_1439, %dma_start3A_1440] : memref<4194304x8xf32, #tpu.memory_space<hbm>> -> memref<4194304x8xf32, #tpu.memory_space<hbm>>
      tpu.enqueue_indirect_dma source(%dma_start3A_1441 : memref<4194304x8xf32, #tpu.memory_space<hbm>>) target(%dma_start3A_1435 : memref<128x8xf32, #tpu.memory_space<vmem>>) offsets(%dma_start3A_1438 : memref<128xi32, #tpu.memory_space<vmem>>) semaphore(%arg39 : memref<!tpu.dma_semaphore, #tpu.memory_space<semaphore_mem>>)
      %dma_start3A_1442 = arith.constant 1 : i32
      %dma_start3A_1443 = arith.constant 128 : i32
      %dma_start3A_1444 = arith.constant 0 : i32
      %dma_start3A_1445 = tpu.memref_slice %arg27[%dma_start3A_1443, %dma_start3A_1444] : memref<1024x8xf32, #tpu.memory_space<vmem>> -> memref<128x8xf32, #tpu.memory_space<vmem>>
      %dma_start3A_1446 = arith.constant 0 : i32
      %dma_start3A_1447 = tpu.memref_slice %arg15[%dma_start3A_1442, %dma_start3A_1446] : memref<8x128xi32, #tpu.memory_space<vmem>> -> memref<1x128xi32, #tpu.memory_space<vmem>>
      %dma_start3A_1448 = tpu.memref_squeeze %dma_start3A_1447 : memref<1x128xi32, #tpu.memory_space<vmem>> -> memref<128xi32, #tpu.memory_space<vmem>>
      %dma_start3A_1449 = arith.constant 0 : i32
      %dma_start3A_1450 = arith.constant 0 : i32
      %dma_start3A_1451 = tpu.memref_slice %arg2[%dma_start3A_1449, %dma_start3A_1450] : memref<4194304x8xf32, #tpu.memory_space<hbm>> -> memref<4194304x8xf32, #tpu.memory_space<hbm>>
      tpu.enqueue_indirect_dma source(%dma_start3A_1451 : memref<4194304x8xf32, #tpu.memory_space<hbm>>) target(%dma_start3A_1445 : memref<128x8xf32, #tpu.memory_space<vmem>>) offsets(%dma_start3A_1448 : memref<128xi32, #tpu.memory_space<vmem>>) semaphore(%arg39 : memref<!tpu.dma_semaphore, #tpu.memory_space<semaphore_mem>>)
      %dma_start3A_1452 = arith.constant 2 : i32
      %dma_start3A_1453 = arith.constant 256 : i32
      %dma_start3A_1454 = arith.constant 0 : i32
      %dma_start3A_1455 = tpu.memref_slice %arg24[%dma_start3A_1453, %dma_start3A_1454] : memref<1024x8xf32, #tpu.memory_space<vmem>> -> memref<128x8xf32, #tpu.memory_space<vmem>>
      %dma_start3A_1456 = arith.constant 0 : i32
      %dma_start3A_1457 = tpu.memref_slice %arg12[%dma_start3A_1452, %dma_start3A_1456] : memref<8x128xi32, #tpu.memory_space<vmem>> -> memref<1x128xi32, #tpu.memory_space<vmem>>
      %dma_start3A_1458 = tpu.memref_squeeze %dma_start3A_1457 : memref<1x128xi32, #tpu.memory_space<vmem>> -> memref<128xi32, #tpu.memory_space<vmem>>
      %dma_start3A_1459 = arith.constant 0 : i32
      %dma_start3A_1460 = arith.constant 0 : i32
      %dma_start3A_1461 = tpu.memref_slice %arg2[%dma_start3A_1459, %dma_start3A_1460] : memref<4194304x8xf32, #tpu.memory_space<hbm>> -> memref<4194304x8xf32, #tpu.memory_space<hbm>>
      tpu.enqueue_indirect_dma source(%dma_start3A_1461 : memref<4194304x8xf32, #tpu.memory_space<hbm>>) target(%dma_start3A_1455 : memref<128x8xf32, #tpu.memory_space<vmem>>) offsets(%dma_start3A_1458 : memref<128xi32, #tpu.memory_space<vmem>>) semaphore(%arg39 : memref<!tpu.dma_semaphore, #tpu.memory_space<semaphore_mem>>)
      %dma_start3A_1462 = arith.constant 2 : i32
      %dma_start3A_1463 = arith.constant 256 : i32
      %dma_start3A_1464 = arith.constant 0 : i32
      %dma_start3A_1465 = tpu.memref_slice %arg25[%dma_start3A_1463, %dma_start3A_1464] : memref<1024x8xf32, #tpu.memory_space<vmem>> -> memref<128x8xf32, #tpu.memory_space<vmem>>
      %dma_start3A_1466 = arith.constant 0 : i32
      %dma_start3A_1467 = tpu.memref_slice %arg13[%dma_start3A_1462, %dma_start3A_1466] : memref<8x128xi32, #tpu.memory_space<vmem>> -> memref<1x128xi32, #tpu.memory_space<vmem>>
      %dma_start3A_1468 = tpu.memref_squeeze %dma_start3A_1467 : memref<1x128xi32, #tpu.memory_space<vmem>> -> memref<128xi32, #tpu.memory_space<vmem>>
      %dma_start3A_1469 = arith.constant 0 : i32
      %dma_start3A_1470 = arith.constant 0 : i32
      %dma_start3A_1471 = tpu.memref_slice %arg2[%dma_start3A_1469, %dma_start3A_1470] : memref<4194304x8xf32, #tpu.memory_space<hbm>> -> memref<4194304x8xf32, #tpu.memory_space<hbm>>
      tpu.enqueue_indirect_dma source(%dma_start3A_1471 : memref<4194304x8xf32, #tpu.memory_space<hbm>>) target(%dma_start3A_1465 : memref<128x8xf32, #tpu.memory_space<vmem>>) offsets(%dma_start3A_1468 : memref<128xi32, #tpu.memory_space<vmem>>) semaphore(%arg39 : memref<!tpu.dma_semaphore, #tpu.memory_space<semaphore_mem>>)
      %dma_start3A_1472 = arith.constant 2 : i32
      %dma_start3A_1473 = arith.constant 256 : i32
      %dma_start3A_1474 = arith.constant 0 : i32
      %dma_start3A_1475 = tpu.memref_slice %arg26[%dma_start3A_1473, %dma_start3A_1474] : memref<1024x8xf32, #tpu.memory_space<vmem>> -> memref<128x8xf32, #tpu.memory_space<vmem>>
      %dma_start3A_1476 = arith.constant 0 : i32
      %dma_start3A_1477 = tpu.memref_slice %arg14[%dma_start3A_1472, %dma_start3A_1476] : memref<8x128xi32, #tpu.memory_space<vmem>> -> memref<1x128xi32, #tpu.memory_space<vmem>>
      %dma_start3A_1478 = tpu.memref_squeeze %dma_start3A_1477 : memref<1x128xi32, #tpu.memory_space<vmem>> -> memref<128xi32, #tpu.memory_space<vmem>>
      %dma_start3A_1479 = arith.constant 0 : i32
      %dma_start3A_1480 = arith.constant 0 : i32
      %dma_start3A_1481 = tpu.memref_slice %arg2[%dma_start3A_1479, %dma_start3A_1480] : memref<4194304x8xf32, #tpu.memory_space<hbm>> -> memref<4194304x8xf32, #tpu.memory_space<hbm>>
      tpu.enqueue_indirect_dma source(%dma_start3A_1481 : memref<4194304x8xf32, #tpu.memory_space<hbm>>) target(%dma_start3A_1475 : memref<128x8xf32, #tpu.memory_space<vmem>>) offsets(%dma_start3A_1478 : memref<128xi32, #tpu.memory_space<vmem>>) semaphore(%arg39 : memref<!tpu.dma_semaphore, #tpu.memory_space<semaphore_mem>>)
      %dma_start3A_1482 = arith.constant 2 : i32
      %dma_start3A_1483 = arith.constant 256 : i32
      %dma_start3A_1484 = arith.constant 0 : i32
      %dma_start3A_1485 = tpu.memref_slice %arg27[%dma_start3A_1483, %dma_start3A_1484] : memref<1024x8xf32, #tpu.memory_space<vmem>> -> memref<128x8xf32, #tpu.memory_space<vmem>>
      %dma_start3A_1486 = arith.constant 0 : i32
      %dma_start3A_1487 = tpu.memref_slice %arg15[%dma_start3A_1482, %dma_start3A_1486] : memref<8x128xi32, #tpu.memory_space<vmem>> -> memref<1x128xi32, #tpu.memory_space<vmem>>
      %dma_start3A_1488 = tpu.memref_squeeze %dma_start3A_1487 : memref<1x128xi32, #tpu.memory_space<vmem>> -> memref<128xi32, #tpu.memory_space<vmem>>
      %dma_start3A_1489 = arith.constant 0 : i32
      %dma_start3A_1490 = arith.constant 0 : i32
      %dma_start3A_1491 = tpu.memref_slice %arg2[%dma_start3A_1489, %dma_start3A_1490] : memref<4194304x8xf32, #tpu.memory_space<hbm>> -> memref<4194304x8xf32, #tpu.memory_space<hbm>>
      tpu.enqueue_indirect_dma source(%dma_start3A_1491 : memref<4194304x8xf32, #tpu.memory_space<hbm>>) target(%dma_start3A_1485 : memref<128x8xf32, #tpu.memory_space<vmem>>) offsets(%dma_start3A_1488 : memref<128xi32, #tpu.memory_space<vmem>>) semaphore(%arg39 : memref<!tpu.dma_semaphore, #tpu.memory_space<semaphore_mem>>)
      %dma_start3A_1492 = arith.constant 3 : i32
      %dma_start3A_1493 = arith.constant 384 : i32
      %dma_start3A_1494 = arith.constant 0 : i32
      %dma_start3A_1495 = tpu.memref_slice %arg24[%dma_start3A_1493, %dma_start3A_1494] : memref<1024x8xf32, #tpu.memory_space<vmem>> -> memref<128x8xf32, #tpu.memory_space<vmem>>
      %dma_start3A_1496 = arith.constant 0 : i32
      %dma_start3A_1497 = tpu.memref_slice %arg12[%dma_start3A_1492, %dma_start3A_1496] : memref<8x128xi32, #tpu.memory_space<vmem>> -> memref<1x128xi32, #tpu.memory_space<vmem>>
      %dma_start3A_1498 = tpu.memref_squeeze %dma_start3A_1497 : memref<1x128xi32, #tpu.memory_space<vmem>> -> memref<128xi32, #tpu.memory_space<vmem>>
      %dma_start3A_1499 = arith.constant 0 : i32
      %dma_start3A_1500 = arith.constant 0 : i32
      %dma_start3A_1501 = tpu.memref_slice %arg2[%dma_start3A_1499, %dma_start3A_1500] : memref<4194304x8xf32, #tpu.memory_space<hbm>> -> memref<4194304x8xf32, #tpu.memory_space<hbm>>
      tpu.enqueue_indirect_dma source(%dma_start3A_1501 : memref<4194304x8xf32, #tpu.memory_space<hbm>>) target(%dma_start3A_1495 : memref<128x8xf32, #tpu.memory_space<vmem>>) offsets(%dma_start3A_1498 : memref<128xi32, #tpu.memory_space<vmem>>) semaphore(%arg39 : memref<!tpu.dma_semaphore, #tpu.memory_space<semaphore_mem>>)
      %dma_start3A_1502 = arith.constant 3 : i32
      %dma_start3A_1503 = arith.constant 384 : i32
      %dma_start3A_1504 = arith.constant 0 : i32
      %dma_start3A_1505 = tpu.memref_slice %arg25[%dma_start3A_1503, %dma_start3A_1504] : memref<1024x8xf32, #tpu.memory_space<vmem>> -> memref<128x8xf32, #tpu.memory_space<vmem>>
      %dma_start3A_1506 = arith.constant 0 : i32
      %dma_start3A_1507 = tpu.memref_slice %arg13[%dma_start3A_1502, %dma_start3A_1506] : memref<8x128xi32, #tpu.memory_space<vmem>> -> memref<1x128xi32, #tpu.memory_space<vmem>>
      %dma_start3A_1508 = tpu.memref_squeeze %dma_start3A_1507 : memref<1x128xi32, #tpu.memory_space<vmem>> -> memref<128xi32, #tpu.memory_space<vmem>>
      %dma_start3A_1509 = arith.constant 0 : i32
      %dma_start3A_1510 = arith.constant 0 : i32
      %dma_start3A_1511 = tpu.memref_slice %arg2[%dma_start3A_1509, %dma_start3A_1510] : memref<4194304x8xf32, #tpu.memory_space<hbm>> -> memref<4194304x8xf32, #tpu.memory_space<hbm>>
      tpu.enqueue_indirect_dma source(%dma_start3A_1511 : memref<4194304x8xf32, #tpu.memory_space<hbm>>) target(%dma_start3A_1505 : memref<128x8xf32, #tpu.memory_space<vmem>>) offsets(%dma_start3A_1508 : memref<128xi32, #tpu.memory_space<vmem>>) semaphore(%arg39 : memref<!tpu.dma_semaphore, #tpu.memory_space<semaphore_mem>>)
      %dma_start3A_1512 = arith.constant 3 : i32
      %dma_start3A_1513 = arith.constant 384 : i32
      %dma_start3A_1514 = arith.constant 0 : i32
      %dma_start3A_1515 = tpu.memref_slice %arg26[%dma_start3A_1513, %dma_start3A_1514] : memref<1024x8xf32, #tpu.memory_space<vmem>> -> memref<128x8xf32, #tpu.memory_space<vmem>>
      %dma_start3A_1516 = arith.constant 0 : i32
      %dma_start3A_1517 = tpu.memref_slice %arg14[%dma_start3A_1512, %dma_start3A_1516] : memref<8x128xi32, #tpu.memory_space<vmem>> -> memref<1x128xi32, #tpu.memory_space<vmem>>
      %dma_start3A_1518 = tpu.memref_squeeze %dma_start3A_1517 : memref<1x128xi32, #tpu.memory_space<vmem>> -> memref<128xi32, #tpu.memory_space<vmem>>
      %dma_start3A_1519 = arith.constant 0 : i32
      %dma_start3A_1520 = arith.constant 0 : i32
      %dma_start3A_1521 = tpu.memref_slice %arg2[%dma_start3A_1519, %dma_start3A_1520] : memref<4194304x8xf32, #tpu.memory_space<hbm>> -> memref<4194304x8xf32, #tpu.memory_space<hbm>>
      tpu.enqueue_indirect_dma source(%dma_start3A_1521 : memref<4194304x8xf32, #tpu.memory_space<hbm>>) target(%dma_start3A_1515 : memref<128x8xf32, #tpu.memory_space<vmem>>) offsets(%dma_start3A_1518 : memref<128xi32, #tpu.memory_space<vmem>>) semaphore(%arg39 : memref<!tpu.dma_semaphore, #tpu.memory_space<semaphore_mem>>)
      %dma_start3A_1522 = arith.constant 3 : i32
      %dma_start3A_1523 = arith.constant 384 : i32
      %dma_start3A_1524 = arith.constant 0 : i32
      %dma_start3A_1525 = tpu.memref_slice %arg27[%dma_start3A_1523, %dma_start3A_1524] : memref<1024x8xf32, #tpu.memory_space<vmem>> -> memref<128x8xf32, #tpu.memory_space<vmem>>
      %dma_start3A_1526 = arith.constant 0 : i32
      %dma_start3A_1527 = tpu.memref_slice %arg15[%dma_start3A_1522, %dma_start3A_1526] : memref<8x128xi32, #tpu.memory_space<vmem>> -> memref<1x128xi32, #tpu.memory_space<vmem>>
      %dma_start3A_1528 = tpu.memref_squeeze %dma_start3A_1527 : memref<1x128xi32, #tpu.memory_space<vmem>> -> memref<128xi32, #tpu.memory_space<vmem>>
      %dma_start3A_1529 = arith.constant 0 : i32
      %dma_start3A_1530 = arith.constant 0 : i32
      %dma_start3A_1531 = tpu.memref_slice %arg2[%dma_start3A_1529, %dma_start3A_1530] : memref<4194304x8xf32, #tpu.memory_space<hbm>> -> memref<4194304x8xf32, #tpu.memory_space<hbm>>
      tpu.enqueue_indirect_dma source(%dma_start3A_1531 : memref<4194304x8xf32, #tpu.memory_space<hbm>>) target(%dma_start3A_1525 : memref<128x8xf32, #tpu.memory_space<vmem>>) offsets(%dma_start3A_1528 : memref<128xi32, #tpu.memory_space<vmem>>) semaphore(%arg39 : memref<!tpu.dma_semaphore, #tpu.memory_space<semaphore_mem>>)
      %dma_start3A_1532 = arith.constant 4 : i32
      %dma_start3A_1533 = arith.constant 512 : i32
      %dma_start3A_1534 = arith.constant 0 : i32
      %dma_start3A_1535 = tpu.memref_slice %arg24[%dma_start3A_1533, %dma_start3A_1534] : memref<1024x8xf32, #tpu.memory_space<vmem>> -> memref<128x8xf32, #tpu.memory_space<vmem>>
      %dma_start3A_1536 = arith.constant 0 : i32
      %dma_start3A_1537 = tpu.memref_slice %arg12[%dma_start3A_1532, %dma_start3A_1536] : memref<8x128xi32, #tpu.memory_space<vmem>> -> memref<1x128xi32, #tpu.memory_space<vmem>>
      %dma_start3A_1538 = tpu.memref_squeeze %dma_start3A_1537 : memref<1x128xi32, #tpu.memory_space<vmem>> -> memref<128xi32, #tpu.memory_space<vmem>>
      %dma_start3A_1539 = arith.constant 0 : i32
      %dma_start3A_1540 = arith.constant 0 : i32
      %dma_start3A_1541 = tpu.memref_slice %arg2[%dma_start3A_1539, %dma_start3A_1540] : memref<4194304x8xf32, #tpu.memory_space<hbm>> -> memref<4194304x8xf32, #tpu.memory_space<hbm>>
      tpu.enqueue_indirect_dma source(%dma_start3A_1541 : memref<4194304x8xf32, #tpu.memory_space<hbm>>) target(%dma_start3A_1535 : memref<128x8xf32, #tpu.memory_space<vmem>>) offsets(%dma_start3A_1538 : memref<128xi32, #tpu.memory_space<vmem>>) semaphore(%arg39 : memref<!tpu.dma_semaphore, #tpu.memory_space<semaphore_mem>>)
      %dma_start3A_1542 = arith.constant 4 : i32
      %dma_start3A_1543 = arith.constant 512 : i32
      %dma_start3A_1544 = arith.constant 0 : i32
      %dma_start3A_1545 = tpu.memref_slice %arg25[%dma_start3A_1543, %dma_start3A_1544] : memref<1024x8xf32, #tpu.memory_space<vmem>> -> memref<128x8xf32, #tpu.memory_space<vmem>>
      %dma_start3A_1546 = arith.constant 0 : i32
      %dma_start3A_1547 = tpu.memref_slice %arg13[%dma_start3A_1542, %dma_start3A_1546] : memref<8x128xi32, #tpu.memory_space<vmem>> -> memref<1x128xi32, #tpu.memory_space<vmem>>
      %dma_start3A_1548 = tpu.memref_squeeze %dma_start3A_1547 : memref<1x128xi32, #tpu.memory_space<vmem>> -> memref<128xi32, #tpu.memory_space<vmem>>
      %dma_start3A_1549 = arith.constant 0 : i32
      %dma_start3A_1550 = arith.constant 0 : i32
      %dma_start3A_1551 = tpu.memref_slice %arg2[%dma_start3A_1549, %dma_start3A_1550] : memref<4194304x8xf32, #tpu.memory_space<hbm>> -> memref<4194304x8xf32, #tpu.memory_space<hbm>>
      tpu.enqueue_indirect_dma source(%dma_start3A_1551 : memref<4194304x8xf32, #tpu.memory_space<hbm>>) target(%dma_start3A_1545 : memref<128x8xf32, #tpu.memory_space<vmem>>) offsets(%dma_start3A_1548 : memref<128xi32, #tpu.memory_space<vmem>>) semaphore(%arg39 : memref<!tpu.dma_semaphore, #tpu.memory_space<semaphore_mem>>)
      %dma_start3A_1552 = arith.constant 4 : i32
      %dma_start3A_1553 = arith.constant 512 : i32
      %dma_start3A_1554 = arith.constant 0 : i32
      %dma_start3A_1555 = tpu.memref_slice %arg26[%dma_start3A_1553, %dma_start3A_1554] : memref<1024x8xf32, #tpu.memory_space<vmem>> -> memref<128x8xf32, #tpu.memory_space<vmem>>
      %dma_start3A_1556 = arith.constant 0 : i32
      %dma_start3A_1557 = tpu.memref_slice %arg14[%dma_start3A_1552, %dma_start3A_1556] : memref<8x128xi32, #tpu.memory_space<vmem>> -> memref<1x128xi32, #tpu.memory_space<vmem>>
      %dma_start3A_1558 = tpu.memref_squeeze %dma_start3A_1557 : memref<1x128xi32, #tpu.memory_space<vmem>> -> memref<128xi32, #tpu.memory_space<vmem>>
      %dma_start3A_1559 = arith.constant 0 : i32
      %dma_start3A_1560 = arith.constant 0 : i32
      %dma_start3A_1561 = tpu.memref_slice %arg2[%dma_start3A_1559, %dma_start3A_1560] : memref<4194304x8xf32, #tpu.memory_space<hbm>> -> memref<4194304x8xf32, #tpu.memory_space<hbm>>
      tpu.enqueue_indirect_dma source(%dma_start3A_1561 : memref<4194304x8xf32, #tpu.memory_space<hbm>>) target(%dma_start3A_1555 : memref<128x8xf32, #tpu.memory_space<vmem>>) offsets(%dma_start3A_1558 : memref<128xi32, #tpu.memory_space<vmem>>) semaphore(%arg39 : memref<!tpu.dma_semaphore, #tpu.memory_space<semaphore_mem>>)
      %dma_start3A_1562 = arith.constant 4 : i32
      %dma_start3A_1563 = arith.constant 512 : i32
      %dma_start3A_1564 = arith.constant 0 : i32
      %dma_start3A_1565 = tpu.memref_slice %arg27[%dma_start3A_1563, %dma_start3A_1564] : memref<1024x8xf32, #tpu.memory_space<vmem>> -> memref<128x8xf32, #tpu.memory_space<vmem>>
      %dma_start3A_1566 = arith.constant 0 : i32
      %dma_start3A_1567 = tpu.memref_slice %arg15[%dma_start3A_1562, %dma_start3A_1566] : memref<8x128xi32, #tpu.memory_space<vmem>> -> memref<1x128xi32, #tpu.memory_space<vmem>>
      %dma_start3A_1568 = tpu.memref_squeeze %dma_start3A_1567 : memref<1x128xi32, #tpu.memory_space<vmem>> -> memref<128xi32, #tpu.memory_space<vmem>>
      %dma_start3A_1569 = arith.constant 0 : i32
      %dma_start3A_1570 = arith.constant 0 : i32
      %dma_start3A_1571 = tpu.memref_slice %arg2[%dma_start3A_1569, %dma_start3A_1570] : memref<4194304x8xf32, #tpu.memory_space<hbm>> -> memref<4194304x8xf32, #tpu.memory_space<hbm>>
      tpu.enqueue_indirect_dma source(%dma_start3A_1571 : memref<4194304x8xf32, #tpu.memory_space<hbm>>) target(%dma_start3A_1565 : memref<128x8xf32, #tpu.memory_space<vmem>>) offsets(%dma_start3A_1568 : memref<128xi32, #tpu.memory_space<vmem>>) semaphore(%arg39 : memref<!tpu.dma_semaphore, #tpu.memory_space<semaphore_mem>>)
      %dma_start3A_1572 = arith.constant 5 : i32
      %dma_start3A_1573 = arith.constant 640 : i32
      %dma_start3A_1574 = arith.constant 0 : i32
      %dma_start3A_1575 = tpu.memref_slice %arg24[%dma_start3A_1573, %dma_start3A_1574] : memref<1024x8xf32, #tpu.memory_space<vmem>> -> memref<128x8xf32, #tpu.memory_space<vmem>>
      %dma_start3A_1576 = arith.constant 0 : i32
      %dma_start3A_1577 = tpu.memref_slice %arg12[%dma_start3A_1572, %dma_start3A_1576] : memref<8x128xi32, #tpu.memory_space<vmem>> -> memref<1x128xi32, #tpu.memory_space<vmem>>
      %dma_start3A_1578 = tpu.memref_squeeze %dma_start3A_1577 : memref<1x128xi32, #tpu.memory_space<vmem>> -> memref<128xi32, #tpu.memory_space<vmem>>
      %dma_start3A_1579 = arith.constant 0 : i32
      %dma_start3A_1580 = arith.constant 0 : i32
      %dma_start3A_1581 = tpu.memref_slice %arg2[%dma_start3A_1579, %dma_start3A_1580] : memref<4194304x8xf32, #tpu.memory_space<hbm>> -> memref<4194304x8xf32, #tpu.memory_space<hbm>>
      tpu.enqueue_indirect_dma source(%dma_start3A_1581 : memref<4194304x8xf32, #tpu.memory_space<hbm>>) target(%dma_start3A_1575 : memref<128x8xf32, #tpu.memory_space<vmem>>) offsets(%dma_start3A_1578 : memref<128xi32, #tpu.memory_space<vmem>>) semaphore(%arg39 : memref<!tpu.dma_semaphore, #tpu.memory_space<semaphore_mem>>)
      %dma_start3A_1582 = arith.constant 5 : i32
      %dma_start3A_1583 = arith.constant 640 : i32
      %dma_start3A_1584 = arith.constant 0 : i32
      %dma_start3A_1585 = tpu.memref_slice %arg25[%dma_start3A_1583, %dma_start3A_1584] : memref<1024x8xf32, #tpu.memory_space<vmem>> -> memref<128x8xf32, #tpu.memory_space<vmem>>
      %dma_start3A_1586 = arith.constant 0 : i32
      %dma_start3A_1587 = tpu.memref_slice %arg13[%dma_start3A_1582, %dma_start3A_1586] : memref<8x128xi32, #tpu.memory_space<vmem>> -> memref<1x128xi32, #tpu.memory_space<vmem>>
      %dma_start3A_1588 = tpu.memref_squeeze %dma_start3A_1587 : memref<1x128xi32, #tpu.memory_space<vmem>> -> memref<128xi32, #tpu.memory_space<vmem>>
      %dma_start3A_1589 = arith.constant 0 : i32
      %dma_start3A_1590 = arith.constant 0 : i32
      %dma_start3A_1591 = tpu.memref_slice %arg2[%dma_start3A_1589, %dma_start3A_1590] : memref<4194304x8xf32, #tpu.memory_space<hbm>> -> memref<4194304x8xf32, #tpu.memory_space<hbm>>
      tpu.enqueue_indirect_dma source(%dma_start3A_1591 : memref<4194304x8xf32, #tpu.memory_space<hbm>>) target(%dma_start3A_1585 : memref<128x8xf32, #tpu.memory_space<vmem>>) offsets(%dma_start3A_1588 : memref<128xi32, #tpu.memory_space<vmem>>) semaphore(%arg39 : memref<!tpu.dma_semaphore, #tpu.memory_space<semaphore_mem>>)
      %dma_start3A_1592 = arith.constant 5 : i32
      %dma_start3A_1593 = arith.constant 640 : i32
      %dma_start3A_1594 = arith.constant 0 : i32
      %dma_start3A_1595 = tpu.memref_slice %arg26[%dma_start3A_1593, %dma_start3A_1594] : memref<1024x8xf32, #tpu.memory_space<vmem>> -> memref<128x8xf32, #tpu.memory_space<vmem>>
      %dma_start3A_1596 = arith.constant 0 : i32
      %dma_start3A_1597 = tpu.memref_slice %arg14[%dma_start3A_1592, %dma_start3A_1596] : memref<8x128xi32, #tpu.memory_space<vmem>> -> memref<1x128xi32, #tpu.memory_space<vmem>>
      %dma_start3A_1598 = tpu.memref_squeeze %dma_start3A_1597 : memref<1x128xi32, #tpu.memory_space<vmem>> -> memref<128xi32, #tpu.memory_space<vmem>>
      %dma_start3A_1599 = arith.constant 0 : i32
      %dma_start3A_1600 = arith.constant 0 : i32
      %dma_start3A_1601 = tpu.memref_slice %arg2[%dma_start3A_1599, %dma_start3A_1600] : memref<4194304x8xf32, #tpu.memory_space<hbm>> -> memref<4194304x8xf32, #tpu.memory_space<hbm>>
      tpu.enqueue_indirect_dma source(%dma_start3A_1601 : memref<4194304x8xf32, #tpu.memory_space<hbm>>) target(%dma_start3A_1595 : memref<128x8xf32, #tpu.memory_space<vmem>>) offsets(%dma_start3A_1598 : memref<128xi32, #tpu.memory_space<vmem>>) semaphore(%arg39 : memref<!tpu.dma_semaphore, #tpu.memory_space<semaphore_mem>>)
      %dma_start3A_1602 = arith.constant 5 : i32
      %dma_start3A_1603 = arith.constant 640 : i32
      %dma_start3A_1604 = arith.constant 0 : i32
      %dma_start3A_1605 = tpu.memref_slice %arg27[%dma_start3A_1603, %dma_start3A_1604] : memref<1024x8xf32, #tpu.memory_space<vmem>> -> memref<128x8xf32, #tpu.memory_space<vmem>>
      %dma_start3A_1606 = arith.constant 0 : i32
      %dma_start3A_1607 = tpu.memref_slice %arg15[%dma_start3A_1602, %dma_start3A_1606] : memref<8x128xi32, #tpu.memory_space<vmem>> -> memref<1x128xi32, #tpu.memory_space<vmem>>
      %dma_start3A_1608 = tpu.memref_squeeze %dma_start3A_1607 : memref<1x128xi32, #tpu.memory_space<vmem>> -> memref<128xi32, #tpu.memory_space<vmem>>
      %dma_start3A_1609 = arith.constant 0 : i32
      %dma_start3A_1610 = arith.constant 0 : i32
      %dma_start3A_1611 = tpu.memref_slice %arg2[%dma_start3A_1609, %dma_start3A_1610] : memref<4194304x8xf32, #tpu.memory_space<hbm>> -> memref<4194304x8xf32, #tpu.memory_space<hbm>>
      tpu.enqueue_indirect_dma source(%dma_start3A_1611 : memref<4194304x8xf32, #tpu.memory_space<hbm>>) target(%dma_start3A_1605 : memref<128x8xf32, #tpu.memory_space<vmem>>) offsets(%dma_start3A_1608 : memref<128xi32, #tpu.memory_space<vmem>>) semaphore(%arg39 : memref<!tpu.dma_semaphore, #tpu.memory_space<semaphore_mem>>)
      %dma_start3A_1612 = arith.constant 6 : i32
      %dma_start3A_1613 = arith.constant 768 : i32
      %dma_start3A_1614 = arith.constant 0 : i32
      %dma_start3A_1615 = tpu.memref_slice %arg24[%dma_start3A_1613, %dma_start3A_1614] : memref<1024x8xf32, #tpu.memory_space<vmem>> -> memref<128x8xf32, #tpu.memory_space<vmem>>
      %dma_start3A_1616 = arith.constant 0 : i32
      %dma_start3A_1617 = tpu.memref_slice %arg12[%dma_start3A_1612, %dma_start3A_1616] : memref<8x128xi32, #tpu.memory_space<vmem>> -> memref<1x128xi32, #tpu.memory_space<vmem>>
      %dma_start3A_1618 = tpu.memref_squeeze %dma_start3A_1617 : memref<1x128xi32, #tpu.memory_space<vmem>> -> memref<128xi32, #tpu.memory_space<vmem>>
      %dma_start3A_1619 = arith.constant 0 : i32
      %dma_start3A_1620 = arith.constant 0 : i32
      %dma_start3A_1621 = tpu.memref_slice %arg2[%dma_start3A_1619, %dma_start3A_1620] : memref<4194304x8xf32, #tpu.memory_space<hbm>> -> memref<4194304x8xf32, #tpu.memory_space<hbm>>
      tpu.enqueue_indirect_dma source(%dma_start3A_1621 : memref<4194304x8xf32, #tpu.memory_space<hbm>>) target(%dma_start3A_1615 : memref<128x8xf32, #tpu.memory_space<vmem>>) offsets(%dma_start3A_1618 : memref<128xi32, #tpu.memory_space<vmem>>) semaphore(%arg39 : memref<!tpu.dma_semaphore, #tpu.memory_space<semaphore_mem>>)
      %dma_start3A_1622 = arith.constant 6 : i32
      %dma_start3A_1623 = arith.constant 768 : i32
      %dma_start3A_1624 = arith.constant 0 : i32
      %dma_start3A_1625 = tpu.memref_slice %arg25[%dma_start3A_1623, %dma_start3A_1624] : memref<1024x8xf32, #tpu.memory_space<vmem>> -> memref<128x8xf32, #tpu.memory_space<vmem>>
      %dma_start3A_1626 = arith.constant 0 : i32
      %dma_start3A_1627 = tpu.memref_slice %arg13[%dma_start3A_1622, %dma_start3A_1626] : memref<8x128xi32, #tpu.memory_space<vmem>> -> memref<1x128xi32, #tpu.memory_space<vmem>>
      %dma_start3A_1628 = tpu.memref_squeeze %dma_start3A_1627 : memref<1x128xi32, #tpu.memory_space<vmem>> -> memref<128xi32, #tpu.memory_space<vmem>>
      %dma_start3A_1629 = arith.constant 0 : i32
      %dma_start3A_1630 = arith.constant 0 : i32
      %dma_start3A_1631 = tpu.memref_slice %arg2[%dma_start3A_1629, %dma_start3A_1630] : memref<4194304x8xf32, #tpu.memory_space<hbm>> -> memref<4194304x8xf32, #tpu.memory_space<hbm>>
      tpu.enqueue_indirect_dma source(%dma_start3A_1631 : memref<4194304x8xf32, #tpu.memory_space<hbm>>) target(%dma_start3A_1625 : memref<128x8xf32, #tpu.memory_space<vmem>>) offsets(%dma_start3A_1628 : memref<128xi32, #tpu.memory_space<vmem>>) semaphore(%arg39 : memref<!tpu.dma_semaphore, #tpu.memory_space<semaphore_mem>>)
      %dma_start3A_1632 = arith.constant 6 : i32
      %dma_start3A_1633 = arith.constant 768 : i32
      %dma_start3A_1634 = arith.constant 0 : i32
      %dma_start3A_1635 = tpu.memref_slice %arg26[%dma_start3A_1633, %dma_start3A_1634] : memref<1024x8xf32, #tpu.memory_space<vmem>> -> memref<128x8xf32, #tpu.memory_space<vmem>>
      %dma_start3A_1636 = arith.constant 0 : i32
      %dma_start3A_1637 = tpu.memref_slice %arg14[%dma_start3A_1632, %dma_start3A_1636] : memref<8x128xi32, #tpu.memory_space<vmem>> -> memref<1x128xi32, #tpu.memory_space<vmem>>
      %dma_start3A_1638 = tpu.memref_squeeze %dma_start3A_1637 : memref<1x128xi32, #tpu.memory_space<vmem>> -> memref<128xi32, #tpu.memory_space<vmem>>
      %dma_start3A_1639 = arith.constant 0 : i32
      %dma_start3A_1640 = arith.constant 0 : i32
      %dma_start3A_1641 = tpu.memref_slice %arg2[%dma_start3A_1639, %dma_start3A_1640] : memref<4194304x8xf32, #tpu.memory_space<hbm>> -> memref<4194304x8xf32, #tpu.memory_space<hbm>>
      tpu.enqueue_indirect_dma source(%dma_start3A_1641 : memref<4194304x8xf32, #tpu.memory_space<hbm>>) target(%dma_start3A_1635 : memref<128x8xf32, #tpu.memory_space<vmem>>) offsets(%dma_start3A_1638 : memref<128xi32, #tpu.memory_space<vmem>>) semaphore(%arg39 : memref<!tpu.dma_semaphore, #tpu.memory_space<semaphore_mem>>)
      %dma_start3A_1642 = arith.constant 6 : i32
      %dma_start3A_1643 = arith.constant 768 : i32
      %dma_start3A_1644 = arith.constant 0 : i32
      %dma_start3A_1645 = tpu.memref_slice %arg27[%dma_start3A_1643, %dma_start3A_1644] : memref<1024x8xf32, #tpu.memory_space<vmem>> -> memref<128x8xf32, #tpu.memory_space<vmem>>
      %dma_start3A_1646 = arith.constant 0 : i32
      %dma_start3A_1647 = tpu.memref_slice %arg15[%dma_start3A_1642, %dma_start3A_1646] : memref<8x128xi32, #tpu.memory_space<vmem>> -> memref<1x128xi32, #tpu.memory_space<vmem>>
      %dma_start3A_1648 = tpu.memref_squeeze %dma_start3A_1647 : memref<1x128xi32, #tpu.memory_space<vmem>> -> memref<128xi32, #tpu.memory_space<vmem>>
      %dma_start3A_1649 = arith.constant 0 : i32
      %dma_start3A_1650 = arith.constant 0 : i32
      %dma_start3A_1651 = tpu.memref_slice %arg2[%dma_start3A_1649, %dma_start3A_1650] : memref<4194304x8xf32, #tpu.memory_space<hbm>> -> memref<4194304x8xf32, #tpu.memory_space<hbm>>
      tpu.enqueue_indirect_dma source(%dma_start3A_1651 : memref<4194304x8xf32, #tpu.memory_space<hbm>>) target(%dma_start3A_1645 : memref<128x8xf32, #tpu.memory_space<vmem>>) offsets(%dma_start3A_1648 : memref<128xi32, #tpu.memory_space<vmem>>) semaphore(%arg39 : memref<!tpu.dma_semaphore, #tpu.memory_space<semaphore_mem>>)
      %dma_start3A_1652 = arith.constant 7 : i32
      %dma_start3A_1653 = arith.constant 896 : i32
      %dma_start3A_1654 = arith.constant 0 : i32
      %dma_start3A_1655 = tpu.memref_slice %arg24[%dma_start3A_1653, %dma_start3A_1654] : memref<1024x8xf32, #tpu.memory_space<vmem>> -> memref<128x8xf32, #tpu.memory_space<vmem>>
      %dma_start3A_1656 = arith.constant 0 : i32
      %dma_start3A_1657 = tpu.memref_slice %arg12[%dma_start3A_1652, %dma_start3A_1656] : memref<8x128xi32, #tpu.memory_space<vmem>> -> memref<1x128xi32, #tpu.memory_space<vmem>>
      %dma_start3A_1658 = tpu.memref_squeeze %dma_start3A_1657 : memref<1x128xi32, #tpu.memory_space<vmem>> -> memref<128xi32, #tpu.memory_space<vmem>>
      %dma_start3A_1659 = arith.constant 0 : i32
      %dma_start3A_1660 = arith.constant 0 : i32
      %dma_start3A_1661 = tpu.memref_slice %arg2[%dma_start3A_1659, %dma_start3A_1660] : memref<4194304x8xf32, #tpu.memory_space<hbm>> -> memref<4194304x8xf32, #tpu.memory_space<hbm>>
      tpu.enqueue_indirect_dma source(%dma_start3A_1661 : memref<4194304x8xf32, #tpu.memory_space<hbm>>) target(%dma_start3A_1655 : memref<128x8xf32, #tpu.memory_space<vmem>>) offsets(%dma_start3A_1658 : memref<128xi32, #tpu.memory_space<vmem>>) semaphore(%arg39 : memref<!tpu.dma_semaphore, #tpu.memory_space<semaphore_mem>>)
      %dma_start3A_1662 = arith.constant 7 : i32
      %dma_start3A_1663 = arith.constant 896 : i32
      %dma_start3A_1664 = arith.constant 0 : i32
      %dma_start3A_1665 = tpu.memref_slice %arg25[%dma_start3A_1663, %dma_start3A_1664] : memref<1024x8xf32, #tpu.memory_space<vmem>> -> memref<128x8xf32, #tpu.memory_space<vmem>>
      %dma_start3A_1666 = arith.constant 0 : i32
      %dma_start3A_1667 = tpu.memref_slice %arg13[%dma_start3A_1662, %dma_start3A_1666] : memref<8x128xi32, #tpu.memory_space<vmem>> -> memref<1x128xi32, #tpu.memory_space<vmem>>
      %dma_start3A_1668 = tpu.memref_squeeze %dma_start3A_1667 : memref<1x128xi32, #tpu.memory_space<vmem>> -> memref<128xi32, #tpu.memory_space<vmem>>
      %dma_start3A_1669 = arith.constant 0 : i32
      %dma_start3A_1670 = arith.constant 0 : i32
      %dma_start3A_1671 = tpu.memref_slice %arg2[%dma_start3A_1669, %dma_start3A_1670] : memref<4194304x8xf32, #tpu.memory_space<hbm>> -> memref<4194304x8xf32, #tpu.memory_space<hbm>>
      tpu.enqueue_indirect_dma source(%dma_start3A_1671 : memref<4194304x8xf32, #tpu.memory_space<hbm>>) target(%dma_start3A_1665 : memref<128x8xf32, #tpu.memory_space<vmem>>) offsets(%dma_start3A_1668 : memref<128xi32, #tpu.memory_space<vmem>>) semaphore(%arg39 : memref<!tpu.dma_semaphore, #tpu.memory_space<semaphore_mem>>)
      %dma_start3A_1672 = arith.constant 7 : i32
      %dma_start3A_1673 = arith.constant 896 : i32
      %dma_start3A_1674 = arith.constant 0 : i32
      %dma_start3A_1675 = tpu.memref_slice %arg26[%dma_start3A_1673, %dma_start3A_1674] : memref<1024x8xf32, #tpu.memory_space<vmem>> -> memref<128x8xf32, #tpu.memory_space<vmem>>
      %dma_start3A_1676 = arith.constant 0 : i32
      %dma_start3A_1677 = tpu.memref_slice %arg14[%dma_start3A_1672, %dma_start3A_1676] : memref<8x128xi32, #tpu.memory_space<vmem>> -> memref<1x128xi32, #tpu.memory_space<vmem>>
      %dma_start3A_1678 = tpu.memref_squeeze %dma_start3A_1677 : memref<1x128xi32, #tpu.memory_space<vmem>> -> memref<128xi32, #tpu.memory_space<vmem>>
      %dma_start3A_1679 = arith.constant 0 : i32
      %dma_start3A_1680 = arith.constant 0 : i32
      %dma_start3A_1681 = tpu.memref_slice %arg2[%dma_start3A_1679, %dma_start3A_1680] : memref<4194304x8xf32, #tpu.memory_space<hbm>> -> memref<4194304x8xf32, #tpu.memory_space<hbm>>
      tpu.enqueue_indirect_dma source(%dma_start3A_1681 : memref<4194304x8xf32, #tpu.memory_space<hbm>>) target(%dma_start3A_1675 : memref<128x8xf32, #tpu.memory_space<vmem>>) offsets(%dma_start3A_1678 : memref<128xi32, #tpu.memory_space<vmem>>) semaphore(%arg39 : memref<!tpu.dma_semaphore, #tpu.memory_space<semaphore_mem>>)
      %dma_start3A_1682 = arith.constant 7 : i32
      %dma_start3A_1683 = arith.constant 896 : i32
      %dma_start3A_1684 = arith.constant 0 : i32
      %dma_start3A_1685 = tpu.memref_slice %arg27[%dma_start3A_1683, %dma_start3A_1684] : memref<1024x8xf32, #tpu.memory_space<vmem>> -> memref<128x8xf32, #tpu.memory_space<vmem>>
      %dma_start3A_1686 = arith.constant 0 : i32
      %dma_start3A_1687 = tpu.memref_slice %arg15[%dma_start3A_1682, %dma_start3A_1686] : memref<8x128xi32, #tpu.memory_space<vmem>> -> memref<1x128xi32, #tpu.memory_space<vmem>>
      %dma_start3A_1688 = tpu.memref_squeeze %dma_start3A_1687 : memref<1x128xi32, #tpu.memory_space<vmem>> -> memref<128xi32, #tpu.memory_space<vmem>>
      %dma_start3A_1689 = arith.constant 0 : i32
      %dma_start3A_1690 = arith.constant 0 : i32
      %dma_start3A_1691 = tpu.memref_slice %arg2[%dma_start3A_1689, %dma_start3A_1690] : memref<4194304x8xf32, #tpu.memory_space<hbm>> -> memref<4194304x8xf32, #tpu.memory_space<hbm>>
      tpu.enqueue_indirect_dma source(%dma_start3A_1691 : memref<4194304x8xf32, #tpu.memory_space<hbm>>) target(%dma_start3A_1685 : memref<128x8xf32, #tpu.memory_space<vmem>>) offsets(%dma_start3A_1688 : memref<128xi32, #tpu.memory_space<vmem>>) semaphore(%arg39 : memref<!tpu.dma_semaphore, #tpu.memory_space<semaphore_mem>>)
      %add3A_1692 = arith.constant 1 : i32
      %add3A_1693 = arith.addi %mul3A_661, %add3A_1692 : i32
      %mul3A_1694 = arith.constant 1024 : i32
      %mul3A_1695 = arith.muli %add3A_1693, %mul3A_1694 : i32
      %add3A_1696 = arith.addi %mul3A_2, %mul3A_1695 : i32
      %dma_wait3A_1697 = arith.constant 0 : i32
      %dma_wait3A_1698 = arith.constant 0 : i32
      %dma_wait3A_1699 = arith.constant 0 : i32
      %dma_wait3A_1700 = tpu.memref_slice %arg28[%dma_wait3A_1698, %dma_wait3A_1699] : memref<1024x8xf32, #tpu.memory_space<vmem>> -> memref<128x8xf32, #tpu.memory_space<vmem>>
      %dma_wait3A_1701 = arith.constant 0 : i32
      %dma_wait3A_1702 = tpu.memref_slice %arg16[%dma_wait3A_1697, %dma_wait3A_1701] : memref<8x128xi32, #tpu.memory_space<vmem>> -> memref<1x128xi32, #tpu.memory_space<vmem>>
      %dma_wait3A_1703 = tpu.memref_squeeze %dma_wait3A_1702 : memref<1x128xi32, #tpu.memory_space<vmem>> -> memref<128xi32, #tpu.memory_space<vmem>>
      %dma_wait3A_1704 = arith.constant 0 : i32
      %dma_wait3A_1705 = arith.constant 0 : i32
      %dma_wait3A_1706 = tpu.memref_slice %arg2[%dma_wait3A_1704, %dma_wait3A_1705] : memref<4194304x8xf32, #tpu.memory_space<hbm>> -> memref<4194304x8xf32, #tpu.memory_space<hbm>>
      tpu.wait_indirect_dma semaphore(%arg40 : memref<!tpu.dma_semaphore, #tpu.memory_space<semaphore_mem>>) src(%dma_wait3A_1706 : memref<4194304x8xf32, #tpu.memory_space<hbm>>) dst(%dma_wait3A_1700 : memref<128x8xf32, #tpu.memory_space<vmem>>)
      %dma_wait3A_1707 = arith.constant 0 : i32
      %dma_wait3A_1708 = arith.constant 0 : i32
      %dma_wait3A_1709 = arith.constant 0 : i32
      %dma_wait3A_1710 = tpu.memref_slice %arg29[%dma_wait3A_1708, %dma_wait3A_1709] : memref<1024x8xf32, #tpu.memory_space<vmem>> -> memref<128x8xf32, #tpu.memory_space<vmem>>
      %dma_wait3A_1711 = arith.constant 0 : i32
      %dma_wait3A_1712 = tpu.memref_slice %arg17[%dma_wait3A_1707, %dma_wait3A_1711] : memref<8x128xi32, #tpu.memory_space<vmem>> -> memref<1x128xi32, #tpu.memory_space<vmem>>
      %dma_wait3A_1713 = tpu.memref_squeeze %dma_wait3A_1712 : memref<1x128xi32, #tpu.memory_space<vmem>> -> memref<128xi32, #tpu.memory_space<vmem>>
      %dma_wait3A_1714 = arith.constant 0 : i32
      %dma_wait3A_1715 = arith.constant 0 : i32
      %dma_wait3A_1716 = tpu.memref_slice %arg2[%dma_wait3A_1714, %dma_wait3A_1715] : memref<4194304x8xf32, #tpu.memory_space<hbm>> -> memref<4194304x8xf32, #tpu.memory_space<hbm>>
      tpu.wait_indirect_dma semaphore(%arg40 : memref<!tpu.dma_semaphore, #tpu.memory_space<semaphore_mem>>) src(%dma_wait3A_1716 : memref<4194304x8xf32, #tpu.memory_space<hbm>>) dst(%dma_wait3A_1710 : memref<128x8xf32, #tpu.memory_space<vmem>>)
      %dma_wait3A_1717 = arith.constant 0 : i32
      %dma_wait3A_1718 = arith.constant 0 : i32
      %dma_wait3A_1719 = arith.constant 0 : i32
      %dma_wait3A_1720 = tpu.memref_slice %arg30[%dma_wait3A_1718, %dma_wait3A_1719] : memref<1024x8xf32, #tpu.memory_space<vmem>> -> memref<128x8xf32, #tpu.memory_space<vmem>>
      %dma_wait3A_1721 = arith.constant 0 : i32
      %dma_wait3A_1722 = tpu.memref_slice %arg18[%dma_wait3A_1717, %dma_wait3A_1721] : memref<8x128xi32, #tpu.memory_space<vmem>> -> memref<1x128xi32, #tpu.memory_space<vmem>>
      %dma_wait3A_1723 = tpu.memref_squeeze %dma_wait3A_1722 : memref<1x128xi32, #tpu.memory_space<vmem>> -> memref<128xi32, #tpu.memory_space<vmem>>
      %dma_wait3A_1724 = arith.constant 0 : i32
      %dma_wait3A_1725 = arith.constant 0 : i32
      %dma_wait3A_1726 = tpu.memref_slice %arg2[%dma_wait3A_1724, %dma_wait3A_1725] : memref<4194304x8xf32, #tpu.memory_space<hbm>> -> memref<4194304x8xf32, #tpu.memory_space<hbm>>
      tpu.wait_indirect_dma semaphore(%arg40 : memref<!tpu.dma_semaphore, #tpu.memory_space<semaphore_mem>>) src(%dma_wait3A_1726 : memref<4194304x8xf32, #tpu.memory_space<hbm>>) dst(%dma_wait3A_1720 : memref<128x8xf32, #tpu.memory_space<vmem>>)
      %dma_wait3A_1727 = arith.constant 0 : i32
      %dma_wait3A_1728 = arith.constant 0 : i32
      %dma_wait3A_1729 = arith.constant 0 : i32
      %dma_wait3A_1730 = tpu.memref_slice %arg31[%dma_wait3A_1728, %dma_wait3A_1729] : memref<1024x8xf32, #tpu.memory_space<vmem>> -> memref<128x8xf32, #tpu.memory_space<vmem>>
      %dma_wait3A_1731 = arith.constant 0 : i32
      %dma_wait3A_1732 = tpu.memref_slice %arg19[%dma_wait3A_1727, %dma_wait3A_1731] : memref<8x128xi32, #tpu.memory_space<vmem>> -> memref<1x128xi32, #tpu.memory_space<vmem>>
      %dma_wait3A_1733 = tpu.memref_squeeze %dma_wait3A_1732 : memref<1x128xi32, #tpu.memory_space<vmem>> -> memref<128xi32, #tpu.memory_space<vmem>>
      %dma_wait3A_1734 = arith.constant 0 : i32
      %dma_wait3A_1735 = arith.constant 0 : i32
      %dma_wait3A_1736 = tpu.memref_slice %arg2[%dma_wait3A_1734, %dma_wait3A_1735] : memref<4194304x8xf32, #tpu.memory_space<hbm>> -> memref<4194304x8xf32, #tpu.memory_space<hbm>>
      tpu.wait_indirect_dma semaphore(%arg40 : memref<!tpu.dma_semaphore, #tpu.memory_space<semaphore_mem>>) src(%dma_wait3A_1736 : memref<4194304x8xf32, #tpu.memory_space<hbm>>) dst(%dma_wait3A_1730 : memref<128x8xf32, #tpu.memory_space<vmem>>)
      %dma_wait3A_1737 = arith.constant 1 : i32
      %dma_wait3A_1738 = arith.constant 128 : i32
      %dma_wait3A_1739 = arith.constant 0 : i32
      %dma_wait3A_1740 = tpu.memref_slice %arg28[%dma_wait3A_1738, %dma_wait3A_1739] : memref<1024x8xf32, #tpu.memory_space<vmem>> -> memref<128x8xf32, #tpu.memory_space<vmem>>
      %dma_wait3A_1741 = arith.constant 0 : i32
      %dma_wait3A_1742 = tpu.memref_slice %arg16[%dma_wait3A_1737, %dma_wait3A_1741] : memref<8x128xi32, #tpu.memory_space<vmem>> -> memref<1x128xi32, #tpu.memory_space<vmem>>
      %dma_wait3A_1743 = tpu.memref_squeeze %dma_wait3A_1742 : memref<1x128xi32, #tpu.memory_space<vmem>> -> memref<128xi32, #tpu.memory_space<vmem>>
      %dma_wait3A_1744 = arith.constant 0 : i32
      %dma_wait3A_1745 = arith.constant 0 : i32
      %dma_wait3A_1746 = tpu.memref_slice %arg2[%dma_wait3A_1744, %dma_wait3A_1745] : memref<4194304x8xf32, #tpu.memory_space<hbm>> -> memref<4194304x8xf32, #tpu.memory_space<hbm>>
      tpu.wait_indirect_dma semaphore(%arg40 : memref<!tpu.dma_semaphore, #tpu.memory_space<semaphore_mem>>) src(%dma_wait3A_1746 : memref<4194304x8xf32, #tpu.memory_space<hbm>>) dst(%dma_wait3A_1740 : memref<128x8xf32, #tpu.memory_space<vmem>>)
      %dma_wait3A_1747 = arith.constant 1 : i32
      %dma_wait3A_1748 = arith.constant 128 : i32
      %dma_wait3A_1749 = arith.constant 0 : i32
      %dma_wait3A_1750 = tpu.memref_slice %arg29[%dma_wait3A_1748, %dma_wait3A_1749] : memref<1024x8xf32, #tpu.memory_space<vmem>> -> memref<128x8xf32, #tpu.memory_space<vmem>>
      %dma_wait3A_1751 = arith.constant 0 : i32
      %dma_wait3A_1752 = tpu.memref_slice %arg17[%dma_wait3A_1747, %dma_wait3A_1751] : memref<8x128xi32, #tpu.memory_space<vmem>> -> memref<1x128xi32, #tpu.memory_space<vmem>>
      %dma_wait3A_1753 = tpu.memref_squeeze %dma_wait3A_1752 : memref<1x128xi32, #tpu.memory_space<vmem>> -> memref<128xi32, #tpu.memory_space<vmem>>
      %dma_wait3A_1754 = arith.constant 0 : i32
      %dma_wait3A_1755 = arith.constant 0 : i32
      %dma_wait3A_1756 = tpu.memref_slice %arg2[%dma_wait3A_1754, %dma_wait3A_1755] : memref<4194304x8xf32, #tpu.memory_space<hbm>> -> memref<4194304x8xf32, #tpu.memory_space<hbm>>
      tpu.wait_indirect_dma semaphore(%arg40 : memref<!tpu.dma_semaphore, #tpu.memory_space<semaphore_mem>>) src(%dma_wait3A_1756 : memref<4194304x8xf32, #tpu.memory_space<hbm>>) dst(%dma_wait3A_1750 : memref<128x8xf32, #tpu.memory_space<vmem>>)
      %dma_wait3A_1757 = arith.constant 1 : i32
      %dma_wait3A_1758 = arith.constant 128 : i32
      %dma_wait3A_1759 = arith.constant 0 : i32
      %dma_wait3A_1760 = tpu.memref_slice %arg30[%dma_wait3A_1758, %dma_wait3A_1759] : memref<1024x8xf32, #tpu.memory_space<vmem>> -> memref<128x8xf32, #tpu.memory_space<vmem>>
      %dma_wait3A_1761 = arith.constant 0 : i32
      %dma_wait3A_1762 = tpu.memref_slice %arg18[%dma_wait3A_1757, %dma_wait3A_1761] : memref<8x128xi32, #tpu.memory_space<vmem>> -> memref<1x128xi32, #tpu.memory_space<vmem>>
      %dma_wait3A_1763 = tpu.memref_squeeze %dma_wait3A_1762 : memref<1x128xi32, #tpu.memory_space<vmem>> -> memref<128xi32, #tpu.memory_space<vmem>>
      %dma_wait3A_1764 = arith.constant 0 : i32
      %dma_wait3A_1765 = arith.constant 0 : i32
      %dma_wait3A_1766 = tpu.memref_slice %arg2[%dma_wait3A_1764, %dma_wait3A_1765] : memref<4194304x8xf32, #tpu.memory_space<hbm>> -> memref<4194304x8xf32, #tpu.memory_space<hbm>>
      tpu.wait_indirect_dma semaphore(%arg40 : memref<!tpu.dma_semaphore, #tpu.memory_space<semaphore_mem>>) src(%dma_wait3A_1766 : memref<4194304x8xf32, #tpu.memory_space<hbm>>) dst(%dma_wait3A_1760 : memref<128x8xf32, #tpu.memory_space<vmem>>)
      %dma_wait3A_1767 = arith.constant 1 : i32
      %dma_wait3A_1768 = arith.constant 128 : i32
      %dma_wait3A_1769 = arith.constant 0 : i32
      %dma_wait3A_1770 = tpu.memref_slice %arg31[%dma_wait3A_1768, %dma_wait3A_1769] : memref<1024x8xf32, #tpu.memory_space<vmem>> -> memref<128x8xf32, #tpu.memory_space<vmem>>
      %dma_wait3A_1771 = arith.constant 0 : i32
      %dma_wait3A_1772 = tpu.memref_slice %arg19[%dma_wait3A_1767, %dma_wait3A_1771] : memref<8x128xi32, #tpu.memory_space<vmem>> -> memref<1x128xi32, #tpu.memory_space<vmem>>
      %dma_wait3A_1773 = tpu.memref_squeeze %dma_wait3A_1772 : memref<1x128xi32, #tpu.memory_space<vmem>> -> memref<128xi32, #tpu.memory_space<vmem>>
      %dma_wait3A_1774 = arith.constant 0 : i32
      %dma_wait3A_1775 = arith.constant 0 : i32
      %dma_wait3A_1776 = tpu.memref_slice %arg2[%dma_wait3A_1774, %dma_wait3A_1775] : memref<4194304x8xf32, #tpu.memory_space<hbm>> -> memref<4194304x8xf32, #tpu.memory_space<hbm>>
      tpu.wait_indirect_dma semaphore(%arg40 : memref<!tpu.dma_semaphore, #tpu.memory_space<semaphore_mem>>) src(%dma_wait3A_1776 : memref<4194304x8xf32, #tpu.memory_space<hbm>>) dst(%dma_wait3A_1770 : memref<128x8xf32, #tpu.memory_space<vmem>>)
      %dma_wait3A_1777 = arith.constant 2 : i32
      %dma_wait3A_1778 = arith.constant 256 : i32
      %dma_wait3A_1779 = arith.constant 0 : i32
      %dma_wait3A_1780 = tpu.memref_slice %arg28[%dma_wait3A_1778, %dma_wait3A_1779] : memref<1024x8xf32, #tpu.memory_space<vmem>> -> memref<128x8xf32, #tpu.memory_space<vmem>>
      %dma_wait3A_1781 = arith.constant 0 : i32
      %dma_wait3A_1782 = tpu.memref_slice %arg16[%dma_wait3A_1777, %dma_wait3A_1781] : memref<8x128xi32, #tpu.memory_space<vmem>> -> memref<1x128xi32, #tpu.memory_space<vmem>>
      %dma_wait3A_1783 = tpu.memref_squeeze %dma_wait3A_1782 : memref<1x128xi32, #tpu.memory_space<vmem>> -> memref<128xi32, #tpu.memory_space<vmem>>
      %dma_wait3A_1784 = arith.constant 0 : i32
      %dma_wait3A_1785 = arith.constant 0 : i32
      %dma_wait3A_1786 = tpu.memref_slice %arg2[%dma_wait3A_1784, %dma_wait3A_1785] : memref<4194304x8xf32, #tpu.memory_space<hbm>> -> memref<4194304x8xf32, #tpu.memory_space<hbm>>
      tpu.wait_indirect_dma semaphore(%arg40 : memref<!tpu.dma_semaphore, #tpu.memory_space<semaphore_mem>>) src(%dma_wait3A_1786 : memref<4194304x8xf32, #tpu.memory_space<hbm>>) dst(%dma_wait3A_1780 : memref<128x8xf32, #tpu.memory_space<vmem>>)
      %dma_wait3A_1787 = arith.constant 2 : i32
      %dma_wait3A_1788 = arith.constant 256 : i32
      %dma_wait3A_1789 = arith.constant 0 : i32
      %dma_wait3A_1790 = tpu.memref_slice %arg29[%dma_wait3A_1788, %dma_wait3A_1789] : memref<1024x8xf32, #tpu.memory_space<vmem>> -> memref<128x8xf32, #tpu.memory_space<vmem>>
      %dma_wait3A_1791 = arith.constant 0 : i32
      %dma_wait3A_1792 = tpu.memref_slice %arg17[%dma_wait3A_1787, %dma_wait3A_1791] : memref<8x128xi32, #tpu.memory_space<vmem>> -> memref<1x128xi32, #tpu.memory_space<vmem>>
      %dma_wait3A_1793 = tpu.memref_squeeze %dma_wait3A_1792 : memref<1x128xi32, #tpu.memory_space<vmem>> -> memref<128xi32, #tpu.memory_space<vmem>>
      %dma_wait3A_1794 = arith.constant 0 : i32
      %dma_wait3A_1795 = arith.constant 0 : i32
      %dma_wait3A_1796 = tpu.memref_slice %arg2[%dma_wait3A_1794, %dma_wait3A_1795] : memref<4194304x8xf32, #tpu.memory_space<hbm>> -> memref<4194304x8xf32, #tpu.memory_space<hbm>>
      tpu.wait_indirect_dma semaphore(%arg40 : memref<!tpu.dma_semaphore, #tpu.memory_space<semaphore_mem>>) src(%dma_wait3A_1796 : memref<4194304x8xf32, #tpu.memory_space<hbm>>) dst(%dma_wait3A_1790 : memref<128x8xf32, #tpu.memory_space<vmem>>)
      %dma_wait3A_1797 = arith.constant 2 : i32
      %dma_wait3A_1798 = arith.constant 256 : i32
      %dma_wait3A_1799 = arith.constant 0 : i32
      %dma_wait3A_1800 = tpu.memref_slice %arg30[%dma_wait3A_1798, %dma_wait3A_1799] : memref<1024x8xf32, #tpu.memory_space<vmem>> -> memref<128x8xf32, #tpu.memory_space<vmem>>
      %dma_wait3A_1801 = arith.constant 0 : i32
      %dma_wait3A_1802 = tpu.memref_slice %arg18[%dma_wait3A_1797, %dma_wait3A_1801] : memref<8x128xi32, #tpu.memory_space<vmem>> -> memref<1x128xi32, #tpu.memory_space<vmem>>
      %dma_wait3A_1803 = tpu.memref_squeeze %dma_wait3A_1802 : memref<1x128xi32, #tpu.memory_space<vmem>> -> memref<128xi32, #tpu.memory_space<vmem>>
      %dma_wait3A_1804 = arith.constant 0 : i32
      %dma_wait3A_1805 = arith.constant 0 : i32
      %dma_wait3A_1806 = tpu.memref_slice %arg2[%dma_wait3A_1804, %dma_wait3A_1805] : memref<4194304x8xf32, #tpu.memory_space<hbm>> -> memref<4194304x8xf32, #tpu.memory_space<hbm>>
      tpu.wait_indirect_dma semaphore(%arg40 : memref<!tpu.dma_semaphore, #tpu.memory_space<semaphore_mem>>) src(%dma_wait3A_1806 : memref<4194304x8xf32, #tpu.memory_space<hbm>>) dst(%dma_wait3A_1800 : memref<128x8xf32, #tpu.memory_space<vmem>>)
      %dma_wait3A_1807 = arith.constant 2 : i32
      %dma_wait3A_1808 = arith.constant 256 : i32
      %dma_wait3A_1809 = arith.constant 0 : i32
      %dma_wait3A_1810 = tpu.memref_slice %arg31[%dma_wait3A_1808, %dma_wait3A_1809] : memref<1024x8xf32, #tpu.memory_space<vmem>> -> memref<128x8xf32, #tpu.memory_space<vmem>>
      %dma_wait3A_1811 = arith.constant 0 : i32
      %dma_wait3A_1812 = tpu.memref_slice %arg19[%dma_wait3A_1807, %dma_wait3A_1811] : memref<8x128xi32, #tpu.memory_space<vmem>> -> memref<1x128xi32, #tpu.memory_space<vmem>>
      %dma_wait3A_1813 = tpu.memref_squeeze %dma_wait3A_1812 : memref<1x128xi32, #tpu.memory_space<vmem>> -> memref<128xi32, #tpu.memory_space<vmem>>
      %dma_wait3A_1814 = arith.constant 0 : i32
      %dma_wait3A_1815 = arith.constant 0 : i32
      %dma_wait3A_1816 = tpu.memref_slice %arg2[%dma_wait3A_1814, %dma_wait3A_1815] : memref<4194304x8xf32, #tpu.memory_space<hbm>> -> memref<4194304x8xf32, #tpu.memory_space<hbm>>
      tpu.wait_indirect_dma semaphore(%arg40 : memref<!tpu.dma_semaphore, #tpu.memory_space<semaphore_mem>>) src(%dma_wait3A_1816 : memref<4194304x8xf32, #tpu.memory_space<hbm>>) dst(%dma_wait3A_1810 : memref<128x8xf32, #tpu.memory_space<vmem>>)
      %dma_wait3A_1817 = arith.constant 3 : i32
      %dma_wait3A_1818 = arith.constant 384 : i32
      %dma_wait3A_1819 = arith.constant 0 : i32
      %dma_wait3A_1820 = tpu.memref_slice %arg28[%dma_wait3A_1818, %dma_wait3A_1819] : memref<1024x8xf32, #tpu.memory_space<vmem>> -> memref<128x8xf32, #tpu.memory_space<vmem>>
      %dma_wait3A_1821 = arith.constant 0 : i32
      %dma_wait3A_1822 = tpu.memref_slice %arg16[%dma_wait3A_1817, %dma_wait3A_1821] : memref<8x128xi32, #tpu.memory_space<vmem>> -> memref<1x128xi32, #tpu.memory_space<vmem>>
      %dma_wait3A_1823 = tpu.memref_squeeze %dma_wait3A_1822 : memref<1x128xi32, #tpu.memory_space<vmem>> -> memref<128xi32, #tpu.memory_space<vmem>>
      %dma_wait3A_1824 = arith.constant 0 : i32
      %dma_wait3A_1825 = arith.constant 0 : i32
      %dma_wait3A_1826 = tpu.memref_slice %arg2[%dma_wait3A_1824, %dma_wait3A_1825] : memref<4194304x8xf32, #tpu.memory_space<hbm>> -> memref<4194304x8xf32, #tpu.memory_space<hbm>>
      tpu.wait_indirect_dma semaphore(%arg40 : memref<!tpu.dma_semaphore, #tpu.memory_space<semaphore_mem>>) src(%dma_wait3A_1826 : memref<4194304x8xf32, #tpu.memory_space<hbm>>) dst(%dma_wait3A_1820 : memref<128x8xf32, #tpu.memory_space<vmem>>)
      %dma_wait3A_1827 = arith.constant 3 : i32
      %dma_wait3A_1828 = arith.constant 384 : i32
      %dma_wait3A_1829 = arith.constant 0 : i32
      %dma_wait3A_1830 = tpu.memref_slice %arg29[%dma_wait3A_1828, %dma_wait3A_1829] : memref<1024x8xf32, #tpu.memory_space<vmem>> -> memref<128x8xf32, #tpu.memory_space<vmem>>
      %dma_wait3A_1831 = arith.constant 0 : i32
      %dma_wait3A_1832 = tpu.memref_slice %arg17[%dma_wait3A_1827, %dma_wait3A_1831] : memref<8x128xi32, #tpu.memory_space<vmem>> -> memref<1x128xi32, #tpu.memory_space<vmem>>
      %dma_wait3A_1833 = tpu.memref_squeeze %dma_wait3A_1832 : memref<1x128xi32, #tpu.memory_space<vmem>> -> memref<128xi32, #tpu.memory_space<vmem>>
      %dma_wait3A_1834 = arith.constant 0 : i32
      %dma_wait3A_1835 = arith.constant 0 : i32
      %dma_wait3A_1836 = tpu.memref_slice %arg2[%dma_wait3A_1834, %dma_wait3A_1835] : memref<4194304x8xf32, #tpu.memory_space<hbm>> -> memref<4194304x8xf32, #tpu.memory_space<hbm>>
      tpu.wait_indirect_dma semaphore(%arg40 : memref<!tpu.dma_semaphore, #tpu.memory_space<semaphore_mem>>) src(%dma_wait3A_1836 : memref<4194304x8xf32, #tpu.memory_space<hbm>>) dst(%dma_wait3A_1830 : memref<128x8xf32, #tpu.memory_space<vmem>>)
      %dma_wait3A_1837 = arith.constant 3 : i32
      %dma_wait3A_1838 = arith.constant 384 : i32
      %dma_wait3A_1839 = arith.constant 0 : i32
      %dma_wait3A_1840 = tpu.memref_slice %arg30[%dma_wait3A_1838, %dma_wait3A_1839] : memref<1024x8xf32, #tpu.memory_space<vmem>> -> memref<128x8xf32, #tpu.memory_space<vmem>>
      %dma_wait3A_1841 = arith.constant 0 : i32
      %dma_wait3A_1842 = tpu.memref_slice %arg18[%dma_wait3A_1837, %dma_wait3A_1841] : memref<8x128xi32, #tpu.memory_space<vmem>> -> memref<1x128xi32, #tpu.memory_space<vmem>>
      %dma_wait3A_1843 = tpu.memref_squeeze %dma_wait3A_1842 : memref<1x128xi32, #tpu.memory_space<vmem>> -> memref<128xi32, #tpu.memory_space<vmem>>
      %dma_wait3A_1844 = arith.constant 0 : i32
      %dma_wait3A_1845 = arith.constant 0 : i32
      %dma_wait3A_1846 = tpu.memref_slice %arg2[%dma_wait3A_1844, %dma_wait3A_1845] : memref<4194304x8xf32, #tpu.memory_space<hbm>> -> memref<4194304x8xf32, #tpu.memory_space<hbm>>
      tpu.wait_indirect_dma semaphore(%arg40 : memref<!tpu.dma_semaphore, #tpu.memory_space<semaphore_mem>>) src(%dma_wait3A_1846 : memref<4194304x8xf32, #tpu.memory_space<hbm>>) dst(%dma_wait3A_1840 : memref<128x8xf32, #tpu.memory_space<vmem>>)
      %dma_wait3A_1847 = arith.constant 3 : i32
      %dma_wait3A_1848 = arith.constant 384 : i32
      %dma_wait3A_1849 = arith.constant 0 : i32
      %dma_wait3A_1850 = tpu.memref_slice %arg31[%dma_wait3A_1848, %dma_wait3A_1849] : memref<1024x8xf32, #tpu.memory_space<vmem>> -> memref<128x8xf32, #tpu.memory_space<vmem>>
      %dma_wait3A_1851 = arith.constant 0 : i32
      %dma_wait3A_1852 = tpu.memref_slice %arg19[%dma_wait3A_1847, %dma_wait3A_1851] : memref<8x128xi32, #tpu.memory_space<vmem>> -> memref<1x128xi32, #tpu.memory_space<vmem>>
      %dma_wait3A_1853 = tpu.memref_squeeze %dma_wait3A_1852 : memref<1x128xi32, #tpu.memory_space<vmem>> -> memref<128xi32, #tpu.memory_space<vmem>>
      %dma_wait3A_1854 = arith.constant 0 : i32
      %dma_wait3A_1855 = arith.constant 0 : i32
      %dma_wait3A_1856 = tpu.memref_slice %arg2[%dma_wait3A_1854, %dma_wait3A_1855] : memref<4194304x8xf32, #tpu.memory_space<hbm>> -> memref<4194304x8xf32, #tpu.memory_space<hbm>>
      tpu.wait_indirect_dma semaphore(%arg40 : memref<!tpu.dma_semaphore, #tpu.memory_space<semaphore_mem>>) src(%dma_wait3A_1856 : memref<4194304x8xf32, #tpu.memory_space<hbm>>) dst(%dma_wait3A_1850 : memref<128x8xf32, #tpu.memory_space<vmem>>)
      %dma_wait3A_1857 = arith.constant 4 : i32
      %dma_wait3A_1858 = arith.constant 512 : i32
      %dma_wait3A_1859 = arith.constant 0 : i32
      %dma_wait3A_1860 = tpu.memref_slice %arg28[%dma_wait3A_1858, %dma_wait3A_1859] : memref<1024x8xf32, #tpu.memory_space<vmem>> -> memref<128x8xf32, #tpu.memory_space<vmem>>
      %dma_wait3A_1861 = arith.constant 0 : i32
      %dma_wait3A_1862 = tpu.memref_slice %arg16[%dma_wait3A_1857, %dma_wait3A_1861] : memref<8x128xi32, #tpu.memory_space<vmem>> -> memref<1x128xi32, #tpu.memory_space<vmem>>
      %dma_wait3A_1863 = tpu.memref_squeeze %dma_wait3A_1862 : memref<1x128xi32, #tpu.memory_space<vmem>> -> memref<128xi32, #tpu.memory_space<vmem>>
      %dma_wait3A_1864 = arith.constant 0 : i32
      %dma_wait3A_1865 = arith.constant 0 : i32
      %dma_wait3A_1866 = tpu.memref_slice %arg2[%dma_wait3A_1864, %dma_wait3A_1865] : memref<4194304x8xf32, #tpu.memory_space<hbm>> -> memref<4194304x8xf32, #tpu.memory_space<hbm>>
      tpu.wait_indirect_dma semaphore(%arg40 : memref<!tpu.dma_semaphore, #tpu.memory_space<semaphore_mem>>) src(%dma_wait3A_1866 : memref<4194304x8xf32, #tpu.memory_space<hbm>>) dst(%dma_wait3A_1860 : memref<128x8xf32, #tpu.memory_space<vmem>>)
      %dma_wait3A_1867 = arith.constant 4 : i32
      %dma_wait3A_1868 = arith.constant 512 : i32
      %dma_wait3A_1869 = arith.constant 0 : i32
      %dma_wait3A_1870 = tpu.memref_slice %arg29[%dma_wait3A_1868, %dma_wait3A_1869] : memref<1024x8xf32, #tpu.memory_space<vmem>> -> memref<128x8xf32, #tpu.memory_space<vmem>>
      %dma_wait3A_1871 = arith.constant 0 : i32
      %dma_wait3A_1872 = tpu.memref_slice %arg17[%dma_wait3A_1867, %dma_wait3A_1871] : memref<8x128xi32, #tpu.memory_space<vmem>> -> memref<1x128xi32, #tpu.memory_space<vmem>>
      %dma_wait3A_1873 = tpu.memref_squeeze %dma_wait3A_1872 : memref<1x128xi32, #tpu.memory_space<vmem>> -> memref<128xi32, #tpu.memory_space<vmem>>
      %dma_wait3A_1874 = arith.constant 0 : i32
      %dma_wait3A_1875 = arith.constant 0 : i32
      %dma_wait3A_1876 = tpu.memref_slice %arg2[%dma_wait3A_1874, %dma_wait3A_1875] : memref<4194304x8xf32, #tpu.memory_space<hbm>> -> memref<4194304x8xf32, #tpu.memory_space<hbm>>
      tpu.wait_indirect_dma semaphore(%arg40 : memref<!tpu.dma_semaphore, #tpu.memory_space<semaphore_mem>>) src(%dma_wait3A_1876 : memref<4194304x8xf32, #tpu.memory_space<hbm>>) dst(%dma_wait3A_1870 : memref<128x8xf32, #tpu.memory_space<vmem>>)
      %dma_wait3A_1877 = arith.constant 4 : i32
      %dma_wait3A_1878 = arith.constant 512 : i32
      %dma_wait3A_1879 = arith.constant 0 : i32
      %dma_wait3A_1880 = tpu.memref_slice %arg30[%dma_wait3A_1878, %dma_wait3A_1879] : memref<1024x8xf32, #tpu.memory_space<vmem>> -> memref<128x8xf32, #tpu.memory_space<vmem>>
      %dma_wait3A_1881 = arith.constant 0 : i32
      %dma_wait3A_1882 = tpu.memref_slice %arg18[%dma_wait3A_1877, %dma_wait3A_1881] : memref<8x128xi32, #tpu.memory_space<vmem>> -> memref<1x128xi32, #tpu.memory_space<vmem>>
      %dma_wait3A_1883 = tpu.memref_squeeze %dma_wait3A_1882 : memref<1x128xi32, #tpu.memory_space<vmem>> -> memref<128xi32, #tpu.memory_space<vmem>>
      %dma_wait3A_1884 = arith.constant 0 : i32
      %dma_wait3A_1885 = arith.constant 0 : i32
      %dma_wait3A_1886 = tpu.memref_slice %arg2[%dma_wait3A_1884, %dma_wait3A_1885] : memref<4194304x8xf32, #tpu.memory_space<hbm>> -> memref<4194304x8xf32, #tpu.memory_space<hbm>>
      tpu.wait_indirect_dma semaphore(%arg40 : memref<!tpu.dma_semaphore, #tpu.memory_space<semaphore_mem>>) src(%dma_wait3A_1886 : memref<4194304x8xf32, #tpu.memory_space<hbm>>) dst(%dma_wait3A_1880 : memref<128x8xf32, #tpu.memory_space<vmem>>)
      %dma_wait3A_1887 = arith.constant 4 : i32
      %dma_wait3A_1888 = arith.constant 512 : i32
      %dma_wait3A_1889 = arith.constant 0 : i32
      %dma_wait3A_1890 = tpu.memref_slice %arg31[%dma_wait3A_1888, %dma_wait3A_1889] : memref<1024x8xf32, #tpu.memory_space<vmem>> -> memref<128x8xf32, #tpu.memory_space<vmem>>
      %dma_wait3A_1891 = arith.constant 0 : i32
      %dma_wait3A_1892 = tpu.memref_slice %arg19[%dma_wait3A_1887, %dma_wait3A_1891] : memref<8x128xi32, #tpu.memory_space<vmem>> -> memref<1x128xi32, #tpu.memory_space<vmem>>
      %dma_wait3A_1893 = tpu.memref_squeeze %dma_wait3A_1892 : memref<1x128xi32, #tpu.memory_space<vmem>> -> memref<128xi32, #tpu.memory_space<vmem>>
      %dma_wait3A_1894 = arith.constant 0 : i32
      %dma_wait3A_1895 = arith.constant 0 : i32
      %dma_wait3A_1896 = tpu.memref_slice %arg2[%dma_wait3A_1894, %dma_wait3A_1895] : memref<4194304x8xf32, #tpu.memory_space<hbm>> -> memref<4194304x8xf32, #tpu.memory_space<hbm>>
      tpu.wait_indirect_dma semaphore(%arg40 : memref<!tpu.dma_semaphore, #tpu.memory_space<semaphore_mem>>) src(%dma_wait3A_1896 : memref<4194304x8xf32, #tpu.memory_space<hbm>>) dst(%dma_wait3A_1890 : memref<128x8xf32, #tpu.memory_space<vmem>>)
      %dma_wait3A_1897 = arith.constant 5 : i32
      %dma_wait3A_1898 = arith.constant 640 : i32
      %dma_wait3A_1899 = arith.constant 0 : i32
      %dma_wait3A_1900 = tpu.memref_slice %arg28[%dma_wait3A_1898, %dma_wait3A_1899] : memref<1024x8xf32, #tpu.memory_space<vmem>> -> memref<128x8xf32, #tpu.memory_space<vmem>>
      %dma_wait3A_1901 = arith.constant 0 : i32
      %dma_wait3A_1902 = tpu.memref_slice %arg16[%dma_wait3A_1897, %dma_wait3A_1901] : memref<8x128xi32, #tpu.memory_space<vmem>> -> memref<1x128xi32, #tpu.memory_space<vmem>>
      %dma_wait3A_1903 = tpu.memref_squeeze %dma_wait3A_1902 : memref<1x128xi32, #tpu.memory_space<vmem>> -> memref<128xi32, #tpu.memory_space<vmem>>
      %dma_wait3A_1904 = arith.constant 0 : i32
      %dma_wait3A_1905 = arith.constant 0 : i32
      %dma_wait3A_1906 = tpu.memref_slice %arg2[%dma_wait3A_1904, %dma_wait3A_1905] : memref<4194304x8xf32, #tpu.memory_space<hbm>> -> memref<4194304x8xf32, #tpu.memory_space<hbm>>
      tpu.wait_indirect_dma semaphore(%arg40 : memref<!tpu.dma_semaphore, #tpu.memory_space<semaphore_mem>>) src(%dma_wait3A_1906 : memref<4194304x8xf32, #tpu.memory_space<hbm>>) dst(%dma_wait3A_1900 : memref<128x8xf32, #tpu.memory_space<vmem>>)
      %dma_wait3A_1907 = arith.constant 5 : i32
      %dma_wait3A_1908 = arith.constant 640 : i32
      %dma_wait3A_1909 = arith.constant 0 : i32
      %dma_wait3A_1910 = tpu.memref_slice %arg29[%dma_wait3A_1908, %dma_wait3A_1909] : memref<1024x8xf32, #tpu.memory_space<vmem>> -> memref<128x8xf32, #tpu.memory_space<vmem>>
      %dma_wait3A_1911 = arith.constant 0 : i32
      %dma_wait3A_1912 = tpu.memref_slice %arg17[%dma_wait3A_1907, %dma_wait3A_1911] : memref<8x128xi32, #tpu.memory_space<vmem>> -> memref<1x128xi32, #tpu.memory_space<vmem>>
      %dma_wait3A_1913 = tpu.memref_squeeze %dma_wait3A_1912 : memref<1x128xi32, #tpu.memory_space<vmem>> -> memref<128xi32, #tpu.memory_space<vmem>>
      %dma_wait3A_1914 = arith.constant 0 : i32
      %dma_wait3A_1915 = arith.constant 0 : i32
      %dma_wait3A_1916 = tpu.memref_slice %arg2[%dma_wait3A_1914, %dma_wait3A_1915] : memref<4194304x8xf32, #tpu.memory_space<hbm>> -> memref<4194304x8xf32, #tpu.memory_space<hbm>>
      tpu.wait_indirect_dma semaphore(%arg40 : memref<!tpu.dma_semaphore, #tpu.memory_space<semaphore_mem>>) src(%dma_wait3A_1916 : memref<4194304x8xf32, #tpu.memory_space<hbm>>) dst(%dma_wait3A_1910 : memref<128x8xf32, #tpu.memory_space<vmem>>)
      %dma_wait3A_1917 = arith.constant 5 : i32
      %dma_wait3A_1918 = arith.constant 640 : i32
      %dma_wait3A_1919 = arith.constant 0 : i32
      %dma_wait3A_1920 = tpu.memref_slice %arg30[%dma_wait3A_1918, %dma_wait3A_1919] : memref<1024x8xf32, #tpu.memory_space<vmem>> -> memref<128x8xf32, #tpu.memory_space<vmem>>
      %dma_wait3A_1921 = arith.constant 0 : i32
      %dma_wait3A_1922 = tpu.memref_slice %arg18[%dma_wait3A_1917, %dma_wait3A_1921] : memref<8x128xi32, #tpu.memory_space<vmem>> -> memref<1x128xi32, #tpu.memory_space<vmem>>
      %dma_wait3A_1923 = tpu.memref_squeeze %dma_wait3A_1922 : memref<1x128xi32, #tpu.memory_space<vmem>> -> memref<128xi32, #tpu.memory_space<vmem>>
      %dma_wait3A_1924 = arith.constant 0 : i32
      %dma_wait3A_1925 = arith.constant 0 : i32
      %dma_wait3A_1926 = tpu.memref_slice %arg2[%dma_wait3A_1924, %dma_wait3A_1925] : memref<4194304x8xf32, #tpu.memory_space<hbm>> -> memref<4194304x8xf32, #tpu.memory_space<hbm>>
      tpu.wait_indirect_dma semaphore(%arg40 : memref<!tpu.dma_semaphore, #tpu.memory_space<semaphore_mem>>) src(%dma_wait3A_1926 : memref<4194304x8xf32, #tpu.memory_space<hbm>>) dst(%dma_wait3A_1920 : memref<128x8xf32, #tpu.memory_space<vmem>>)
      %dma_wait3A_1927 = arith.constant 5 : i32
      %dma_wait3A_1928 = arith.constant 640 : i32
      %dma_wait3A_1929 = arith.constant 0 : i32
      %dma_wait3A_1930 = tpu.memref_slice %arg31[%dma_wait3A_1928, %dma_wait3A_1929] : memref<1024x8xf32, #tpu.memory_space<vmem>> -> memref<128x8xf32, #tpu.memory_space<vmem>>
      %dma_wait3A_1931 = arith.constant 0 : i32
      %dma_wait3A_1932 = tpu.memref_slice %arg19[%dma_wait3A_1927, %dma_wait3A_1931] : memref<8x128xi32, #tpu.memory_space<vmem>> -> memref<1x128xi32, #tpu.memory_space<vmem>>
      %dma_wait3A_1933 = tpu.memref_squeeze %dma_wait3A_1932 : memref<1x128xi32, #tpu.memory_space<vmem>> -> memref<128xi32, #tpu.memory_space<vmem>>
      %dma_wait3A_1934 = arith.constant 0 : i32
      %dma_wait3A_1935 = arith.constant 0 : i32
      %dma_wait3A_1936 = tpu.memref_slice %arg2[%dma_wait3A_1934, %dma_wait3A_1935] : memref<4194304x8xf32, #tpu.memory_space<hbm>> -> memref<4194304x8xf32, #tpu.memory_space<hbm>>
      tpu.wait_indirect_dma semaphore(%arg40 : memref<!tpu.dma_semaphore, #tpu.memory_space<semaphore_mem>>) src(%dma_wait3A_1936 : memref<4194304x8xf32, #tpu.memory_space<hbm>>) dst(%dma_wait3A_1930 : memref<128x8xf32, #tpu.memory_space<vmem>>)
      %dma_wait3A_1937 = arith.constant 6 : i32
      %dma_wait3A_1938 = arith.constant 768 : i32
      %dma_wait3A_1939 = arith.constant 0 : i32
      %dma_wait3A_1940 = tpu.memref_slice %arg28[%dma_wait3A_1938, %dma_wait3A_1939] : memref<1024x8xf32, #tpu.memory_space<vmem>> -> memref<128x8xf32, #tpu.memory_space<vmem>>
      %dma_wait3A_1941 = arith.constant 0 : i32
      %dma_wait3A_1942 = tpu.memref_slice %arg16[%dma_wait3A_1937, %dma_wait3A_1941] : memref<8x128xi32, #tpu.memory_space<vmem>> -> memref<1x128xi32, #tpu.memory_space<vmem>>
      %dma_wait3A_1943 = tpu.memref_squeeze %dma_wait3A_1942 : memref<1x128xi32, #tpu.memory_space<vmem>> -> memref<128xi32, #tpu.memory_space<vmem>>
      %dma_wait3A_1944 = arith.constant 0 : i32
      %dma_wait3A_1945 = arith.constant 0 : i32
      %dma_wait3A_1946 = tpu.memref_slice %arg2[%dma_wait3A_1944, %dma_wait3A_1945] : memref<4194304x8xf32, #tpu.memory_space<hbm>> -> memref<4194304x8xf32, #tpu.memory_space<hbm>>
      tpu.wait_indirect_dma semaphore(%arg40 : memref<!tpu.dma_semaphore, #tpu.memory_space<semaphore_mem>>) src(%dma_wait3A_1946 : memref<4194304x8xf32, #tpu.memory_space<hbm>>) dst(%dma_wait3A_1940 : memref<128x8xf32, #tpu.memory_space<vmem>>)
      %dma_wait3A_1947 = arith.constant 6 : i32
      %dma_wait3A_1948 = arith.constant 768 : i32
      %dma_wait3A_1949 = arith.constant 0 : i32
      %dma_wait3A_1950 = tpu.memref_slice %arg29[%dma_wait3A_1948, %dma_wait3A_1949] : memref<1024x8xf32, #tpu.memory_space<vmem>> -> memref<128x8xf32, #tpu.memory_space<vmem>>
      %dma_wait3A_1951 = arith.constant 0 : i32
      %dma_wait3A_1952 = tpu.memref_slice %arg17[%dma_wait3A_1947, %dma_wait3A_1951] : memref<8x128xi32, #tpu.memory_space<vmem>> -> memref<1x128xi32, #tpu.memory_space<vmem>>
      %dma_wait3A_1953 = tpu.memref_squeeze %dma_wait3A_1952 : memref<1x128xi32, #tpu.memory_space<vmem>> -> memref<128xi32, #tpu.memory_space<vmem>>
      %dma_wait3A_1954 = arith.constant 0 : i32
      %dma_wait3A_1955 = arith.constant 0 : i32
      %dma_wait3A_1956 = tpu.memref_slice %arg2[%dma_wait3A_1954, %dma_wait3A_1955] : memref<4194304x8xf32, #tpu.memory_space<hbm>> -> memref<4194304x8xf32, #tpu.memory_space<hbm>>
      tpu.wait_indirect_dma semaphore(%arg40 : memref<!tpu.dma_semaphore, #tpu.memory_space<semaphore_mem>>) src(%dma_wait3A_1956 : memref<4194304x8xf32, #tpu.memory_space<hbm>>) dst(%dma_wait3A_1950 : memref<128x8xf32, #tpu.memory_space<vmem>>)
      %dma_wait3A_1957 = arith.constant 6 : i32
      %dma_wait3A_1958 = arith.constant 768 : i32
      %dma_wait3A_1959 = arith.constant 0 : i32
      %dma_wait3A_1960 = tpu.memref_slice %arg30[%dma_wait3A_1958, %dma_wait3A_1959] : memref<1024x8xf32, #tpu.memory_space<vmem>> -> memref<128x8xf32, #tpu.memory_space<vmem>>
      %dma_wait3A_1961 = arith.constant 0 : i32
      %dma_wait3A_1962 = tpu.memref_slice %arg18[%dma_wait3A_1957, %dma_wait3A_1961] : memref<8x128xi32, #tpu.memory_space<vmem>> -> memref<1x128xi32, #tpu.memory_space<vmem>>
      %dma_wait3A_1963 = tpu.memref_squeeze %dma_wait3A_1962 : memref<1x128xi32, #tpu.memory_space<vmem>> -> memref<128xi32, #tpu.memory_space<vmem>>
      %dma_wait3A_1964 = arith.constant 0 : i32
      %dma_wait3A_1965 = arith.constant 0 : i32
      %dma_wait3A_1966 = tpu.memref_slice %arg2[%dma_wait3A_1964, %dma_wait3A_1965] : memref<4194304x8xf32, #tpu.memory_space<hbm>> -> memref<4194304x8xf32, #tpu.memory_space<hbm>>
      tpu.wait_indirect_dma semaphore(%arg40 : memref<!tpu.dma_semaphore, #tpu.memory_space<semaphore_mem>>) src(%dma_wait3A_1966 : memref<4194304x8xf32, #tpu.memory_space<hbm>>) dst(%dma_wait3A_1960 : memref<128x8xf32, #tpu.memory_space<vmem>>)
      %dma_wait3A_1967 = arith.constant 6 : i32
      %dma_wait3A_1968 = arith.constant 768 : i32
      %dma_wait3A_1969 = arith.constant 0 : i32
      %dma_wait3A_1970 = tpu.memref_slice %arg31[%dma_wait3A_1968, %dma_wait3A_1969] : memref<1024x8xf32, #tpu.memory_space<vmem>> -> memref<128x8xf32, #tpu.memory_space<vmem>>
      %dma_wait3A_1971 = arith.constant 0 : i32
      %dma_wait3A_1972 = tpu.memref_slice %arg19[%dma_wait3A_1967, %dma_wait3A_1971] : memref<8x128xi32, #tpu.memory_space<vmem>> -> memref<1x128xi32, #tpu.memory_space<vmem>>
      %dma_wait3A_1973 = tpu.memref_squeeze %dma_wait3A_1972 : memref<1x128xi32, #tpu.memory_space<vmem>> -> memref<128xi32, #tpu.memory_space<vmem>>
      %dma_wait3A_1974 = arith.constant 0 : i32
      %dma_wait3A_1975 = arith.constant 0 : i32
      %dma_wait3A_1976 = tpu.memref_slice %arg2[%dma_wait3A_1974, %dma_wait3A_1975] : memref<4194304x8xf32, #tpu.memory_space<hbm>> -> memref<4194304x8xf32, #tpu.memory_space<hbm>>
      tpu.wait_indirect_dma semaphore(%arg40 : memref<!tpu.dma_semaphore, #tpu.memory_space<semaphore_mem>>) src(%dma_wait3A_1976 : memref<4194304x8xf32, #tpu.memory_space<hbm>>) dst(%dma_wait3A_1970 : memref<128x8xf32, #tpu.memory_space<vmem>>)
      %dma_wait3A_1977 = arith.constant 7 : i32
      %dma_wait3A_1978 = arith.constant 896 : i32
      %dma_wait3A_1979 = arith.constant 0 : i32
      %dma_wait3A_1980 = tpu.memref_slice %arg28[%dma_wait3A_1978, %dma_wait3A_1979] : memref<1024x8xf32, #tpu.memory_space<vmem>> -> memref<128x8xf32, #tpu.memory_space<vmem>>
      %dma_wait3A_1981 = arith.constant 0 : i32
      %dma_wait3A_1982 = tpu.memref_slice %arg16[%dma_wait3A_1977, %dma_wait3A_1981] : memref<8x128xi32, #tpu.memory_space<vmem>> -> memref<1x128xi32, #tpu.memory_space<vmem>>
      %dma_wait3A_1983 = tpu.memref_squeeze %dma_wait3A_1982 : memref<1x128xi32, #tpu.memory_space<vmem>> -> memref<128xi32, #tpu.memory_space<vmem>>
      %dma_wait3A_1984 = arith.constant 0 : i32
      %dma_wait3A_1985 = arith.constant 0 : i32
      %dma_wait3A_1986 = tpu.memref_slice %arg2[%dma_wait3A_1984, %dma_wait3A_1985] : memref<4194304x8xf32, #tpu.memory_space<hbm>> -> memref<4194304x8xf32, #tpu.memory_space<hbm>>
      tpu.wait_indirect_dma semaphore(%arg40 : memref<!tpu.dma_semaphore, #tpu.memory_space<semaphore_mem>>) src(%dma_wait3A_1986 : memref<4194304x8xf32, #tpu.memory_space<hbm>>) dst(%dma_wait3A_1980 : memref<128x8xf32, #tpu.memory_space<vmem>>)
      %dma_wait3A_1987 = arith.constant 7 : i32
      %dma_wait3A_1988 = arith.constant 896 : i32
      %dma_wait3A_1989 = arith.constant 0 : i32
      %dma_wait3A_1990 = tpu.memref_slice %arg29[%dma_wait3A_1988, %dma_wait3A_1989] : memref<1024x8xf32, #tpu.memory_space<vmem>> -> memref<128x8xf32, #tpu.memory_space<vmem>>
      %dma_wait3A_1991 = arith.constant 0 : i32
      %dma_wait3A_1992 = tpu.memref_slice %arg17[%dma_wait3A_1987, %dma_wait3A_1991] : memref<8x128xi32, #tpu.memory_space<vmem>> -> memref<1x128xi32, #tpu.memory_space<vmem>>
      %dma_wait3A_1993 = tpu.memref_squeeze %dma_wait3A_1992 : memref<1x128xi32, #tpu.memory_space<vmem>> -> memref<128xi32, #tpu.memory_space<vmem>>
      %dma_wait3A_1994 = arith.constant 0 : i32
      %dma_wait3A_1995 = arith.constant 0 : i32
      %dma_wait3A_1996 = tpu.memref_slice %arg2[%dma_wait3A_1994, %dma_wait3A_1995] : memref<4194304x8xf32, #tpu.memory_space<hbm>> -> memref<4194304x8xf32, #tpu.memory_space<hbm>>
      tpu.wait_indirect_dma semaphore(%arg40 : memref<!tpu.dma_semaphore, #tpu.memory_space<semaphore_mem>>) src(%dma_wait3A_1996 : memref<4194304x8xf32, #tpu.memory_space<hbm>>) dst(%dma_wait3A_1990 : memref<128x8xf32, #tpu.memory_space<vmem>>)
      %dma_wait3A_1997 = arith.constant 7 : i32
      %dma_wait3A_1998 = arith.constant 896 : i32
      %dma_wait3A_1999 = arith.constant 0 : i32
      %dma_wait3A_2000 = tpu.memref_slice %arg30[%dma_wait3A_1998, %dma_wait3A_1999] : memref<1024x8xf32, #tpu.memory_space<vmem>> -> memref<128x8xf32, #tpu.memory_space<vmem>>
      %dma_wait3A_2001 = arith.constant 0 : i32
      %dma_wait3A_2002 = tpu.memref_slice %arg18[%dma_wait3A_1997, %dma_wait3A_2001] : memref<8x128xi32, #tpu.memory_space<vmem>> -> memref<1x128xi32, #tpu.memory_space<vmem>>
      %dma_wait3A_2003 = tpu.memref_squeeze %dma_wait3A_2002 : memref<1x128xi32, #tpu.memory_space<vmem>> -> memref<128xi32, #tpu.memory_space<vmem>>
      %dma_wait3A_2004 = arith.constant 0 : i32
      %dma_wait3A_2005 = arith.constant 0 : i32
      %dma_wait3A_2006 = tpu.memref_slice %arg2[%dma_wait3A_2004, %dma_wait3A_2005] : memref<4194304x8xf32, #tpu.memory_space<hbm>> -> memref<4194304x8xf32, #tpu.memory_space<hbm>>
      tpu.wait_indirect_dma semaphore(%arg40 : memref<!tpu.dma_semaphore, #tpu.memory_space<semaphore_mem>>) src(%dma_wait3A_2006 : memref<4194304x8xf32, #tpu.memory_space<hbm>>) dst(%dma_wait3A_2000 : memref<128x8xf32, #tpu.memory_space<vmem>>)
      %dma_wait3A_2007 = arith.constant 7 : i32
      %dma_wait3A_2008 = arith.constant 896 : i32
      %dma_wait3A_2009 = arith.constant 0 : i32
      %dma_wait3A_2010 = tpu.memref_slice %arg31[%dma_wait3A_2008, %dma_wait3A_2009] : memref<1024x8xf32, #tpu.memory_space<vmem>> -> memref<128x8xf32, #tpu.memory_space<vmem>>
      %dma_wait3A_2011 = arith.constant 0 : i32
      %dma_wait3A_2012 = tpu.memref_slice %arg19[%dma_wait3A_2007, %dma_wait3A_2011] : memref<8x128xi32, #tpu.memory_space<vmem>> -> memref<1x128xi32, #tpu.memory_space<vmem>>
      %dma_wait3A_2013 = tpu.memref_squeeze %dma_wait3A_2012 : memref<1x128xi32, #tpu.memory_space<vmem>> -> memref<128xi32, #tpu.memory_space<vmem>>
      %dma_wait3A_2014 = arith.constant 0 : i32
      %dma_wait3A_2015 = arith.constant 0 : i32
      %dma_wait3A_2016 = tpu.memref_slice %arg2[%dma_wait3A_2014, %dma_wait3A_2015] : memref<4194304x8xf32, #tpu.memory_space<hbm>> -> memref<4194304x8xf32, #tpu.memory_space<hbm>>
      tpu.wait_indirect_dma semaphore(%arg40 : memref<!tpu.dma_semaphore, #tpu.memory_space<semaphore_mem>>) src(%dma_wait3A_2016 : memref<4194304x8xf32, #tpu.memory_space<hbm>>) dst(%dma_wait3A_2010 : memref<128x8xf32, #tpu.memory_space<vmem>>)
      %iota3A_2017 = tpu.iota {dimensions = array<i32: 0>} : vector<16xi32>
      %mul3A_2018 = arith.constant 7 : i32
      %mul3A_2019 = vector.broadcast %mul3A_2018 : i32 to vector<16xi32>
      %mul3A_2020 = arith.muli %iota3A_2017, %mul3A_2019 : vector<16xi32>
      %mul3A_2021 = arith.constant 8 : i32
      %mul3A_2022 = vector.broadcast %mul3A_2021 : i32 to vector<16xi32>
      %mul3A_2023 = arith.muli %iota3A_2017, %mul3A_2022 : vector<16xi32>
      %broadcast_in_dim3A_2024 = arith.constant 0 : i32
      %broadcast_in_dim3A_2025 = vector.broadcast %broadcast_in_dim3A_2024 : i32 to vector<16xi32>
      %broadcast_in_dim3A_2026 = arith.constant 1 : i32
      %broadcast_in_dim3A_2027 = vector.broadcast %broadcast_in_dim3A_2026 : i32 to vector<16xi32>
      %broadcast_in_dim3A_2028 = arith.constant 2 : i32
      %broadcast_in_dim3A_2029 = vector.broadcast %broadcast_in_dim3A_2028 : i32 to vector<16xi32>
      %broadcast_in_dim3A_2030 = arith.constant 3 : i32
      %broadcast_in_dim3A_2031 = vector.broadcast %broadcast_in_dim3A_2030 : i32 to vector<16xi32>
      %broadcast_in_dim3A_2032 = arith.constant 4 : i32
      %broadcast_in_dim3A_2033 = vector.broadcast %broadcast_in_dim3A_2032 : i32 to vector<16xi32>
      %broadcast_in_dim3A_2034 = arith.constant 5 : i32
      %broadcast_in_dim3A_2035 = vector.broadcast %broadcast_in_dim3A_2034 : i32 to vector<16xi32>
      %broadcast_in_dim3A_2036 = arith.constant 6 : i32
      %broadcast_in_dim3A_2037 = vector.broadcast %broadcast_in_dim3A_2036 : i32 to vector<16xi32>
      %broadcast_in_dim3A_2038 = arith.constant 7 : i32
      %broadcast_in_dim3A_2039 = vector.broadcast %broadcast_in_dim3A_2038 : i32 to vector<16xi32>
      %scan3A_2040 = arith.constant 0 : i32
      %scan3A_2041 = arith.constant 0 : i32
      %scan3A_2042 = arith.constant 64 : i32
      %scan3A_2043 = arith.addi %scan3A_2041, %scan3A_2042 : i32
      %scan3A_2044 = arith.constant 1 : i32
      scf.for %scan3A_2050 = %scan3A_2041 to %scan3A_2043 step %scan3A_2044  : i32 {
        %mul3A_2051 = arith.constant 16 : i32
        %mul3A_2052 = arith.muli %scan3A_2050, %mul3A_2051 : i32
        %add3A_2053 = vector.broadcast %mul3A_2052 : i32 to vector<16xi32>
        %add3A_2054 = arith.addi %iota3A_2017, %add3A_2053 : vector<16xi32>
        %get3A = arith.index_cast %mul3A_2052 : i32 to index
        %get3A_2055 = tpu.vector_load %arg22[%get3A] {strides = array<i32>} : memref<1024xf32, #tpu.memory_space<vmem>>, vector<16xf32>,
        %get3A_2056 = arith.index_cast %mul3A_2052 : i32 to index
        %get3A_2057 = tpu.vector_load %arg23[%get3A_2056] {strides = array<i32>} : memref<1024xf32, #tpu.memory_space<vmem>>, vector<16xf32>,
        %sub3A = arith.constant 1.000000e+00 : f32
        %sub3A_2058 = vector.broadcast %sub3A : f32 to vector<16xf32>
        %sub3A_2059 = arith.subf %sub3A_2058, %get3A_2055 : vector<16xf32>
        %sub3A_2060 = arith.constant 1.000000e+00 : f32
        %sub3A_2061 = vector.broadcast %sub3A_2060 : f32 to vector<16xf32>
        %sub3A_2062 = arith.subf %sub3A_2061, %get3A_2057 : vector<16xf32>
        %gather3A = tpu.vector_load_idx %arg28[%add3A_2054, %broadcast_in_dim3A_2039] : memref<1024x8xf32, #tpu.memory_space<vmem>>[vector<16xi32>, vector<16xi32>], vector<16xf32>,
        %gather3A_2063 = tpu.vector_load_idx %arg29[%add3A_2054, %broadcast_in_dim3A_2039] : memref<1024x8xf32, #tpu.memory_space<vmem>>[vector<16xi32>, vector<16xi32>], vector<16xf32>,
        %gather3A_2064 = tpu.vector_load_idx %arg30[%add3A_2054, %broadcast_in_dim3A_2039] : memref<1024x8xf32, #tpu.memory_space<vmem>>[vector<16xi32>, vector<16xi32>], vector<16xf32>,
        %gather3A_2065 = tpu.vector_load_idx %arg31[%add3A_2054, %broadcast_in_dim3A_2039] : memref<1024x8xf32, #tpu.memory_space<vmem>>[vector<16xi32>, vector<16xi32>], vector<16xf32>,
        %swap3A = arith.index_cast %mul3A_2052 : i32 to index
        %swap3A_2066 = tpu.vector_load %arg35[%swap3A] {strides = array<i32>} : memref<1024xf32, #tpu.memory_space<vmem>>, vector<16xf32>,
        tpu.vector_store %arg35[%swap3A], %gather3A {strides = array<i32>} : memref<1024xf32, #tpu.memory_space<vmem>>, vector<16xf32>,
        %swap3A_2067 = arith.index_cast %mul3A_2052 : i32 to index
        %swap3A_2068 = tpu.vector_load %arg36[%swap3A_2067] {strides = array<i32>} : memref<1024xf32, #tpu.memory_space<vmem>>, vector<16xf32>,
        tpu.vector_store %arg36[%swap3A_2067], %gather3A_2063 {strides = array<i32>} : memref<1024xf32, #tpu.memory_space<vmem>>, vector<16xf32>,
        %swap3A_2069 = arith.index_cast %mul3A_2052 : i32 to index
        %swap3A_2070 = tpu.vector_load %arg37[%swap3A_2069] {strides = array<i32>} : memref<1024xf32, #tpu.memory_space<vmem>>, vector<16xf32>,
        tpu.vector_store %arg37[%swap3A_2069], %gather3A_2064 {strides = array<i32>} : memref<1024xf32, #tpu.memory_space<vmem>>, vector<16xf32>,
        %swap3A_2071 = arith.index_cast %mul3A_2052 : i32 to index
        %swap3A_2072 = tpu.vector_load %arg38[%swap3A_2071] {strides = array<i32>} : memref<1024xf32, #tpu.memory_space<vmem>>, vector<16xf32>,
        tpu.vector_store %arg38[%swap3A_2071], %gather3A_2065 {strides = array<i32>} : memref<1024xf32, #tpu.memory_space<vmem>>, vector<16xf32>,
        %mul3A_2073 = arith.mulf %gather3A, %sub3A_2059 : vector<16xf32>
        %mul3A_2074 = arith.mulf %mul3A_2073, %sub3A_2062 : vector<16xf32>
        %mul3A_2075 = arith.mulf %gather3A_2063, %get3A_2055 : vector<16xf32>
        %mul3A_2076 = arith.mulf %mul3A_2075, %sub3A_2062 : vector<16xf32>
        %add3A_2077 = arith.addf %mul3A_2074, %mul3A_2076 : vector<16xf32>
        %mul3A_2078 = arith.mulf %gather3A_2064, %sub3A_2059 : vector<16xf32>
        %mul3A_2079 = arith.mulf %mul3A_2078, %get3A_2057 : vector<16xf32>
        %add3A_2080 = arith.addf %add3A_2077, %mul3A_2079 : vector<16xf32>
        %mul3A_2081 = arith.mulf %gather3A_2065, %get3A_2055 : vector<16xf32>
        %mul3A_2082 = arith.mulf %mul3A_2081, %get3A_2057 : vector<16xf32>
        %add3A_2083 = arith.addf %add3A_2080, %mul3A_2082 : vector<16xf32>
        %add3A_2084 = arith.constant 9.99999974E-6 : f32
        %add3A_2085 = vector.broadcast %add3A_2084 : f32 to vector<16xf32>
        %add3A_2086 = arith.addf %add3A_2083, %add3A_2085 : vector<16xf32>
        %swap3A_2087 = arith.index_cast %mul3A_2052 : i32 to index
        %swap3A_2088 = tpu.vector_load %arg34[%swap3A_2087] {strides = array<i32>} : memref<1024xf32, #tpu.memory_space<vmem>>, vector<16xf32>,
        tpu.vector_store %arg34[%swap3A_2087], %add3A_2083 {strides = array<i32>} : memref<1024xf32, #tpu.memory_space<vmem>>, vector<16xf32>,
        %mul3A_2089 = arith.constant 8 : i32
        %mul3A_2090 = arith.muli %mul3A_2052, %mul3A_2089 : i32
        %add3A_2091 = arith.constant 7 : i32
        %add3A_2092 = arith.addi %mul3A_2090, %add3A_2091 : i32
        %add3A_2093 = vector.broadcast %add3A_2092 : i32 to vector<16xi32>
        %add3A_2094 = arith.addi %mul3A_2023, %add3A_2093 : vector<16xi32>
        tpu.vector_store_idx %arg32[%add3A_2094], %add3A_2083 : memref<8192xf32, #tpu.memory_space<vmem>>[vector<16xi32>], vector<16xf32>,
        %gather3A_2095 = tpu.vector_load_idx %arg28[%add3A_2054, %broadcast_in_dim3A_2025] : memref<1024x8xf32, #tpu.memory_space<vmem>>[vector<16xi32>, vector<16xi32>], vector<16xf32>,
        %gather3A_2096 = tpu.vector_load_idx %arg29[%add3A_2054, %broadcast_in_dim3A_2025] : memref<1024x8xf32, #tpu.memory_space<vmem>>[vector<16xi32>, vector<16xi32>], vector<16xf32>,
        %gather3A_2097 = tpu.vector_load_idx %arg30[%add3A_2054, %broadcast_in_dim3A_2025] : memref<1024x8xf32, #tpu.memory_space<vmem>>[vector<16xi32>, vector<16xi32>], vector<16xf32>,
        %gather3A_2098 = tpu.vector_load_idx %arg31[%add3A_2054, %broadcast_in_dim3A_2025] : memref<1024x8xf32, #tpu.memory_space<vmem>>[vector<16xi32>, vector<16xi32>], vector<16xf32>,
        %mul3A_2099 = arith.mulf %gather3A_2095, %sub3A_2059 : vector<16xf32>
        %mul3A_2100 = arith.mulf %mul3A_2099, %sub3A_2062 : vector<16xf32>
        %mul3A_2101 = arith.mulf %gather3A_2096, %get3A_2055 : vector<16xf32>
        %mul3A_2102 = arith.mulf %mul3A_2101, %sub3A_2062 : vector<16xf32>
        %add3A_2103 = arith.addf %mul3A_2100, %mul3A_2102 : vector<16xf32>
        %mul3A_2104 = arith.mulf %gather3A_2097, %sub3A_2059 : vector<16xf32>
        %mul3A_2105 = arith.mulf %mul3A_2104, %get3A_2057 : vector<16xf32>
        %add3A_2106 = arith.addf %add3A_2103, %mul3A_2105 : vector<16xf32>
        %mul3A_2107 = arith.mulf %gather3A_2098, %get3A_2055 : vector<16xf32>
        %mul3A_2108 = arith.mulf %mul3A_2107, %get3A_2057 : vector<16xf32>
        %add3A_2109 = arith.addf %add3A_2106, %mul3A_2108 : vector<16xf32>
        %mul3A_2110 = arith.constant 8 : i32
        %mul3A_2111 = arith.muli %mul3A_2052, %mul3A_2110 : i32
        %add3A_2112 = arith.constant 0 : i32
        %add3A_2113 = arith.addi %mul3A_2111, %add3A_2112 : i32
        %add3A_2114 = vector.broadcast %add3A_2113 : i32 to vector<16xi32>
        %add3A_2115 = arith.addi %mul3A_2023, %add3A_2114 : vector<16xi32>
        tpu.vector_store_idx %arg32[%add3A_2115], %add3A_2109 : memref<8192xf32, #tpu.memory_space<vmem>>[vector<16xi32>], vector<16xf32>,
        %mul3A_2116 = arith.constant 7 : i32
        %mul3A_2117 = arith.muli %mul3A_2052, %mul3A_2116 : i32
        %add3A_2118 = arith.constant 0 : i32
        %add3A_2119 = arith.addi %mul3A_2117, %add3A_2118 : i32
        %add3A_2120 = vector.broadcast %add3A_2119 : i32 to vector<16xi32>
        %add3A_2121 = arith.addi %mul3A_2020, %add3A_2120 : vector<16xi32>
        %div3A = arith.divf %add3A_2109, %add3A_2086 : vector<16xf32>
        tpu.vector_store_idx %arg33[%add3A_2121], %div3A : memref<7168xf32, #tpu.memory_space<vmem>>[vector<16xi32>], vector<16xf32>,
        %gather3A_2122 = tpu.vector_load_idx %arg28[%add3A_2054, %broadcast_in_dim3A_2027] : memref<1024x8xf32, #tpu.memory_space<vmem>>[vector<16xi32>, vector<16xi32>], vector<16xf32>,
        %gather3A_2123 = tpu.vector_load_idx %arg29[%add3A_2054, %broadcast_in_dim3A_2027] : memref<1024x8xf32, #tpu.memory_space<vmem>>[vector<16xi32>, vector<16xi32>], vector<16xf32>,
        %gather3A_2124 = tpu.vector_load_idx %arg30[%add3A_2054, %broadcast_in_dim3A_2027] : memref<1024x8xf32, #tpu.memory_space<vmem>>[vector<16xi32>, vector<16xi32>], vector<16xf32>,
        %gather3A_2125 = tpu.vector_load_idx %arg31[%add3A_2054, %broadcast_in_dim3A_2027] : memref<1024x8xf32, #tpu.memory_space<vmem>>[vector<16xi32>, vector<16xi32>], vector<16xf32>,
        %mul3A_2126 = arith.mulf %gather3A_2122, %sub3A_2059 : vector<16xf32>
        %mul3A_2127 = arith.mulf %mul3A_2126, %sub3A_2062 : vector<16xf32>
        %mul3A_2128 = arith.mulf %gather3A_2123, %get3A_2055 : vector<16xf32>
        %mul3A_2129 = arith.mulf %mul3A_2128, %sub3A_2062 : vector<16xf32>
        %add3A_2130 = arith.addf %mul3A_2127, %mul3A_2129 : vector<16xf32>
        %mul3A_2131 = arith.mulf %gather3A_2124, %sub3A_2059 : vector<16xf32>
        %mul3A_2132 = arith.mulf %mul3A_2131, %get3A_2057 : vector<16xf32>
        %add3A_2133 = arith.addf %add3A_2130, %mul3A_2132 : vector<16xf32>
        %mul3A_2134 = arith.mulf %gather3A_2125, %get3A_2055 : vector<16xf32>
        %mul3A_2135 = arith.mulf %mul3A_2134, %get3A_2057 : vector<16xf32>
        %add3A_2136 = arith.addf %add3A_2133, %mul3A_2135 : vector<16xf32>
        %mul3A_2137 = arith.constant 8 : i32
        %mul3A_2138 = arith.muli %mul3A_2052, %mul3A_2137 : i32
        %add3A_2139 = arith.constant 1 : i32
        %add3A_2140 = arith.addi %mul3A_2138, %add3A_2139 : i32
        %add3A_2141 = vector.broadcast %add3A_2140 : i32 to vector<16xi32>
        %add3A_2142 = arith.addi %mul3A_2023, %add3A_2141 : vector<16xi32>
        tpu.vector_store_idx %arg32[%add3A_2142], %add3A_2136 : memref<8192xf32, #tpu.memory_space<vmem>>[vector<16xi32>], vector<16xf32>,
        %mul3A_2143 = arith.constant 7 : i32
        %mul3A_2144 = arith.muli %mul3A_2052, %mul3A_2143 : i32
        %add3A_2145 = arith.constant 1 : i32
        %add3A_2146 = arith.addi %mul3A_2144, %add3A_2145 : i32
        %add3A_2147 = vector.broadcast %add3A_2146 : i32 to vector<16xi32>
        %add3A_2148 = arith.addi %mul3A_2020, %add3A_2147 : vector<16xi32>
        %div3A_2149 = arith.divf %add3A_2136, %add3A_2086 : vector<16xf32>
        tpu.vector_store_idx %arg33[%add3A_2148], %div3A_2149 : memref<7168xf32, #tpu.memory_space<vmem>>[vector<16xi32>], vector<16xf32>,
        %gather3A_2150 = tpu.vector_load_idx %arg28[%add3A_2054, %broadcast_in_dim3A_2029] : memref<1024x8xf32, #tpu.memory_space<vmem>>[vector<16xi32>, vector<16xi32>], vector<16xf32>,
        %gather3A_2151 = tpu.vector_load_idx %arg29[%add3A_2054, %broadcast_in_dim3A_2029] : memref<1024x8xf32, #tpu.memory_space<vmem>>[vector<16xi32>, vector<16xi32>], vector<16xf32>,
        %gather3A_2152 = tpu.vector_load_idx %arg30[%add3A_2054, %broadcast_in_dim3A_2029] : memref<1024x8xf32, #tpu.memory_space<vmem>>[vector<16xi32>, vector<16xi32>], vector<16xf32>,
        %gather3A_2153 = tpu.vector_load_idx %arg31[%add3A_2054, %broadcast_in_dim3A_2029] : memref<1024x8xf32, #tpu.memory_space<vmem>>[vector<16xi32>, vector<16xi32>], vector<16xf32>,
        %mul3A_2154 = arith.mulf %gather3A_2150, %sub3A_2059 : vector<16xf32>
        %mul3A_2155 = arith.mulf %mul3A_2154, %sub3A_2062 : vector<16xf32>
        %mul3A_2156 = arith.mulf %gather3A_2151, %get3A_2055 : vector<16xf32>
        %mul3A_2157 = arith.mulf %mul3A_2156, %sub3A_2062 : vector<16xf32>
        %add3A_2158 = arith.addf %mul3A_2155, %mul3A_2157 : vector<16xf32>
        %mul3A_2159 = arith.mulf %gather3A_2152, %sub3A_2059 : vector<16xf32>
        %mul3A_2160 = arith.mulf %mul3A_2159, %get3A_2057 : vector<16xf32>
        %add3A_2161 = arith.addf %add3A_2158, %mul3A_2160 : vector<16xf32>
        %mul3A_2162 = arith.mulf %gather3A_2153, %get3A_2055 : vector<16xf32>
        %mul3A_2163 = arith.mulf %mul3A_2162, %get3A_2057 : vector<16xf32>
        %add3A_2164 = arith.addf %add3A_2161, %mul3A_2163 : vector<16xf32>
        %mul3A_2165 = arith.constant 8 : i32
        %mul3A_2166 = arith.muli %mul3A_2052, %mul3A_2165 : i32
        %add3A_2167 = arith.constant 2 : i32
        %add3A_2168 = arith.addi %mul3A_2166, %add3A_2167 : i32
        %add3A_2169 = vector.broadcast %add3A_2168 : i32 to vector<16xi32>
        %add3A_2170 = arith.addi %mul3A_2023, %add3A_2169 : vector<16xi32>
        tpu.vector_store_idx %arg32[%add3A_2170], %add3A_2164 : memref<8192xf32, #tpu.memory_space<vmem>>[vector<16xi32>], vector<16xf32>,
        %mul3A_2171 = arith.constant 7 : i32
        %mul3A_2172 = arith.muli %mul3A_2052, %mul3A_2171 : i32
        %add3A_2173 = arith.constant 2 : i32
        %add3A_2174 = arith.addi %mul3A_2172, %add3A_2173 : i32
        %add3A_2175 = vector.broadcast %add3A_2174 : i32 to vector<16xi32>
        %add3A_2176 = arith.addi %mul3A_2020, %add3A_2175 : vector<16xi32>
        %div3A_2177 = arith.divf %add3A_2164, %add3A_2086 : vector<16xf32>
        tpu.vector_store_idx %arg33[%add3A_2176], %div3A_2177 : memref<7168xf32, #tpu.memory_space<vmem>>[vector<16xi32>], vector<16xf32>,
        %gather3A_2178 = tpu.vector_load_idx %arg28[%add3A_2054, %broadcast_in_dim3A_2031] : memref<1024x8xf32, #tpu.memory_space<vmem>>[vector<16xi32>, vector<16xi32>], vector<16xf32>,
        %gather3A_2179 = tpu.vector_load_idx %arg29[%add3A_2054, %broadcast_in_dim3A_2031] : memref<1024x8xf32, #tpu.memory_space<vmem>>[vector<16xi32>, vector<16xi32>], vector<16xf32>,
        %gather3A_2180 = tpu.vector_load_idx %arg30[%add3A_2054, %broadcast_in_dim3A_2031] : memref<1024x8xf32, #tpu.memory_space<vmem>>[vector<16xi32>, vector<16xi32>], vector<16xf32>,
        %gather3A_2181 = tpu.vector_load_idx %arg31[%add3A_2054, %broadcast_in_dim3A_2031] : memref<1024x8xf32, #tpu.memory_space<vmem>>[vector<16xi32>, vector<16xi32>], vector<16xf32>,
        %mul3A_2182 = arith.mulf %gather3A_2178, %sub3A_2059 : vector<16xf32>
        %mul3A_2183 = arith.mulf %mul3A_2182, %sub3A_2062 : vector<16xf32>
        %mul3A_2184 = arith.mulf %gather3A_2179, %get3A_2055 : vector<16xf32>
        %mul3A_2185 = arith.mulf %mul3A_2184, %sub3A_2062 : vector<16xf32>
        %add3A_2186 = arith.addf %mul3A_2183, %mul3A_2185 : vector<16xf32>
        %mul3A_2187 = arith.mulf %gather3A_2180, %sub3A_2059 : vector<16xf32>
        %mul3A_2188 = arith.mulf %mul3A_2187, %get3A_2057 : vector<16xf32>
        %add3A_2189 = arith.addf %add3A_2186, %mul3A_2188 : vector<16xf32>
        %mul3A_2190 = arith.mulf %gather3A_2181, %get3A_2055 : vector<16xf32>
        %mul3A_2191 = arith.mulf %mul3A_2190, %get3A_2057 : vector<16xf32>
        %add3A_2192 = arith.addf %add3A_2189, %mul3A_2191 : vector<16xf32>
        %mul3A_2193 = arith.constant 8 : i32
        %mul3A_2194 = arith.muli %mul3A_2052, %mul3A_2193 : i32
        %add3A_2195 = arith.constant 3 : i32
        %add3A_2196 = arith.addi %mul3A_2194, %add3A_2195 : i32
        %add3A_2197 = vector.broadcast %add3A_2196 : i32 to vector<16xi32>
        %add3A_2198 = arith.addi %mul3A_2023, %add3A_2197 : vector<16xi32>
        tpu.vector_store_idx %arg32[%add3A_2198], %add3A_2192 : memref<8192xf32, #tpu.memory_space<vmem>>[vector<16xi32>], vector<16xf32>,
        %mul3A_2199 = arith.constant 7 : i32
        %mul3A_2200 = arith.muli %mul3A_2052, %mul3A_2199 : i32
        %add3A_2201 = arith.constant 3 : i32
        %add3A_2202 = arith.addi %mul3A_2200, %add3A_2201 : i32
        %add3A_2203 = vector.broadcast %add3A_2202 : i32 to vector<16xi32>
        %add3A_2204 = arith.addi %mul3A_2020, %add3A_2203 : vector<16xi32>
        %div3A_2205 = arith.divf %add3A_2192, %add3A_2086 : vector<16xf32>
        tpu.vector_store_idx %arg33[%add3A_2204], %div3A_2205 : memref<7168xf32, #tpu.memory_space<vmem>>[vector<16xi32>], vector<16xf32>,
        %gather3A_2206 = tpu.vector_load_idx %arg28[%add3A_2054, %broadcast_in_dim3A_2033] : memref<1024x8xf32, #tpu.memory_space<vmem>>[vector<16xi32>, vector<16xi32>], vector<16xf32>,
        %gather3A_2207 = tpu.vector_load_idx %arg29[%add3A_2054, %broadcast_in_dim3A_2033] : memref<1024x8xf32, #tpu.memory_space<vmem>>[vector<16xi32>, vector<16xi32>], vector<16xf32>,
        %gather3A_2208 = tpu.vector_load_idx %arg30[%add3A_2054, %broadcast_in_dim3A_2033] : memref<1024x8xf32, #tpu.memory_space<vmem>>[vector<16xi32>, vector<16xi32>], vector<16xf32>,
        %gather3A_2209 = tpu.vector_load_idx %arg31[%add3A_2054, %broadcast_in_dim3A_2033] : memref<1024x8xf32, #tpu.memory_space<vmem>>[vector<16xi32>, vector<16xi32>], vector<16xf32>,
        %mul3A_2210 = arith.mulf %gather3A_2206, %sub3A_2059 : vector<16xf32>
        %mul3A_2211 = arith.mulf %mul3A_2210, %sub3A_2062 : vector<16xf32>
        %mul3A_2212 = arith.mulf %gather3A_2207, %get3A_2055 : vector<16xf32>
        %mul3A_2213 = arith.mulf %mul3A_2212, %sub3A_2062 : vector<16xf32>
        %add3A_2214 = arith.addf %mul3A_2211, %mul3A_2213 : vector<16xf32>
        %mul3A_2215 = arith.mulf %gather3A_2208, %sub3A_2059 : vector<16xf32>
        %mul3A_2216 = arith.mulf %mul3A_2215, %get3A_2057 : vector<16xf32>
        %add3A_2217 = arith.addf %add3A_2214, %mul3A_2216 : vector<16xf32>
        %mul3A_2218 = arith.mulf %gather3A_2209, %get3A_2055 : vector<16xf32>
        %mul3A_2219 = arith.mulf %mul3A_2218, %get3A_2057 : vector<16xf32>
        %add3A_2220 = arith.addf %add3A_2217, %mul3A_2219 : vector<16xf32>
        %mul3A_2221 = arith.constant 8 : i32
        %mul3A_2222 = arith.muli %mul3A_2052, %mul3A_2221 : i32
        %add3A_2223 = arith.constant 4 : i32
        %add3A_2224 = arith.addi %mul3A_2222, %add3A_2223 : i32
        %add3A_2225 = vector.broadcast %add3A_2224 : i32 to vector<16xi32>
        %add3A_2226 = arith.addi %mul3A_2023, %add3A_2225 : vector<16xi32>
        tpu.vector_store_idx %arg32[%add3A_2226], %add3A_2220 : memref<8192xf32, #tpu.memory_space<vmem>>[vector<16xi32>], vector<16xf32>,
        %mul3A_2227 = arith.constant 7 : i32
        %mul3A_2228 = arith.muli %mul3A_2052, %mul3A_2227 : i32
        %add3A_2229 = arith.constant 4 : i32
        %add3A_2230 = arith.addi %mul3A_2228, %add3A_2229 : i32
        %add3A_2231 = vector.broadcast %add3A_2230 : i32 to vector<16xi32>
        %add3A_2232 = arith.addi %mul3A_2020, %add3A_2231 : vector<16xi32>
        %div3A_2233 = arith.divf %add3A_2220, %add3A_2086 : vector<16xf32>
        tpu.vector_store_idx %arg33[%add3A_2232], %div3A_2233 : memref<7168xf32, #tpu.memory_space<vmem>>[vector<16xi32>], vector<16xf32>,
        %gather3A_2234 = tpu.vector_load_idx %arg28[%add3A_2054, %broadcast_in_dim3A_2035] : memref<1024x8xf32, #tpu.memory_space<vmem>>[vector<16xi32>, vector<16xi32>], vector<16xf32>,
        %gather3A_2235 = tpu.vector_load_idx %arg29[%add3A_2054, %broadcast_in_dim3A_2035] : memref<1024x8xf32, #tpu.memory_space<vmem>>[vector<16xi32>, vector<16xi32>], vector<16xf32>,
        %gather3A_2236 = tpu.vector_load_idx %arg30[%add3A_2054, %broadcast_in_dim3A_2035] : memref<1024x8xf32, #tpu.memory_space<vmem>>[vector<16xi32>, vector<16xi32>], vector<16xf32>,
        %gather3A_2237 = tpu.vector_load_idx %arg31[%add3A_2054, %broadcast_in_dim3A_2035] : memref<1024x8xf32, #tpu.memory_space<vmem>>[vector<16xi32>, vector<16xi32>], vector<16xf32>,
        %mul3A_2238 = arith.mulf %gather3A_2234, %sub3A_2059 : vector<16xf32>
        %mul3A_2239 = arith.mulf %mul3A_2238, %sub3A_2062 : vector<16xf32>
        %mul3A_2240 = arith.mulf %gather3A_2235, %get3A_2055 : vector<16xf32>
        %mul3A_2241 = arith.mulf %mul3A_2240, %sub3A_2062 : vector<16xf32>
        %add3A_2242 = arith.addf %mul3A_2239, %mul3A_2241 : vector<16xf32>
        %mul3A_2243 = arith.mulf %gather3A_2236, %sub3A_2059 : vector<16xf32>
        %mul3A_2244 = arith.mulf %mul3A_2243, %get3A_2057 : vector<16xf32>
        %add3A_2245 = arith.addf %add3A_2242, %mul3A_2244 : vector<16xf32>
        %mul3A_2246 = arith.mulf %gather3A_2237, %get3A_2055 : vector<16xf32>
        %mul3A_2247 = arith.mulf %mul3A_2246, %get3A_2057 : vector<16xf32>
        %add3A_2248 = arith.addf %add3A_2245, %mul3A_2247 : vector<16xf32>
        %mul3A_2249 = arith.constant 8 : i32
        %mul3A_2250 = arith.muli %mul3A_2052, %mul3A_2249 : i32
        %add3A_2251 = arith.constant 5 : i32
        %add3A_2252 = arith.addi %mul3A_2250, %add3A_2251 : i32
        %add3A_2253 = vector.broadcast %add3A_2252 : i32 to vector<16xi32>
        %add3A_2254 = arith.addi %mul3A_2023, %add3A_2253 : vector<16xi32>
        tpu.vector_store_idx %arg32[%add3A_2254], %add3A_2248 : memref<8192xf32, #tpu.memory_space<vmem>>[vector<16xi32>], vector<16xf32>,
        %mul3A_2255 = arith.constant 7 : i32
        %mul3A_2256 = arith.muli %mul3A_2052, %mul3A_2255 : i32
        %add3A_2257 = arith.constant 5 : i32
        %add3A_2258 = arith.addi %mul3A_2256, %add3A_2257 : i32
        %add3A_2259 = vector.broadcast %add3A_2258 : i32 to vector<16xi32>
        %add3A_2260 = arith.addi %mul3A_2020, %add3A_2259 : vector<16xi32>
        %div3A_2261 = arith.divf %add3A_2248, %add3A_2086 : vector<16xf32>
        tpu.vector_store_idx %arg33[%add3A_2260], %div3A_2261 : memref<7168xf32, #tpu.memory_space<vmem>>[vector<16xi32>], vector<16xf32>,
        %gather3A_2262 = tpu.vector_load_idx %arg28[%add3A_2054, %broadcast_in_dim3A_2037] : memref<1024x8xf32, #tpu.memory_space<vmem>>[vector<16xi32>, vector<16xi32>], vector<16xf32>,
        %gather3A_2263 = tpu.vector_load_idx %arg29[%add3A_2054, %broadcast_in_dim3A_2037] : memref<1024x8xf32, #tpu.memory_space<vmem>>[vector<16xi32>, vector<16xi32>], vector<16xf32>,
        %gather3A_2264 = tpu.vector_load_idx %arg30[%add3A_2054, %broadcast_in_dim3A_2037] : memref<1024x8xf32, #tpu.memory_space<vmem>>[vector<16xi32>, vector<16xi32>], vector<16xf32>,
        %gather3A_2265 = tpu.vector_load_idx %arg31[%add3A_2054, %broadcast_in_dim3A_2037] : memref<1024x8xf32, #tpu.memory_space<vmem>>[vector<16xi32>, vector<16xi32>], vector<16xf32>,
        %mul3A_2266 = arith.mulf %gather3A_2262, %sub3A_2059 : vector<16xf32>
        %mul3A_2267 = arith.mulf %mul3A_2266, %sub3A_2062 : vector<16xf32>
        %mul3A_2268 = arith.mulf %gather3A_2263, %get3A_2055 : vector<16xf32>
        %mul3A_2269 = arith.mulf %mul3A_2268, %sub3A_2062 : vector<16xf32>
        %add3A_2270 = arith.addf %mul3A_2267, %mul3A_2269 : vector<16xf32>
        %mul3A_2271 = arith.mulf %gather3A_2264, %sub3A_2059 : vector<16xf32>
        %mul3A_2272 = arith.mulf %mul3A_2271, %get3A_2057 : vector<16xf32>
        %add3A_2273 = arith.addf %add3A_2270, %mul3A_2272 : vector<16xf32>
        %mul3A_2274 = arith.mulf %gather3A_2265, %get3A_2055 : vector<16xf32>
        %mul3A_2275 = arith.mulf %mul3A_2274, %get3A_2057 : vector<16xf32>
        %add3A_2276 = arith.addf %add3A_2273, %mul3A_2275 : vector<16xf32>
        %mul3A_2277 = arith.constant 8 : i32
        %mul3A_2278 = arith.muli %mul3A_2052, %mul3A_2277 : i32
        %add3A_2279 = arith.constant 6 : i32
        %add3A_2280 = arith.addi %mul3A_2278, %add3A_2279 : i32
        %add3A_2281 = vector.broadcast %add3A_2280 : i32 to vector<16xi32>
        %add3A_2282 = arith.addi %mul3A_2023, %add3A_2281 : vector<16xi32>
        tpu.vector_store_idx %arg32[%add3A_2282], %add3A_2276 : memref<8192xf32, #tpu.memory_space<vmem>>[vector<16xi32>], vector<16xf32>,
        %mul3A_2283 = arith.constant 7 : i32
        %mul3A_2284 = arith.muli %mul3A_2052, %mul3A_2283 : i32
        %add3A_2285 = arith.constant 6 : i32
        %add3A_2286 = arith.addi %mul3A_2284, %add3A_2285 : i32
        %add3A_2287 = vector.broadcast %add3A_2286 : i32 to vector<16xi32>
        %add3A_2288 = arith.addi %mul3A_2020, %add3A_2287 : vector<16xi32>
        %div3A_2289 = arith.divf %add3A_2276, %add3A_2086 : vector<16xf32>
        tpu.vector_store_idx %arg33[%add3A_2288], %div3A_2289 : memref<7168xf32, #tpu.memory_space<vmem>>[vector<16xi32>], vector<16xf32>,
      }
      %scan3A_2045 = arith.constant 64 : i32
      %mul3A_2046 = arith.constant 7 : i32
      %mul3A_2047 = arith.muli %add3A_1696, %mul3A_2046 : i32
      "tpu.region"() ({
        %run_scoped3A = tpu.sem_alloc : memref<!tpu.dma_semaphore, #tpu.memory_space<semaphore_mem>>
        %dma_start3A_2050 = tpu.memref_slice %arg4[%mul3A_2047] : memref<7340032xf32, #tpu.memory_space<hbm>> -> memref<7168xf32, #tpu.memory_space<hbm>>
        %dma_start3A_2051 = tpu.memref_slice %arg4[%mul3A_2047] : memref<7340032xf32, #tpu.memory_space<hbm>> -> memref<7168xf32, #tpu.memory_space<hbm>>
        tpu.enqueue_dma source(%arg33 : memref<7168xf32, #tpu.memory_space<vmem>>) target(%dma_start3A_2051 : memref<7168xf32, #tpu.memory_space<hbm>>) target_semaphore(%run_scoped3A : memref<!tpu.dma_semaphore, #tpu.memory_space<semaphore_mem>>)
        %dma_wait3A_2052 = tpu.memref_slice %arg4[%mul3A_2047] : memref<7340032xf32, #tpu.memory_space<hbm>> -> memref<7168xf32, #tpu.memory_space<hbm>>
        %dma_wait3A_2053 = tpu.memref_slice %arg4[%mul3A_2047] : memref<7340032xf32, #tpu.memory_space<hbm>> -> memref<7168xf32, #tpu.memory_space<hbm>>
        tpu.wait_dma2 semaphore(%run_scoped3A : memref<!tpu.dma_semaphore, #tpu.memory_space<semaphore_mem>>) src(%arg33 : memref<7168xf32, #tpu.memory_space<vmem>>) dst(%dma_wait3A_2053 : memref<7168xf32, #tpu.memory_space<hbm>>)
        tpu.yield
      }) : () -> ()
      "tpu.region"() ({
        %run_scoped3A = tpu.sem_alloc : memref<!tpu.dma_semaphore, #tpu.memory_space<semaphore_mem>>
        %dma_start3A_2050 = tpu.memref_slice %arg5[%add3A_1696] : memref<1048576xf32, #tpu.memory_space<hbm>> -> memref<1024xf32, #tpu.memory_space<hbm>>
        %dma_start3A_2051 = tpu.memref_slice %arg5[%add3A_1696] : memref<1048576xf32, #tpu.memory_space<hbm>> -> memref<1024xf32, #tpu.memory_space<hbm>>
        tpu.enqueue_dma source(%arg34 : memref<1024xf32, #tpu.memory_space<vmem>>) target(%dma_start3A_2051 : memref<1024xf32, #tpu.memory_space<hbm>>) target_semaphore(%run_scoped3A : memref<!tpu.dma_semaphore, #tpu.memory_space<semaphore_mem>>)
        %dma_wait3A_2052 = tpu.memref_slice %arg5[%add3A_1696] : memref<1048576xf32, #tpu.memory_space<hbm>> -> memref<1024xf32, #tpu.memory_space<hbm>>
        %dma_wait3A_2053 = tpu.memref_slice %arg5[%add3A_1696] : memref<1048576xf32, #tpu.memory_space<hbm>> -> memref<1024xf32, #tpu.memory_space<hbm>>
        tpu.wait_dma2 semaphore(%run_scoped3A : memref<!tpu.dma_semaphore, #tpu.memory_space<semaphore_mem>>) src(%arg34 : memref<1024xf32, #tpu.memory_space<vmem>>) dst(%dma_wait3A_2053 : memref<1024xf32, #tpu.memory_space<hbm>>)
        tpu.yield
      }) : () -> ()
      %mul3A_2048 = arith.constant 8 : i32
      %mul3A_2049 = arith.muli %add3A_1696, %mul3A_2048 : i32
      "tpu.region"() ({
        %run_scoped3A = tpu.sem_alloc : memref<!tpu.dma_semaphore, #tpu.memory_space<semaphore_mem>>
        %dma_start3A_2050 = tpu.memref_slice %arg6[%mul3A_2049] : memref<8388608xf32, #tpu.memory_space<hbm>> -> memref<8192xf32, #tpu.memory_space<hbm>>
        %dma_start3A_2051 = tpu.memref_slice %arg6[%mul3A_2049] : memref<8388608xf32, #tpu.memory_space<hbm>> -> memref<8192xf32, #tpu.memory_space<hbm>>
        tpu.enqueue_dma source(%arg32 : memref<8192xf32, #tpu.memory_space<vmem>>) target(%dma_start3A_2051 : memref<8192xf32, #tpu.memory_space<hbm>>) target_semaphore(%run_scoped3A : memref<!tpu.dma_semaphore, #tpu.memory_space<semaphore_mem>>)
        %dma_wait3A_2052 = tpu.memref_slice %arg6[%mul3A_2049] : memref<8388608xf32, #tpu.memory_space<hbm>> -> memref<8192xf32, #tpu.memory_space<hbm>>
        %dma_wait3A_2053 = tpu.memref_slice %arg6[%mul3A_2049] : memref<8388608xf32, #tpu.memory_space<hbm>> -> memref<8192xf32, #tpu.memory_space<hbm>>
        tpu.wait_dma2 semaphore(%run_scoped3A : memref<!tpu.dma_semaphore, #tpu.memory_space<semaphore_mem>>) src(%arg32 : memref<8192xf32, #tpu.memory_space<vmem>>) dst(%dma_wait3A_2053 : memref<8192xf32, #tpu.memory_space<hbm>>)
        tpu.yield
      }) : () -> ()
      "tpu.region"() ({
        %run_scoped3A = tpu.sem_alloc : memref<!tpu.dma_semaphore, #tpu.memory_space<semaphore_mem>>
        %dma_start3A_2050 = tpu.memref_slice %arg7[%add3A_1696] : memref<1048576xf32, #tpu.memory_space<hbm>> -> memref<1024xf32, #tpu.memory_space<hbm>>
        %dma_start3A_2051 = tpu.memref_slice %arg7[%add3A_1696] : memref<1048576xf32, #tpu.memory_space<hbm>> -> memref<1024xf32, #tpu.memory_space<hbm>>
        tpu.enqueue_dma source(%arg35 : memref<1024xf32, #tpu.memory_space<vmem>>) target(%dma_start3A_2051 : memref<1024xf32, #tpu.memory_space<hbm>>) target_semaphore(%run_scoped3A : memref<!tpu.dma_semaphore, #tpu.memory_space<semaphore_mem>>)
        %dma_wait3A_2052 = tpu.memref_slice %arg7[%add3A_1696] : memref<1048576xf32, #tpu.memory_space<hbm>> -> memref<1024xf32, #tpu.memory_space<hbm>>
        %dma_wait3A_2053 = tpu.memref_slice %arg7[%add3A_1696] : memref<1048576xf32, #tpu.memory_space<hbm>> -> memref<1024xf32, #tpu.memory_space<hbm>>
        tpu.wait_dma2 semaphore(%run_scoped3A : memref<!tpu.dma_semaphore, #tpu.memory_space<semaphore_mem>>) src(%arg35 : memref<1024xf32, #tpu.memory_space<vmem>>) dst(%dma_wait3A_2053 : memref<1024xf32, #tpu.memory_space<hbm>>)
        tpu.yield
      }) : () -> ()
      "tpu.region"() ({
        %run_scoped3A = tpu.sem_alloc : memref<!tpu.dma_semaphore, #tpu.memory_space<semaphore_mem>>
        %dma_start3A_2050 = tpu.memref_slice %arg8[%add3A_1696] : memref<1048576xf32, #tpu.memory_space<hbm>> -> memref<1024xf32, #tpu.memory_space<hbm>>
        %dma_start3A_2051 = tpu.memref_slice %arg8[%add3A_1696] : memref<1048576xf32, #tpu.memory_space<hbm>> -> memref<1024xf32, #tpu.memory_space<hbm>>
        tpu.enqueue_dma source(%arg36 : memref<1024xf32, #tpu.memory_space<vmem>>) target(%dma_start3A_2051 : memref<1024xf32, #tpu.memory_space<hbm>>) target_semaphore(%run_scoped3A : memref<!tpu.dma_semaphore, #tpu.memory_space<semaphore_mem>>)
        %dma_wait3A_2052 = tpu.memref_slice %arg8[%add3A_1696] : memref<1048576xf32, #tpu.memory_space<hbm>> -> memref<1024xf32, #tpu.memory_space<hbm>>
        %dma_wait3A_2053 = tpu.memref_slice %arg8[%add3A_1696] : memref<1048576xf32, #tpu.memory_space<hbm>> -> memref<1024xf32, #tpu.memory_space<hbm>>
        tpu.wait_dma2 semaphore(%run_scoped3A : memref<!tpu.dma_semaphore, #tpu.memory_space<semaphore_mem>>) src(%arg36 : memref<1024xf32, #tpu.memory_space<vmem>>) dst(%dma_wait3A_2053 : memref<1024xf32, #tpu.memory_space<hbm>>)
        tpu.yield
      }) : () -> ()
      "tpu.region"() ({
        %run_scoped3A = tpu.sem_alloc : memref<!tpu.dma_semaphore, #tpu.memory_space<semaphore_mem>>
        %dma_start3A_2050 = tpu.memref_slice %arg9[%add3A_1696] : memref<1048576xf32, #tpu.memory_space<hbm>> -> memref<1024xf32, #tpu.memory_space<hbm>>
        %dma_start3A_2051 = tpu.memref_slice %arg9[%add3A_1696] : memref<1048576xf32, #tpu.memory_space<hbm>> -> memref<1024xf32, #tpu.memory_space<hbm>>
        tpu.enqueue_dma source(%arg37 : memref<1024xf32, #tpu.memory_space<vmem>>) target(%dma_start3A_2051 : memref<1024xf32, #tpu.memory_space<hbm>>) target_semaphore(%run_scoped3A : memref<!tpu.dma_semaphore, #tpu.memory_space<semaphore_mem>>)
        %dma_wait3A_2052 = tpu.memref_slice %arg9[%add3A_1696] : memref<1048576xf32, #tpu.memory_space<hbm>> -> memref<1024xf32, #tpu.memory_space<hbm>>
        %dma_wait3A_2053 = tpu.memref_slice %arg9[%add3A_1696] : memref<1048576xf32, #tpu.memory_space<hbm>> -> memref<1024xf32, #tpu.memory_space<hbm>>
        tpu.wait_dma2 semaphore(%run_scoped3A : memref<!tpu.dma_semaphore, #tpu.memory_space<semaphore_mem>>) src(%arg37 : memref<1024xf32, #tpu.memory_space<vmem>>) dst(%dma_wait3A_2053 : memref<1024xf32, #tpu.memory_space<hbm>>)
        tpu.yield
      }) : () -> ()
      "tpu.region"() ({
        %run_scoped3A = tpu.sem_alloc : memref<!tpu.dma_semaphore, #tpu.memory_space<semaphore_mem>>
        %dma_start3A_2050 = tpu.memref_slice %arg10[%add3A_1696] : memref<1048576xf32, #tpu.memory_space<hbm>> -> memref<1024xf32, #tpu.memory_space<hbm>>
        %dma_start3A_2051 = tpu.memref_slice %arg10[%add3A_1696] : memref<1048576xf32, #tpu.memory_space<hbm>> -> memref<1024xf32, #tpu.memory_space<hbm>>
        tpu.enqueue_dma source(%arg38 : memref<1024xf32, #tpu.memory_space<vmem>>) target(%dma_start3A_2051 : memref<1024xf32, #tpu.memory_space<hbm>>) target_semaphore(%run_scoped3A : memref<!tpu.dma_semaphore, #tpu.memory_space<semaphore_mem>>)
        %dma_wait3A_2052 = tpu.memref_slice %arg10[%add3A_1696] : memref<1048576xf32, #tpu.memory_space<hbm>> -> memref<1024xf32, #tpu.memory_space<hbm>>
        %dma_wait3A_2053 = tpu.memref_slice %arg10[%add3A_1696] : memref<1048576xf32, #tpu.memory_space<hbm>> -> memref<1024xf32, #tpu.memory_space<hbm>>
        tpu.wait_dma2 semaphore(%run_scoped3A : memref<!tpu.dma_semaphore, #tpu.memory_space<semaphore_mem>>) src(%arg38 : memref<1024xf32, #tpu.memory_space<vmem>>) dst(%dma_wait3A_2053 : memref<1024xf32, #tpu.memory_space<hbm>>)
        tpu.yield
      }) : () -> ()
    }
    %scan3A_339 = arith.constant 16 : i32
    %dma_wait3A = arith.constant 0 : i32
    %dma_wait3A_340 = arith.constant 0 : i32
    %dma_wait3A_341 = arith.constant 0 : i32
    %dma_wait3A_342 = tpu.memref_slice %arg24[%dma_wait3A_340, %dma_wait3A_341] : memref<1024x8xf32, #tpu.memory_space<vmem>> -> memref<128x8xf32, #tpu.memory_space<vmem>>
    %dma_wait3A_343 = arith.constant 0 : i32
    %dma_wait3A_344 = tpu.memref_slice %arg12[%dma_wait3A, %dma_wait3A_343] : memref<8x128xi32, #tpu.memory_space<vmem>> -> memref<1x128xi32, #tpu.memory_space<vmem>>
    %dma_wait3A_345 = tpu.memref_squeeze %dma_wait3A_344 : memref<1x128xi32, #tpu.memory_space<vmem>> -> memref<128xi32, #tpu.memory_space<vmem>>
    %dma_wait3A_346 = arith.constant 0 : i32
    %dma_wait3A_347 = arith.constant 0 : i32
    %dma_wait3A_348 = tpu.memref_slice %arg2[%dma_wait3A_346, %dma_wait3A_347] : memref<4194304x8xf32, #tpu.memory_space<hbm>> -> memref<4194304x8xf32, #tpu.memory_space<hbm>>
    tpu.wait_indirect_dma semaphore(%arg39 : memref<!tpu.dma_semaphore, #tpu.memory_space<semaphore_mem>>) src(%dma_wait3A_348 : memref<4194304x8xf32, #tpu.memory_space<hbm>>) dst(%dma_wait3A_342 : memref<128x8xf32, #tpu.memory_space<vmem>>)
    %dma_wait3A_349 = arith.constant 0 : i32
    %dma_wait3A_350 = arith.constant 0 : i32
    %dma_wait3A_351 = arith.constant 0 : i32
    %dma_wait3A_352 = tpu.memref_slice %arg25[%dma_wait3A_350, %dma_wait3A_351] : memref<1024x8xf32, #tpu.memory_space<vmem>> -> memref<128x8xf32, #tpu.memory_space<vmem>>
    %dma_wait3A_353 = arith.constant 0 : i32
    %dma_wait3A_354 = tpu.memref_slice %arg13[%dma_wait3A_349, %dma_wait3A_353] : memref<8x128xi32, #tpu.memory_space<vmem>> -> memref<1x128xi32, #tpu.memory_space<vmem>>
    %dma_wait3A_355 = tpu.memref_squeeze %dma_wait3A_354 : memref<1x128xi32, #tpu.memory_space<vmem>> -> memref<128xi32, #tpu.memory_space<vmem>>
    %dma_wait3A_356 = arith.constant 0 : i32
    %dma_wait3A_357 = arith.constant 0 : i32
    %dma_wait3A_358 = tpu.memref_slice %arg2[%dma_wait3A_356, %dma_wait3A_357] : memref<4194304x8xf32, #tpu.memory_space<hbm>> -> memref<4194304x8xf32, #tpu.memory_space<hbm>>
    tpu.wait_indirect_dma semaphore(%arg39 : memref<!tpu.dma_semaphore, #tpu.memory_space<semaphore_mem>>) src(%dma_wait3A_358 : memref<4194304x8xf32, #tpu.memory_space<hbm>>) dst(%dma_wait3A_352 : memref<128x8xf32, #tpu.memory_space<vmem>>)
    %dma_wait3A_359 = arith.constant 0 : i32
    %dma_wait3A_360 = arith.constant 0 : i32
    %dma_wait3A_361 = arith.constant 0 : i32
    %dma_wait3A_362 = tpu.memref_slice %arg26[%dma_wait3A_360, %dma_wait3A_361] : memref<1024x8xf32, #tpu.memory_space<vmem>> -> memref<128x8xf32, #tpu.memory_space<vmem>>
    %dma_wait3A_363 = arith.constant 0 : i32
    %dma_wait3A_364 = tpu.memref_slice %arg14[%dma_wait3A_359, %dma_wait3A_363] : memref<8x128xi32, #tpu.memory_space<vmem>> -> memref<1x128xi32, #tpu.memory_space<vmem>>
    %dma_wait3A_365 = tpu.memref_squeeze %dma_wait3A_364 : memref<1x128xi32, #tpu.memory_space<vmem>> -> memref<128xi32, #tpu.memory_space<vmem>>
    %dma_wait3A_366 = arith.constant 0 : i32
    %dma_wait3A_367 = arith.constant 0 : i32
    %dma_wait3A_368 = tpu.memref_slice %arg2[%dma_wait3A_366, %dma_wait3A_367] : memref<4194304x8xf32, #tpu.memory_space<hbm>> -> memref<4194304x8xf32, #tpu.memory_space<hbm>>
    tpu.wait_indirect_dma semaphore(%arg39 : memref<!tpu.dma_semaphore, #tpu.memory_space<semaphore_mem>>) src(%dma_wait3A_368 : memref<4194304x8xf32, #tpu.memory_space<hbm>>) dst(%dma_wait3A_362 : memref<128x8xf32, #tpu.memory_space<vmem>>)
    %dma_wait3A_369 = arith.constant 0 : i32
    %dma_wait3A_370 = arith.constant 0 : i32
    %dma_wait3A_371 = arith.constant 0 : i32
    %dma_wait3A_372 = tpu.memref_slice %arg27[%dma_wait3A_370, %dma_wait3A_371] : memref<1024x8xf32, #tpu.memory_space<vmem>> -> memref<128x8xf32, #tpu.memory_space<vmem>>
    %dma_wait3A_373 = arith.constant 0 : i32
    %dma_wait3A_374 = tpu.memref_slice %arg15[%dma_wait3A_369, %dma_wait3A_373] : memref<8x128xi32, #tpu.memory_space<vmem>> -> memref<1x128xi32, #tpu.memory_space<vmem>>
    %dma_wait3A_375 = tpu.memref_squeeze %dma_wait3A_374 : memref<1x128xi32, #tpu.memory_space<vmem>> -> memref<128xi32, #tpu.memory_space<vmem>>
    %dma_wait3A_376 = arith.constant 0 : i32
    %dma_wait3A_377 = arith.constant 0 : i32
    %dma_wait3A_378 = tpu.memref_slice %arg2[%dma_wait3A_376, %dma_wait3A_377] : memref<4194304x8xf32, #tpu.memory_space<hbm>> -> memref<4194304x8xf32, #tpu.memory_space<hbm>>
    tpu.wait_indirect_dma semaphore(%arg39 : memref<!tpu.dma_semaphore, #tpu.memory_space<semaphore_mem>>) src(%dma_wait3A_378 : memref<4194304x8xf32, #tpu.memory_space<hbm>>) dst(%dma_wait3A_372 : memref<128x8xf32, #tpu.memory_space<vmem>>)
    %dma_wait3A_379 = arith.constant 1 : i32
    %dma_wait3A_380 = arith.constant 128 : i32
    %dma_wait3A_381 = arith.constant 0 : i32
    %dma_wait3A_382 = tpu.memref_slice %arg24[%dma_wait3A_380, %dma_wait3A_381] : memref<1024x8xf32, #tpu.memory_space<vmem>> -> memref<128x8xf32, #tpu.memory_space<vmem>>
    %dma_wait3A_383 = arith.constant 0 : i32
    %dma_wait3A_384 = tpu.memref_slice %arg12[%dma_wait3A_379, %dma_wait3A_383] : memref<8x128xi32, #tpu.memory_space<vmem>> -> memref<1x128xi32, #tpu.memory_space<vmem>>
    %dma_wait3A_385 = tpu.memref_squeeze %dma_wait3A_384 : memref<1x128xi32, #tpu.memory_space<vmem>> -> memref<128xi32, #tpu.memory_space<vmem>>
    %dma_wait3A_386 = arith.constant 0 : i32
    %dma_wait3A_387 = arith.constant 0 : i32
    %dma_wait3A_388 = tpu.memref_slice %arg2[%dma_wait3A_386, %dma_wait3A_387] : memref<4194304x8xf32, #tpu.memory_space<hbm>> -> memref<4194304x8xf32, #tpu.memory_space<hbm>>
    tpu.wait_indirect_dma semaphore(%arg39 : memref<!tpu.dma_semaphore, #tpu.memory_space<semaphore_mem>>) src(%dma_wait3A_388 : memref<4194304x8xf32, #tpu.memory_space<hbm>>) dst(%dma_wait3A_382 : memref<128x8xf32, #tpu.memory_space<vmem>>)
    %dma_wait3A_389 = arith.constant 1 : i32
    %dma_wait3A_390 = arith.constant 128 : i32
    %dma_wait3A_391 = arith.constant 0 : i32
    %dma_wait3A_392 = tpu.memref_slice %arg25[%dma_wait3A_390, %dma_wait3A_391] : memref<1024x8xf32, #tpu.memory_space<vmem>> -> memref<128x8xf32, #tpu.memory_space<vmem>>
    %dma_wait3A_393 = arith.constant 0 : i32
    %dma_wait3A_394 = tpu.memref_slice %arg13[%dma_wait3A_389, %dma_wait3A_393] : memref<8x128xi32, #tpu.memory_space<vmem>> -> memref<1x128xi32, #tpu.memory_space<vmem>>
    %dma_wait3A_395 = tpu.memref_squeeze %dma_wait3A_394 : memref<1x128xi32, #tpu.memory_space<vmem>> -> memref<128xi32, #tpu.memory_space<vmem>>
    %dma_wait3A_396 = arith.constant 0 : i32
    %dma_wait3A_397 = arith.constant 0 : i32
    %dma_wait3A_398 = tpu.memref_slice %arg2[%dma_wait3A_396, %dma_wait3A_397] : memref<4194304x8xf32, #tpu.memory_space<hbm>> -> memref<4194304x8xf32, #tpu.memory_space<hbm>>
    tpu.wait_indirect_dma semaphore(%arg39 : memref<!tpu.dma_semaphore, #tpu.memory_space<semaphore_mem>>) src(%dma_wait3A_398 : memref<4194304x8xf32, #tpu.memory_space<hbm>>) dst(%dma_wait3A_392 : memref<128x8xf32, #tpu.memory_space<vmem>>)
    %dma_wait3A_399 = arith.constant 1 : i32
    %dma_wait3A_400 = arith.constant 128 : i32
    %dma_wait3A_401 = arith.constant 0 : i32
    %dma_wait3A_402 = tpu.memref_slice %arg26[%dma_wait3A_400, %dma_wait3A_401] : memref<1024x8xf32, #tpu.memory_space<vmem>> -> memref<128x8xf32, #tpu.memory_space<vmem>>
    %dma_wait3A_403 = arith.constant 0 : i32
    %dma_wait3A_404 = tpu.memref_slice %arg14[%dma_wait3A_399, %dma_wait3A_403] : memref<8x128xi32, #tpu.memory_space<vmem>> -> memref<1x128xi32, #tpu.memory_space<vmem>>
    %dma_wait3A_405 = tpu.memref_squeeze %dma_wait3A_404 : memref<1x128xi32, #tpu.memory_space<vmem>> -> memref<128xi32, #tpu.memory_space<vmem>>
    %dma_wait3A_406 = arith.constant 0 : i32
    %dma_wait3A_407 = arith.constant 0 : i32
    %dma_wait3A_408 = tpu.memref_slice %arg2[%dma_wait3A_406, %dma_wait3A_407] : memref<4194304x8xf32, #tpu.memory_space<hbm>> -> memref<4194304x8xf32, #tpu.memory_space<hbm>>
    tpu.wait_indirect_dma semaphore(%arg39 : memref<!tpu.dma_semaphore, #tpu.memory_space<semaphore_mem>>) src(%dma_wait3A_408 : memref<4194304x8xf32, #tpu.memory_space<hbm>>) dst(%dma_wait3A_402 : memref<128x8xf32, #tpu.memory_space<vmem>>)
    %dma_wait3A_409 = arith.constant 1 : i32
    %dma_wait3A_410 = arith.constant 128 : i32
    %dma_wait3A_411 = arith.constant 0 : i32
    %dma_wait3A_412 = tpu.memref_slice %arg27[%dma_wait3A_410, %dma_wait3A_411] : memref<1024x8xf32, #tpu.memory_space<vmem>> -> memref<128x8xf32, #tpu.memory_space<vmem>>
    %dma_wait3A_413 = arith.constant 0 : i32
    %dma_wait3A_414 = tpu.memref_slice %arg15[%dma_wait3A_409, %dma_wait3A_413] : memref<8x128xi32, #tpu.memory_space<vmem>> -> memref<1x128xi32, #tpu.memory_space<vmem>>
    %dma_wait3A_415 = tpu.memref_squeeze %dma_wait3A_414 : memref<1x128xi32, #tpu.memory_space<vmem>> -> memref<128xi32, #tpu.memory_space<vmem>>
    %dma_wait3A_416 = arith.constant 0 : i32
    %dma_wait3A_417 = arith.constant 0 : i32
    %dma_wait3A_418 = tpu.memref_slice %arg2[%dma_wait3A_416, %dma_wait3A_417] : memref<4194304x8xf32, #tpu.memory_space<hbm>> -> memref<4194304x8xf32, #tpu.memory_space<hbm>>
    tpu.wait_indirect_dma semaphore(%arg39 : memref<!tpu.dma_semaphore, #tpu.memory_space<semaphore_mem>>) src(%dma_wait3A_418 : memref<4194304x8xf32, #tpu.memory_space<hbm>>) dst(%dma_wait3A_412 : memref<128x8xf32, #tpu.memory_space<vmem>>)
    %dma_wait3A_419 = arith.constant 2 : i32
    %dma_wait3A_420 = arith.constant 256 : i32
    %dma_wait3A_421 = arith.constant 0 : i32
    %dma_wait3A_422 = tpu.memref_slice %arg24[%dma_wait3A_420, %dma_wait3A_421] : memref<1024x8xf32, #tpu.memory_space<vmem>> -> memref<128x8xf32, #tpu.memory_space<vmem>>
    %dma_wait3A_423 = arith.constant 0 : i32
    %dma_wait3A_424 = tpu.memref_slice %arg12[%dma_wait3A_419, %dma_wait3A_423] : memref<8x128xi32, #tpu.memory_space<vmem>> -> memref<1x128xi32, #tpu.memory_space<vmem>>
    %dma_wait3A_425 = tpu.memref_squeeze %dma_wait3A_424 : memref<1x128xi32, #tpu.memory_space<vmem>> -> memref<128xi32, #tpu.memory_space<vmem>>
    %dma_wait3A_426 = arith.constant 0 : i32
    %dma_wait3A_427 = arith.constant 0 : i32
    %dma_wait3A_428 = tpu.memref_slice %arg2[%dma_wait3A_426, %dma_wait3A_427] : memref<4194304x8xf32, #tpu.memory_space<hbm>> -> memref<4194304x8xf32, #tpu.memory_space<hbm>>
    tpu.wait_indirect_dma semaphore(%arg39 : memref<!tpu.dma_semaphore, #tpu.memory_space<semaphore_mem>>) src(%dma_wait3A_428 : memref<4194304x8xf32, #tpu.memory_space<hbm>>) dst(%dma_wait3A_422 : memref<128x8xf32, #tpu.memory_space<vmem>>)
    %dma_wait3A_429 = arith.constant 2 : i32
    %dma_wait3A_430 = arith.constant 256 : i32
    %dma_wait3A_431 = arith.constant 0 : i32
    %dma_wait3A_432 = tpu.memref_slice %arg25[%dma_wait3A_430, %dma_wait3A_431] : memref<1024x8xf32, #tpu.memory_space<vmem>> -> memref<128x8xf32, #tpu.memory_space<vmem>>
    %dma_wait3A_433 = arith.constant 0 : i32
    %dma_wait3A_434 = tpu.memref_slice %arg13[%dma_wait3A_429, %dma_wait3A_433] : memref<8x128xi32, #tpu.memory_space<vmem>> -> memref<1x128xi32, #tpu.memory_space<vmem>>
    %dma_wait3A_435 = tpu.memref_squeeze %dma_wait3A_434 : memref<1x128xi32, #tpu.memory_space<vmem>> -> memref<128xi32, #tpu.memory_space<vmem>>
    %dma_wait3A_436 = arith.constant 0 : i32
    %dma_wait3A_437 = arith.constant 0 : i32
    %dma_wait3A_438 = tpu.memref_slice %arg2[%dma_wait3A_436, %dma_wait3A_437] : memref<4194304x8xf32, #tpu.memory_space<hbm>> -> memref<4194304x8xf32, #tpu.memory_space<hbm>>
    tpu.wait_indirect_dma semaphore(%arg39 : memref<!tpu.dma_semaphore, #tpu.memory_space<semaphore_mem>>) src(%dma_wait3A_438 : memref<4194304x8xf32, #tpu.memory_space<hbm>>) dst(%dma_wait3A_432 : memref<128x8xf32, #tpu.memory_space<vmem>>)
    %dma_wait3A_439 = arith.constant 2 : i32
    %dma_wait3A_440 = arith.constant 256 : i32
    %dma_wait3A_441 = arith.constant 0 : i32
    %dma_wait3A_442 = tpu.memref_slice %arg26[%dma_wait3A_440, %dma_wait3A_441] : memref<1024x8xf32, #tpu.memory_space<vmem>> -> memref<128x8xf32, #tpu.memory_space<vmem>>
    %dma_wait3A_443 = arith.constant 0 : i32
    %dma_wait3A_444 = tpu.memref_slice %arg14[%dma_wait3A_439, %dma_wait3A_443] : memref<8x128xi32, #tpu.memory_space<vmem>> -> memref<1x128xi32, #tpu.memory_space<vmem>>
    %dma_wait3A_445 = tpu.memref_squeeze %dma_wait3A_444 : memref<1x128xi32, #tpu.memory_space<vmem>> -> memref<128xi32, #tpu.memory_space<vmem>>
    %dma_wait3A_446 = arith.constant 0 : i32
    %dma_wait3A_447 = arith.constant 0 : i32
    %dma_wait3A_448 = tpu.memref_slice %arg2[%dma_wait3A_446, %dma_wait3A_447] : memref<4194304x8xf32, #tpu.memory_space<hbm>> -> memref<4194304x8xf32, #tpu.memory_space<hbm>>
    tpu.wait_indirect_dma semaphore(%arg39 : memref<!tpu.dma_semaphore, #tpu.memory_space<semaphore_mem>>) src(%dma_wait3A_448 : memref<4194304x8xf32, #tpu.memory_space<hbm>>) dst(%dma_wait3A_442 : memref<128x8xf32, #tpu.memory_space<vmem>>)
    %dma_wait3A_449 = arith.constant 2 : i32
    %dma_wait3A_450 = arith.constant 256 : i32
    %dma_wait3A_451 = arith.constant 0 : i32
    %dma_wait3A_452 = tpu.memref_slice %arg27[%dma_wait3A_450, %dma_wait3A_451] : memref<1024x8xf32, #tpu.memory_space<vmem>> -> memref<128x8xf32, #tpu.memory_space<vmem>>
    %dma_wait3A_453 = arith.constant 0 : i32
    %dma_wait3A_454 = tpu.memref_slice %arg15[%dma_wait3A_449, %dma_wait3A_453] : memref<8x128xi32, #tpu.memory_space<vmem>> -> memref<1x128xi32, #tpu.memory_space<vmem>>
    %dma_wait3A_455 = tpu.memref_squeeze %dma_wait3A_454 : memref<1x128xi32, #tpu.memory_space<vmem>> -> memref<128xi32, #tpu.memory_space<vmem>>
    %dma_wait3A_456 = arith.constant 0 : i32
    %dma_wait3A_457 = arith.constant 0 : i32
    %dma_wait3A_458 = tpu.memref_slice %arg2[%dma_wait3A_456, %dma_wait3A_457] : memref<4194304x8xf32, #tpu.memory_space<hbm>> -> memref<4194304x8xf32, #tpu.memory_space<hbm>>
    tpu.wait_indirect_dma semaphore(%arg39 : memref<!tpu.dma_semaphore, #tpu.memory_space<semaphore_mem>>) src(%dma_wait3A_458 : memref<4194304x8xf32, #tpu.memory_space<hbm>>) dst(%dma_wait3A_452 : memref<128x8xf32, #tpu.memory_space<vmem>>)
    %dma_wait3A_459 = arith.constant 3 : i32
    %dma_wait3A_460 = arith.constant 384 : i32
    %dma_wait3A_461 = arith.constant 0 : i32
    %dma_wait3A_462 = tpu.memref_slice %arg24[%dma_wait3A_460, %dma_wait3A_461] : memref<1024x8xf32, #tpu.memory_space<vmem>> -> memref<128x8xf32, #tpu.memory_space<vmem>>
    %dma_wait3A_463 = arith.constant 0 : i32
    %dma_wait3A_464 = tpu.memref_slice %arg12[%dma_wait3A_459, %dma_wait3A_463] : memref<8x128xi32, #tpu.memory_space<vmem>> -> memref<1x128xi32, #tpu.memory_space<vmem>>
    %dma_wait3A_465 = tpu.memref_squeeze %dma_wait3A_464 : memref<1x128xi32, #tpu.memory_space<vmem>> -> memref<128xi32, #tpu.memory_space<vmem>>
    %dma_wait3A_466 = arith.constant 0 : i32
    %dma_wait3A_467 = arith.constant 0 : i32
    %dma_wait3A_468 = tpu.memref_slice %arg2[%dma_wait3A_466, %dma_wait3A_467] : memref<4194304x8xf32, #tpu.memory_space<hbm>> -> memref<4194304x8xf32, #tpu.memory_space<hbm>>
    tpu.wait_indirect_dma semaphore(%arg39 : memref<!tpu.dma_semaphore, #tpu.memory_space<semaphore_mem>>) src(%dma_wait3A_468 : memref<4194304x8xf32, #tpu.memory_space<hbm>>) dst(%dma_wait3A_462 : memref<128x8xf32, #tpu.memory_space<vmem>>)
    %dma_wait3A_469 = arith.constant 3 : i32
    %dma_wait3A_470 = arith.constant 384 : i32
    %dma_wait3A_471 = arith.constant 0 : i32
    %dma_wait3A_472 = tpu.memref_slice %arg25[%dma_wait3A_470, %dma_wait3A_471] : memref<1024x8xf32, #tpu.memory_space<vmem>> -> memref<128x8xf32, #tpu.memory_space<vmem>>
    %dma_wait3A_473 = arith.constant 0 : i32
    %dma_wait3A_474 = tpu.memref_slice %arg13[%dma_wait3A_469, %dma_wait3A_473] : memref<8x128xi32, #tpu.memory_space<vmem>> -> memref<1x128xi32, #tpu.memory_space<vmem>>
    %dma_wait3A_475 = tpu.memref_squeeze %dma_wait3A_474 : memref<1x128xi32, #tpu.memory_space<vmem>> -> memref<128xi32, #tpu.memory_space<vmem>>
    %dma_wait3A_476 = arith.constant 0 : i32
    %dma_wait3A_477 = arith.constant 0 : i32
    %dma_wait3A_478 = tpu.memref_slice %arg2[%dma_wait3A_476, %dma_wait3A_477] : memref<4194304x8xf32, #tpu.memory_space<hbm>> -> memref<4194304x8xf32, #tpu.memory_space<hbm>>
    tpu.wait_indirect_dma semaphore(%arg39 : memref<!tpu.dma_semaphore, #tpu.memory_space<semaphore_mem>>) src(%dma_wait3A_478 : memref<4194304x8xf32, #tpu.memory_space<hbm>>) dst(%dma_wait3A_472 : memref<128x8xf32, #tpu.memory_space<vmem>>)
    %dma_wait3A_479 = arith.constant 3 : i32
    %dma_wait3A_480 = arith.constant 384 : i32
    %dma_wait3A_481 = arith.constant 0 : i32
    %dma_wait3A_482 = tpu.memref_slice %arg26[%dma_wait3A_480, %dma_wait3A_481] : memref<1024x8xf32, #tpu.memory_space<vmem>> -> memref<128x8xf32, #tpu.memory_space<vmem>>
    %dma_wait3A_483 = arith.constant 0 : i32
    %dma_wait3A_484 = tpu.memref_slice %arg14[%dma_wait3A_479, %dma_wait3A_483] : memref<8x128xi32, #tpu.memory_space<vmem>> -> memref<1x128xi32, #tpu.memory_space<vmem>>
    %dma_wait3A_485 = tpu.memref_squeeze %dma_wait3A_484 : memref<1x128xi32, #tpu.memory_space<vmem>> -> memref<128xi32, #tpu.memory_space<vmem>>
    %dma_wait3A_486 = arith.constant 0 : i32
    %dma_wait3A_487 = arith.constant 0 : i32
    %dma_wait3A_488 = tpu.memref_slice %arg2[%dma_wait3A_486, %dma_wait3A_487] : memref<4194304x8xf32, #tpu.memory_space<hbm>> -> memref<4194304x8xf32, #tpu.memory_space<hbm>>
    tpu.wait_indirect_dma semaphore(%arg39 : memref<!tpu.dma_semaphore, #tpu.memory_space<semaphore_mem>>) src(%dma_wait3A_488 : memref<4194304x8xf32, #tpu.memory_space<hbm>>) dst(%dma_wait3A_482 : memref<128x8xf32, #tpu.memory_space<vmem>>)
    %dma_wait3A_489 = arith.constant 3 : i32
    %dma_wait3A_490 = arith.constant 384 : i32
    %dma_wait3A_491 = arith.constant 0 : i32
    %dma_wait3A_492 = tpu.memref_slice %arg27[%dma_wait3A_490, %dma_wait3A_491] : memref<1024x8xf32, #tpu.memory_space<vmem>> -> memref<128x8xf32, #tpu.memory_space<vmem>>
    %dma_wait3A_493 = arith.constant 0 : i32
    %dma_wait3A_494 = tpu.memref_slice %arg15[%dma_wait3A_489, %dma_wait3A_493] : memref<8x128xi32, #tpu.memory_space<vmem>> -> memref<1x128xi32, #tpu.memory_space<vmem>>
    %dma_wait3A_495 = tpu.memref_squeeze %dma_wait3A_494 : memref<1x128xi32, #tpu.memory_space<vmem>> -> memref<128xi32, #tpu.memory_space<vmem>>
    %dma_wait3A_496 = arith.constant 0 : i32
    %dma_wait3A_497 = arith.constant 0 : i32
    %dma_wait3A_498 = tpu.memref_slice %arg2[%dma_wait3A_496, %dma_wait3A_497] : memref<4194304x8xf32, #tpu.memory_space<hbm>> -> memref<4194304x8xf32, #tpu.memory_space<hbm>>
    tpu.wait_indirect_dma semaphore(%arg39 : memref<!tpu.dma_semaphore, #tpu.memory_space<semaphore_mem>>) src(%dma_wait3A_498 : memref<4194304x8xf32, #tpu.memory_space<hbm>>) dst(%dma_wait3A_492 : memref<128x8xf32, #tpu.memory_space<vmem>>)
    %dma_wait3A_499 = arith.constant 4 : i32
    %dma_wait3A_500 = arith.constant 512 : i32
    %dma_wait3A_501 = arith.constant 0 : i32
    %dma_wait3A_502 = tpu.memref_slice %arg24[%dma_wait3A_500, %dma_wait3A_501] : memref<1024x8xf32, #tpu.memory_space<vmem>> -> memref<128x8xf32, #tpu.memory_space<vmem>>
    %dma_wait3A_503 = arith.constant 0 : i32
    %dma_wait3A_504 = tpu.memref_slice %arg12[%dma_wait3A_499, %dma_wait3A_503] : memref<8x128xi32, #tpu.memory_space<vmem>> -> memref<1x128xi32, #tpu.memory_space<vmem>>
    %dma_wait3A_505 = tpu.memref_squeeze %dma_wait3A_504 : memref<1x128xi32, #tpu.memory_space<vmem>> -> memref<128xi32, #tpu.memory_space<vmem>>
    %dma_wait3A_506 = arith.constant 0 : i32
    %dma_wait3A_507 = arith.constant 0 : i32
    %dma_wait3A_508 = tpu.memref_slice %arg2[%dma_wait3A_506, %dma_wait3A_507] : memref<4194304x8xf32, #tpu.memory_space<hbm>> -> memref<4194304x8xf32, #tpu.memory_space<hbm>>
    tpu.wait_indirect_dma semaphore(%arg39 : memref<!tpu.dma_semaphore, #tpu.memory_space<semaphore_mem>>) src(%dma_wait3A_508 : memref<4194304x8xf32, #tpu.memory_space<hbm>>) dst(%dma_wait3A_502 : memref<128x8xf32, #tpu.memory_space<vmem>>)
    %dma_wait3A_509 = arith.constant 4 : i32
    %dma_wait3A_510 = arith.constant 512 : i32
    %dma_wait3A_511 = arith.constant 0 : i32
    %dma_wait3A_512 = tpu.memref_slice %arg25[%dma_wait3A_510, %dma_wait3A_511] : memref<1024x8xf32, #tpu.memory_space<vmem>> -> memref<128x8xf32, #tpu.memory_space<vmem>>
    %dma_wait3A_513 = arith.constant 0 : i32
    %dma_wait3A_514 = tpu.memref_slice %arg13[%dma_wait3A_509, %dma_wait3A_513] : memref<8x128xi32, #tpu.memory_space<vmem>> -> memref<1x128xi32, #tpu.memory_space<vmem>>
    %dma_wait3A_515 = tpu.memref_squeeze %dma_wait3A_514 : memref<1x128xi32, #tpu.memory_space<vmem>> -> memref<128xi32, #tpu.memory_space<vmem>>
    %dma_wait3A_516 = arith.constant 0 : i32
    %dma_wait3A_517 = arith.constant 0 : i32
    %dma_wait3A_518 = tpu.memref_slice %arg2[%dma_wait3A_516, %dma_wait3A_517] : memref<4194304x8xf32, #tpu.memory_space<hbm>> -> memref<4194304x8xf32, #tpu.memory_space<hbm>>
    tpu.wait_indirect_dma semaphore(%arg39 : memref<!tpu.dma_semaphore, #tpu.memory_space<semaphore_mem>>) src(%dma_wait3A_518 : memref<4194304x8xf32, #tpu.memory_space<hbm>>) dst(%dma_wait3A_512 : memref<128x8xf32, #tpu.memory_space<vmem>>)
    %dma_wait3A_519 = arith.constant 4 : i32
    %dma_wait3A_520 = arith.constant 512 : i32
    %dma_wait3A_521 = arith.constant 0 : i32
    %dma_wait3A_522 = tpu.memref_slice %arg26[%dma_wait3A_520, %dma_wait3A_521] : memref<1024x8xf32, #tpu.memory_space<vmem>> -> memref<128x8xf32, #tpu.memory_space<vmem>>
    %dma_wait3A_523 = arith.constant 0 : i32
    %dma_wait3A_524 = tpu.memref_slice %arg14[%dma_wait3A_519, %dma_wait3A_523] : memref<8x128xi32, #tpu.memory_space<vmem>> -> memref<1x128xi32, #tpu.memory_space<vmem>>
    %dma_wait3A_525 = tpu.memref_squeeze %dma_wait3A_524 : memref<1x128xi32, #tpu.memory_space<vmem>> -> memref<128xi32, #tpu.memory_space<vmem>>
    %dma_wait3A_526 = arith.constant 0 : i32
    %dma_wait3A_527 = arith.constant 0 : i32
    %dma_wait3A_528 = tpu.memref_slice %arg2[%dma_wait3A_526, %dma_wait3A_527] : memref<4194304x8xf32, #tpu.memory_space<hbm>> -> memref<4194304x8xf32, #tpu.memory_space<hbm>>
    tpu.wait_indirect_dma semaphore(%arg39 : memref<!tpu.dma_semaphore, #tpu.memory_space<semaphore_mem>>) src(%dma_wait3A_528 : memref<4194304x8xf32, #tpu.memory_space<hbm>>) dst(%dma_wait3A_522 : memref<128x8xf32, #tpu.memory_space<vmem>>)
    %dma_wait3A_529 = arith.constant 4 : i32
    %dma_wait3A_530 = arith.constant 512 : i32
    %dma_wait3A_531 = arith.constant 0 : i32
    %dma_wait3A_532 = tpu.memref_slice %arg27[%dma_wait3A_530, %dma_wait3A_531] : memref<1024x8xf32, #tpu.memory_space<vmem>> -> memref<128x8xf32, #tpu.memory_space<vmem>>
    %dma_wait3A_533 = arith.constant 0 : i32
    %dma_wait3A_534 = tpu.memref_slice %arg15[%dma_wait3A_529, %dma_wait3A_533] : memref<8x128xi32, #tpu.memory_space<vmem>> -> memref<1x128xi32, #tpu.memory_space<vmem>>
    %dma_wait3A_535 = tpu.memref_squeeze %dma_wait3A_534 : memref<1x128xi32, #tpu.memory_space<vmem>> -> memref<128xi32, #tpu.memory_space<vmem>>
    %dma_wait3A_536 = arith.constant 0 : i32
    %dma_wait3A_537 = arith.constant 0 : i32
    %dma_wait3A_538 = tpu.memref_slice %arg2[%dma_wait3A_536, %dma_wait3A_537] : memref<4194304x8xf32, #tpu.memory_space<hbm>> -> memref<4194304x8xf32, #tpu.memory_space<hbm>>
    tpu.wait_indirect_dma semaphore(%arg39 : memref<!tpu.dma_semaphore, #tpu.memory_space<semaphore_mem>>) src(%dma_wait3A_538 : memref<4194304x8xf32, #tpu.memory_space<hbm>>) dst(%dma_wait3A_532 : memref<128x8xf32, #tpu.memory_space<vmem>>)
    %dma_wait3A_539 = arith.constant 5 : i32
    %dma_wait3A_540 = arith.constant 640 : i32
    %dma_wait3A_541 = arith.constant 0 : i32
    %dma_wait3A_542 = tpu.memref_slice %arg24[%dma_wait3A_540, %dma_wait3A_541] : memref<1024x8xf32, #tpu.memory_space<vmem>> -> memref<128x8xf32, #tpu.memory_space<vmem>>
    %dma_wait3A_543 = arith.constant 0 : i32
    %dma_wait3A_544 = tpu.memref_slice %arg12[%dma_wait3A_539, %dma_wait3A_543] : memref<8x128xi32, #tpu.memory_space<vmem>> -> memref<1x128xi32, #tpu.memory_space<vmem>>
    %dma_wait3A_545 = tpu.memref_squeeze %dma_wait3A_544 : memref<1x128xi32, #tpu.memory_space<vmem>> -> memref<128xi32, #tpu.memory_space<vmem>>
    %dma_wait3A_546 = arith.constant 0 : i32
    %dma_wait3A_547 = arith.constant 0 : i32
    %dma_wait3A_548 = tpu.memref_slice %arg2[%dma_wait3A_546, %dma_wait3A_547] : memref<4194304x8xf32, #tpu.memory_space<hbm>> -> memref<4194304x8xf32, #tpu.memory_space<hbm>>
    tpu.wait_indirect_dma semaphore(%arg39 : memref<!tpu.dma_semaphore, #tpu.memory_space<semaphore_mem>>) src(%dma_wait3A_548 : memref<4194304x8xf32, #tpu.memory_space<hbm>>) dst(%dma_wait3A_542 : memref<128x8xf32, #tpu.memory_space<vmem>>)
    %dma_wait3A_549 = arith.constant 5 : i32
    %dma_wait3A_550 = arith.constant 640 : i32
    %dma_wait3A_551 = arith.constant 0 : i32
    %dma_wait3A_552 = tpu.memref_slice %arg25[%dma_wait3A_550, %dma_wait3A_551] : memref<1024x8xf32, #tpu.memory_space<vmem>> -> memref<128x8xf32, #tpu.memory_space<vmem>>
    %dma_wait3A_553 = arith.constant 0 : i32
    %dma_wait3A_554 = tpu.memref_slice %arg13[%dma_wait3A_549, %dma_wait3A_553] : memref<8x128xi32, #tpu.memory_space<vmem>> -> memref<1x128xi32, #tpu.memory_space<vmem>>
    %dma_wait3A_555 = tpu.memref_squeeze %dma_wait3A_554 : memref<1x128xi32, #tpu.memory_space<vmem>> -> memref<128xi32, #tpu.memory_space<vmem>>
    %dma_wait3A_556 = arith.constant 0 : i32
    %dma_wait3A_557 = arith.constant 0 : i32
    %dma_wait3A_558 = tpu.memref_slice %arg2[%dma_wait3A_556, %dma_wait3A_557] : memref<4194304x8xf32, #tpu.memory_space<hbm>> -> memref<4194304x8xf32, #tpu.memory_space<hbm>>
    tpu.wait_indirect_dma semaphore(%arg39 : memref<!tpu.dma_semaphore, #tpu.memory_space<semaphore_mem>>) src(%dma_wait3A_558 : memref<4194304x8xf32, #tpu.memory_space<hbm>>) dst(%dma_wait3A_552 : memref<128x8xf32, #tpu.memory_space<vmem>>)
    %dma_wait3A_559 = arith.constant 5 : i32
    %dma_wait3A_560 = arith.constant 640 : i32
    %dma_wait3A_561 = arith.constant 0 : i32
    %dma_wait3A_562 = tpu.memref_slice %arg26[%dma_wait3A_560, %dma_wait3A_561] : memref<1024x8xf32, #tpu.memory_space<vmem>> -> memref<128x8xf32, #tpu.memory_space<vmem>>
    %dma_wait3A_563 = arith.constant 0 : i32
    %dma_wait3A_564 = tpu.memref_slice %arg14[%dma_wait3A_559, %dma_wait3A_563] : memref<8x128xi32, #tpu.memory_space<vmem>> -> memref<1x128xi32, #tpu.memory_space<vmem>>
    %dma_wait3A_565 = tpu.memref_squeeze %dma_wait3A_564 : memref<1x128xi32, #tpu.memory_space<vmem>> -> memref<128xi32, #tpu.memory_space<vmem>>
    %dma_wait3A_566 = arith.constant 0 : i32
    %dma_wait3A_567 = arith.constant 0 : i32
    %dma_wait3A_568 = tpu.memref_slice %arg2[%dma_wait3A_566, %dma_wait3A_567] : memref<4194304x8xf32, #tpu.memory_space<hbm>> -> memref<4194304x8xf32, #tpu.memory_space<hbm>>
    tpu.wait_indirect_dma semaphore(%arg39 : memref<!tpu.dma_semaphore, #tpu.memory_space<semaphore_mem>>) src(%dma_wait3A_568 : memref<4194304x8xf32, #tpu.memory_space<hbm>>) dst(%dma_wait3A_562 : memref<128x8xf32, #tpu.memory_space<vmem>>)
    %dma_wait3A_569 = arith.constant 5 : i32
    %dma_wait3A_570 = arith.constant 640 : i32
    %dma_wait3A_571 = arith.constant 0 : i32
    %dma_wait3A_572 = tpu.memref_slice %arg27[%dma_wait3A_570, %dma_wait3A_571] : memref<1024x8xf32, #tpu.memory_space<vmem>> -> memref<128x8xf32, #tpu.memory_space<vmem>>
    %dma_wait3A_573 = arith.constant 0 : i32
    %dma_wait3A_574 = tpu.memref_slice %arg15[%dma_wait3A_569, %dma_wait3A_573] : memref<8x128xi32, #tpu.memory_space<vmem>> -> memref<1x128xi32, #tpu.memory_space<vmem>>
    %dma_wait3A_575 = tpu.memref_squeeze %dma_wait3A_574 : memref<1x128xi32, #tpu.memory_space<vmem>> -> memref<128xi32, #tpu.memory_space<vmem>>
    %dma_wait3A_576 = arith.constant 0 : i32
    %dma_wait3A_577 = arith.constant 0 : i32
    %dma_wait3A_578 = tpu.memref_slice %arg2[%dma_wait3A_576, %dma_wait3A_577] : memref<4194304x8xf32, #tpu.memory_space<hbm>> -> memref<4194304x8xf32, #tpu.memory_space<hbm>>
    tpu.wait_indirect_dma semaphore(%arg39 : memref<!tpu.dma_semaphore, #tpu.memory_space<semaphore_mem>>) src(%dma_wait3A_578 : memref<4194304x8xf32, #tpu.memory_space<hbm>>) dst(%dma_wait3A_572 : memref<128x8xf32, #tpu.memory_space<vmem>>)
    %dma_wait3A_579 = arith.constant 6 : i32
    %dma_wait3A_580 = arith.constant 768 : i32
    %dma_wait3A_581 = arith.constant 0 : i32
    %dma_wait3A_582 = tpu.memref_slice %arg24[%dma_wait3A_580, %dma_wait3A_581] : memref<1024x8xf32, #tpu.memory_space<vmem>> -> memref<128x8xf32, #tpu.memory_space<vmem>>
    %dma_wait3A_583 = arith.constant 0 : i32
    %dma_wait3A_584 = tpu.memref_slice %arg12[%dma_wait3A_579, %dma_wait3A_583] : memref<8x128xi32, #tpu.memory_space<vmem>> -> memref<1x128xi32, #tpu.memory_space<vmem>>
    %dma_wait3A_585 = tpu.memref_squeeze %dma_wait3A_584 : memref<1x128xi32, #tpu.memory_space<vmem>> -> memref<128xi32, #tpu.memory_space<vmem>>
    %dma_wait3A_586 = arith.constant 0 : i32
    %dma_wait3A_587 = arith.constant 0 : i32
    %dma_wait3A_588 = tpu.memref_slice %arg2[%dma_wait3A_586, %dma_wait3A_587] : memref<4194304x8xf32, #tpu.memory_space<hbm>> -> memref<4194304x8xf32, #tpu.memory_space<hbm>>
    tpu.wait_indirect_dma semaphore(%arg39 : memref<!tpu.dma_semaphore, #tpu.memory_space<semaphore_mem>>) src(%dma_wait3A_588 : memref<4194304x8xf32, #tpu.memory_space<hbm>>) dst(%dma_wait3A_582 : memref<128x8xf32, #tpu.memory_space<vmem>>)
    %dma_wait3A_589 = arith.constant 6 : i32
    %dma_wait3A_590 = arith.constant 768 : i32
    %dma_wait3A_591 = arith.constant 0 : i32
    %dma_wait3A_592 = tpu.memref_slice %arg25[%dma_wait3A_590, %dma_wait3A_591] : memref<1024x8xf32, #tpu.memory_space<vmem>> -> memref<128x8xf32, #tpu.memory_space<vmem>>
    %dma_wait3A_593 = arith.constant 0 : i32
    %dma_wait3A_594 = tpu.memref_slice %arg13[%dma_wait3A_589, %dma_wait3A_593] : memref<8x128xi32, #tpu.memory_space<vmem>> -> memref<1x128xi32, #tpu.memory_space<vmem>>
    %dma_wait3A_595 = tpu.memref_squeeze %dma_wait3A_594 : memref<1x128xi32, #tpu.memory_space<vmem>> -> memref<128xi32, #tpu.memory_space<vmem>>
    %dma_wait3A_596 = arith.constant 0 : i32
    %dma_wait3A_597 = arith.constant 0 : i32
    %dma_wait3A_598 = tpu.memref_slice %arg2[%dma_wait3A_596, %dma_wait3A_597] : memref<4194304x8xf32, #tpu.memory_space<hbm>> -> memref<4194304x8xf32, #tpu.memory_space<hbm>>
    tpu.wait_indirect_dma semaphore(%arg39 : memref<!tpu.dma_semaphore, #tpu.memory_space<semaphore_mem>>) src(%dma_wait3A_598 : memref<4194304x8xf32, #tpu.memory_space<hbm>>) dst(%dma_wait3A_592 : memref<128x8xf32, #tpu.memory_space<vmem>>)
    %dma_wait3A_599 = arith.constant 6 : i32
    %dma_wait3A_600 = arith.constant 768 : i32
    %dma_wait3A_601 = arith.constant 0 : i32
    %dma_wait3A_602 = tpu.memref_slice %arg26[%dma_wait3A_600, %dma_wait3A_601] : memref<1024x8xf32, #tpu.memory_space<vmem>> -> memref<128x8xf32, #tpu.memory_space<vmem>>
    %dma_wait3A_603 = arith.constant 0 : i32
    %dma_wait3A_604 = tpu.memref_slice %arg14[%dma_wait3A_599, %dma_wait3A_603] : memref<8x128xi32, #tpu.memory_space<vmem>> -> memref<1x128xi32, #tpu.memory_space<vmem>>
    %dma_wait3A_605 = tpu.memref_squeeze %dma_wait3A_604 : memref<1x128xi32, #tpu.memory_space<vmem>> -> memref<128xi32, #tpu.memory_space<vmem>>
    %dma_wait3A_606 = arith.constant 0 : i32
    %dma_wait3A_607 = arith.constant 0 : i32
    %dma_wait3A_608 = tpu.memref_slice %arg2[%dma_wait3A_606, %dma_wait3A_607] : memref<4194304x8xf32, #tpu.memory_space<hbm>> -> memref<4194304x8xf32, #tpu.memory_space<hbm>>
    tpu.wait_indirect_dma semaphore(%arg39 : memref<!tpu.dma_semaphore, #tpu.memory_space<semaphore_mem>>) src(%dma_wait3A_608 : memref<4194304x8xf32, #tpu.memory_space<hbm>>) dst(%dma_wait3A_602 : memref<128x8xf32, #tpu.memory_space<vmem>>)
    %dma_wait3A_609 = arith.constant 6 : i32
    %dma_wait3A_610 = arith.constant 768 : i32
    %dma_wait3A_611 = arith.constant 0 : i32
    %dma_wait3A_612 = tpu.memref_slice %arg27[%dma_wait3A_610, %dma_wait3A_611] : memref<1024x8xf32, #tpu.memory_space<vmem>> -> memref<128x8xf32, #tpu.memory_space<vmem>>
    %dma_wait3A_613 = arith.constant 0 : i32
    %dma_wait3A_614 = tpu.memref_slice %arg15[%dma_wait3A_609, %dma_wait3A_613] : memref<8x128xi32, #tpu.memory_space<vmem>> -> memref<1x128xi32, #tpu.memory_space<vmem>>
    %dma_wait3A_615 = tpu.memref_squeeze %dma_wait3A_614 : memref<1x128xi32, #tpu.memory_space<vmem>> -> memref<128xi32, #tpu.memory_space<vmem>>
    %dma_wait3A_616 = arith.constant 0 : i32
    %dma_wait3A_617 = arith.constant 0 : i32
    %dma_wait3A_618 = tpu.memref_slice %arg2[%dma_wait3A_616, %dma_wait3A_617] : memref<4194304x8xf32, #tpu.memory_space<hbm>> -> memref<4194304x8xf32, #tpu.memory_space<hbm>>
    tpu.wait_indirect_dma semaphore(%arg39 : memref<!tpu.dma_semaphore, #tpu.memory_space<semaphore_mem>>) src(%dma_wait3A_618 : memref<4194304x8xf32, #tpu.memory_space<hbm>>) dst(%dma_wait3A_612 : memref<128x8xf32, #tpu.memory_space<vmem>>)
    %dma_wait3A_619 = arith.constant 7 : i32
    %dma_wait3A_620 = arith.constant 896 : i32
    %dma_wait3A_621 = arith.constant 0 : i32
    %dma_wait3A_622 = tpu.memref_slice %arg24[%dma_wait3A_620, %dma_wait3A_621] : memref<1024x8xf32, #tpu.memory_space<vmem>> -> memref<128x8xf32, #tpu.memory_space<vmem>>
    %dma_wait3A_623 = arith.constant 0 : i32
    %dma_wait3A_624 = tpu.memref_slice %arg12[%dma_wait3A_619, %dma_wait3A_623] : memref<8x128xi32, #tpu.memory_space<vmem>> -> memref<1x128xi32, #tpu.memory_space<vmem>>
    %dma_wait3A_625 = tpu.memref_squeeze %dma_wait3A_624 : memref<1x128xi32, #tpu.memory_space<vmem>> -> memref<128xi32, #tpu.memory_space<vmem>>
    %dma_wait3A_626 = arith.constant 0 : i32
    %dma_wait3A_627 = arith.constant 0 : i32
    %dma_wait3A_628 = tpu.memref_slice %arg2[%dma_wait3A_626, %dma_wait3A_627] : memref<4194304x8xf32, #tpu.memory_space<hbm>> -> memref<4194304x8xf32, #tpu.memory_space<hbm>>
    tpu.wait_indirect_dma semaphore(%arg39 : memref<!tpu.dma_semaphore, #tpu.memory_space<semaphore_mem>>) src(%dma_wait3A_628 : memref<4194304x8xf32, #tpu.memory_space<hbm>>) dst(%dma_wait3A_622 : memref<128x8xf32, #tpu.memory_space<vmem>>)
    %dma_wait3A_629 = arith.constant 7 : i32
    %dma_wait3A_630 = arith.constant 896 : i32
    %dma_wait3A_631 = arith.constant 0 : i32
    %dma_wait3A_632 = tpu.memref_slice %arg25[%dma_wait3A_630, %dma_wait3A_631] : memref<1024x8xf32, #tpu.memory_space<vmem>> -> memref<128x8xf32, #tpu.memory_space<vmem>>
    %dma_wait3A_633 = arith.constant 0 : i32
    %dma_wait3A_634 = tpu.memref_slice %arg13[%dma_wait3A_629, %dma_wait3A_633] : memref<8x128xi32, #tpu.memory_space<vmem>> -> memref<1x128xi32, #tpu.memory_space<vmem>>
    %dma_wait3A_635 = tpu.memref_squeeze %dma_wait3A_634 : memref<1x128xi32, #tpu.memory_space<vmem>> -> memref<128xi32, #tpu.memory_space<vmem>>
    %dma_wait3A_636 = arith.constant 0 : i32
    %dma_wait3A_637 = arith.constant 0 : i32
    %dma_wait3A_638 = tpu.memref_slice %arg2[%dma_wait3A_636, %dma_wait3A_637] : memref<4194304x8xf32, #tpu.memory_space<hbm>> -> memref<4194304x8xf32, #tpu.memory_space<hbm>>
    tpu.wait_indirect_dma semaphore(%arg39 : memref<!tpu.dma_semaphore, #tpu.memory_space<semaphore_mem>>) src(%dma_wait3A_638 : memref<4194304x8xf32, #tpu.memory_space<hbm>>) dst(%dma_wait3A_632 : memref<128x8xf32, #tpu.memory_space<vmem>>)
    %dma_wait3A_639 = arith.constant 7 : i32
    %dma_wait3A_640 = arith.constant 896 : i32
    %dma_wait3A_641 = arith.constant 0 : i32
    %dma_wait3A_642 = tpu.memref_slice %arg26[%dma_wait3A_640, %dma_wait3A_641] : memref<1024x8xf32, #tpu.memory_space<vmem>> -> memref<128x8xf32, #tpu.memory_space<vmem>>
    %dma_wait3A_643 = arith.constant 0 : i32
    %dma_wait3A_644 = tpu.memref_slice %arg14[%dma_wait3A_639, %dma_wait3A_643] : memref<8x128xi32, #tpu.memory_space<vmem>> -> memref<1x128xi32, #tpu.memory_space<vmem>>
    %dma_wait3A_645 = tpu.memref_squeeze %dma_wait3A_644 : memref<1x128xi32, #tpu.memory_space<vmem>> -> memref<128xi32, #tpu.memory_space<vmem>>
    %dma_wait3A_646 = arith.constant 0 : i32
    %dma_wait3A_647 = arith.constant 0 : i32
    %dma_wait3A_648 = tpu.memref_slice %arg2[%dma_wait3A_646, %dma_wait3A_647] : memref<4194304x8xf32, #tpu.memory_space<hbm>> -> memref<4194304x8xf32, #tpu.memory_space<hbm>>
    tpu.wait_indirect_dma semaphore(%arg39 : memref<!tpu.dma_semaphore, #tpu.memory_space<semaphore_mem>>) src(%dma_wait3A_648 : memref<4194304x8xf32, #tpu.memory_space<hbm>>) dst(%dma_wait3A_642 : memref<128x8xf32, #tpu.memory_space<vmem>>)
    %dma_wait3A_649 = arith.constant 7 : i32
    %dma_wait3A_650 = arith.constant 896 : i32
    %dma_wait3A_651 = arith.constant 0 : i32
    %dma_wait3A_652 = tpu.memref_slice %arg27[%dma_wait3A_650, %dma_wait3A_651] : memref<1024x8xf32, #tpu.memory_space<vmem>> -> memref<128x8xf32, #tpu.memory_space<vmem>>
    %dma_wait3A_653 = arith.constant 0 : i32
    %dma_wait3A_654 = tpu.memref_slice %arg15[%dma_wait3A_649, %dma_wait3A_653] : memref<8x128xi32, #tpu.memory_space<vmem>> -> memref<1x128xi32, #tpu.memory_space<vmem>>
    %dma_wait3A_655 = tpu.memref_squeeze %dma_wait3A_654 : memref<1x128xi32, #tpu.memory_space<vmem>> -> memref<128xi32, #tpu.memory_space<vmem>>
    %dma_wait3A_656 = arith.constant 0 : i32
    %dma_wait3A_657 = arith.constant 0 : i32
    %dma_wait3A_658 = tpu.memref_slice %arg2[%dma_wait3A_656, %dma_wait3A_657] : memref<4194304x8xf32, #tpu.memory_space<hbm>> -> memref<4194304x8xf32, #tpu.memory_space<hbm>>
    tpu.wait_indirect_dma semaphore(%arg39 : memref<!tpu.dma_semaphore, #tpu.memory_space<semaphore_mem>>) src(%dma_wait3A_658 : memref<4194304x8xf32, #tpu.memory_space<hbm>>) dst(%dma_wait3A_652 : memref<128x8xf32, #tpu.memory_space<vmem>>)
    return
  }
}

</mosaic_0001>

<sc_bundles>
// kernel: kernel.3.cloned.1.call-start
scs
__scs_entry_jumppad:
0x0: {  	(pc) =	sbr.rel $0x88, $3  }
0x1: {  	(tag) =	ssettag $0x0;
	lr =	simm.s32 $0x1  }
0x2: {  	[smem:$0x3F9F] =	sst lr;
	_ =	strace $0xD0000000  }
0x3: {  	_ = 	snop  }
0x4: {  	_ = 	snop  }
0x5: {  	_ = 	snop  }
0x6: {  	_ = 	snop  }
0x7: {  	_ = 	snop  }
__scs_overlays_trampoline_lowered:
0x8: {  	[smem:$0x3FAE] =	sst s0  }
0x9: {  	[smem:$0x3FAF] =	sst s1  }
0xa: {  	[smem:$0x3FB0] =	sst s2  }
0xb: {  	[smem:$0x3FB1] =	sst s3  }
0xc: {  	[smem:$0x3FB2] =	sst s4  }
0xd: {  	[smem:$0x3FB3] =	sst s5  }
0xe: {  	[smem:$0x3FB4] =	sst s6  }
0xf: {  	[smem:$0x3FB5] =	sst s7  }
0x10: {  	[smem:$0x3FB6] =	sst s8  }
0x11: {  	[smem:$0x3FB7] =	sst s9;
	s0 =	simm.s32 @!p0 $0x0  }
0x12: {  	s1 =	sld [smem:$0x3F9D];
	s0 =	simm.s32 @p0 $0x1  }
0x13: {  	[smem:$0x3FB8] =	sst s0;
	s0 =	simm.s32 @!p1 $0x0  }
0x14: {  	s2 =	sld [smem:$0x3F9C];
	s0 =	simm.s32 @p1 $0x1  }
0x15: {  	[smem:$0x3FB9] =	sst s0;
	s0 =	simm.s32 @!p2 $0x0  }
0x16: {  	s3 =	sld [smem:$0x3FDB];
	s0 =	simm.s32 @p2 $0x1  }
0x17: {  	s4 =	simm.s32 $0x1BF5;
	[smem:$0x3FBB] =	sst s0  }
0x18: {  	s0 =	sld [smem:$0x3F9E];
	_ =	swait.ge [sflag:s4], $0x0  }
0x19: {  	s7 =	sld [smem:$0x3F9F]  }
0x1a: {  	s8 =	sadd.s32 $0xFFFFE003, lr  }
0x1b: {  	s9 =	sadd.s32 $0xFFFFFEF7, lr;
	s5 =	simm.s32 $0xFFFFFFFF;
	p2 =	slt.u32 s8, $0xFFFFF086  }
0x1c: {  	p1 =	slt.u32 s9, $0xF7A;
	s5 =	simm.s32 @!p2 $0x0  }
0x1d: {  	s5 =	simm.s32 @p1 $0x1;
	p0 =	seq.s32 s7, s2  }
0x1e: {  	s7 =	smul.u32 @!p0 $0xF7A, s2;
	p2 =	seq.s32 @!p0 s5, $0x0  }
0x1f: {  	s9 =	smul.u32 $0xF7A, s1;
	s8 =	simm.s32 @!p0 $0x1BF5;
	p2 =	por !p2, p0  }
0x20: {  	[sflag:s8] =	ssyncset.s32 @!p0 $0xFFFFF086;
	s6 =	sadd.s32 @!p0 s3, s7;
	s7 =	simm.s32 @!p0 $0x108  }
0x21: {  	s3 =	sadd.s32 s3, s9;
	s6 =	sadd.s32 @!p0 $0x88, s6;
	s7 =	simm.s32 @p2 $0x1082  }
0x22: {  	[simem:s7], [sflag:s8] =	dma.local @!p0 [hbm:s6], $0xF7A  }
0x23: {  	s9 =	sor.u32 $0xD0000000, s2;
	s6 =	simm.s32 $0x108;
	_ =	swait.ge @!p0 [sflag:s8], $0x0  }
0x24: {  	s3 =	sadd.s32 $0x88, s3;
	s6 =	simm.s32 @!p1 $0x1082;
	[sflag:s4] =	ssyncset.s32 $0xFFFFF086  }
0x25: {  	[simem:s6], [sflag:s4] =	dma.local [hbm:s3], $0xF7A  }
0x26: {  	[smem:$0x3F9F] =	sst s1;
	(tag) =	ssettag s2;
	_ =	strace s9  }
0x27: {  	s1 =	sld [smem:$0x3FAF]  }
0x28: {  	s2 =	sld [smem:$0x3FB0]  }
0x29: {  	s4 =	sld [smem:$0x3FB2]  }
0x2a: {  	p0 =	seq.s32 s5, $0x0;
	s5 =	sld [smem:$0x3FB3]  }
0x2b: {  	s6 =	sld [smem:$0x3FB4]  }
0x2c: {  	s7 =	sld [smem:$0x3FB5]  }
0x2d: {  	s3 =	simm.s32 $0x108;
	s8 =	sld [smem:$0x3FB6]  }
0x2e: {  	s3 =	simm.s32 @!p0 $0x1082;
	s9 =	sld [smem:$0x3FB7]  }
0x2f: {  	lr =	sadd.s32 s0, s3;
	s0 =	sld [smem:$0x3FAE]  }
0x30: {  	s3 =	sld [smem:$0x3FB1]  }
0x31: {  	[smem:$0x3FBA] =	sst s10  }
0x32: {  	s10 =	sld [smem:$0x3FB8];
	_ =	sdelay $0x3  }
0x33: {  	p0 =	seq.s32 s10, $0x1;
	s10 =	sld [smem:$0x3FBA];
	_ =	sdelay $0x3  }
0x34: {  	[smem:$0x3FBA] =	sst s10  }
0x35: {  	s10 =	sld [smem:$0x3FB9];
	_ =	sdelay $0x3  }
0x36: {  	p1 =	seq.s32 s10, $0x1;
	s10 =	sld [smem:$0x3FBA];
	_ =	sdelay $0x3  }
0x37: {  	[smem:$0x3FBA] =	sst s10  }
0x38: {  	s10 =	sld [smem:$0x3FBB]  }
0x39: {  	_ = 	snop;
	(pc) =	sbr.ind lr, $3  }
0x3a: {  	_ = 	snop  }
0x3b: {  	_ = 	snop  }
0x3c: {  	p2 =	seq.s32 s10, $0x1;
	s10 =	sld [smem:$0x3FBA]  }
0x3d: {  	_ =	shalt  }
0x3e: {  	_ =	shalt  }
0x3f: {  	_ =	shalt  }
0x40: {  	_ =	shalt  }
0x41: {  	_ =	shalt  }
0x42: {  	_ =	shalt  }
0x43: {  	_ =	shalt  }
0x44: {  	_ =	shalt  }
0x45: {  	_ =	shalt  }
0x46: {  	_ =	shalt  }
0x47: {  	_ =	shalt  }
0x48: {  	_ =	shalt  }
0x49: {  	_ =	shalt  }
0x4a: {  	_ =	shalt  }
0x4b: {  	_ =	shalt  }
0x4c: {  	_ =	shalt  }
0x4d: {  	_ =	shalt  }
0x4e: {  	_ =	shalt  }
0x4f: {  	_ =	shalt  }
0x50: {  	_ =	shalt  }
0x51: {  	_ =	shalt  }
0x52: {  	_ =	shalt  }
0x53: {  	_ =	shalt  }
0x54: {  	_ =	shalt  }
0x55: {  	_ =	shalt  }
0x56: {  	_ =	shalt  }
0x57: {  	_ =	shalt  }
0x58: {  	_ =	shalt  }
0x59: {  	_ =	shalt  }
0x5a: {  	_ =	shalt  }
0x5b: {  	_ =	shalt  }
0x5c: {  	_ =	shalt  }
0x5d: {  	_ =	shalt  }
0x5e: {  	_ =	shalt  }
0x5f: {  	_ =	shalt  }
0x60: {  	_ =	shalt  }
0x61: {  	_ =	shalt  }
0x62: {  	_ =	shalt  }
0x63: {  	_ =	shalt  }
0x64: {  	_ =	shalt  }
0x65: {  	_ =	shalt  }
0x66: {  	_ =	shalt  }
0x67: {  	_ =	shalt  }
0x68: {  	_ =	shalt  }
0x69: {  	_ =	shalt  }
0x6a: {  	_ =	shalt  }
0x6b: {  	_ =	shalt  }
0x6c: {  	_ =	shalt  }
0x6d: {  	_ =	shalt  }
0x6e: {  	_ =	shalt  }
0x6f: {  	_ =	shalt  }
0x70: {  	_ =	shalt  }
0x71: {  	_ =	shalt  }
0x72: {  	_ =	shalt  }
0x73: {  	_ =	shalt  }
0x74: {  	_ =	shalt  }
0x75: {  	_ =	shalt  }
0x76: {  	_ =	shalt  }
0x77: {  	_ =	shalt  }
0x78: {  	_ =	shalt  }
0x79: {  	_ =	shalt  }
0x7a: {  	_ =	shalt  }
0x7b: {  	_ =	shalt  }
0x7c: {  	_ =	shalt  }
0x7d: {  	_ =	shalt  }
0x7e: {  	_ =	shalt  }
0x7f: {  	_ =	shalt  }
0x80: {  	_ =	shalt  }
0x81: {  	_ =	shalt  }
0x82: {  	_ =	shalt  }
0x83: {  	_ =	shalt  }
0x84: {  	_ =	shalt  }
0x85: {  	_ =	shalt  }
0x86: {  	_ =	shalt  }
0x87: {  	_ =	shalt  }
.Lfunc_end0:
.L_simem_size_0:
called_computation.1_lowered:
.L_overlay_start_0:
0x88: {  	s2 =	sld [smem:$0x3FD9]  }
0x89: {  	s3 =	sld [smem:$0x3FFE];
	_ =	sdelay $0x1  }
0x8a: {  	s1 =	srdreg.scid  }
0x8b: {  	s0 =	sand.u32 $0x1, s1  }
0x8c: {  	s14 =	sshll.u32 s0, $0xA;
	s2 =	sadd.s32 s3, s2  }
0x8d: {  	s2 =	sadd.s32 s2, s14  }
0x8e: {  	[smem:$0x3FC6] =	sst s2  }
0x8f: {  	_ = 	snop  }
0x90: {  	s2 =	sld [smem:$0x3FD0];
	_ =	sdelay $0x2  }
0x91: {  	s15 =	simm.s32 $0xA;
	s4 =	simm.s32 $0x10  }
0x92: {  	[smem:s4], [sflag:s15] =	dma.local [hbm:s2], $0x1  }
0x93: {  	_ =	swait.eq [sflag:s15], $0x1  }
0x94: {  	[sflag:s15] =	ssyncset.done $0x0  }
0x95: {  	s16 =	sld [smem:$0x10];
	[sflag:s15] =	ssyncadd.s32 $0xFFFFFFFF  }
0x96: {  	s17 =	sld [smem:$0x12];
	(tm) =	ssettm $0x1  }
0x97: {  	s18 =	sld [smem:$0x3FFB];
	_ =	sdelay $0x3  }
0x98: {  	_ =	strace s18  }
0x99: {  	s4 =	sld [smem:$0x3FFC];
	_ =	sdelay $0x3  }
0x9a: {  	_ =	strace s4  }
0x9b: {  	s4 =	sld [smem:$0x3FFD];
	_ =	sdelay $0x3  }
0x9c: {  	_ =	strace s4  }
0x9d: {  	_ =	strace $0x8FFFFFFF  }
0x9e: {  	s19 =	sld [smem:$0x3FDB];
	_ =	sdelay $0x1  }
0x9f: {  	s5 =	simm.s32 $_scs_section_size  }
0xa0: {  	s6 =	simm.s32 $_size__tile_overlayer_lowered;
	s7 =	simm.s32 $_tile_overlayer_lowered  }
0xa1: {  	s22 =	simm.s32 $0x1BFF;
	s21 =	sshll.u32 s7, $0x1;
	s4 =	sadd.s32 s5, s19  }
0xa2: {  	s8 =	simm.s32 $0x0;
	s20 =	sshll.u32 s6, $0x1;
	s6 =	sadd.s32 s21, s4  }
0xa3: {  	[timem:s8], [sflag:s22] =	dma.local [hbm:s6], s20  }
0xa4: {  	_ =	swait.ge [sflag:s22], s20  }
0xa5: {  	s5 =	ssub.s32 $0x0, s20;
	[sflag:s22] =	ssyncset.done $0x0  }
0xa6: {  	[sflag:s22] =	ssyncadd.s32 s5;
	_ =	sdelay $0x1  }
0xa7: {  	s23 =	simm.s32 $0x1B8B  }
0xa8: {  	_ =	swait.ge [sflag:s23], $0x1  }
0xa9: {  	[sflag:s23] =	ssyncset.done $0x0  }
0xaa: {  	s25 =	simm.s32 $0x1B8E;
	s24 =	sld [smem:$0x3FFE];
	[sflag:s23] =	ssyncadd.s32 $0xFFFFFFFF  }
0xab: {  	s26 =	simm.s32 $execute0_lowered;
	[smem:$0x3FD2] =	sst s25  }
0xac: {  	s6 =	sshll.u32 s26, $0x1;
	_ =	strace $0x80000046;
	[dreg:$0x1] =	wrdreg $0xFFFFFFFF  }
0xad: {  	s28 =	simm.s32 $_size_execute0_lowered;
	s4 =	sadd.s32 s4, s6;
	[dreg:$0x0] =	wrdreg $0x0  }
0xae: {  	s6 =	sshll.u32 s28, $0x1;
	[dreg:$0x2] =	wrdreg s4  }
0xaf: {  	[dreg:$0x3] =	wrdreg s6  }
0xb0: {  	[dreg:$0x4] =	wrdreg $0xC0  }
0xb1: {  	_ =	task [dreg:s8], $0x5FFFF  }
0xb2: {  	[dreg:$0x1] =	wrdreg $0xFFFFFFFF  }
0xb3: {  	[dreg:$0x0] =	wrdreg $0x60  }
0xb4: {  	[dreg:$0x2] =	wrdreg s24  }
0xb5: {  	[dreg:$0x3] =	wrdreg s16  }
0xb6: {  	[dreg:$0x4] =	wrdreg s17  }
0xb7: {  	[dreg:$0x5] =	wrdreg $0x9  }
0xb8: {  	_ =	task.clear_ibuf [dreg:s8], $0x6FFFF;
	_ =	strace $0x90000046  }
0xb9: {  	s29 =	simm.s32 $0x9;
	_ =	strace $0x80000048  }
0xba: {  	_ =	swait.ge [sflag:s29], $0x1  }
0xbb: {  	[sflag:s29] =	ssyncadd.s32 $0xFFFFFFFF  }
0xbc: {  	_ =	strace $0x90000048  }
0xbd: {  	_ =	sfence  }
0xbe: {  	s30 =	sld [smem:$0x0];
	_ =	sdelay $0x2  }
0xbf: {  	s31 =	sshll.u32 s1, $0xD;
	s1 =	sshrl.u32 s1, $0x2  }
0xc0: {  	s3 =	sand.u32 $0x4000, s31;
	s1 =	sadd.s32 s1, s30  }
0xc1: {  	s0 =	sor.u32 s3, s0;
	s1 =	sshll.u32 s1, $0x11  }
0xc2: {  	s0 =	sor.u32 s1, s0  }
0xc3: {  	s0 =	sadd.s32 $0x8F2B, s0  }
0xc4: {  	[sflag:s0] =	ssyncadd.remote.s32 $0x1  }
0xc5: {  	_ =	sfence.sel $0xFFFF  }
0xc6: {  	[dreg:$0x0] =	wrdreg $0xFFFFFFFF;
	(pc) =	sbr.abs _section_cstart, $3  }
0xc7: {  	[dreg:$0x1] =	wrdreg $0xFFFFFFFF  }
0xc8: {  	_ =	task.clear_ibuf [dreg:s8], $0x2FFFF;
	_ =	strace $0x9FFFFFFF  }
0xc9: {  	(tm) =	ssettm $0x7FFFFFFF  }
tec
execute0_lowered:
.L_overlay_start_1:
0x0: {  	(tag) =	ssettag $0x1  }
0x1: {  	s0 =	rddreg [dreg:$0x0];
	s3 =	simm.s32 $0x0  }
0x2: {  	s22 =	srdreg.scid;
	s2 =	stileid.u32;
	s15 =	simm.s32 $0x3  }
0x3: {  	s16 =	simm.s32 $0x80;
	s18 =	simm.s32 $0x3800;
	s20 =	simm.s32 $0x5800  }
0x4: {  	s28 =	simm.s32 $0xB800;
	s29 =	simm.s32 $0xD800;
	s30 =	simm.s32 $0xF800  }
0x5: {  	s31 =	simm.s32 $0x11800;
	[smem:$0x7FF] =	sst s3;
	s1 =	sadd.s32 $0x1E00, s0  }
0x6: {  	s21 =	sadd.s32 $0x21E00, s0;
	_ =	strace $0x80000047;
	[dreg:$0x5] =	wrdreg s1  }
0x7: {  	s14 =	simm.s32 $0x13800;
	s5 =	sadd.s32 $0x41E00, s0;
	[dreg:$0x6] =	wrdreg s21  }
0x8: {  	s4 =	sadd.s32 $0x4001E00, s0;
	s23 =	sadd.s32 $0x61E00, s0;
	[dreg:$0x7] =	wrdreg s5  }
0x9: {  	s6 =	sadd.s32 $0x1001E00, s0;
	s0 =	sadd.s32 $0x81E00, s0;
	[dreg:$0x8] =	wrdreg s23  }
0xa: {  	v5 =	vlaneseq.u32;
	s17 =	simm.s32 $0x15800;
	s2 =	sshll.u32 s2, $0x1;
	[dreg:$0x9] =	wrdreg s0  }
0xb: {  	v3 =	vimm.s32 $0x12345670;
	v1 =	vand.u32 $0x3, v5;
	v0 =	vmul.u32 $0x2, v5;
	s1 =	sand.u32 $0x1, s22;
	[dreg:$0x4] =	wrdreg s6;
	s22 =	simm.s32 $0x7800  }
0xc: {  	v6 =	vunpack.c.l.s4.s8 v3;
	v2 =	vmul.u32 $0x2, v1;
	v1 =	vmul.u32 $0x8, v5;
	s23 =	simm.s32 $0x2;
	s24 =	ssub.s32 $0x2, s1;
	s1 =	sor.u32 s1, s2  }
0xd: {  	v5 =	vmul.u32 $0x7, v5;
	v3 =	vor.u32 $0x1, v0;
	s25 =	sshrl.u32 s24, $0x1;
	s2 =	sshll.u32 s1, $0xD;
	s1 =	sshll.u32 s1, $0xF  }
0xe: {  	v6 =	vunpack.c.0.s8.s32 v6;
	v2 =	vor.u32 $0xFFFFFFF8, v2;
	v4 =	vor.u32 $0x7, v1;
	s0 =	ssub.s32 s24, s25;
	[dreg:$0xa] =	wrdreg s1;
	s26 =	sadd.s32 s6, s2  }
0xf: {  	v7 =	vor.u32 $0x1, v1;
	v8 =	vor.u32 $0x2, v1;
	v9 =	vor.u32 $0x3, v1;
	s24 =	simm.s32 $0x9800;
	[dreg:$0xb] =	wrdreg s26;
	s0 =	smax.u32 s0, $0x1  }
0x10: {  	v10 =	vor.u32 $0x4, v1;
	v11 =	vor.u32 $0x5, v1;
	v12 =	vor.u32 $0x6, v1;
	s2 =	simm.s32 $0x0;
	[dreg:$0xc] =	wrdreg s0;
	s0 =	simm.s32 $0x1  }
.LBB2_1:
0x11: {  	[dreg:$0xd] =	wrdreg s2  }
0x12: {  	v13 =	vor.u32 s3, v0;
	v14 =	vor.u32 s3, v3;
	s1 =	rddreg [dreg:$0xb]  }
0x13: {  	[tilespmem:s3], [sflag:$0x3] =	stream.linear.gather [hbm4b:s1+s3], $0x800, $0x38;
	v13 =	vand.u32 v2, v13;
	[tilespmem:$0x18800] =	vst v63  }
0x14: {  	_ =	swait.ge [sflag:s15], $0x800  }
0x15: {  	[sflag:s15] =	ssyncset.done $0x0  }
0x16: {  	[sflag:s15] =	ssyncadd.s32 $0xFFFFF800  }
0x17: {  	v14 =	vld.idx.msk [tilespmem:v14+s3+$0x0], $0xffff  }
0x18: {  	v13 =	vld.idx.msk [tilespmem:v13+s3+$0x0], $0xffff;
	_ =	sdelay $0x3  }
0x19: {  	v14 =	vmul.f32 $2.047000000e+03, v14  }
0x1a: {  	v13 =	vmul.f32 $2.047000000e+03, v13  }
0x1b: {  	v15 =	vtrunc.f32 v14  }
0x1c: {  	v16 =	vtrunc.f32 v13;
	v15 =	vcvt.f32.s32 v15  }
0x1d: {  	v16 =	vcvt.f32.s32 v16  }
0x1e: {  	vm0 =	vlt.s32 v15, $0x7FE  }
0x1f: {  	vm1 =	vlt.s32 v16, $0x7FE;
	v15 =	vnsel vm0, $0x7FE, v15  }
0x20: {  	v16 =	vnsel vm1, $0x7FE, v16;
	v17 =	vshll.u32 v15, $0xB  }
0x21: {  	s19 =	simm.s32 $0x800;
	v15 =	vcvt.s32.f32 v15;
	v17 =	vadd.s32 v16, v17  }
0x22: {  	s21 =	simm.s32 $0xC00;
	s7 =	simm.s32 $0x20;
	v16 =	vcvt.s32.f32 v16;
	[tilespmem:s19+$0x0] =	vst v17;
	v18 =	vadd.s32 $0x1, v17  }
0x23: {  	s8 =	simm.s32 $0x2C00;
	s25 =	simm.s32 $0x1000;
	v63 =	vadd.s32 $0x800, v17;
	v15 =	vsub.f32 v14, v15;
	v14 =	vor.u32 s7, v3;
	[tilespmem:s21+$0x0] =	vst v18  }
0x24: {  	s5 =	simm.s32 $0x2800;
	s10 =	simm.s32 $0x40;
	s26 =	simm.s32 $0x1400;
	v16 =	vsub.f32 v13, v16;
	v13 =	vadd.s32 $0x801, v17;
	v17 =	vor.u32 s7, v0;
	[tilespmem:s25+$0x0] =	vst v63  }
0x25: {  	s6 =	simm.s32 $0x1010;
	s2 =	simm.s32 $0x1410;
	s9 =	simm.s32 $0x800;
	[tilespmem:s26+$0x0] =	vst v13;
	v13 =	vand.u32 v2, v17  }
0x26: {  	s1 =	simm.s32 $0x2810;
	s7 =	simm.s32 $0xC00;
	[tilespmem:s5+$0x0] =	vst v16;
	s5 =	simm.s32 $0x2C10  }
.LBB2_2:
0x27: {  	s9 =	sadd.s32 $0x10, s9;
	s7 =	sadd.s32 $0x10, s7;
	s11 =	smov.u32 s10  }
0x28: {  	[tilespmem:s8+$0x0] =	vst v15;
	s12 =	sadd.s32 $0x20, s10;
	s13 =	smov.u32 s1;
	s8 =	smov.u32 s5  }
0x29: {  	p0 =	sne.s32 s10, $0x7E0;
	v14 =	vld.idx.msk [tilespmem:v14+s3+$0x0], $0xffff  }
0x2a: {  	v13 =	vld.idx.msk [tilespmem:v13+s3+$0x0], $0xffff;
	_ =	sdelay $0x4  }
0x2b: {  	v14 =	vmul.f32 $2.047000000e+03, v14  }
0x2c: {  	v16 =	vmul.f32 $2.047000000e+03, v13  }
0x2d: {  	v13 =	vtrunc.f32 v14  }
0x2e: {  	v15 =	vtrunc.f32 v16;
	v13 =	vcvt.f32.s32 v13  }
0x2f: {  	v15 =	vcvt.f32.s32 v15  }
0x30: {  	vm0 =	vlt.s32 v13, $0x7FE  }
0x31: {  	vm1 =	vlt.s32 v15, $0x7FE;
	v13 =	vnsel vm0, $0x7FE, v13  }
0x32: {  	v15 =	vnsel vm1, $0x7FE, v15;
	v17 =	vcvt.s32.f32 v13;
	v13 =	vshll.u32 v13, $0xB  }
0x33: {  	v18 =	vcvt.s32.f32 v15;
	v19 =	vadd.s32 v15, v13  }
.Ltmp0:
0x34: {  	v13 =	vor.u32 s11, v0;
	v15 =	vsub.f32 v14, v17;
	v17 =	vadd.s32 $0x1, v19;
	[tilespmem:s9+$0x0] =	vst v19;
	(pc) =	sbr.rel @p0 .LBB2_2-.Ltmp0, $4  }
0x35: {  	v13 =	vand.u32 v2, v13;
	v14 =	vor.u32 s11, v3;
	[tilespmem:s7+$0x0] =	vst v17;
	v17 =	vadd.s32 $0x800, v19  }
0x36: {  	v16 =	vsub.f32 v16, v18;
	[tilespmem:s6+$0x0] =	vst v17;
	v17 =	vadd.s32 $0x801, v19  }
0x37: {  	s1 =	sadd.s32 $0x10, s1;
	s5 =	sadd.s32 $0x10, s5;
	[tilespmem:s2+$0x0] =	vst v17  }
0x38: {  	s10 =	smov.u32 s12;
	s6 =	sadd.s32 $0x10, s6;
	s2 =	sadd.s32 $0x10, s2;
	[tilespmem:s13+$0x0] =	vst v16  }
0x39: {  	_ =	sdelay $0x2  }
0x3a: {  	[tilespmem:s8+$0x0] =	vst v15  }
0x3b: {  	v14 =	vld.idx.msk [tilespmem:v14+s3+$0x0], $0xffff  }
0x3c: {  	v13 =	vld.idx.msk [tilespmem:v13+s3+$0x0], $0xffff;
	_ =	sdelay $0x3  }
0x3d: {  	v14 =	vmul.f32 $2.047000000e+03, v14  }
0x3e: {  	v13 =	vmul.f32 $2.047000000e+03, v13  }
0x3f: {  	v15 =	vtrunc.f32 v14  }
0x40: {  	v16 =	vtrunc.f32 v13;
	v15 =	vcvt.f32.s32 v15  }
0x41: {  	v16 =	vcvt.f32.s32 v16  }
0x42: {  	vm0 =	vlt.s32 v15, $0x7FE  }
0x43: {  	vm1 =	vlt.s32 v16, $0x7FE;
	v15 =	vnsel vm0, $0x7FE, v15  }
0x44: {  	v16 =	vnsel vm1, $0x7FE, v16;
	v17 =	vshll.u32 v15, $0xB  }
0x45: {  	s13 =	sadd.s32 $0x10, s9;
	v17 =	vadd.s32 v16, v17  }
0x46: {  	s7 =	sadd.s32 $0x10, s7;
	v16 =	vcvt.s32.f32 v16;
	[tilespmem:s13+$0x0] =	vst v17;
	v18 =	vadd.s32 $0x1, v17  }
0x47: {  	v15 =	vcvt.s32.f32 v15;
	v62 =	vadd.s32 $0x800, v17;
	[tilespmem:s7+$0x0] =	vst v18  }
0x48: {  	v63 =	vadd.s32 $0x801, v17;
	v13 =	vsub.f32 v13, v16;
	[tilespmem:s6+$0x0] =	vst v62  }
0x49: {  	v14 =	vsub.f32 v14, v15;
	[tilespmem:s2+$0x0] =	vst v63  }
0x4a: {  	[tilespmem:s1+$0x0] =	vst v13  }
0x4b: {  	s19 =	simm.s32 $0x800;
	[tilespmem:s5+$0x0] =	vst v14  }
0x4c: {  	[tilespmem:s18], [sflag:$0x1] =	stream.indirect.gather [hbm4b:s4+s16], $0x8, s19, s16, $0xb8;
	[tilespmem:$0x18800] =	vst v63  }
0x4d: {  	s21 =	simm.s32 $0xC00  }
0x4e: {  	[tilespmem:s20], [sflag:$0x1] =	stream.indirect.gather [hbm4b:s4+s16], $0x8, s21, s16, $0xb8;
	[tilespmem:$0x18800] =	vst v63  }
0x4f: {  	s25 =	simm.s32 $0x1000  }
0x50: {  	[tilespmem:s22], [sflag:$0x1] =	stream.indirect.gather [hbm4b:s4+s16], $0x8, s25, s16, $0xb8;
	[tilespmem:$0x18800] =	vst v63  }
0x51: {  	s26 =	simm.s32 $0x1400  }
0x52: {  	[tilespmem:s24], [sflag:$0x1] =	stream.indirect.gather [hbm4b:s4+s16], $0x8, s26, s16, $0xb8;
	[tilespmem:$0x18800] =	vst v63  }
0x53: {  	s2 =	simm.s32 $0x880;
	s5 =	simm.s32 $0x3C00  }
0x54: {  	[tilespmem:s5], [sflag:$0x1] =	stream.indirect.gather [hbm4b:s4+s16], $0x8, s2, s16, $0xb8;
	[tilespmem:$0x18800] =	vst v63  }
0x55: {  	s7 =	simm.s32 $0x5C00;
	s6 =	simm.s32 $0xC80  }
0x56: {  	[tilespmem:s7], [sflag:$0x1] =	stream.indirect.gather [hbm4b:s4+s16], $0x8, s6, s16, $0xb8;
	[tilespmem:$0x18800] =	vst v63  }
0x57: {  	s8 =	simm.s32 $0x1080;
	s9 =	simm.s32 $0x7C00  }
0x58: {  	[tilespmem:s9], [sflag:$0x1] =	stream.indirect.gather [hbm4b:s4+s16], $0x8, s8, s16, $0xb8;
	[tilespmem:$0x18800] =	vst v63  }
0x59: {  	s10 =	simm.s32 $0x1480;
	s11 =	simm.s32 $0x9C00  }
0x5a: {  	[tilespmem:s11], [sflag:$0x1] =	stream.indirect.gather [hbm4b:s4+s16], $0x8, s10, s16, $0xb8;
	[tilespmem:$0x18800] =	vst v63  }
0x5b: {  	s12 =	simm.s32 $0x900;
	s13 =	simm.s32 $0x4000  }
0x5c: {  	[tilespmem:s13], [sflag:$0x1] =	stream.indirect.gather [hbm4b:s4+s16], $0x8, s12, s16, $0xb8;
	[tilespmem:$0x18800] =	vst v63  }
0x5d: {  	s19 =	simm.s32 $0xD00;
	s21 =	simm.s32 $0x6000  }
0x5e: {  	[tilespmem:s21], [sflag:$0x1] =	stream.indirect.gather [hbm4b:s4+s16], $0x8, s19, s16, $0xb8;
	[tilespmem:$0x18800] =	vst v63  }
0x5f: {  	s25 =	simm.s32 $0x1100;
	s26 =	simm.s32 $0x8000  }
0x60: {  	[tilespmem:s26], [sflag:$0x1] =	stream.indirect.gather [hbm4b:s4+s16], $0x8, s25, s16, $0xb8;
	[tilespmem:$0x18800] =	vst v63  }
0x61: {  	s2 =	simm.s32 $0x1500;
	s5 =	simm.s32 $0xA000  }
0x62: {  	[tilespmem:s5], [sflag:$0x1] =	stream.indirect.gather [hbm4b:s4+s16], $0x8, s2, s16, $0xb8;
	[tilespmem:$0x18800] =	vst v63  }
0x63: {  	s6 =	simm.s32 $0x980;
	s7 =	simm.s32 $0x4400  }
0x64: {  	[tilespmem:s7], [sflag:$0x1] =	stream.indirect.gather [hbm4b:s4+s16], $0x8, s6, s16, $0xb8;
	[tilespmem:$0x18800] =	vst v63  }
0x65: {  	s8 =	simm.s32 $0xD80;
	s9 =	simm.s32 $0x6400  }
0x66: {  	[tilespmem:s9], [sflag:$0x1] =	stream.indirect.gather [hbm4b:s4+s16], $0x8, s8, s16, $0xb8;
	[tilespmem:$0x18800] =	vst v63  }
0x67: {  	s10 =	simm.s32 $0x1180;
	s11 =	simm.s32 $0x8400  }
0x68: {  	[tilespmem:s11], [sflag:$0x1] =	stream.indirect.gather [hbm4b:s4+s16], $0x8, s10, s16, $0xb8;
	[tilespmem:$0x18800] =	vst v63  }
0x69: {  	s12 =	simm.s32 $0x1580;
	s13 =	simm.s32 $0xA400  }
0x6a: {  	[tilespmem:s13], [sflag:$0x1] =	stream.indirect.gather [hbm4b:s4+s16], $0x8, s12, s16, $0xb8;
	[tilespmem:$0x18800] =	vst v63  }
0x6b: {  	s19 =	simm.s32 $0xA00;
	s21 =	simm.s32 $0x4800  }
0x6c: {  	[tilespmem:s21], [sflag:$0x1] =	stream.indirect.gather [hbm4b:s4+s16], $0x8, s19, s16, $0xb8;
	[tilespmem:$0x18800] =	vst v63  }
0x6d: {  	s25 =	simm.s32 $0xE00;
	s26 =	simm.s32 $0x6800  }
0x6e: {  	[tilespmem:s26], [sflag:$0x1] =	stream.indirect.gather [hbm4b:s4+s16], $0x8, s25, s16, $0xb8;
	[tilespmem:$0x18800] =	vst v63  }
0x6f: {  	s2 =	simm.s32 $0x1200;
	s5 =	simm.s32 $0x8800  }
0x70: {  	[tilespmem:s5], [sflag:$0x1] =	stream.indirect.gather [hbm4b:s4+s16], $0x8, s2, s16, $0xb8;
	[tilespmem:$0x18800] =	vst v63  }
0x71: {  	s6 =	simm.s32 $0x1600;
	s7 =	simm.s32 $0xA800  }
0x72: {  	[tilespmem:s7], [sflag:$0x1] =	stream.indirect.gather [hbm4b:s4+s16], $0x8, s6, s16, $0xb8;
	[tilespmem:$0x18800] =	vst v63  }
0x73: {  	s8 =	simm.s32 $0xA80;
	s9 =	simm.s32 $0x4C00  }
0x74: {  	[tilespmem:s9], [sflag:$0x1] =	stream.indirect.gather [hbm4b:s4+s16], $0x8, s8, s16, $0xb8;
	[tilespmem:$0x18800] =	vst v63  }
0x75: {  	s10 =	simm.s32 $0xE80;
	s11 =	simm.s32 $0x6C00  }
0x76: {  	[tilespmem:s11], [sflag:$0x1] =	stream.indirect.gather [hbm4b:s4+s16], $0x8, s10, s16, $0xb8;
	[tilespmem:$0x18800] =	vst v63  }
0x77: {  	s12 =	simm.s32 $0x1280;
	s13 =	simm.s32 $0x8C00  }
0x78: {  	[tilespmem:s13], [sflag:$0x1] =	stream.indirect.gather [hbm4b:s4+s16], $0x8, s12, s16, $0xb8;
	[tilespmem:$0x18800] =	vst v63  }
0x79: {  	s19 =	simm.s32 $0x1680;
	s21 =	simm.s32 $0xAC00  }
0x7a: {  	[tilespmem:s21], [sflag:$0x1] =	stream.indirect.gather [hbm4b:s4+s16], $0x8, s19, s16, $0xb8;
	[tilespmem:$0x18800] =	vst v63  }
0x7b: {  	s25 =	simm.s32 $0xB00;
	s26 =	simm.s32 $0x5000  }
0x7c: {  	[tilespmem:s26], [sflag:$0x1] =	stream.indirect.gather [hbm4b:s4+s16], $0x8, s25, s16, $0xb8;
	[tilespmem:$0x18800] =	vst v63  }
0x7d: {  	s2 =	simm.s32 $0xF00;
	s5 =	simm.s32 $0x7000  }
0x7e: {  	[tilespmem:s5], [sflag:$0x1] =	stream.indirect.gather [hbm4b:s4+s16], $0x8, s2, s16, $0xb8;
	[tilespmem:$0x18800] =	vst v63  }
0x7f: {  	s6 =	simm.s32 $0x1300;
	s7 =	simm.s32 $0x9000  }
0x80: {  	[tilespmem:s7], [sflag:$0x1] =	stream.indirect.gather [hbm4b:s4+s16], $0x8, s6, s16, $0xb8;
	[tilespmem:$0x18800] =	vst v63  }
0x81: {  	s8 =	simm.s32 $0x1700;
	s9 =	simm.s32 $0xB000  }
0x82: {  	[tilespmem:s9], [sflag:$0x1] =	stream.indirect.gather [hbm4b:s4+s16], $0x8, s8, s16, $0xb8;
	[tilespmem:$0x18800] =	vst v63  }
0x83: {  	s10 =	simm.s32 $0xB80;
	s11 =	simm.s32 $0x5400  }
0x84: {  	[tilespmem:s11], [sflag:$0x1] =	stream.indirect.gather [hbm4b:s4+s16], $0x8, s10, s16, $0xb8;
	[tilespmem:$0x18800] =	vst v63  }
0x85: {  	s12 =	simm.s32 $0xF80;
	s13 =	simm.s32 $0x7400  }
0x86: {  	[tilespmem:s13], [sflag:$0x1] =	stream.indirect.gather [hbm4b:s4+s16], $0x8, s12, s16, $0xb8;
	[tilespmem:$0x18800] =	vst v63  }
0x87: {  	s19 =	simm.s32 $0x1380;
	s21 =	simm.s32 $0x9400  }
0x88: {  	[tilespmem:s21], [sflag:$0x1] =	stream.indirect.gather [hbm4b:s4+s16], $0x8, s19, s16, $0xb8;
	[tilespmem:$0x18800] =	vst v63  }
0x89: {  	s1 =	simm.s32 $0x0;
	s25 =	simm.s32 $0x1780;
	s26 =	simm.s32 $0xB400  }
0x8a: {  	[tilespmem:s26], [sflag:$0x1] =	stream.indirect.gather [hbm4b:s4+s16], $0x8, s25, s16, $0xb8;
	[tilespmem:$0x18800] =	vst v63  }
.LBB2_4:
0x8b: {  	s21 =	sshll.u32 s1, $0xB;
	s2 =	rddreg [dreg:$0xa]  }
0x8c: {  	[dreg:$0xe] =	wrdreg s1;
	s12 =	sor.u32 s21, s2  }
0x8d: {  	s25 =	rddreg [dreg:$0x4];
	s1 =	sor.u32 $0x400, s12  }
0x8e: {  	s26 =	simm.s32 $0x0;
	[dreg:$0xf] =	wrdreg s1;
	s1 =	sshrl.u32 s1, $0x2  }
0x8f: {  	v13 =	vor.u32 s26, v0;
	v14 =	vor.u32 s26, v3;
	s1 =	sadd.s32 s25, s1  }
0x90: {  	v13 =	vand.u32 v2, v13;
	[tilespmem:s26], [sflag:$0x3] =	stream.linear.gather [hbm4b:s1+s26], $0x800, $0x38;
	[tilespmem:$0x18800] =	vst v63  }
0x91: {  	_ =	swait.ge [sflag:s15], $0x800  }
0x92: {  	[sflag:s15] =	ssyncset.done $0x0  }
0x93: {  	[sflag:s15] =	ssyncadd.s32 $0xFFFFF800  }
0x94: {  	v14 =	vld.idx.msk [tilespmem:v14+s3+$0x0], $0xffff  }
0x95: {  	v13 =	vld.idx.msk [tilespmem:v13+s3+$0x0], $0xffff;
	_ =	sdelay $0x3  }
0x96: {  	v14 =	vmul.f32 $2.047000000e+03, v14  }
0x97: {  	v13 =	vmul.f32 $2.047000000e+03, v13  }
0x98: {  	v15 =	vtrunc.f32 v14  }
0x99: {  	v16 =	vtrunc.f32 v13;
	v15 =	vcvt.f32.s32 v15  }
0x9a: {  	v16 =	vcvt.f32.s32 v16  }
0x9b: {  	vm0 =	vlt.s32 v15, $0x7FE  }
0x9c: {  	vm1 =	vlt.s32 v16, $0x7FE;
	v15 =	vnsel vm0, $0x7FE, v15  }
0x9d: {  	v16 =	vnsel vm1, $0x7FE, v16;
	v17 =	vshll.u32 v15, $0xB  }
0x9e: {  	s1 =	simm.s32 $0x1800;
	v15 =	vcvt.s32.f32 v15;
	v17 =	vadd.s32 v16, v17  }
0x9f: {  	s5 =	simm.s32 $0x1C00;
	s8 =	simm.s32 $0x20;
	v16 =	vcvt.s32.f32 v16;
	[tilespmem:s1+$0x0] =	vst v17;
	v18 =	vadd.s32 $0x1, v17  }
0xa0: {  	s6 =	simm.s32 $0x2000;
	v63 =	vadd.s32 $0x800, v17;
	v15 =	vsub.f32 v14, v15;
	v14 =	vor.u32 s8, v3;
	[tilespmem:s5+$0x0] =	vst v18  }
0xa1: {  	s7 =	simm.s32 $0x2400;
	s11 =	simm.s32 $0x3400;
	v16 =	vsub.f32 v13, v16;
	v13 =	vadd.s32 $0x801, v17;
	v17 =	vor.u32 s8, v0;
	[tilespmem:s6+$0x0] =	vst v63  }
0xa2: {  	s9 =	simm.s32 $0x3000;
	s10 =	simm.s32 $0x2010;
	s8 =	simm.s32 $0x3410;
	[tilespmem:s7+$0x0] =	vst v13;
	v13 =	vand.u32 v2, v17  }
0xa3: {  	s6 =	simm.s32 $0x40;
	s7 =	simm.s32 $0x3010;
	[tilespmem:s9+$0x0] =	vst v16;
	s9 =	simm.s32 $0x2410  }
.LBB2_5:
0xa4: {  	s1 =	sadd.s32 $0x10, s1;
	s5 =	sadd.s32 $0x10, s5;
	s13 =	smov.u32 s6  }
0xa5: {  	[tilespmem:s11+$0x0] =	vst v15;
	s19 =	sadd.s32 $0x20, s6;
	s21 =	smov.u32 s7;
	s11 =	smov.u32 s8  }
0xa6: {  	p0 =	sne.s32 s6, $0x7E0;
	v14 =	vld.idx.msk [tilespmem:v14+s3+$0x0], $0xffff  }
0xa7: {  	v13 =	vld.idx.msk [tilespmem:v13+s3+$0x0], $0xffff;
	_ =	sdelay $0x4  }
0xa8: {  	v14 =	vmul.f32 $2.047000000e+03, v14  }
0xa9: {  	v16 =	vmul.f32 $2.047000000e+03, v13  }
0xaa: {  	v13 =	vtrunc.f32 v14  }
0xab: {  	v15 =	vtrunc.f32 v16;
	v13 =	vcvt.f32.s32 v13  }
0xac: {  	v15 =	vcvt.f32.s32 v15  }
0xad: {  	vm0 =	vlt.s32 v13, $0x7FE  }
0xae: {  	vm1 =	vlt.s32 v15, $0x7FE;
	v13 =	vnsel vm0, $0x7FE, v13  }
0xaf: {  	v15 =	vnsel vm1, $0x7FE, v15;
	v17 =	vcvt.s32.f32 v13;
	v13 =	vshll.u32 v13, $0xB  }
0xb0: {  	v18 =	vcvt.s32.f32 v15;
	v19 =	vadd.s32 v15, v13  }
.Ltmp1:
0xb1: {  	v13 =	vor.u32 s13, v0;
	v15 =	vsub.f32 v14, v17;
	v17 =	vadd.s32 $0x1, v19;
	[tilespmem:s1+$0x0] =	vst v19;
	(pc) =	sbr.rel @p0 .LBB2_5-.Ltmp1, $4  }
0xb2: {  	v13 =	vand.u32 v2, v13;
	v14 =	vor.u32 s13, v3;
	[tilespmem:s5+$0x0] =	vst v17;
	v17 =	vadd.s32 $0x800, v19  }
0xb3: {  	v16 =	vsub.f32 v16, v18;
	[tilespmem:s10+$0x0] =	vst v17;
	v17 =	vadd.s32 $0x801, v19  }
0xb4: {  	s7 =	sadd.s32 $0x10, s7;
	s8 =	sadd.s32 $0x10, s8;
	[tilespmem:s9+$0x0] =	vst v17  }
0xb5: {  	s6 =	smov.u32 s19;
	s10 =	sadd.s32 $0x10, s10;
	s9 =	sadd.s32 $0x10, s9;
	[tilespmem:s21+$0x0] =	vst v16  }
0xb6: {  	_ =	sdelay $0x2  }
0xb7: {  	[tilespmem:s11+$0x0] =	vst v15  }
0xb8: {  	v14 =	vld.idx.msk [tilespmem:v14+s3+$0x0], $0xffff  }
0xb9: {  	v13 =	vld.idx.msk [tilespmem:v13+s3+$0x0], $0xffff;
	_ =	sdelay $0x3  }
0xba: {  	v14 =	vmul.f32 $2.047000000e+03, v14  }
0xbb: {  	v13 =	vmul.f32 $2.047000000e+03, v13  }
0xbc: {  	v15 =	vtrunc.f32 v14  }
0xbd: {  	v16 =	vtrunc.f32 v13;
	v15 =	vcvt.f32.s32 v15  }
0xbe: {  	v16 =	vcvt.f32.s32 v16  }
0xbf: {  	vm0 =	vlt.s32 v15, $0x7FE  }
0xc0: {  	vm1 =	vlt.s32 v16, $0x7FE;
	v15 =	vnsel vm0, $0x7FE, v15  }
0xc1: {  	v16 =	vnsel vm1, $0x7FE, v16;
	v17 =	vshll.u32 v15, $0xB  }
0xc2: {  	s1 =	sadd.s32 $0x10, s1;
	v17 =	vadd.s32 v16, v17  }
0xc3: {  	s5 =	sadd.s32 $0x10, s5;
	v16 =	vcvt.s32.f32 v16;
	[tilespmem:s1+$0x0] =	vst v17;
	v18 =	vadd.s32 $0x1, v17  }
0xc4: {  	v15 =	vcvt.s32.f32 v15;
	[tilespmem:s5+$0x0] =	vst v18;
	v18 =	vadd.s32 $0x800, v17  }
0xc5: {  	v13 =	vsub.f32 v13, v16;
	v16 =	vadd.s32 $0x801, v17;
	[tilespmem:s10+$0x0] =	vst v18  }
0xc6: {  	v14 =	vsub.f32 v14, v15;
	[tilespmem:s9+$0x0] =	vst v16  }
0xc7: {  	[tilespmem:s7+$0x0] =	vst v13  }
0xc8: {  	s6 =	simm.s32 $0x1800;
	[tilespmem:s8+$0x0] =	vst v14  }
0xc9: {  	[tilespmem:s28], [sflag:$0x2] =	stream.indirect.gather [hbm4b:s4+s16], $0x8, s6, s16, $0xb8;
	[tilespmem:$0x18800] =	vst v63  }
0xca: {  	s7 =	simm.s32 $0x1C00  }
0xcb: {  	[tilespmem:s29], [sflag:$0x2] =	stream.indirect.gather [hbm4b:s4+s16], $0x8, s7, s16, $0xb8;
	[tilespmem:$0x18800] =	vst v63  }
0xcc: {  	s8 =	simm.s32 $0x2000  }
0xcd: {  	[tilespmem:s30], [sflag:$0x2] =	stream.indirect.gather [hbm4b:s4+s16], $0x8, s8, s16, $0xb8;
	[tilespmem:$0x18800] =	vst v63  }
0xce: {  	s9 =	simm.s32 $0x2400  }
0xcf: {  	[tilespmem:s31], [sflag:$0x2] =	stream.indirect.gather [hbm4b:s4+s16], $0x8, s9, s16, $0xb8;
	[tilespmem:$0x18800] =	vst v63  }
0xd0: {  	s2 =	simm.s32 $0xBC00;
	s10 =	simm.s32 $0x1880  }
0xd1: {  	[tilespmem:s2], [sflag:$0x2] =	stream.indirect.gather [hbm4b:s4+s16], $0x8, s10, s16, $0xb8;
	[tilespmem:$0x18800] =	vst v63  }
0xd2: {  	s11 =	simm.s32 $0x1C80;
	s13 =	simm.s32 $0xDC00  }
0xd3: {  	[tilespmem:s13], [sflag:$0x2] =	stream.indirect.gather [hbm4b:s4+s16], $0x8, s11, s16, $0xb8;
	[tilespmem:$0x18800] =	vst v63  }
0xd4: {  	s19 =	simm.s32 $0x2080;
	s21 =	simm.s32 $0xFC00  }
0xd5: {  	[tilespmem:s21], [sflag:$0x2] =	stream.indirect.gather [hbm4b:s4+s16], $0x8, s19, s16, $0xb8;
	[tilespmem:$0x18800] =	vst v63  }
0xd6: {  	s25 =	simm.s32 $0x2480;
	s26 =	simm.s32 $0x11C00  }
0xd7: {  	[tilespmem:s26], [sflag:$0x2] =	stream.indirect.gather [hbm4b:s4+s16], $0x8, s25, s16, $0xb8;
	[tilespmem:$0x18800] =	vst v63  }
0xd8: {  	s5 =	simm.s32 $0x1900;
	s6 =	simm.s32 $0xC000  }
0xd9: {  	[tilespmem:s6], [sflag:$0x2] =	stream.indirect.gather [hbm4b:s4+s16], $0x8, s5, s16, $0xb8;
	[tilespmem:$0x18800] =	vst v63  }
0xda: {  	s7 =	simm.s32 $0x1D00;
	s8 =	simm.s32 $0xE000  }
0xdb: {  	[tilespmem:s8], [sflag:$0x2] =	stream.indirect.gather [hbm4b:s4+s16], $0x8, s7, s16, $0xb8;
	[tilespmem:$0x18800] =	vst v63  }
0xdc: {  	s9 =	simm.s32 $0x2100;
	s10 =	simm.s32 $0x10000  }
0xdd: {  	[tilespmem:s10], [sflag:$0x2] =	stream.indirect.gather [hbm4b:s4+s16], $0x8, s9, s16, $0xb8;
	[tilespmem:$0x18800] =	vst v63  }
0xde: {  	s11 =	simm.s32 $0x2500;
	s13 =	simm.s32 $0x12000  }
0xdf: {  	[tilespmem:s13], [sflag:$0x2] =	stream.indirect.gather [hbm4b:s4+s16], $0x8, s11, s16, $0xb8;
	[tilespmem:$0x18800] =	vst v63  }
0xe0: {  	s19 =	simm.s32 $0x1980;
	s21 =	simm.s32 $0xC400  }
0xe1: {  	[tilespmem:s21], [sflag:$0x2] =	stream.indirect.gather [hbm4b:s4+s16], $0x8, s19, s16, $0xb8;
	[tilespmem:$0x18800] =	vst v63  }
0xe2: {  	s25 =	simm.s32 $0x1D80;
	s26 =	simm.s32 $0xE400  }
0xe3: {  	[tilespmem:s26], [sflag:$0x2] =	stream.indirect.gather [hbm4b:s4+s16], $0x8, s25, s16, $0xb8;
	[tilespmem:$0x18800] =	vst v63  }
0xe4: {  	s5 =	simm.s32 $0x2180;
	s6 =	simm.s32 $0x10400  }
0xe5: {  	[tilespmem:s6], [sflag:$0x2] =	stream.indirect.gather [hbm4b:s4+s16], $0x8, s5, s16, $0xb8;
	[tilespmem:$0x18800] =	vst v63  }
0xe6: {  	s7 =	simm.s32 $0x2580;
	s8 =	simm.s32 $0x12400  }
0xe7: {  	[tilespmem:s8], [sflag:$0x2] =	stream.indirect.gather [hbm4b:s4+s16], $0x8, s7, s16, $0xb8;
	[tilespmem:$0x18800] =	vst v63  }
0xe8: {  	s9 =	simm.s32 $0x1A00;
	s10 =	simm.s32 $0xC800  }
0xe9: {  	[tilespmem:s10], [sflag:$0x2] =	stream.indirect.gather [hbm4b:s4+s16], $0x8, s9, s16, $0xb8;
	[tilespmem:$0x18800] =	vst v63  }
0xea: {  	s11 =	simm.s32 $0x1E00;
	s13 =	simm.s32 $0xE800  }
0xeb: {  	[tilespmem:s13], [sflag:$0x2] =	stream.indirect.gather [hbm4b:s4+s16], $0x8, s11, s16, $0xb8;
	[tilespmem:$0x18800] =	vst v63  }
0xec: {  	s19 =	simm.s32 $0x2200;
	s21 =	simm.s32 $0x10800  }
0xed: {  	[tilespmem:s21], [sflag:$0x2] =	stream.indirect.gather [hbm4b:s4+s16], $0x8, s19, s16, $0xb8;
	[tilespmem:$0x18800] =	vst v63  }
0xee: {  	s25 =	simm.s32 $0x2600;
	s26 =	simm.s32 $0x12800  }
0xef: {  	[tilespmem:s26], [sflag:$0x2] =	stream.indirect.gather [hbm4b:s4+s16], $0x8, s25, s16, $0xb8;
	[tilespmem:$0x18800] =	vst v63  }
0xf0: {  	s5 =	simm.s32 $0x1A80;
	s6 =	simm.s32 $0xCC00  }
0xf1: {  	[tilespmem:s6], [sflag:$0x2] =	stream.indirect.gather [hbm4b:s4+s16], $0x8, s5, s16, $0xb8;
	[tilespmem:$0x18800] =	vst v63  }
0xf2: {  	s7 =	simm.s32 $0x1E80;
	s8 =	simm.s32 $0xEC00  }
0xf3: {  	[tilespmem:s8], [sflag:$0x2] =	stream.indirect.gather [hbm4b:s4+s16], $0x8, s7, s16, $0xb8;
	[tilespmem:$0x18800] =	vst v63  }
0xf4: {  	s9 =	simm.s32 $0x2280;
	s10 =	simm.s32 $0x10C00  }
0xf5: {  	[tilespmem:s10], [sflag:$0x2] =	stream.indirect.gather [hbm4b:s4+s16], $0x8, s9, s16, $0xb8;
	[tilespmem:$0x18800] =	vst v63  }
0xf6: {  	s11 =	simm.s32 $0x2680;
	s13 =	simm.s32 $0x12C00  }
0xf7: {  	[tilespmem:s13], [sflag:$0x2] =	stream.indirect.gather [hbm4b:s4+s16], $0x8, s11, s16, $0xb8;
	[tilespmem:$0x18800] =	vst v63  }
0xf8: {  	s19 =	simm.s32 $0x1B00;
	s21 =	simm.s32 $0xD000  }
0xf9: {  	[tilespmem:s21], [sflag:$0x2] =	stream.indirect.gather [hbm4b:s4+s16], $0x8, s19, s16, $0xb8;
	[tilespmem:$0x18800] =	vst v63  }
0xfa: {  	s25 =	simm.s32 $0x1F00;
	s26 =	simm.s32 $0xF000  }
0xfb: {  	[tilespmem:s26], [sflag:$0x2] =	stream.indirect.gather [hbm4b:s4+s16], $0x8, s25, s16, $0xb8;
	[tilespmem:$0x18800] =	vst v63  }
0xfc: {  	s5 =	simm.s32 $0x2300;
	s6 =	simm.s32 $0x11000  }
0xfd: {  	[tilespmem:s6], [sflag:$0x2] =	stream.indirect.gather [hbm4b:s4+s16], $0x8, s5, s16, $0xb8;
	[tilespmem:$0x18800] =	vst v63  }
0xfe: {  	s7 =	simm.s32 $0x2700;
	s8 =	simm.s32 $0x13000  }
0xff: {  	[tilespmem:s8], [sflag:$0x2] =	stream.indirect.gather [hbm4b:s4+s16], $0x8, s7, s16, $0xb8;
	[tilespmem:$0x18800] =	vst v63  }
0x100: {  	s9 =	simm.s32 $0x1B80;
	s10 =	simm.s32 $0xD400  }
0x101: {  	[tilespmem:s10], [sflag:$0x2] =	stream.indirect.gather [hbm4b:s4+s16], $0x8, s9, s16, $0xb8;
	[tilespmem:$0x18800] =	vst v63  }
0x102: {  	s11 =	simm.s32 $0x1F80;
	s13 =	simm.s32 $0xF400  }
0x103: {  	[tilespmem:s13], [sflag:$0x2] =	stream.indirect.gather [hbm4b:s4+s16], $0x8, s11, s16, $0xb8;
	[tilespmem:$0x18800] =	vst v63  }
0x104: {  	s19 =	simm.s32 $0x2380;
	s21 =	simm.s32 $0x11400  }
0x105: {  	[tilespmem:s21], [sflag:$0x2] =	stream.indirect.gather [hbm4b:s4+s16], $0x8, s19, s16, $0xb8;
	[tilespmem:$0x18800] =	vst v63  }
0x106: {  	s25 =	simm.s32 $0x2780;
	s26 =	simm.s32 $0x13400  }
0x107: {  	[tilespmem:s26], [sflag:$0x2] =	stream.indirect.gather [hbm4b:s4+s16], $0x8, s25, s16, $0xb8;
	[tilespmem:$0x18800] =	vst v63  }
0x108: {  	_ =	swait.ge [sflag:s0], $0x400  }
0x109: {  	[sflag:s0] =	ssyncset.done $0x0  }
0x10a: {  	[sflag:s0] =	ssyncadd.s32 $0xFFFFFC00  }
0x10b: {  	_ =	swait.ge [sflag:s0], $0x400  }
0x10c: {  	[sflag:s0] =	ssyncset.done $0x0  }
0x10d: {  	[sflag:s0] =	ssyncadd.s32 $0xFFFFFC00  }
0x10e: {  	_ =	swait.ge [sflag:s0], $0x400  }
0x10f: {  	[sflag:s0] =	ssyncset.done $0x0  }
0x110: {  	[sflag:s0] =	ssyncadd.s32 $0xFFFFFC00  }
0x111: {  	_ =	swait.ge [sflag:s0], $0x400  }
0x112: {  	[sflag:s0] =	ssyncset.done $0x0  }
0x113: {  	[sflag:s0] =	ssyncadd.s32 $0xFFFFFC00  }
0x114: {  	_ =	swait.ge [sflag:s0], $0x400  }
0x115: {  	[sflag:s0] =	ssyncset.done $0x0  }
0x116: {  	[sflag:s0] =	ssyncadd.s32 $0xFFFFFC00  }
0x117: {  	_ =	swait.ge [sflag:s0], $0x400  }
0x118: {  	[sflag:s0] =	ssyncset.done $0x0  }
0x119: {  	[sflag:s0] =	ssyncadd.s32 $0xFFFFFC00  }
0x11a: {  	_ =	swait.ge [sflag:s0], $0x400  }
0x11b: {  	[sflag:s0] =	ssyncset.done $0x0  }
0x11c: {  	[sflag:s0] =	ssyncadd.s32 $0xFFFFFC00  }
0x11d: {  	_ =	swait.ge [sflag:s0], $0x400  }
0x11e: {  	[sflag:s0] =	ssyncset.done $0x0  }
0x11f: {  	[sflag:s0] =	ssyncadd.s32 $0xFFFFFC00  }
0x120: {  	_ =	swait.ge [sflag:s0], $0x400  }
0x121: {  	[sflag:s0] =	ssyncset.done $0x0  }
0x122: {  	[sflag:s0] =	ssyncadd.s32 $0xFFFFFC00  }
0x123: {  	_ =	swait.ge [sflag:s0], $0x400  }
0x124: {  	[sflag:s0] =	ssyncset.done $0x0  }
0x125: {  	[sflag:s0] =	ssyncadd.s32 $0xFFFFFC00  }
0x126: {  	_ =	swait.ge [sflag:s0], $0x400  }
0x127: {  	[sflag:s0] =	ssyncset.done $0x0  }
0x128: {  	[sflag:s0] =	ssyncadd.s32 $0xFFFFFC00  }
0x129: {  	_ =	swait.ge [sflag:s0], $0x400  }
0x12a: {  	[sflag:s0] =	ssyncset.done $0x0  }
0x12b: {  	[sflag:s0] =	ssyncadd.s32 $0xFFFFFC00  }
0x12c: {  	_ =	swait.ge [sflag:s0], $0x400  }
0x12d: {  	[sflag:s0] =	ssyncset.done $0x0  }
0x12e: {  	[sflag:s0] =	ssyncadd.s32 $0xFFFFFC00  }
0x12f: {  	_ =	swait.ge [sflag:s0], $0x400  }
0x130: {  	[sflag:s0] =	ssyncset.done $0x0  }
0x131: {  	[sflag:s0] =	ssyncadd.s32 $0xFFFFFC00  }
0x132: {  	_ =	swait.ge [sflag:s0], $0x400  }
0x133: {  	[sflag:s0] =	ssyncset.done $0x0  }
0x134: {  	[sflag:s0] =	ssyncadd.s32 $0xFFFFFC00  }
0x135: {  	_ =	swait.ge [sflag:s0], $0x400  }
0x136: {  	[sflag:s0] =	ssyncset.done $0x0  }
0x137: {  	[sflag:s0] =	ssyncadd.s32 $0xFFFFFC00  }
0x138: {  	_ =	swait.ge [sflag:s0], $0x400  }
0x139: {  	[sflag:s0] =	ssyncset.done $0x0  }
0x13a: {  	[sflag:s0] =	ssyncadd.s32 $0xFFFFFC00  }
0x13b: {  	_ =	swait.ge [sflag:s0], $0x400  }
0x13c: {  	[sflag:s0] =	ssyncset.done $0x0  }
0x13d: {  	[sflag:s0] =	ssyncadd.s32 $0xFFFFFC00  }
0x13e: {  	_ =	swait.ge [sflag:s0], $0x400  }
0x13f: {  	[sflag:s0] =	ssyncset.done $0x0  }
0x140: {  	[sflag:s0] =	ssyncadd.s32 $0xFFFFFC00  }
0x141: {  	_ =	swait.ge [sflag:s0], $0x400  }
0x142: {  	[sflag:s0] =	ssyncset.done $0x0  }
0x143: {  	[sflag:s0] =	ssyncadd.s32 $0xFFFFFC00  }
0x144: {  	_ =	swait.ge [sflag:s0], $0x400  }
0x145: {  	[sflag:s0] =	ssyncset.done $0x0  }
0x146: {  	[sflag:s0] =	ssyncadd.s32 $0xFFFFFC00  }
0x147: {  	_ =	swait.ge [sflag:s0], $0x400  }
0x148: {  	[sflag:s0] =	ssyncset.done $0x0  }
0x149: {  	[sflag:s0] =	ssyncadd.s32 $0xFFFFFC00  }
0x14a: {  	_ =	swait.ge [sflag:s0], $0x400  }
0x14b: {  	[sflag:s0] =	ssyncset.done $0x0  }
0x14c: {  	[sflag:s0] =	ssyncadd.s32 $0xFFFFFC00  }
0x14d: {  	_ =	swait.ge [sflag:s0], $0x400  }
0x14e: {  	[sflag:s0] =	ssyncset.done $0x0  }
0x14f: {  	[sflag:s0] =	ssyncadd.s32 $0xFFFFFC00  }
0x150: {  	_ =	swait.ge [sflag:s0], $0x400  }
0x151: {  	[sflag:s0] =	ssyncset.done $0x0  }
0x152: {  	[sflag:s0] =	ssyncadd.s32 $0xFFFFFC00  }
0x153: {  	_ =	swait.ge [sflag:s0], $0x400  }
0x154: {  	[sflag:s0] =	ssyncset.done $0x0  }
0x155: {  	[sflag:s0] =	ssyncadd.s32 $0xFFFFFC00  }
0x156: {  	_ =	swait.ge [sflag:s0], $0x400  }
0x157: {  	[sflag:s0] =	ssyncset.done $0x0  }
0x158: {  	[sflag:s0] =	ssyncadd.s32 $0xFFFFFC00  }
0x159: {  	_ =	swait.ge [sflag:s0], $0x400  }
0x15a: {  	[sflag:s0] =	ssyncset.done $0x0  }
0x15b: {  	[sflag:s0] =	ssyncadd.s32 $0xFFFFFC00  }
0x15c: {  	_ =	swait.ge [sflag:s0], $0x400  }
0x15d: {  	[sflag:s0] =	ssyncset.done $0x0  }
0x15e: {  	[sflag:s0] =	ssyncadd.s32 $0xFFFFFC00  }
0x15f: {  	_ =	swait.ge [sflag:s0], $0x400  }
0x160: {  	s13 =	simm.s32 $0x0;
	[sflag:s0] =	ssyncset.done $0x0  }
0x161: {  	v13 =	vmov s13;
	[sflag:s0] =	ssyncadd.s32 $0xFFFFFC00  }
0x162: {  	v13 =	vshll.u32 v13, $0x3;
	_ =	swait.ge [sflag:s0], $0x400  }
0x163: {  	v13 =	vor.u32 v1, v13;
	[sflag:s0] =	ssyncset.done $0x0  }
0x164: {  	v17 =	vor.u32 $0x7, v13;
	[sflag:s0] =	ssyncadd.s32 $0xFFFFFC00  }
0x165: {  	_ =	swait.ge [sflag:s0], $0x400  }
0x166: {  	[sflag:s0] =	ssyncset.done $0x0  }
0x167: {  	s5 =	simm.s32 $0x2800;
	[sflag:s0] =	ssyncadd.s32 $0xFFFFFC00  }
0x168: {  	v15 =	vld [tilespmem:s5+$0x0]  }
0x169: {  	s19 =	simm.s32 $0x2C00;
	v18 =	vld.idx.msk [tilespmem:v17+s20+$0x0], $0xffff  }
0x16a: {  	v14 =	vld [tilespmem:s19+$0x0]  }
0x16b: {  	v19 =	vld.idx.msk [tilespmem:v17+s18+$0x0], $0xffff  }
0x16c: {  	v20 =	vld.idx.msk [tilespmem:v17+s22+$0x0], $0xffff;
	_ =	sdelay $0x1  }
0x16d: {  	v16 =	vsub.f32 $1.000000000e+00, v15  }
0x16e: {  	v21 =	vld.idx.msk [tilespmem:v17+s24+$0x0], $0xffff  }
0x16f: {  	v22 =	vmul.f32 v18, v15;
	v17 =	vsub.f32 $1.000000000e+00, v14;
	v23 =	vmul.f32 v19, v16  }
0x170: {  	v24 =	vmul.f32 v20, v16  }
0x171: {  	v22 =	vmul.f32 v22, v17;
	v23 =	vmul.f32 v23, v17;
	_ =	sdelay $0x1  }
0x172: {  	v24 =	vmul.f32 v24, v14;
	v22 =	vadd.f32 v22, v23;
	v23 =	vmul.f32 v21, v15  }
0x173: {  	s2 =	simm.s32 $0x17800  }
0x174: {  	s6 =	simm.s32 $0x17C00;
	[tilespmem:s2+$0x0] =	vst v19;
	v19 =	vadd.f32 v24, v22;
	v22 =	vmul.f32 v23, v14;
	v23 =	vor.u32 s13, v4  }
0x175: {  	s7 =	simm.s32 $0x18000;
	[tilespmem:s6+$0x0] =	vst v18  }
0x176: {  	s8 =	simm.s32 $0x18400;
	[tilespmem:s7+$0x0] =	vst v20;
	v18 =	vadd.f32 v22, v19  }
0x177: {  	s9 =	simm.s32 $0x17400;
	[tilespmem:s8+$0x0] =	vst v21  }
0x178: {  	[tilespmem:s9+$0x0] =	vst v18  }
0x179: {  	[tilespmem:v23+s14+$0x0] =	vst.idx.msk $0xffff, v18  }
0x17a: {  	v19 =	vld.idx.msk [tilespmem:v13+s18+$0x0], $0xffff  }
0x17b: {  	v20 =	vld.idx.msk [tilespmem:v13+s20+$0x0], $0xffff  }
0x17c: {  	v21 =	vld.idx.msk [tilespmem:v13+s22+$0x0], $0xffff;
	_ =	sdelay $0x2  }
0x17d: {  	v18 =	vadd.f32 $9.999999740e-06, v18  }
0x17e: {  	v22 =	vld.idx.msk [tilespmem:v13+s24+$0x0], $0xffff;
	v19 =	vmul.f32 v19, v16;
	v20 =	vmul.f32 v20, v15  }
0x17f: {  	(erf) = vrcp.f32 v18;
	v18 =	vmul.f32 v21, v16  }
0x180: {  	v19 =	vmul.f32 v19, v17;
	v20 =	vmul.f32 v20, v17;
	_ =	sdelay $0x1  }
0x181: {  	v18 =	vmul.f32 v18, v14;
	v19 =	vadd.f32 v20, v19  }
0x182: {  	s10 =	simm.s32 $0x0;
	v20 =	vmul.f32 v22, v15  }
0x183: {  	v22 =	vadd.s32 s10, v5;
	v18 =	vadd.f32 v18, v19  }
0x184: {  	v21 =	vor.u32 s13, v1;
	v19 =	vmul.f32 v20, v14;
	v20 =	vand.u32 $0x3FF8, v22  }
0x185: {  	v20 =	vor.u32 v6, v20  }
0x186: {  	v22 =	vor.u32 $0x1, v13;
	v19 =	vadd.f32 v19, v18  }
0x187: {  	v18 =	vpop (erf)  }
0x188: {  	v23 =	vmul.f32 v19, v18  }
0x189: {  	[tilespmem:v21+s14+$0x0] =	vst.idx.msk $0xffff, v19  }
0x18a: {  	[tilespmem:v20+s17+$0x0] =	vst.idx.msk $0xffff, v23  }
0x18b: {  	v19 =	vld.idx.msk [tilespmem:v22+s18+$0x0], $0xffff  }
0x18c: {  	v20 =	vld.idx.msk [tilespmem:v22+s20+$0x0], $0xffff  }
0x18d: {  	v21 =	vld.idx.msk [tilespmem:v22+s22+$0x0], $0xffff;
	_ =	sdelay $0x2  }
0x18e: {  	v22 =	vld.idx.msk [tilespmem:v22+s24+$0x0], $0xffff  }
0x18f: {  	v19 =	vmul.f32 v19, v16;
	v20 =	vmul.f32 v20, v15  }
0x190: {  	v21 =	vmul.f32 v21, v16  }
0x191: {  	v19 =	vmul.f32 v19, v17;
	v20 =	vmul.f32 v20, v17;
	_ =	sdelay $0x1  }
0x192: {  	v19 =	vadd.f32 v20, v19;
	v20 =	vmul.f32 v21, v14;
	v21 =	vmul.f32 v22, v15;
	_ =	sdelay $0x1  }
0x193: {  	s11 =	simm.s32 $0x1;
	v22 =	vor.u32 s13, v7;
	v19 =	vadd.f32 v20, v19;
	v20 =	vmul.f32 v21, v14  }
0x194: {  	v21 =	vadd.s32 s11, v5  }
0x195: {  	v19 =	vadd.f32 v20, v19;
	v20 =	vor.u32 $0x2, v13;
	_ =	sdelay $0x1  }
0x196: {  	v23 =	vmul.f32 v19, v18  }
0x197: {  	[tilespmem:v22+s14+$0x0] =	vst.idx.msk $0xffff, v19  }
0x198: {  	[tilespmem:v21+s17+$0x0] =	vst.idx.msk $0xffff, v23  }
0x199: {  	v19 =	vld.idx.msk [tilespmem:v20+s18+$0x0], $0xffff  }
0x19a: {  	v21 =	vld.idx.msk [tilespmem:v20+s20+$0x0], $0xffff  }
0x19b: {  	v22 =	vld.idx.msk [tilespmem:v20+s22+$0x0], $0xffff;
	_ =	sdelay $0x2  }
0x19c: {  	v20 =	vld.idx.msk [tilespmem:v20+s24+$0x0], $0xffff  }
0x19d: {  	v19 =	vmul.f32 v19, v16;
	v21 =	vmul.f32 v21, v15  }
0x19e: {  	v22 =	vmul.f32 v22, v16  }
0x19f: {  	v19 =	vmul.f32 v19, v17;
	v21 =	vmul.f32 v21, v17;
	_ =	sdelay $0x1  }
0x1a0: {  	v20 =	vmul.f32 v20, v15;
	v22 =	vmul.f32 v22, v14;
	v19 =	vadd.f32 v21, v19;
	_ =	sdelay $0x1  }
0x1a1: {  	s21 =	simm.s32 $0x2;
	v20 =	vmul.f32 v20, v14;
	v21 =	vor.u32 s13, v8;
	v19 =	vadd.f32 v22, v19  }
0x1a2: {  	v22 =	vadd.s32 s21, v5  }
0x1a3: {  	v19 =	vadd.f32 v20, v19;
	v20 =	vor.u32 $0x3, v13;
	_ =	sdelay $0x1  }
0x1a4: {  	v23 =	vmul.f32 v19, v18  }
0x1a5: {  	[tilespmem:v21+s14+$0x0] =	vst.idx.msk $0xffff, v19  }
0x1a6: {  	[tilespmem:v22+s17+$0x0] =	vst.idx.msk $0xffff, v23  }
0x1a7: {  	v19 =	vld.idx.msk [tilespmem:v20+s18+$0x0], $0xffff  }
0x1a8: {  	v21 =	vld.idx.msk [tilespmem:v20+s20+$0x0], $0xffff  }
0x1a9: {  	v22 =	vld.idx.msk [tilespmem:v20+s22+$0x0], $0xffff;
	_ =	sdelay $0x2  }
0x1aa: {  	v20 =	vld.idx.msk [tilespmem:v20+s24+$0x0], $0xffff  }
0x1ab: {  	v19 =	vmul.f32 v19, v16;
	v21 =	vmul.f32 v21, v15  }
0x1ac: {  	v22 =	vmul.f32 v22, v16  }
0x1ad: {  	v19 =	vmul.f32 v19, v17;
	v21 =	vmul.f32 v21, v17;
	_ =	sdelay $0x1  }
0x1ae: {  	v20 =	vmul.f32 v20, v15;
	v22 =	vmul.f32 v22, v14;
	v19 =	vadd.f32 v21, v19;
	_ =	sdelay $0x1  }
0x1af: {  	s25 =	simm.s32 $0x3;
	v20 =	vmul.f32 v20, v14;
	v21 =	vor.u32 s13, v9;
	v19 =	vadd.f32 v22, v19  }
0x1b0: {  	v22 =	vadd.s32 s25, v5  }
0x1b1: {  	v19 =	vadd.f32 v20, v19;
	v20 =	vor.u32 $0x4, v13;
	_ =	sdelay $0x1  }
0x1b2: {  	v23 =	vmul.f32 v19, v18  }
0x1b3: {  	[tilespmem:v21+s14+$0x0] =	vst.idx.msk $0xffff, v19  }
0x1b4: {  	[tilespmem:v22+s17+$0x0] =	vst.idx.msk $0xffff, v23  }
0x1b5: {  	v19 =	vld.idx.msk [tilespmem:v20+s18+$0x0], $0xffff  }
0x1b6: {  	v21 =	vld.idx.msk [tilespmem:v20+s20+$0x0], $0xffff  }
0x1b7: {  	v22 =	vld.idx.msk [tilespmem:v20+s22+$0x0], $0xffff;
	_ =	sdelay $0x2  }
0x1b8: {  	v20 =	vld.idx.msk [tilespmem:v20+s24+$0x0], $0xffff  }
0x1b9: {  	v19 =	vmul.f32 v19, v16;
	v21 =	vmul.f32 v21, v15  }
0x1ba: {  	v22 =	vmul.f32 v22, v16  }
0x1bb: {  	v19 =	vmul.f32 v19, v17;
	v21 =	vmul.f32 v21, v17;
	_ =	sdelay $0x1  }
0x1bc: {  	v20 =	vmul.f32 v20, v15;
	v22 =	vmul.f32 v22, v14;
	v19 =	vadd.f32 v21, v19;
	_ =	sdelay $0x1  }
0x1bd: {  	s26 =	simm.s32 $0x4;
	v20 =	vmul.f32 v20, v14;
	v21 =	vor.u32 s13, v10;
	v19 =	vadd.f32 v22, v19  }
0x1be: {  	v22 =	vadd.s32 s26, v5  }
0x1bf: {  	v19 =	vadd.f32 v20, v19;
	v20 =	vor.u32 $0x5, v13;
	_ =	sdelay $0x1  }
0x1c0: {  	v23 =	vmul.f32 v19, v18  }
0x1c1: {  	[tilespmem:v21+s14+$0x0] =	vst.idx.msk $0xffff, v19  }
0x1c2: {  	[tilespmem:v22+s17+$0x0] =	vst.idx.msk $0xffff, v23  }
0x1c3: {  	v21 =	vld.idx.msk [tilespmem:v20+s18+$0x0], $0xffff  }
0x1c4: {  	s1 =	simm.s32 $0x18410;
	s7 =	simm.s32 $0x17410;
	s8 =	simm.s32 $0x10;
	v22 =	vld.idx.msk [tilespmem:v20+s20+$0x0], $0xffff  }
0x1c5: {  	s9 =	simm.s32 $0x17810;
	s10 =	simm.s32 $0x17C10;
	s11 =	simm.s32 $0x18010;
	v19 =	vld.idx.msk [tilespmem:v20+s22+$0x0], $0xffff  }
0x1c6: {  	s21 =	simm.s32 $0x0;
	s25 =	simm.s32 $0x6;
	s26 =	simm.s32 $0x76;
	v20 =	vld.idx.msk [tilespmem:v20+s24+$0x0], $0xffff  }
.LBB2_7:
0x1c7: {  	s13 =	sadd.s32 $0x80, s13;
	s5 =	sadd.s32 $0x10, s5;
	s19 =	sadd.s32 $0x10, s19  }
0x1c8: {  	p0 =	sne.s32 s26, $0x1B96;
	v21 =	vmul.f32 v21, v16;
	s6 =	smov.u32 s26;
	s26 =	sadd.s32 $0x70, s26  }
0x1c9: {  	v22 =	vmul.f32 v22, v15  }
0x1ca: {  	v23 =	vmov s8;
	v21 =	vmul.f32 v21, v17;
	v19 =	vmul.f32 v19, v16  }
0x1cb: {  	v23 =	vshll.u32 v23, $0x3;
	v22 =	vmul.f32 v22, v17;
	v20 =	vmul.f32 v20, v15  }
0x1cc: {  	v23 =	vor.u32 v1, v23;
	v19 =	vmul.f32 v19, v14  }
0x1cd: {  	v24 =	vor.u32 $0x7, v23;
	v21 =	vadd.f32 v22, v21;
	v20 =	vmul.f32 v20, v14  }
0x1ce: {  	v22 =	vor.u32 s21, v11  }
0x1cf: {  	s2 =	sadd.s32 $0xFFFFFFFF, s25;
	v19 =	vadd.f32 v19, v21  }
0x1d0: {  	v21 =	vadd.s32 s2, v5  }
0x1d1: {  	v19 =	vadd.f32 v20, v19;
	v20 =	vor.u32 $0x6, v13;
	v13 =	vmov v23;
	_ =	sdelay $0x1  }
0x1d2: {  	[tilespmem:v22+s14+$0x0] =	vst.idx.msk $0xffff, v19;
	v19 =	vmul.f32 v19, v18;
	_ =	sdelay $0x1  }
0x1d3: {  	[tilespmem:v21+s17+$0x0] =	vst.idx.msk $0xffff, v19  }
0x1d4: {  	v19 =	vld.idx.msk [tilespmem:v20+s18+$0x0], $0xffff  }
0x1d5: {  	v21 =	vld.idx.msk [tilespmem:v20+s20+$0x0], $0xffff  }
0x1d6: {  	v22 =	vld.idx.msk [tilespmem:v20+s22+$0x0], $0xffff  }
0x1d7: {  	v20 =	vld.idx.msk [tilespmem:v20+s24+$0x0], $0xffff;
	_ =	sdelay $0x2  }
0x1d8: {  	v19 =	vmul.f32 v19, v16  }
0x1d9: {  	v21 =	vmul.f32 v21, v15  }
0x1da: {  	v19 =	vmul.f32 v19, v17;
	v16 =	vmul.f32 v22, v16  }
0x1db: {  	v17 =	vmul.f32 v21, v17;
	v15 =	vmul.f32 v20, v15  }
0x1dc: {  	v16 =	vmul.f32 v16, v14  }
0x1dd: {  	v17 =	vadd.f32 v17, v19;
	v14 =	vmul.f32 v15, v14  }
0x1de: {  	v15 =	vor.u32 s21, v12;
	s21 =	smov.u32 s13  }
0x1df: {  	v16 =	vadd.f32 v16, v17  }
0x1e0: {  	v17 =	vadd.s32 s25, v5;
	s25 =	smov.u32 s6  }
0x1e1: {  	v14 =	vadd.f32 v14, v16;
	_ =	sdelay $0x1  }
0x1e2: {  	[tilespmem:v15+s14+$0x0] =	vst.idx.msk $0xffff, v14;
	v14 =	vmul.f32 v14, v18;
	_ =	sdelay $0x1  }
0x1e3: {  	[tilespmem:v17+s17+$0x0] =	vst.idx.msk $0xffff, v14  }
0x1e4: {  	v15 =	vld [tilespmem:s5+$0x0]  }
0x1e5: {  	v18 =	vld.idx.msk [tilespmem:v24+s20+$0x0], $0xffff  }
0x1e6: {  	v14 =	vld [tilespmem:s19+$0x0]  }
0x1e7: {  	v19 =	vld.idx.msk [tilespmem:v24+s18+$0x0], $0xffff  }
0x1e8: {  	v20 =	vld.idx.msk [tilespmem:v24+s22+$0x0], $0xffff;
	_ =	sdelay $0x2  }
0x1e9: {  	v16 =	vsub.f32 $1.000000000e+00, v15;
	v22 =	vmul.f32 v18, v15;
	v21 =	vld.idx.msk [tilespmem:v24+s24+$0x0], $0xffff;
	_ =	sdelay $0x1  }
0x1ea: {  	v17 =	vsub.f32 $1.000000000e+00, v14;
	v23 =	vmul.f32 v19, v16  }
0x1eb: {  	v24 =	vmul.f32 v20, v16  }
0x1ec: {  	v22 =	vmul.f32 v22, v17;
	v23 =	vmul.f32 v23, v17  }
0x1ed: {  	v24 =	vmul.f32 v24, v14  }
0x1ee: {  	v22 =	vadd.f32 v22, v23;
	v23 =	vmul.f32 v21, v15;
	_ =	sdelay $0x1  }
0x1ef: {  	[tilespmem:s9+$0x0] =	vst v19;
	v19 =	vadd.f32 v24, v22;
	v22 =	vmul.f32 v23, v14;
	v23 =	vor.u32 s13, v4  }
0x1f0: {  	[tilespmem:s10+$0x0] =	vst v18  }
0x1f1: {  	[tilespmem:s11+$0x0] =	vst v20;
	v18 =	vadd.f32 v22, v19  }
0x1f2: {  	[tilespmem:s1+$0x0] =	vst v21  }
0x1f3: {  	v19 =	vadd.f32 $9.999999740e-06, v18;
	[tilespmem:s7+$0x0] =	vst v18  }
0x1f4: {  	[tilespmem:v23+s14+$0x0] =	vst.idx.msk $0xffff, v18  }
0x1f5: {  	v18 =	vld.idx.msk [tilespmem:v13+s18+$0x0], $0xffff  }
0x1f6: {  	v20 =	vld.idx.msk [tilespmem:v13+s20+$0x0], $0xffff  }
0x1f7: {  	v21 =	vld.idx.msk [tilespmem:v13+s22+$0x0], $0xffff;
	_ =	sdelay $0x2  }
0x1f8: {  	v22 =	vld.idx.msk [tilespmem:v13+s24+$0x0], $0xffff  }
0x1f9: {  	v18 =	vmul.f32 v18, v16  }
0x1fa: {  	v20 =	vmul.f32 v20, v15;
	(erf) = vrcp.f32 v19  }
0x1fb: {  	v19 =	vmul.f32 v21, v16  }
0x1fc: {  	v18 =	vmul.f32 v18, v17;
	v20 =	vmul.f32 v20, v17  }
0x1fd: {  	v19 =	vmul.f32 v19, v14  }
0x1fe: {  	s2 =	sadd.s32 $0xFFFFFFFA, s25;
	v18 =	vadd.f32 v20, v18;
	v20 =	vmul.f32 v22, v15  }
0x1ff: {  	v21 =	vor.u32 s13, v1;
	v22 =	vadd.s32 s2, v5  }
0x200: {  	v23 =	vadd.f32 v19, v18;
	v19 =	vmul.f32 v20, v14;
	v20 =	vand.u32 $0x3FF8, v22  }
0x201: {  	v20 =	vor.u32 v6, v20  }
0x202: {  	v22 =	vor.u32 $0x1, v13;
	v19 =	vadd.f32 v19, v23  }
0x203: {  	v18 =	vpop (erf)  }
0x204: {  	[tilespmem:v21+s14+$0x0] =	vst.idx.msk $0xffff, v19;
	v19 =	vmul.f32 v19, v18;
	_ =	sdelay $0x1  }
0x205: {  	[tilespmem:v20+s17+$0x0] =	vst.idx.msk $0xffff, v19  }
0x206: {  	v19 =	vld.idx.msk [tilespmem:v22+s18+$0x0], $0xffff  }
0x207: {  	v20 =	vld.idx.msk [tilespmem:v22+s20+$0x0], $0xffff;
	_ =	sdelay $0x1  }
0x208: {  	v21 =	vld.idx.msk [tilespmem:v22+s22+$0x0], $0xffff;
	_ =	sdelay $0x1  }
0x209: {  	v22 =	vld.idx.msk [tilespmem:v22+s24+$0x0], $0xffff  }
0x20a: {  	v19 =	vmul.f32 v19, v16  }
0x20b: {  	v20 =	vmul.f32 v20, v15  }
0x20c: {  	v19 =	vmul.f32 v19, v17  }
0x20d: {  	v20 =	vmul.f32 v20, v17;
	v21 =	vmul.f32 v21, v16;
	_ =	sdelay $0x1  }
0x20e: {  	v19 =	vadd.f32 v20, v19;
	v20 =	vmul.f32 v21, v14;
	v21 =	vmul.f32 v22, v15  }
0x20f: {  	v22 =	vor.u32 s13, v7  }
0x210: {  	s2 =	sadd.s32 $0xFFFFFFFB, s25;
	v19 =	vadd.f32 v20, v19;
	v20 =	vmul.f32 v21, v14  }
0x211: {  	v21 =	vadd.s32 s2, v5  }
0x212: {  	v19 =	vadd.f32 v20, v19;
	v20 =	vor.u32 $0x2, v13;
	_ =	sdelay $0x1  }
0x213: {  	[tilespmem:v22+s14+$0x0] =	vst.idx.msk $0xffff, v19;
	v19 =	vmul.f32 v19, v18;
	_ =	sdelay $0x1  }
0x214: {  	[tilespmem:v21+s17+$0x0] =	vst.idx.msk $0xffff, v19  }
0x215: {  	v19 =	vld.idx.msk [tilespmem:v20+s18+$0x0], $0xffff  }
0x216: {  	v21 =	vld.idx.msk [tilespmem:v20+s20+$0x0], $0xffff  }
0x217: {  	v22 =	vld.idx.msk [tilespmem:v20+s22+$0x0], $0xffff;
	_ =	sdelay $0x2  }
0x218: {  	v20 =	vld.idx.msk [tilespmem:v20+s24+$0x0], $0xffff  }
0x219: {  	v19 =	vmul.f32 v19, v16  }
0x21a: {  	v21 =	vmul.f32 v21, v15  }
0x21b: {  	v19 =	vmul.f32 v19, v17;
	v22 =	vmul.f32 v22, v16  }
0x21c: {  	v21 =	vmul.f32 v21, v17  }
0x21d: {  	v22 =	vmul.f32 v22, v14  }
0x21e: {  	v19 =	vadd.f32 v21, v19;
	v20 =	vmul.f32 v20, v15  }
0x21f: {  	v21 =	vor.u32 s13, v8  }
0x220: {  	s2 =	sadd.s32 $0xFFFFFFFC, s25;
	v19 =	vadd.f32 v22, v19;
	v20 =	vmul.f32 v20, v14  }
0x221: {  	v22 =	vadd.s32 s2, v5  }
0x222: {  	v19 =	vadd.f32 v20, v19;
	v20 =	vor.u32 $0x3, v13;
	_ =	sdelay $0x1  }
0x223: {  	[tilespmem:v21+s14+$0x0] =	vst.idx.msk $0xffff, v19;
	v19 =	vmul.f32 v19, v18;
	_ =	sdelay $0x1  }
0x224: {  	[tilespmem:v22+s17+$0x0] =	vst.idx.msk $0xffff, v19  }
0x225: {  	v19 =	vld.idx.msk [tilespmem:v20+s18+$0x0], $0xffff  }
0x226: {  	v21 =	vld.idx.msk [tilespmem:v20+s20+$0x0], $0xffff  }
0x227: {  	v22 =	vld.idx.msk [tilespmem:v20+s22+$0x0], $0xffff;
	_ =	sdelay $0x2  }
0x228: {  	v20 =	vld.idx.msk [tilespmem:v20+s24+$0x0], $0xffff  }
0x229: {  	v19 =	vmul.f32 v19, v16  }
0x22a: {  	v21 =	vmul.f32 v21, v15  }
0x22b: {  	v19 =	vmul.f32 v19, v17;
	v22 =	vmul.f32 v22, v16  }
0x22c: {  	v21 =	vmul.f32 v21, v17  }
0x22d: {  	v22 =	vmul.f32 v22, v14  }
0x22e: {  	v19 =	vadd.f32 v21, v19;
	v20 =	vmul.f32 v20, v15  }
0x22f: {  	v21 =	vor.u32 s13, v9  }
0x230: {  	s2 =	sadd.s32 $0xFFFFFFFD, s25;
	v19 =	vadd.f32 v22, v19;
	v20 =	vmul.f32 v20, v14  }
0x231: {  	v22 =	vadd.s32 s2, v5  }
0x232: {  	v19 =	vadd.f32 v20, v19;
	v20 =	vor.u32 $0x4, v13;
	_ =	sdelay $0x1  }
0x233: {  	[tilespmem:v21+s14+$0x0] =	vst.idx.msk $0xffff, v19;
	v19 =	vmul.f32 v19, v18;
	_ =	sdelay $0x1  }
0x234: {  	[tilespmem:v22+s17+$0x0] =	vst.idx.msk $0xffff, v19  }
0x235: {  	v19 =	vld.idx.msk [tilespmem:v20+s18+$0x0], $0xffff  }
0x236: {  	v21 =	vld.idx.msk [tilespmem:v20+s20+$0x0], $0xffff  }
0x237: {  	v22 =	vld.idx.msk [tilespmem:v20+s22+$0x0], $0xffff  }
0x238: {  	v20 =	vld.idx.msk [tilespmem:v20+s24+$0x0], $0xffff;
	_ =	sdelay $0x2  }
0x239: {  	v19 =	vmul.f32 v19, v16  }
0x23a: {  	v21 =	vmul.f32 v21, v15  }
0x23b: {  	v19 =	vmul.f32 v19, v17;
	v22 =	vmul.f32 v22, v16  }
0x23c: {  	v21 =	vmul.f32 v21, v17;
	v20 =	vmul.f32 v20, v15  }
0x23d: {  	v22 =	vmul.f32 v22, v14  }
0x23e: {  	v19 =	vadd.f32 v21, v19;
	v20 =	vmul.f32 v20, v14  }
0x23f: {  	v21 =	vor.u32 s13, v10  }
0x240: {  	s2 =	sadd.s32 $0xFFFFFFFE, s25;
	v19 =	vadd.f32 v22, v19  }
0x241: {  	v22 =	vadd.s32 s2, v5  }
0x242: {  	v19 =	vadd.f32 v20, v19;
	v20 =	vor.u32 $0x5, v13;
	_ =	sdelay $0x1  }
0x243: {  	[tilespmem:v21+s14+$0x0] =	vst.idx.msk $0xffff, v19;
	v19 =	vmul.f32 v19, v18;
	_ =	sdelay $0x1  }
0x244: {  	[tilespmem:v22+s17+$0x0] =	vst.idx.msk $0xffff, v19  }
.Ltmp2:
0x245: {  	v21 =	vld.idx.msk [tilespmem:v20+s18+$0x0], $0xffff;
	(pc) =	sbr.rel @p0 .LBB2_7-.Ltmp2, $4  }
0x246: {  	v22 =	vld.idx.msk [tilespmem:v20+s20+$0x0], $0xffff  }
0x247: {  	v19 =	vld.idx.msk [tilespmem:v20+s22+$0x0], $0xffff  }
0x248: {  	s8 =	sadd.s32 $0x10, s8;
	s1 =	sadd.s32 $0x10, s1;
	s7 =	sadd.s32 $0x10, s7;
	v20 =	vld.idx.msk [tilespmem:v20+s24+$0x0], $0xffff  }
0x249: {  	s9 =	sadd.s32 $0x10, s9;
	s10 =	sadd.s32 $0x10, s10;
	s11 =	sadd.s32 $0x10, s11  }
0x24a: {  	v21 =	vmul.f32 v21, v16  }
0x24b: {  	v22 =	vmul.f32 v22, v15  }
0x24c: {  	v21 =	vmul.f32 v21, v17  }
0x24d: {  	v19 =	vmul.f32 v19, v16;
	v22 =	vmul.f32 v22, v17;
	_ =	sdelay $0x1  }
0x24e: {  	v20 =	vmul.f32 v20, v15;
	v19 =	vmul.f32 v19, v14;
	v21 =	vadd.f32 v22, v21;
	_ =	sdelay $0x1  }
0x24f: {  	v60 =	vor.u32 s21, v11;
	s1 =	sadd.s32 $0xFFFFFFFF, s25;
	v20 =	vmul.f32 v20, v14;
	v19 =	vadd.f32 v19, v21  }
0x250: {  	v61 =	vadd.s32 s1, v5  }
0x251: {  	v13 =	vor.u32 $0x6, v13;
	v19 =	vadd.f32 v20, v19;
	_ =	sdelay $0x1  }
0x252: {  	v20 =	vmul.f32 v19, v18  }
0x253: {  	[tilespmem:v60+s14+$0x0] =	vst.idx.msk $0xffff, v19  }
0x254: {  	[tilespmem:v61+s17+$0x0] =	vst.idx.msk $0xffff, v20  }
0x255: {  	v19 =	vld.idx.msk [tilespmem:v13+s18+$0x0], $0xffff  }
0x256: {  	v20 =	vld.idx.msk [tilespmem:v13+s20+$0x0], $0xffff  }
0x257: {  	v21 =	vld.idx.msk [tilespmem:v13+s22+$0x0], $0xffff;
	_ =	sdelay $0x2  }
0x258: {  	v13 =	vld.idx.msk [tilespmem:v13+s24+$0x0], $0xffff  }
0x259: {  	v19 =	vmul.f32 v19, v16;
	v20 =	vmul.f32 v20, v15  }
0x25a: {  	v16 =	vmul.f32 v21, v16  }
0x25b: {  	v19 =	vmul.f32 v19, v17;
	v17 =	vmul.f32 v20, v17;
	_ =	sdelay $0x1  }
0x25c: {  	v13 =	vmul.f32 v13, v15;
	v15 =	vmul.f32 v16, v14;
	v16 =	vadd.f32 v17, v19;
	_ =	sdelay $0x1  }
0x25d: {  	v13 =	vmul.f32 v13, v14;
	v14 =	vor.u32 s21, v12;
	v15 =	vadd.f32 v15, v16  }
0x25e: {  	v16 =	vadd.s32 s25, v5  }
0x25f: {  	v13 =	vadd.f32 v13, v15  }
0x260: {  	s11 =	smul.u32 $0x7, s12  }
0x261: {  	v15 =	vmul.f32 v13, v18  }
0x262: {  	s26 =	rddreg [dreg:$0x1];
	s1 =	sshrl.u32 s11, $0x3;
	[tilespmem:v14+s14+$0x0] =	vst.idx.msk $0xffff, v13  }
0x263: {  	s2 =	simm.s32 $0x0;
	s1 =	sadd.s32 s26, s1;
	[tilespmem:v16+s17+$0x0] =	vst.idx.msk $0xffff, v15  }
0x264: {  	[hbm4b:s1+s2] =	stream.linear.scatter [tilespmem:s17], [sflag:$0x3], $0x1C00, $0x38;
	[tilespmem:$0x18800] =	vst v63  }
0x265: {  	_ =	swait.ge [sflag:s15], $0x1C00  }
0x266: {  	s13 =	sshrl.u32 s12, $0x3;
	[sflag:s15] =	ssyncset.done $0x0;
	s5 =	rddreg [dreg:$0x5]  }
0x267: {  	s6 =	simm.s32 $0x17400;
	[sflag:s15] =	ssyncadd.s32 $0xFFFFE400;
	s5 =	sadd.s32 s5, s13  }
0x268: {  	[hbm4b:s5+s2] =	stream.linear.scatter [tilespmem:s6], [sflag:$0x3], $0x400, $0x38;
	[tilespmem:$0x18800] =	vst v63  }
0x269: {  	_ =	swait.ge [sflag:s15], $0x400  }
0x26a: {  	[sflag:s15] =	ssyncset.done $0x0  }
0x26b: {  	[sflag:s15] =	ssyncadd.s32 $0xFFFFFC00  }
0x26c: {  	s19 =	rddreg [dreg:$0x2]  }
0x26d: {  	s5 =	sadd.s32 s19, s12  }
0x26e: {  	[hbm4b:s5+s2] =	stream.linear.scatter [tilespmem:s14], [sflag:$0x3], $0x2000, $0x38;
	[tilespmem:$0x18800] =	vst v63  }
0x26f: {  	_ =	swait.ge [sflag:s15], $0x2000  }
0x270: {  	[sflag:s15] =	ssyncset.done $0x0;
	s21 =	rddreg [dreg:$0x6]  }
0x271: {  	s25 =	simm.s32 $0x17800;
	[sflag:s15] =	ssyncadd.s32 $0xFFFFE000;
	s5 =	sadd.s32 s21, s13  }
0x272: {  	[hbm4b:s5+s2] =	stream.linear.scatter [tilespmem:s25], [sflag:$0x3], $0x400, $0x38;
	[tilespmem:$0x18800] =	vst v63  }
0x273: {  	_ =	swait.ge [sflag:s15], $0x400  }
0x274: {  	[sflag:s15] =	ssyncset.done $0x0;
	s6 =	rddreg [dreg:$0x7]  }
0x275: {  	s7 =	simm.s32 $0x17C00;
	[sflag:s15] =	ssyncadd.s32 $0xFFFFFC00;
	s5 =	sadd.s32 s6, s13  }
0x276: {  	[hbm4b:s5+s2] =	stream.linear.scatter [tilespmem:s7], [sflag:$0x3], $0x400, $0x38;
	[tilespmem:$0x18800] =	vst v63  }
0x277: {  	_ =	swait.ge [sflag:s15], $0x400  }
0x278: {  	[sflag:s15] =	ssyncset.done $0x0;
	s8 =	rddreg [dreg:$0x8]  }
0x279: {  	s9 =	simm.s32 $0x18000;
	[sflag:s15] =	ssyncadd.s32 $0xFFFFFC00;
	s5 =	sadd.s32 s8, s13  }
0x27a: {  	[hbm4b:s5+s2] =	stream.linear.scatter [tilespmem:s9], [sflag:$0x3], $0x400, $0x38;
	[tilespmem:$0x18800] =	vst v63  }
0x27b: {  	_ =	swait.ge [sflag:s15], $0x400  }
0x27c: {  	s10 =	rddreg [dreg:$0xe]  }
0x27d: {  	s12 =	simm.s32 $0x18400;
	[sflag:s15] =	ssyncset.done $0x0;
	s11 =	rddreg [dreg:$0x9]  }
0x27e: {  	s5 =	sshll.u32 s10, $0x9;
	[sflag:s15] =	ssyncadd.s32 $0xFFFFFC00;
	s1 =	sadd.s32 s11, s13  }
0x27f: {  	[hbm4b:s1+s2] =	stream.linear.scatter [tilespmem:s12], [sflag:$0x3], $0x400, $0x38;
	[tilespmem:$0x18800] =	vst v63  }
0x280: {  	s13 =	sadd.s32 $0x200, s5;
	_ =	swait.ge [sflag:s15], $0x400  }
0x281: {  	s1 =	sand.u32 $0x1E00, s13;
	[sflag:s15] =	ssyncset.done $0x0;
	s19 =	rddreg [dreg:$0xb]  }
0x282: {  	v13 =	vor.u32 s2, v0;
	v14 =	vor.u32 s2, v3;
	[sflag:s15] =	ssyncadd.s32 $0xFFFFFC00;
	s1 =	sadd.s32 s1, s19  }
0x283: {  	v13 =	vand.u32 v2, v13;
	[tilespmem:s2], [sflag:$0x3] =	stream.linear.gather [hbm4b:s1+s2], $0x800, $0x38;
	[tilespmem:$0x18800] =	vst v63  }
0x284: {  	_ =	swait.ge [sflag:s15], $0x800  }
0x285: {  	[sflag:s15] =	ssyncset.done $0x0  }
0x286: {  	[sflag:s15] =	ssyncadd.s32 $0xFFFFF800  }
0x287: {  	v14 =	vld.idx.msk [tilespmem:v14+s3+$0x0], $0xffff  }
0x288: {  	v13 =	vld.idx.msk [tilespmem:v13+s3+$0x0], $0xffff;
	_ =	sdelay $0x3  }
0x289: {  	v14 =	vmul.f32 $2.047000000e+03, v14  }
0x28a: {  	v13 =	vmul.f32 $2.047000000e+03, v13  }
0x28b: {  	v15 =	vtrunc.f32 v14  }
0x28c: {  	v16 =	vtrunc.f32 v13;
	v15 =	vcvt.f32.s32 v15  }
0x28d: {  	v16 =	vcvt.f32.s32 v16  }
0x28e: {  	vm0 =	vlt.s32 v15, $0x7FE  }
0x28f: {  	vm1 =	vlt.s32 v16, $0x7FE;
	v15 =	vnsel vm0, $0x7FE, v15  }
0x290: {  	v16 =	vnsel vm1, $0x7FE, v16;
	v17 =	vshll.u32 v15, $0xB  }
0x291: {  	s1 =	simm.s32 $0x800;
	v15 =	vcvt.s32.f32 v15;
	v17 =	vadd.s32 v16, v17  }
0x292: {  	s8 =	simm.s32 $0x20;
	s5 =	simm.s32 $0xC00;
	v16 =	vcvt.s32.f32 v16;
	[tilespmem:s1+$0x0] =	vst v17;
	v62 =	vadd.s32 $0x1, v17  }
0x293: {  	s21 =	simm.s32 $0x1000;
	v63 =	vadd.s32 $0x800, v17;
	v15 =	vsub.f32 v14, v15;
	v14 =	vor.u32 s8, v3;
	[tilespmem:s5+$0x0] =	vst v62  }
0x294: {  	s25 =	simm.s32 $0x2800;
	s7 =	simm.s32 $0x1400;
	v16 =	vsub.f32 v13, v16;
	v13 =	vadd.s32 $0x801, v17;
	v17 =	vor.u32 s8, v0;
	[tilespmem:s21+$0x0] =	vst v63  }
0x295: {  	s6 =	simm.s32 $0x40;
	s9 =	simm.s32 $0x1410;
	s11 =	simm.s32 $0x2C00;
	[tilespmem:s7+$0x0] =	vst v13;
	v13 =	vand.u32 v2, v17  }
0x296: {  	s10 =	simm.s32 $0x1010;
	s8 =	simm.s32 $0x2C10;
	s7 =	simm.s32 $0x2810;
	[tilespmem:s25+$0x0] =	vst v16  }
.LBB2_9:
0x297: {  	s1 =	sadd.s32 $0x10, s1;
	s5 =	sadd.s32 $0x10, s5;
	s2 =	smov.u32 s6  }
0x298: {  	[tilespmem:s11+$0x0] =	vst v15;
	s12 =	sadd.s32 $0x20, s6;
	s13 =	smov.u32 s7;
	s11 =	smov.u32 s8  }
0x299: {  	p0 =	sne.s32 s6, $0x7E0;
	v14 =	vld.idx.msk [tilespmem:v14+s3+$0x0], $0xffff  }
0x29a: {  	v13 =	vld.idx.msk [tilespmem:v13+s3+$0x0], $0xffff;
	_ =	sdelay $0x4  }
0x29b: {  	v14 =	vmul.f32 $2.047000000e+03, v14  }
0x29c: {  	v16 =	vmul.f32 $2.047000000e+03, v13  }
0x29d: {  	v13 =	vtrunc.f32 v14  }
0x29e: {  	v15 =	vtrunc.f32 v16;
	v13 =	vcvt.f32.s32 v13  }
0x29f: {  	v15 =	vcvt.f32.s32 v15  }
0x2a0: {  	vm0 =	vlt.s32 v13, $0x7FE  }
0x2a1: {  	vm1 =	vlt.s32 v15, $0x7FE;
	v13 =	vnsel vm0, $0x7FE, v13  }
0x2a2: {  	v15 =	vnsel vm1, $0x7FE, v15;
	v17 =	vcvt.s32.f32 v13;
	v13 =	vshll.u32 v13, $0xB  }
0x2a3: {  	v18 =	vcvt.s32.f32 v15;
	v19 =	vadd.s32 v15, v13  }
.Ltmp3:
0x2a4: {  	v13 =	vor.u32 s2, v0;
	v15 =	vsub.f32 v14, v17;
	v17 =	vadd.s32 $0x1, v19;
	[tilespmem:s1+$0x0] =	vst v19;
	(pc) =	sbr.rel @p0 .LBB2_9-.Ltmp3, $4  }
0x2a5: {  	v13 =	vand.u32 v2, v13;
	v14 =	vor.u32 s2, v3;
	[tilespmem:s5+$0x0] =	vst v17;
	v17 =	vadd.s32 $0x800, v19  }
0x2a6: {  	v16 =	vsub.f32 v16, v18;
	[tilespmem:s10+$0x0] =	vst v17;
	v17 =	vadd.s32 $0x801, v19  }
0x2a7: {  	s7 =	sadd.s32 $0x10, s7;
	s8 =	sadd.s32 $0x10, s8;
	[tilespmem:s9+$0x0] =	vst v17  }
0x2a8: {  	s6 =	smov.u32 s12;
	s10 =	sadd.s32 $0x10, s10;
	s9 =	sadd.s32 $0x10, s9;
	[tilespmem:s13+$0x0] =	vst v16  }
0x2a9: {  	_ =	sdelay $0x2  }
0x2aa: {  	[tilespmem:s11+$0x0] =	vst v15  }
0x2ab: {  	v14 =	vld.idx.msk [tilespmem:v14+s3+$0x0], $0xffff  }
0x2ac: {  	v13 =	vld.idx.msk [tilespmem:v13+s3+$0x0], $0xffff;
	_ =	sdelay $0x3  }
0x2ad: {  	v14 =	vmul.f32 $2.047000000e+03, v14  }
0x2ae: {  	v13 =	vmul.f32 $2.047000000e+03, v13  }
0x2af: {  	v15 =	vtrunc.f32 v14  }
0x2b0: {  	v16 =	vtrunc.f32 v13;
	v15 =	vcvt.f32.s32 v15  }
0x2b1: {  	v16 =	vcvt.f32.s32 v16  }
0x2b2: {  	vm0 =	vlt.s32 v15, $0x7FE  }
0x2b3: {  	vm1 =	vlt.s32 v16, $0x7FE;
	v15 =	vnsel vm0, $0x7FE, v15  }
0x2b4: {  	v16 =	vnsel vm1, $0x7FE, v16;
	v17 =	vshll.u32 v15, $0xB  }
0x2b5: {  	s1 =	sadd.s32 $0x10, s1;
	v17 =	vadd.s32 v16, v17  }
0x2b6: {  	s2 =	sadd.s32 $0x10, s5;
	v16 =	vcvt.s32.f32 v16;
	[tilespmem:s1+$0x0] =	vst v17;
	v18 =	vadd.s32 $0x1, v17  }
0x2b7: {  	v15 =	vcvt.s32.f32 v15;
	[tilespmem:s2+$0x0] =	vst v18;
	v18 =	vadd.s32 $0x800, v17  }
0x2b8: {  	v13 =	vsub.f32 v13, v16;
	v16 =	vadd.s32 $0x801, v17;
	[tilespmem:s10+$0x0] =	vst v18  }
0x2b9: {  	v14 =	vsub.f32 v14, v15;
	[tilespmem:s9+$0x0] =	vst v16  }
0x2ba: {  	[tilespmem:s7+$0x0] =	vst v13  }
0x2bb: {  	s5 =	simm.s32 $0x800;
	[tilespmem:s8+$0x0] =	vst v14  }
0x2bc: {  	[tilespmem:s18], [sflag:$0x1] =	stream.indirect.gather [hbm4b:s4+s16], $0x8, s5, s16, $0xb8;
	[tilespmem:$0x18800] =	vst v63  }
0x2bd: {  	s6 =	simm.s32 $0xC00  }
0x2be: {  	[tilespmem:s20], [sflag:$0x1] =	stream.indirect.gather [hbm4b:s4+s16], $0x8, s6, s16, $0xb8;
	[tilespmem:$0x18800] =	vst v63  }
0x2bf: {  	s7 =	simm.s32 $0x1000  }
0x2c0: {  	[tilespmem:s22], [sflag:$0x1] =	stream.indirect.gather [hbm4b:s4+s16], $0x8, s7, s16, $0xb8;
	[tilespmem:$0x18800] =	vst v63  }
0x2c1: {  	s8 =	simm.s32 $0x1400  }
0x2c2: {  	[tilespmem:s24], [sflag:$0x1] =	stream.indirect.gather [hbm4b:s4+s16], $0x8, s8, s16, $0xb8;
	[tilespmem:$0x18800] =	vst v63  }
0x2c3: {  	s10 =	simm.s32 $0x3C00;
	s9 =	simm.s32 $0x880  }
0x2c4: {  	[tilespmem:s10], [sflag:$0x1] =	stream.indirect.gather [hbm4b:s4+s16], $0x8, s9, s16, $0xb8;
	[tilespmem:$0x18800] =	vst v63  }
0x2c5: {  	s11 =	simm.s32 $0xC80;
	s12 =	simm.s32 $0x5C00  }
0x2c6: {  	[tilespmem:s12], [sflag:$0x1] =	stream.indirect.gather [hbm4b:s4+s16], $0x8, s11, s16, $0xb8;
	[tilespmem:$0x18800] =	vst v63  }
0x2c7: {  	s13 =	simm.s32 $0x1080;
	s19 =	simm.s32 $0x7C00  }
0x2c8: {  	[tilespmem:s19], [sflag:$0x1] =	stream.indirect.gather [hbm4b:s4+s16], $0x8, s13, s16, $0xb8;
	[tilespmem:$0x18800] =	vst v63  }
0x2c9: {  	s21 =	simm.s32 $0x1480;
	s25 =	simm.s32 $0x9C00  }
0x2ca: {  	[tilespmem:s25], [sflag:$0x1] =	stream.indirect.gather [hbm4b:s4+s16], $0x8, s21, s16, $0xb8;
	[tilespmem:$0x18800] =	vst v63  }
0x2cb: {  	s5 =	simm.s32 $0x900;
	s6 =	simm.s32 $0x4000  }
0x2cc: {  	[tilespmem:s6], [sflag:$0x1] =	stream.indirect.gather [hbm4b:s4+s16], $0x8, s5, s16, $0xb8;
	[tilespmem:$0x18800] =	vst v63  }
0x2cd: {  	s7 =	simm.s32 $0xD00;
	s8 =	simm.s32 $0x6000  }
0x2ce: {  	[tilespmem:s8], [sflag:$0x1] =	stream.indirect.gather [hbm4b:s4+s16], $0x8, s7, s16, $0xb8;
	[tilespmem:$0x18800] =	vst v63  }
0x2cf: {  	s9 =	simm.s32 $0x1100;
	s10 =	simm.s32 $0x8000  }
0x2d0: {  	[tilespmem:s10], [sflag:$0x1] =	stream.indirect.gather [hbm4b:s4+s16], $0x8, s9, s16, $0xb8;
	[tilespmem:$0x18800] =	vst v63  }
0x2d1: {  	s11 =	simm.s32 $0x1500;
	s12 =	simm.s32 $0xA000  }
0x2d2: {  	[tilespmem:s12], [sflag:$0x1] =	stream.indirect.gather [hbm4b:s4+s16], $0x8, s11, s16, $0xb8;
	[tilespmem:$0x18800] =	vst v63  }
0x2d3: {  	s13 =	simm.s32 $0x980;
	s19 =	simm.s32 $0x4400  }
0x2d4: {  	[tilespmem:s19], [sflag:$0x1] =	stream.indirect.gather [hbm4b:s4+s16], $0x8, s13, s16, $0xb8;
	[tilespmem:$0x18800] =	vst v63  }
0x2d5: {  	s21 =	simm.s32 $0xD80;
	s25 =	simm.s32 $0x6400  }
0x2d6: {  	[tilespmem:s25], [sflag:$0x1] =	stream.indirect.gather [hbm4b:s4+s16], $0x8, s21, s16, $0xb8;
	[tilespmem:$0x18800] =	vst v63  }
0x2d7: {  	s5 =	simm.s32 $0x1180;
	s6 =	simm.s32 $0x8400  }
0x2d8: {  	[tilespmem:s6], [sflag:$0x1] =	stream.indirect.gather [hbm4b:s4+s16], $0x8, s5, s16, $0xb8;
	[tilespmem:$0x18800] =	vst v63  }
0x2d9: {  	s7 =	simm.s32 $0x1580;
	s8 =	simm.s32 $0xA400  }
0x2da: {  	[tilespmem:s8], [sflag:$0x1] =	stream.indirect.gather [hbm4b:s4+s16], $0x8, s7, s16, $0xb8;
	[tilespmem:$0x18800] =	vst v63  }
0x2db: {  	s9 =	simm.s32 $0xA00;
	s10 =	simm.s32 $0x4800  }
0x2dc: {  	[tilespmem:s10], [sflag:$0x1] =	stream.indirect.gather [hbm4b:s4+s16], $0x8, s9, s16, $0xb8;
	[tilespmem:$0x18800] =	vst v63  }
0x2dd: {  	s11 =	simm.s32 $0xE00;
	s12 =	simm.s32 $0x6800  }
0x2de: {  	[tilespmem:s12], [sflag:$0x1] =	stream.indirect.gather [hbm4b:s4+s16], $0x8, s11, s16, $0xb8;
	[tilespmem:$0x18800] =	vst v63  }
0x2df: {  	s13 =	simm.s32 $0x1200;
	s19 =	simm.s32 $0x8800  }
0x2e0: {  	[tilespmem:s19], [sflag:$0x1] =	stream.indirect.gather [hbm4b:s4+s16], $0x8, s13, s16, $0xb8;
	[tilespmem:$0x18800] =	vst v63  }
0x2e1: {  	s21 =	simm.s32 $0x1600;
	s25 =	simm.s32 $0xA800  }
0x2e2: {  	[tilespmem:s25], [sflag:$0x1] =	stream.indirect.gather [hbm4b:s4+s16], $0x8, s21, s16, $0xb8;
	[tilespmem:$0x18800] =	vst v63  }
0x2e3: {  	s5 =	simm.s32 $0xA80;
	s6 =	simm.s32 $0x4C00  }
0x2e4: {  	[tilespmem:s6], [sflag:$0x1] =	stream.indirect.gather [hbm4b:s4+s16], $0x8, s5, s16, $0xb8;
	[tilespmem:$0x18800] =	vst v63  }
0x2e5: {  	s7 =	simm.s32 $0xE80;
	s8 =	simm.s32 $0x6C00  }
0x2e6: {  	[tilespmem:s8], [sflag:$0x1] =	stream.indirect.gather [hbm4b:s4+s16], $0x8, s7, s16, $0xb8;
	[tilespmem:$0x18800] =	vst v63  }
0x2e7: {  	s9 =	simm.s32 $0x1280;
	s10 =	simm.s32 $0x8C00  }
0x2e8: {  	[tilespmem:s10], [sflag:$0x1] =	stream.indirect.gather [hbm4b:s4+s16], $0x8, s9, s16, $0xb8;
	[tilespmem:$0x18800] =	vst v63  }
0x2e9: {  	s11 =	simm.s32 $0x1680;
	s12 =	simm.s32 $0xAC00  }
0x2ea: {  	[tilespmem:s12], [sflag:$0x1] =	stream.indirect.gather [hbm4b:s4+s16], $0x8, s11, s16, $0xb8;
	[tilespmem:$0x18800] =	vst v63  }
0x2eb: {  	s13 =	simm.s32 $0xB00;
	s19 =	simm.s32 $0x5000  }
0x2ec: {  	[tilespmem:s19], [sflag:$0x1] =	stream.indirect.gather [hbm4b:s4+s16], $0x8, s13, s16, $0xb8;
	[tilespmem:$0x18800] =	vst v63  }
0x2ed: {  	s21 =	simm.s32 $0xF00;
	s25 =	simm.s32 $0x7000  }
0x2ee: {  	[tilespmem:s25], [sflag:$0x1] =	stream.indirect.gather [hbm4b:s4+s16], $0x8, s21, s16, $0xb8;
	[tilespmem:$0x18800] =	vst v63  }
0x2ef: {  	s5 =	simm.s32 $0x1300;
	s6 =	simm.s32 $0x9000  }
0x2f0: {  	[tilespmem:s6], [sflag:$0x1] =	stream.indirect.gather [hbm4b:s4+s16], $0x8, s5, s16, $0xb8;
	[tilespmem:$0x18800] =	vst v63  }
0x2f1: {  	s7 =	simm.s32 $0x1700;
	s8 =	simm.s32 $0xB000  }
0x2f2: {  	[tilespmem:s8], [sflag:$0x1] =	stream.indirect.gather [hbm4b:s4+s16], $0x8, s7, s16, $0xb8;
	[tilespmem:$0x18800] =	vst v63  }
0x2f3: {  	s9 =	simm.s32 $0xB80;
	s10 =	simm.s32 $0x5400  }
0x2f4: {  	[tilespmem:s10], [sflag:$0x1] =	stream.indirect.gather [hbm4b:s4+s16], $0x8, s9, s16, $0xb8;
	[tilespmem:$0x18800] =	vst v63  }
0x2f5: {  	s11 =	simm.s32 $0xF80;
	s12 =	simm.s32 $0x7400  }
0x2f6: {  	[tilespmem:s12], [sflag:$0x1] =	stream.indirect.gather [hbm4b:s4+s16], $0x8, s11, s16, $0xb8;
	[tilespmem:$0x18800] =	vst v63  }
0x2f7: {  	s13 =	simm.s32 $0x1380;
	s19 =	simm.s32 $0x9400  }
0x2f8: {  	[tilespmem:s19], [sflag:$0x1] =	stream.indirect.gather [hbm4b:s4+s16], $0x8, s13, s16, $0xb8;
	[tilespmem:$0x18800] =	vst v63  }
0x2f9: {  	s21 =	simm.s32 $0x1780;
	s25 =	simm.s32 $0xB400  }
0x2fa: {  	[tilespmem:s25], [sflag:$0x1] =	stream.indirect.gather [hbm4b:s4+s16], $0x8, s21, s16, $0xb8;
	[tilespmem:$0x18800] =	vst v63  }
0x2fb: {  	_ =	swait.ge [sflag:s23], $0x400  }
0x2fc: {  	[sflag:s23] =	ssyncset.done $0x0  }
0x2fd: {  	[sflag:s23] =	ssyncadd.s32 $0xFFFFFC00  }
0x2fe: {  	_ =	swait.ge [sflag:s23], $0x400  }
0x2ff: {  	[sflag:s23] =	ssyncset.done $0x0  }
0x300: {  	[sflag:s23] =	ssyncadd.s32 $0xFFFFFC00  }
0x301: {  	_ =	swait.ge [sflag:s23], $0x400  }
0x302: {  	[sflag:s23] =	ssyncset.done $0x0  }
0x303: {  	[sflag:s23] =	ssyncadd.s32 $0xFFFFFC00  }
0x304: {  	_ =	swait.ge [sflag:s23], $0x400  }
0x305: {  	[sflag:s23] =	ssyncset.done $0x0  }
0x306: {  	[sflag:s23] =	ssyncadd.s32 $0xFFFFFC00  }
0x307: {  	_ =	swait.ge [sflag:s23], $0x400  }
0x308: {  	[sflag:s23] =	ssyncset.done $0x0  }
0x309: {  	[sflag:s23] =	ssyncadd.s32 $0xFFFFFC00  }
0x30a: {  	_ =	swait.ge [sflag:s23], $0x400  }
0x30b: {  	[sflag:s23] =	ssyncset.done $0x0  }
0x30c: {  	[sflag:s23] =	ssyncadd.s32 $0xFFFFFC00  }
0x30d: {  	_ =	swait.ge [sflag:s23], $0x400  }
0x30e: {  	[sflag:s23] =	ssyncset.done $0x0  }
0x30f: {  	[sflag:s23] =	ssyncadd.s32 $0xFFFFFC00  }
0x310: {  	_ =	swait.ge [sflag:s23], $0x400  }
0x311: {  	[sflag:s23] =	ssyncset.done $0x0  }
0x312: {  	[sflag:s23] =	ssyncadd.s32 $0xFFFFFC00  }
0x313: {  	_ =	swait.ge [sflag:s23], $0x400  }
0x314: {  	[sflag:s23] =	ssyncset.done $0x0  }
0x315: {  	[sflag:s23] =	ssyncadd.s32 $0xFFFFFC00  }
0x316: {  	_ =	swait.ge [sflag:s23], $0x400  }
0x317: {  	[sflag:s23] =	ssyncset.done $0x0  }
0x318: {  	[sflag:s23] =	ssyncadd.s32 $0xFFFFFC00  }
0x319: {  	_ =	swait.ge [sflag:s23], $0x400  }
0x31a: {  	[sflag:s23] =	ssyncset.done $0x0  }
0x31b: {  	[sflag:s23] =	ssyncadd.s32 $0xFFFFFC00  }
0x31c: {  	_ =	swait.ge [sflag:s23], $0x400  }
0x31d: {  	[sflag:s23] =	ssyncset.done $0x0  }
0x31e: {  	[sflag:s23] =	ssyncadd.s32 $0xFFFFFC00  }
0x31f: {  	_ =	swait.ge [sflag:s23], $0x400  }
0x320: {  	[sflag:s23] =	ssyncset.done $0x0  }
0x321: {  	[sflag:s23] =	ssyncadd.s32 $0xFFFFFC00  }
0x322: {  	_ =	swait.ge [sflag:s23], $0x400  }
0x323: {  	[sflag:s23] =	ssyncset.done $0x0  }
0x324: {  	[sflag:s23] =	ssyncadd.s32 $0xFFFFFC00  }
0x325: {  	_ =	swait.ge [sflag:s23], $0x400  }
0x326: {  	[sflag:s23] =	ssyncset.done $0x0  }
0x327: {  	[sflag:s23] =	ssyncadd.s32 $0xFFFFFC00  }
0x328: {  	_ =	swait.ge [sflag:s23], $0x400  }
0x329: {  	[sflag:s23] =	ssyncset.done $0x0  }
0x32a: {  	[sflag:s23] =	ssyncadd.s32 $0xFFFFFC00  }
0x32b: {  	_ =	swait.ge [sflag:s23], $0x400  }
0x32c: {  	[sflag:s23] =	ssyncset.done $0x0  }
0x32d: {  	[sflag:s23] =	ssyncadd.s32 $0xFFFFFC00  }
0x32e: {  	_ =	swait.ge [sflag:s23], $0x400  }
0x32f: {  	[sflag:s23] =	ssyncset.done $0x0  }
0x330: {  	[sflag:s23] =	ssyncadd.s32 $0xFFFFFC00  }
0x331: {  	_ =	swait.ge [sflag:s23], $0x400  }
0x332: {  	[sflag:s23] =	ssyncset.done $0x0  }
0x333: {  	[sflag:s23] =	ssyncadd.s32 $0xFFFFFC00  }
0x334: {  	_ =	swait.ge [sflag:s23], $0x400  }
0x335: {  	[sflag:s23] =	ssyncset.done $0x0  }
0x336: {  	[sflag:s23] =	ssyncadd.s32 $0xFFFFFC00  }
0x337: {  	_ =	swait.ge [sflag:s23], $0x400  }
0x338: {  	[sflag:s23] =	ssyncset.done $0x0  }
0x339: {  	[sflag:s23] =	ssyncadd.s32 $0xFFFFFC00  }
0x33a: {  	_ =	swait.ge [sflag:s23], $0x400  }
0x33b: {  	[sflag:s23] =	ssyncset.done $0x0  }
0x33c: {  	[sflag:s23] =	ssyncadd.s32 $0xFFFFFC00  }
0x33d: {  	_ =	swait.ge [sflag:s23], $0x400  }
0x33e: {  	[sflag:s23] =	ssyncset.done $0x0  }
0x33f: {  	[sflag:s23] =	ssyncadd.s32 $0xFFFFFC00  }
0x340: {  	_ =	swait.ge [sflag:s23], $0x400  }
0x341: {  	[sflag:s23] =	ssyncset.done $0x0  }
0x342: {  	[sflag:s23] =	ssyncadd.s32 $0xFFFFFC00  }
0x343: {  	_ =	swait.ge [sflag:s23], $0x400  }
0x344: {  	[sflag:s23] =	ssyncset.done $0x0  }
0x345: {  	[sflag:s23] =	ssyncadd.s32 $0xFFFFFC00  }
0x346: {  	_ =	swait.ge [sflag:s23], $0x400  }
0x347: {  	[sflag:s23] =	ssyncset.done $0x0  }
0x348: {  	[sflag:s23] =	ssyncadd.s32 $0xFFFFFC00  }
0x349: {  	_ =	swait.ge [sflag:s23], $0x400  }
0x34a: {  	[sflag:s23] =	ssyncset.done $0x0  }
0x34b: {  	[sflag:s23] =	ssyncadd.s32 $0xFFFFFC00  }
0x34c: {  	_ =	swait.ge [sflag:s23], $0x400  }
0x34d: {  	[sflag:s23] =	ssyncset.done $0x0  }
0x34e: {  	[sflag:s23] =	ssyncadd.s32 $0xFFFFFC00  }
0x34f: {  	_ =	swait.ge [sflag:s23], $0x400  }
0x350: {  	[sflag:s23] =	ssyncset.done $0x0  }
0x351: {  	[sflag:s23] =	ssyncadd.s32 $0xFFFFFC00  }
0x352: {  	_ =	swait.ge [sflag:s23], $0x400  }
0x353: {  	s12 =	simm.s32 $0x0;
	[sflag:s23] =	ssyncset.done $0x0  }
0x354: {  	v13 =	vmov s12;
	[sflag:s23] =	ssyncadd.s32 $0xFFFFFC00  }
0x355: {  	v13 =	vshll.u32 v13, $0x3;
	_ =	swait.ge [sflag:s23], $0x400  }
0x356: {  	v13 =	vor.u32 v1, v13;
	[sflag:s23] =	ssyncset.done $0x0  }
0x357: {  	v17 =	vor.u32 $0x7, v13;
	[sflag:s23] =	ssyncadd.s32 $0xFFFFFC00  }
0x358: {  	_ =	swait.ge [sflag:s23], $0x400  }
0x359: {  	[sflag:s23] =	ssyncset.done $0x0  }
0x35a: {  	s5 =	simm.s32 $0x3000;
	[sflag:s23] =	ssyncadd.s32 $0xFFFFFC00  }
0x35b: {  	v15 =	vld [tilespmem:s5+$0x0]  }
0x35c: {  	s13 =	simm.s32 $0x3400;
	v18 =	vld.idx.msk [tilespmem:v17+s29+$0x0], $0xffff  }
0x35d: {  	v14 =	vld [tilespmem:s13+$0x0]  }
0x35e: {  	v19 =	vld.idx.msk [tilespmem:v17+s28+$0x0], $0xffff  }
0x35f: {  	v20 =	vld.idx.msk [tilespmem:v17+s30+$0x0], $0xffff;
	_ =	sdelay $0x1  }
0x360: {  	v16 =	vsub.f32 $1.000000000e+00, v15  }
0x361: {  	v21 =	vld.idx.msk [tilespmem:v17+s31+$0x0], $0xffff  }
0x362: {  	v22 =	vmul.f32 v18, v15;
	v17 =	vsub.f32 $1.000000000e+00, v14;
	v23 =	vmul.f32 v19, v16  }
0x363: {  	v24 =	vmul.f32 v20, v16  }
0x364: {  	v22 =	vmul.f32 v22, v17;
	v23 =	vmul.f32 v23, v17;
	_ =	sdelay $0x1  }
0x365: {  	v24 =	vmul.f32 v24, v14;
	v22 =	vadd.f32 v22, v23;
	v23 =	vmul.f32 v21, v15  }
0x366: {  	s2 =	simm.s32 $0x17800  }
0x367: {  	s6 =	simm.s32 $0x17C00;
	[tilespmem:s2+$0x0] =	vst v19;
	v19 =	vadd.f32 v24, v22;
	v22 =	vmul.f32 v23, v14;
	v23 =	vor.u32 s12, v4  }
0x368: {  	s7 =	simm.s32 $0x18000;
	[tilespmem:s6+$0x0] =	vst v18  }
0x369: {  	s8 =	simm.s32 $0x18400;
	[tilespmem:s7+$0x0] =	vst v20;
	v18 =	vadd.f32 v22, v19  }
0x36a: {  	s9 =	simm.s32 $0x17400;
	[tilespmem:s8+$0x0] =	vst v21  }
0x36b: {  	[tilespmem:s9+$0x0] =	vst v18  }
0x36c: {  	[tilespmem:v23+s14+$0x0] =	vst.idx.msk $0xffff, v18  }
0x36d: {  	v19 =	vld.idx.msk [tilespmem:v13+s28+$0x0], $0xffff  }
0x36e: {  	v20 =	vld.idx.msk [tilespmem:v13+s29+$0x0], $0xffff  }
0x36f: {  	v21 =	vld.idx.msk [tilespmem:v13+s30+$0x0], $0xffff;
	_ =	sdelay $0x2  }
0x370: {  	v18 =	vadd.f32 $9.999999740e-06, v18  }
0x371: {  	v22 =	vld.idx.msk [tilespmem:v13+s31+$0x0], $0xffff;
	v19 =	vmul.f32 v19, v16;
	v20 =	vmul.f32 v20, v15  }
0x372: {  	(erf) = vrcp.f32 v18;
	v18 =	vmul.f32 v21, v16  }
0x373: {  	v19 =	vmul.f32 v19, v17;
	v20 =	vmul.f32 v20, v17;
	_ =	sdelay $0x1  }
0x374: {  	v18 =	vmul.f32 v18, v14;
	v19 =	vadd.f32 v20, v19  }
0x375: {  	s10 =	simm.s32 $0x0;
	v20 =	vmul.f32 v22, v15  }
0x376: {  	v22 =	vadd.s32 s10, v5;
	v18 =	vadd.f32 v18, v19  }
0x377: {  	v21 =	vor.u32 s12, v1;
	v19 =	vmul.f32 v20, v14;
	v20 =	vand.u32 $0x3FF8, v22  }
0x378: {  	v20 =	vor.u32 v6, v20  }
0x379: {  	v22 =	vor.u32 $0x1, v13;
	v19 =	vadd.f32 v19, v18  }
0x37a: {  	v18 =	vpop (erf)  }
0x37b: {  	v23 =	vmul.f32 v19, v18  }
0x37c: {  	[tilespmem:v21+s14+$0x0] =	vst.idx.msk $0xffff, v19  }
0x37d: {  	[tilespmem:v20+s17+$0x0] =	vst.idx.msk $0xffff, v23  }
0x37e: {  	v19 =	vld.idx.msk [tilespmem:v22+s28+$0x0], $0xffff  }
0x37f: {  	v20 =	vld.idx.msk [tilespmem:v22+s29+$0x0], $0xffff  }
0x380: {  	v21 =	vld.idx.msk [tilespmem:v22+s30+$0x0], $0xffff;
	_ =	sdelay $0x2  }
0x381: {  	v22 =	vld.idx.msk [tilespmem:v22+s31+$0x0], $0xffff  }
0x382: {  	v19 =	vmul.f32 v19, v16;
	v20 =	vmul.f32 v20, v15  }
0x383: {  	v21 =	vmul.f32 v21, v16  }
0x384: {  	v19 =	vmul.f32 v19, v17;
	v20 =	vmul.f32 v20, v17;
	_ =	sdelay $0x1  }
0x385: {  	v19 =	vadd.f32 v20, v19;
	v20 =	vmul.f32 v21, v14;
	v21 =	vmul.f32 v22, v15;
	_ =	sdelay $0x1  }
0x386: {  	s11 =	simm.s32 $0x1;
	v22 =	vor.u32 s12, v7;
	v19 =	vadd.f32 v20, v19;
	v20 =	vmul.f32 v21, v14  }
0x387: {  	v21 =	vadd.s32 s11, v5  }
0x388: {  	v19 =	vadd.f32 v20, v19;
	v20 =	vor.u32 $0x2, v13;
	_ =	sdelay $0x1  }
0x389: {  	v23 =	vmul.f32 v19, v18  }
0x38a: {  	[tilespmem:v22+s14+$0x0] =	vst.idx.msk $0xffff, v19  }
0x38b: {  	[tilespmem:v21+s17+$0x0] =	vst.idx.msk $0xffff, v23  }
0x38c: {  	v19 =	vld.idx.msk [tilespmem:v20+s28+$0x0], $0xffff  }
0x38d: {  	v21 =	vld.idx.msk [tilespmem:v20+s29+$0x0], $0xffff  }
0x38e: {  	v22 =	vld.idx.msk [tilespmem:v20+s30+$0x0], $0xffff;
	_ =	sdelay $0x2  }
0x38f: {  	v20 =	vld.idx.msk [tilespmem:v20+s31+$0x0], $0xffff  }
0x390: {  	v19 =	vmul.f32 v19, v16;
	v21 =	vmul.f32 v21, v15  }
0x391: {  	v22 =	vmul.f32 v22, v16  }
0x392: {  	v19 =	vmul.f32 v19, v17;
	v21 =	vmul.f32 v21, v17;
	_ =	sdelay $0x1  }
0x393: {  	v20 =	vmul.f32 v20, v15;
	v22 =	vmul.f32 v22, v14;
	v19 =	vadd.f32 v21, v19;
	_ =	sdelay $0x1  }
0x394: {  	s19 =	simm.s32 $0x2;
	v20 =	vmul.f32 v20, v14;
	v21 =	vor.u32 s12, v8;
	v19 =	vadd.f32 v22, v19  }
0x395: {  	v22 =	vadd.s32 s19, v5  }
0x396: {  	v19 =	vadd.f32 v20, v19;
	v20 =	vor.u32 $0x3, v13;
	_ =	sdelay $0x1  }
0x397: {  	v23 =	vmul.f32 v19, v18  }
0x398: {  	[tilespmem:v21+s14+$0x0] =	vst.idx.msk $0xffff, v19  }
0x399: {  	[tilespmem:v22+s17+$0x0] =	vst.idx.msk $0xffff, v23  }
0x39a: {  	v19 =	vld.idx.msk [tilespmem:v20+s28+$0x0], $0xffff  }
0x39b: {  	v21 =	vld.idx.msk [tilespmem:v20+s29+$0x0], $0xffff  }
0x39c: {  	v22 =	vld.idx.msk [tilespmem:v20+s30+$0x0], $0xffff;
	_ =	sdelay $0x2  }
0x39d: {  	v20 =	vld.idx.msk [tilespmem:v20+s31+$0x0], $0xffff  }
0x39e: {  	v19 =	vmul.f32 v19, v16;
	v21 =	vmul.f32 v21, v15  }
0x39f: {  	v22 =	vmul.f32 v22, v16  }
0x3a0: {  	v19 =	vmul.f32 v19, v17;
	v21 =	vmul.f32 v21, v17;
	_ =	sdelay $0x1  }
0x3a1: {  	v20 =	vmul.f32 v20, v15;
	v22 =	vmul.f32 v22, v14;
	v19 =	vadd.f32 v21, v19;
	_ =	sdelay $0x1  }
0x3a2: {  	s21 =	simm.s32 $0x3;
	v20 =	vmul.f32 v20, v14;
	v21 =	vor.u32 s12, v9;
	v19 =	vadd.f32 v22, v19  }
0x3a3: {  	v22 =	vadd.s32 s21, v5  }
0x3a4: {  	v19 =	vadd.f32 v20, v19;
	v20 =	vor.u32 $0x4, v13;
	_ =	sdelay $0x1  }
0x3a5: {  	v23 =	vmul.f32 v19, v18  }
0x3a6: {  	[tilespmem:v21+s14+$0x0] =	vst.idx.msk $0xffff, v19  }
0x3a7: {  	[tilespmem:v22+s17+$0x0] =	vst.idx.msk $0xffff, v23  }
0x3a8: {  	v19 =	vld.idx.msk [tilespmem:v20+s28+$0x0], $0xffff  }
0x3a9: {  	v21 =	vld.idx.msk [tilespmem:v20+s29+$0x0], $0xffff  }
0x3aa: {  	v22 =	vld.idx.msk [tilespmem:v20+s30+$0x0], $0xffff;
	_ =	sdelay $0x2  }
0x3ab: {  	v20 =	vld.idx.msk [tilespmem:v20+s31+$0x0], $0xffff  }
0x3ac: {  	v19 =	vmul.f32 v19, v16;
	v21 =	vmul.f32 v21, v15  }
0x3ad: {  	v22 =	vmul.f32 v22, v16  }
0x3ae: {  	v19 =	vmul.f32 v19, v17;
	v21 =	vmul.f32 v21, v17;
	_ =	sdelay $0x1  }
0x3af: {  	v20 =	vmul.f32 v20, v15;
	v22 =	vmul.f32 v22, v14;
	v19 =	vadd.f32 v21, v19;
	_ =	sdelay $0x1  }
0x3b0: {  	s25 =	simm.s32 $0x4;
	v20 =	vmul.f32 v20, v14;
	v21 =	vor.u32 s12, v10;
	v19 =	vadd.f32 v22, v19  }
0x3b1: {  	v22 =	vadd.s32 s25, v5  }
0x3b2: {  	v19 =	vadd.f32 v20, v19;
	v20 =	vor.u32 $0x5, v13;
	_ =	sdelay $0x1  }
0x3b3: {  	v23 =	vmul.f32 v19, v18  }
0x3b4: {  	[tilespmem:v21+s14+$0x0] =	vst.idx.msk $0xffff, v19  }
0x3b5: {  	[tilespmem:v22+s17+$0x0] =	vst.idx.msk $0xffff, v23  }
0x3b6: {  	v21 =	vld.idx.msk [tilespmem:v20+s28+$0x0], $0xffff  }
0x3b7: {  	s1 =	simm.s32 $0x18410;
	s7 =	simm.s32 $0x17410;
	s8 =	simm.s32 $0x10;
	v22 =	vld.idx.msk [tilespmem:v20+s29+$0x0], $0xffff  }
0x3b8: {  	s9 =	simm.s32 $0x17810;
	s10 =	simm.s32 $0x17C10;
	s11 =	simm.s32 $0x18010;
	v19 =	vld.idx.msk [tilespmem:v20+s30+$0x0], $0xffff  }
0x3b9: {  	s19 =	simm.s32 $0x6;
	s21 =	simm.s32 $0x0;
	s25 =	simm.s32 $0x76;
	v20 =	vld.idx.msk [tilespmem:v20+s31+$0x0], $0xffff  }
.LBB2_11:
0x3ba: {  	s12 =	sadd.s32 $0x80, s12;
	s5 =	sadd.s32 $0x10, s5;
	s13 =	sadd.s32 $0x10, s13  }
0x3bb: {  	p0 =	sne.s32 s25, $0x1B96;
	v21 =	vmul.f32 v21, v16;
	s6 =	smov.u32 s25;
	s25 =	sadd.s32 $0x70, s25  }
0x3bc: {  	v22 =	vmul.f32 v22, v15  }
0x3bd: {  	v23 =	vmov s8;
	v21 =	vmul.f32 v21, v17;
	v19 =	vmul.f32 v19, v16  }
0x3be: {  	v23 =	vshll.u32 v23, $0x3;
	v22 =	vmul.f32 v22, v17;
	v20 =	vmul.f32 v20, v15  }
0x3bf: {  	v23 =	vor.u32 v1, v23;
	v19 =	vmul.f32 v19, v14  }
0x3c0: {  	v24 =	vor.u32 $0x7, v23;
	v21 =	vadd.f32 v22, v21;
	v20 =	vmul.f32 v20, v14  }
0x3c1: {  	v22 =	vor.u32 s21, v11  }
0x3c2: {  	s2 =	sadd.s32 $0xFFFFFFFF, s19;
	v19 =	vadd.f32 v19, v21  }
0x3c3: {  	v21 =	vadd.s32 s2, v5  }
0x3c4: {  	v19 =	vadd.f32 v20, v19;
	v20 =	vor.u32 $0x6, v13;
	v13 =	vmov v23;
	_ =	sdelay $0x1  }
0x3c5: {  	[tilespmem:v22+s14+$0x0] =	vst.idx.msk $0xffff, v19;
	v19 =	vmul.f32 v19, v18;
	_ =	sdelay $0x1  }
0x3c6: {  	[tilespmem:v21+s17+$0x0] =	vst.idx.msk $0xffff, v19  }
0x3c7: {  	v19 =	vld.idx.msk [tilespmem:v20+s28+$0x0], $0xffff  }
0x3c8: {  	v21 =	vld.idx.msk [tilespmem:v20+s29+$0x0], $0xffff  }
0x3c9: {  	v22 =	vld.idx.msk [tilespmem:v20+s30+$0x0], $0xffff  }
0x3ca: {  	v20 =	vld.idx.msk [tilespmem:v20+s31+$0x0], $0xffff;
	_ =	sdelay $0x2  }
0x3cb: {  	v19 =	vmul.f32 v19, v16  }
0x3cc: {  	v21 =	vmul.f32 v21, v15  }
0x3cd: {  	v19 =	vmul.f32 v19, v17;
	v16 =	vmul.f32 v22, v16  }
0x3ce: {  	v17 =	vmul.f32 v21, v17;
	v15 =	vmul.f32 v20, v15  }
0x3cf: {  	v16 =	vmul.f32 v16, v14  }
0x3d0: {  	v17 =	vadd.f32 v17, v19;
	v14 =	vmul.f32 v15, v14  }
0x3d1: {  	v15 =	vor.u32 s21, v12;
	s21 =	smov.u32 s12  }
0x3d2: {  	v16 =	vadd.f32 v16, v17  }
0x3d3: {  	v17 =	vadd.s32 s19, v5;
	s19 =	smov.u32 s6  }
0x3d4: {  	v14 =	vadd.f32 v14, v16;
	_ =	sdelay $0x1  }
0x3d5: {  	[tilespmem:v15+s14+$0x0] =	vst.idx.msk $0xffff, v14;
	v14 =	vmul.f32 v14, v18;
	_ =	sdelay $0x1  }
0x3d6: {  	[tilespmem:v17+s17+$0x0] =	vst.idx.msk $0xffff, v14  }
0x3d7: {  	v15 =	vld [tilespmem:s5+$0x0]  }
0x3d8: {  	v18 =	vld.idx.msk [tilespmem:v24+s29+$0x0], $0xffff  }
0x3d9: {  	v14 =	vld [tilespmem:s13+$0x0]  }
0x3da: {  	v19 =	vld.idx.msk [tilespmem:v24+s28+$0x0], $0xffff  }
0x3db: {  	v20 =	vld.idx.msk [tilespmem:v24+s30+$0x0], $0xffff;
	_ =	sdelay $0x2  }
0x3dc: {  	v16 =	vsub.f32 $1.000000000e+00, v15;
	v22 =	vmul.f32 v18, v15;
	v21 =	vld.idx.msk [tilespmem:v24+s31+$0x0], $0xffff;
	_ =	sdelay $0x1  }
0x3dd: {  	v17 =	vsub.f32 $1.000000000e+00, v14;
	v23 =	vmul.f32 v19, v16  }
0x3de: {  	v24 =	vmul.f32 v20, v16  }
0x3df: {  	v22 =	vmul.f32 v22, v17;
	v23 =	vmul.f32 v23, v17  }
0x3e0: {  	v24 =	vmul.f32 v24, v14  }
0x3e1: {  	v22 =	vadd.f32 v22, v23;
	v23 =	vmul.f32 v21, v15;
	_ =	sdelay $0x1  }
0x3e2: {  	[tilespmem:s9+$0x0] =	vst v19;
	v19 =	vadd.f32 v24, v22;
	v22 =	vmul.f32 v23, v14;
	v23 =	vor.u32 s12, v4  }
0x3e3: {  	[tilespmem:s10+$0x0] =	vst v18  }
0x3e4: {  	[tilespmem:s11+$0x0] =	vst v20;
	v18 =	vadd.f32 v22, v19  }
0x3e5: {  	[tilespmem:s1+$0x0] =	vst v21  }
0x3e6: {  	v19 =	vadd.f32 $9.999999740e-06, v18;
	[tilespmem:s7+$0x0] =	vst v18  }
0x3e7: {  	[tilespmem:v23+s14+$0x0] =	vst.idx.msk $0xffff, v18  }
0x3e8: {  	v18 =	vld.idx.msk [tilespmem:v13+s28+$0x0], $0xffff  }
0x3e9: {  	v20 =	vld.idx.msk [tilespmem:v13+s29+$0x0], $0xffff  }
0x3ea: {  	v21 =	vld.idx.msk [tilespmem:v13+s30+$0x0], $0xffff;
	_ =	sdelay $0x2  }
0x3eb: {  	v22 =	vld.idx.msk [tilespmem:v13+s31+$0x0], $0xffff  }
0x3ec: {  	v18 =	vmul.f32 v18, v16  }
0x3ed: {  	v20 =	vmul.f32 v20, v15;
	(erf) = vrcp.f32 v19  }
0x3ee: {  	v19 =	vmul.f32 v21, v16  }
0x3ef: {  	v18 =	vmul.f32 v18, v17;
	v20 =	vmul.f32 v20, v17  }
0x3f0: {  	v19 =	vmul.f32 v19, v14  }
0x3f1: {  	s2 =	sadd.s32 $0xFFFFFFFA, s19;
	v18 =	vadd.f32 v20, v18;
	v20 =	vmul.f32 v22, v15  }
0x3f2: {  	v21 =	vor.u32 s12, v1;
	v22 =	vadd.s32 s2, v5  }
0x3f3: {  	v23 =	vadd.f32 v19, v18;
	v19 =	vmul.f32 v20, v14;
	v20 =	vand.u32 $0x3FF8, v22  }
0x3f4: {  	v20 =	vor.u32 v6, v20  }
0x3f5: {  	v22 =	vor.u32 $0x1, v13;
	v19 =	vadd.f32 v19, v23  }
0x3f6: {  	v18 =	vpop (erf)  }
0x3f7: {  	[tilespmem:v21+s14+$0x0] =	vst.idx.msk $0xffff, v19;
	v19 =	vmul.f32 v19, v18;
	_ =	sdelay $0x1  }
0x3f8: {  	[tilespmem:v20+s17+$0x0] =	vst.idx.msk $0xffff, v19  }
0x3f9: {  	v19 =	vld.idx.msk [tilespmem:v22+s28+$0x0], $0xffff  }
0x3fa: {  	v20 =	vld.idx.msk [tilespmem:v22+s29+$0x0], $0xffff;
	_ =	sdelay $0x1  }
0x3fb: {  	v21 =	vld.idx.msk [tilespmem:v22+s30+$0x0], $0xffff;
	_ =	sdelay $0x1  }
0x3fc: {  	v22 =	vld.idx.msk [tilespmem:v22+s31+$0x0], $0xffff  }
0x3fd: {  	v19 =	vmul.f32 v19, v16  }
0x3fe: {  	v20 =	vmul.f32 v20, v15  }
0x3ff: {  	v19 =	vmul.f32 v19, v17  }
0x400: {  	v20 =	vmul.f32 v20, v17;
	v21 =	vmul.f32 v21, v16;
	_ =	sdelay $0x1  }
0x401: {  	v19 =	vadd.f32 v20, v19;
	v20 =	vmul.f32 v21, v14;
	v21 =	vmul.f32 v22, v15  }
0x402: {  	v22 =	vor.u32 s12, v7  }
0x403: {  	s2 =	sadd.s32 $0xFFFFFFFB, s19;
	v19 =	vadd.f32 v20, v19;
	v20 =	vmul.f32 v21, v14  }
0x404: {  	v21 =	vadd.s32 s2, v5  }
0x405: {  	v19 =	vadd.f32 v20, v19;
	v20 =	vor.u32 $0x2, v13;
	_ =	sdelay $0x1  }
0x406: {  	[tilespmem:v22+s14+$0x0] =	vst.idx.msk $0xffff, v19;
	v19 =	vmul.f32 v19, v18;
	_ =	sdelay $0x1  }
0x407: {  	[tilespmem:v21+s17+$0x0] =	vst.idx.msk $0xffff, v19  }
0x408: {  	v19 =	vld.idx.msk [tilespmem:v20+s28+$0x0], $0xffff  }
0x409: {  	v21 =	vld.idx.msk [tilespmem:v20+s29+$0x0], $0xffff  }
0x40a: {  	v22 =	vld.idx.msk [tilespmem:v20+s30+$0x0], $0xffff;
	_ =	sdelay $0x2  }
0x40b: {  	v20 =	vld.idx.msk [tilespmem:v20+s31+$0x0], $0xffff  }
0x40c: {  	v19 =	vmul.f32 v19, v16  }
0x40d: {  	v21 =	vmul.f32 v21, v15  }
0x40e: {  	v19 =	vmul.f32 v19, v17;
	v22 =	vmul.f32 v22, v16  }
0x40f: {  	v21 =	vmul.f32 v21, v17  }
0x410: {  	v22 =	vmul.f32 v22, v14  }
0x411: {  	v19 =	vadd.f32 v21, v19;
	v20 =	vmul.f32 v20, v15  }
0x412: {  	v21 =	vor.u32 s12, v8  }
0x413: {  	s2 =	sadd.s32 $0xFFFFFFFC, s19;
	v19 =	vadd.f32 v22, v19;
	v20 =	vmul.f32 v20, v14  }
0x414: {  	v22 =	vadd.s32 s2, v5  }
0x415: {  	v19 =	vadd.f32 v20, v19;
	v20 =	vor.u32 $0x3, v13;
	_ =	sdelay $0x1  }
0x416: {  	[tilespmem:v21+s14+$0x0] =	vst.idx.msk $0xffff, v19;
	v19 =	vmul.f32 v19, v18;
	_ =	sdelay $0x1  }
0x417: {  	[tilespmem:v22+s17+$0x0] =	vst.idx.msk $0xffff, v19  }
0x418: {  	v19 =	vld.idx.msk [tilespmem:v20+s28+$0x0], $0xffff  }
0x419: {  	v21 =	vld.idx.msk [tilespmem:v20+s29+$0x0], $0xffff  }
0x41a: {  	v22 =	vld.idx.msk [tilespmem:v20+s30+$0x0], $0xffff;
	_ =	sdelay $0x2  }
0x41b: {  	v20 =	vld.idx.msk [tilespmem:v20+s31+$0x0], $0xffff  }
0x41c: {  	v19 =	vmul.f32 v19, v16  }
0x41d: {  	v21 =	vmul.f32 v21, v15  }
0x41e: {  	v19 =	vmul.f32 v19, v17;
	v22 =	vmul.f32 v22, v16  }
0x41f: {  	v21 =	vmul.f32 v21, v17  }
0x420: {  	v22 =	vmul.f32 v22, v14  }
0x421: {  	v19 =	vadd.f32 v21, v19;
	v20 =	vmul.f32 v20, v15  }
0x422: {  	v21 =	vor.u32 s12, v9  }
0x423: {  	s2 =	sadd.s32 $0xFFFFFFFD, s19;
	v19 =	vadd.f32 v22, v19;
	v20 =	vmul.f32 v20, v14  }
0x424: {  	v22 =	vadd.s32 s2, v5  }
0x425: {  	v19 =	vadd.f32 v20, v19;
	v20 =	vor.u32 $0x4, v13;
	_ =	sdelay $0x1  }
0x426: {  	[tilespmem:v21+s14+$0x0] =	vst.idx.msk $0xffff, v19;
	v19 =	vmul.f32 v19, v18;
	_ =	sdelay $0x1  }
0x427: {  	[tilespmem:v22+s17+$0x0] =	vst.idx.msk $0xffff, v19  }
0x428: {  	v19 =	vld.idx.msk [tilespmem:v20+s28+$0x0], $0xffff  }
0x429: {  	v21 =	vld.idx.msk [tilespmem:v20+s29+$0x0], $0xffff  }
0x42a: {  	v22 =	vld.idx.msk [tilespmem:v20+s30+$0x0], $0xffff  }
0x42b: {  	v20 =	vld.idx.msk [tilespmem:v20+s31+$0x0], $0xffff;
	_ =	sdelay $0x2  }
0x42c: {  	v19 =	vmul.f32 v19, v16  }
0x42d: {  	v21 =	vmul.f32 v21, v15  }
0x42e: {  	v19 =	vmul.f32 v19, v17;
	v22 =	vmul.f32 v22, v16  }
0x42f: {  	v21 =	vmul.f32 v21, v17;
	v20 =	vmul.f32 v20, v15  }
0x430: {  	v22 =	vmul.f32 v22, v14  }
0x431: {  	v19 =	vadd.f32 v21, v19;
	v20 =	vmul.f32 v20, v14  }
0x432: {  	v21 =	vor.u32 s12, v10  }
0x433: {  	s2 =	sadd.s32 $0xFFFFFFFE, s19;
	v19 =	vadd.f32 v22, v19  }
0x434: {  	v22 =	vadd.s32 s2, v5  }
0x435: {  	v19 =	vadd.f32 v20, v19;
	v20 =	vor.u32 $0x5, v13;
	_ =	sdelay $0x1  }
0x436: {  	[tilespmem:v21+s14+$0x0] =	vst.idx.msk $0xffff, v19;
	v19 =	vmul.f32 v19, v18;
	_ =	sdelay $0x1  }
0x437: {  	[tilespmem:v22+s17+$0x0] =	vst.idx.msk $0xffff, v19  }
.Ltmp4:
0x438: {  	v21 =	vld.idx.msk [tilespmem:v20+s28+$0x0], $0xffff;
	(pc) =	sbr.rel @p0 .LBB2_11-.Ltmp4, $4  }
0x439: {  	v22 =	vld.idx.msk [tilespmem:v20+s29+$0x0], $0xffff  }
0x43a: {  	v19 =	vld.idx.msk [tilespmem:v20+s30+$0x0], $0xffff  }
0x43b: {  	s8 =	sadd.s32 $0x10, s8;
	s1 =	sadd.s32 $0x10, s1;
	s7 =	sadd.s32 $0x10, s7;
	v20 =	vld.idx.msk [tilespmem:v20+s31+$0x0], $0xffff  }
0x43c: {  	s9 =	sadd.s32 $0x10, s9;
	s10 =	sadd.s32 $0x10, s10;
	s11 =	sadd.s32 $0x10, s11  }
0x43d: {  	v21 =	vmul.f32 v21, v16  }
0x43e: {  	v22 =	vmul.f32 v22, v15  }
0x43f: {  	v21 =	vmul.f32 v21, v17  }
0x440: {  	v19 =	vmul.f32 v19, v16;
	v22 =	vmul.f32 v22, v17;
	_ =	sdelay $0x1  }
0x441: {  	v20 =	vmul.f32 v20, v15;
	v19 =	vmul.f32 v19, v14;
	v21 =	vadd.f32 v22, v21;
	_ =	sdelay $0x1  }
0x442: {  	v58 =	vor.u32 s21, v11;
	s1 =	sadd.s32 $0xFFFFFFFF, s19;
	v20 =	vmul.f32 v20, v14;
	v19 =	vadd.f32 v19, v21  }
0x443: {  	v59 =	vadd.s32 s1, v5  }
0x444: {  	v13 =	vor.u32 $0x6, v13;
	v19 =	vadd.f32 v20, v19;
	_ =	sdelay $0x1  }
0x445: {  	v20 =	vmul.f32 v19, v18  }
0x446: {  	[tilespmem:v58+s14+$0x0] =	vst.idx.msk $0xffff, v19  }
0x447: {  	[tilespmem:v59+s17+$0x0] =	vst.idx.msk $0xffff, v20  }
0x448: {  	v19 =	vld.idx.msk [tilespmem:v13+s28+$0x0], $0xffff  }
0x449: {  	v20 =	vld.idx.msk [tilespmem:v13+s29+$0x0], $0xffff  }
0x44a: {  	v21 =	vld.idx.msk [tilespmem:v13+s30+$0x0], $0xffff;
	_ =	sdelay $0x2  }
0x44b: {  	v13 =	vld.idx.msk [tilespmem:v13+s31+$0x0], $0xffff  }
0x44c: {  	v19 =	vmul.f32 v19, v16;
	v20 =	vmul.f32 v20, v15  }
0x44d: {  	v60 =	vmul.f32 v21, v16  }
0x44e: {  	v19 =	vmul.f32 v19, v17;
	v61 =	vmul.f32 v20, v17;
	_ =	sdelay $0x1  }
0x44f: {  	v13 =	vmul.f32 v13, v15;
	v15 =	vmul.f32 v60, v14;
	v62 =	vadd.f32 v61, v19;
	_ =	sdelay $0x1  }
0x450: {  	v13 =	vmul.f32 v13, v14;
	v14 =	vor.u32 s21, v12;
	v15 =	vadd.f32 v15, v62  }
0x451: {  	v63 =	vadd.s32 s19, v5  }
0x452: {  	s6 =	rddreg [dreg:$0xf];
	v13 =	vadd.f32 v13, v15  }
0x453: {  	s5 =	smul.u32 $0x7, s6  }
0x454: {  	v15 =	vmul.f32 v13, v18  }
0x455: {  	s1 =	sshrl.u32 s5, $0x3;
	[tilespmem:v14+s14+$0x0] =	vst.idx.msk $0xffff, v13  }
0x456: {  	s1 =	sadd.s32 s26, s1;
	[tilespmem:v63+s17+$0x0] =	vst.idx.msk $0xffff, v15  }
0x457: {  	[hbm4b:s1+s3] =	stream.linear.scatter [tilespmem:s17], [sflag:$0x3], $0x1C00, $0x38;
	[tilespmem:$0x18800] =	vst v63  }
0x458: {  	_ =	swait.ge [sflag:s15], $0x1C00  }
0x459: {  	s7 =	sshrl.u32 s6, $0x3;
	[sflag:s15] =	ssyncset.done $0x0;
	s2 =	rddreg [dreg:$0x5]  }
0x45a: {  	s5 =	simm.s32 $0x17400;
	[sflag:s15] =	ssyncadd.s32 $0xFFFFE400;
	s2 =	sadd.s32 s2, s7  }
0x45b: {  	[hbm4b:s2+s3] =	stream.linear.scatter [tilespmem:s5], [sflag:$0x3], $0x400, $0x38;
	[tilespmem:$0x18800] =	vst v63  }
0x45c: {  	_ =	swait.ge [sflag:s15], $0x400  }
0x45d: {  	[sflag:s15] =	ssyncset.done $0x0  }
0x45e: {  	[sflag:s15] =	ssyncadd.s32 $0xFFFFFC00  }
0x45f: {  	s8 =	rddreg [dreg:$0x2]  }
0x460: {  	s2 =	sadd.s32 s8, s6  }
0x461: {  	[hbm4b:s2+s3] =	stream.linear.scatter [tilespmem:s14], [sflag:$0x3], $0x2000, $0x38;
	[tilespmem:$0x18800] =	vst v63  }
0x462: {  	_ =	swait.ge [sflag:s15], $0x2000  }
0x463: {  	[sflag:s15] =	ssyncset.done $0x0;
	s9 =	rddreg [dreg:$0x6]  }
0x464: {  	s10 =	simm.s32 $0x17800;
	[sflag:s15] =	ssyncadd.s32 $0xFFFFE000;
	s2 =	sadd.s32 s9, s7  }
0x465: {  	[hbm4b:s2+s3] =	stream.linear.scatter [tilespmem:s10], [sflag:$0x3], $0x400, $0x38;
	[tilespmem:$0x18800] =	vst v63  }
0x466: {  	_ =	swait.ge [sflag:s15], $0x400  }
0x467: {  	[sflag:s15] =	ssyncset.done $0x0;
	s11 =	rddreg [dreg:$0x7]  }
0x468: {  	s12 =	simm.s32 $0x17C00;
	[sflag:s15] =	ssyncadd.s32 $0xFFFFFC00;
	s2 =	sadd.s32 s11, s7  }
0x469: {  	[hbm4b:s2+s3] =	stream.linear.scatter [tilespmem:s12], [sflag:$0x3], $0x400, $0x38;
	[tilespmem:$0x18800] =	vst v63  }
0x46a: {  	_ =	swait.ge [sflag:s15], $0x400  }
0x46b: {  	[sflag:s15] =	ssyncset.done $0x0;
	s13 =	rddreg [dreg:$0x8]  }
0x46c: {  	s19 =	simm.s32 $0x18000;
	[sflag:s15] =	ssyncadd.s32 $0xFFFFFC00;
	s2 =	sadd.s32 s13, s7  }
0x46d: {  	[hbm4b:s2+s3] =	stream.linear.scatter [tilespmem:s19], [sflag:$0x3], $0x400, $0x38;
	[tilespmem:$0x18800] =	vst v63  }
0x46e: {  	_ =	swait.ge [sflag:s15], $0x400  }
0x46f: {  	[sflag:s15] =	ssyncset.done $0x0;
	s21 =	rddreg [dreg:$0x9]  }
0x470: {  	s25 =	simm.s32 $0x18400;
	[sflag:s15] =	ssyncadd.s32 $0xFFFFFC00;
	s1 =	sadd.s32 s21, s7  }
0x471: {  	[hbm4b:s1+s3] =	stream.linear.scatter [tilespmem:s25], [sflag:$0x3], $0x400, $0x38;
	[tilespmem:$0x18800] =	vst v63  }
0x472: {  	_ =	swait.ge [sflag:s15], $0x400  }
0x473: {  	s26 =	rddreg [dreg:$0xe]  }
0x474: {  	s1 =	sadd.s32 $0x1, s26  }
0x475: {  	p0 =	sne.s32 s1, $0x10  }
.Ltmp5:
0x476: {  	_ = 	snop;
	(pc) =	sbr.rel @p0 .LBB2_4-.Ltmp5, $3  }
0x477: {  	_ =	sdelay $0x1  }
0x478: {  	[sflag:s15] =	ssyncset.done $0x0  }
0x479: {  	[sflag:s15] =	ssyncadd.s32 $0xFFFFFC00  }
0x47a: {  	_ =	swait.ge [sflag:s0], $0x400  }
0x47b: {  	[sflag:s0] =	ssyncset.done $0x0  }
0x47c: {  	[sflag:s0] =	ssyncadd.s32 $0xFFFFFC00  }
0x47d: {  	_ =	swait.ge [sflag:s0], $0x400  }
0x47e: {  	[sflag:s0] =	ssyncset.done $0x0  }
0x47f: {  	[sflag:s0] =	ssyncadd.s32 $0xFFFFFC00  }
0x480: {  	_ =	swait.ge [sflag:s0], $0x400  }
0x481: {  	[sflag:s0] =	ssyncset.done $0x0  }
0x482: {  	[sflag:s0] =	ssyncadd.s32 $0xFFFFFC00  }
0x483: {  	_ =	swait.ge [sflag:s0], $0x400  }
0x484: {  	[sflag:s0] =	ssyncset.done $0x0  }
0x485: {  	[sflag:s0] =	ssyncadd.s32 $0xFFFFFC00  }
0x486: {  	_ =	swait.ge [sflag:s0], $0x400  }
0x487: {  	[sflag:s0] =	ssyncset.done $0x0  }
0x488: {  	[sflag:s0] =	ssyncadd.s32 $0xFFFFFC00  }
0x489: {  	_ =	swait.ge [sflag:s0], $0x400  }
0x48a: {  	[sflag:s0] =	ssyncset.done $0x0  }
0x48b: {  	[sflag:s0] =	ssyncadd.s32 $0xFFFFFC00  }
0x48c: {  	_ =	swait.ge [sflag:s0], $0x400  }
0x48d: {  	[sflag:s0] =	ssyncset.done $0x0  }
0x48e: {  	[sflag:s0] =	ssyncadd.s32 $0xFFFFFC00  }
0x48f: {  	_ =	swait.ge [sflag:s0], $0x400  }
0x490: {  	[sflag:s0] =	ssyncset.done $0x0  }
0x491: {  	[sflag:s0] =	ssyncadd.s32 $0xFFFFFC00  }
0x492: {  	_ =	swait.ge [sflag:s0], $0x400  }
0x493: {  	[sflag:s0] =	ssyncset.done $0x0  }
0x494: {  	[sflag:s0] =	ssyncadd.s32 $0xFFFFFC00  }
0x495: {  	_ =	swait.ge [sflag:s0], $0x400  }
0x496: {  	[sflag:s0] =	ssyncset.done $0x0  }
0x497: {  	[sflag:s0] =	ssyncadd.s32 $0xFFFFFC00  }
0x498: {  	_ =	swait.ge [sflag:s0], $0x400  }
0x499: {  	[sflag:s0] =	ssyncset.done $0x0  }
0x49a: {  	[sflag:s0] =	ssyncadd.s32 $0xFFFFFC00  }
0x49b: {  	_ =	swait.ge [sflag:s0], $0x400  }
0x49c: {  	[sflag:s0] =	ssyncset.done $0x0  }
0x49d: {  	[sflag:s0] =	ssyncadd.s32 $0xFFFFFC00  }
0x49e: {  	_ =	swait.ge [sflag:s0], $0x400  }
0x49f: {  	[sflag:s0] =	ssyncset.done $0x0  }
0x4a0: {  	[sflag:s0] =	ssyncadd.s32 $0xFFFFFC00  }
0x4a1: {  	_ =	swait.ge [sflag:s0], $0x400  }
0x4a2: {  	[sflag:s0] =	ssyncset.done $0x0  }
0x4a3: {  	[sflag:s0] =	ssyncadd.s32 $0xFFFFFC00  }
0x4a4: {  	_ =	swait.ge [sflag:s0], $0x400  }
0x4a5: {  	[sflag:s0] =	ssyncset.done $0x0  }
0x4a6: {  	[sflag:s0] =	ssyncadd.s32 $0xFFFFFC00  }
0x4a7: {  	_ =	swait.ge [sflag:s0], $0x400  }
0x4a8: {  	[sflag:s0] =	ssyncset.done $0x0  }
0x4a9: {  	[sflag:s0] =	ssyncadd.s32 $0xFFFFFC00  }
0x4aa: {  	_ =	swait.ge [sflag:s0], $0x400  }
0x4ab: {  	[sflag:s0] =	ssyncset.done $0x0  }
0x4ac: {  	[sflag:s0] =	ssyncadd.s32 $0xFFFFFC00  }
0x4ad: {  	_ =	swait.ge [sflag:s0], $0x400  }
0x4ae: {  	[sflag:s0] =	ssyncset.done $0x0  }
0x4af: {  	[sflag:s0] =	ssyncadd.s32 $0xFFFFFC00  }
0x4b0: {  	_ =	swait.ge [sflag:s0], $0x400  }
0x4b1: {  	[sflag:s0] =	ssyncset.done $0x0  }
0x4b2: {  	[sflag:s0] =	ssyncadd.s32 $0xFFFFFC00  }
0x4b3: {  	_ =	swait.ge [sflag:s0], $0x400  }
0x4b4: {  	[sflag:s0] =	ssyncset.done $0x0  }
0x4b5: {  	[sflag:s0] =	ssyncadd.s32 $0xFFFFFC00  }
0x4b6: {  	_ =	swait.ge [sflag:s0], $0x400  }
0x4b7: {  	[sflag:s0] =	ssyncset.done $0x0  }
0x4b8: {  	[sflag:s0] =	ssyncadd.s32 $0xFFFFFC00  }
0x4b9: {  	_ =	swait.ge [sflag:s0], $0x400  }
0x4ba: {  	[sflag:s0] =	ssyncset.done $0x0  }
0x4bb: {  	[sflag:s0] =	ssyncadd.s32 $0xFFFFFC00  }
0x4bc: {  	_ =	swait.ge [sflag:s0], $0x400  }
0x4bd: {  	[sflag:s0] =	ssyncset.done $0x0  }
0x4be: {  	[sflag:s0] =	ssyncadd.s32 $0xFFFFFC00  }
0x4bf: {  	_ =	swait.ge [sflag:s0], $0x400  }
0x4c0: {  	[sflag:s0] =	ssyncset.done $0x0  }
0x4c1: {  	[sflag:s0] =	ssyncadd.s32 $0xFFFFFC00  }
0x4c2: {  	_ =	swait.ge [sflag:s0], $0x400  }
0x4c3: {  	[sflag:s0] =	ssyncset.done $0x0  }
0x4c4: {  	[sflag:s0] =	ssyncadd.s32 $0xFFFFFC00  }
0x4c5: {  	_ =	swait.ge [sflag:s0], $0x400  }
0x4c6: {  	[sflag:s0] =	ssyncset.done $0x0  }
0x4c7: {  	[sflag:s0] =	ssyncadd.s32 $0xFFFFFC00  }
0x4c8: {  	_ =	swait.ge [sflag:s0], $0x400  }
0x4c9: {  	[sflag:s0] =	ssyncset.done $0x0  }
0x4ca: {  	[sflag:s0] =	ssyncadd.s32 $0xFFFFFC00  }
0x4cb: {  	_ =	swait.ge [sflag:s0], $0x400  }
0x4cc: {  	[sflag:s0] =	ssyncset.done $0x0  }
0x4cd: {  	[sflag:s0] =	ssyncadd.s32 $0xFFFFFC00  }
0x4ce: {  	_ =	swait.ge [sflag:s0], $0x400  }
0x4cf: {  	[sflag:s0] =	ssyncset.done $0x0  }
0x4d0: {  	[sflag:s0] =	ssyncadd.s32 $0xFFFFFC00  }
0x4d1: {  	_ =	swait.ge [sflag:s0], $0x400  }
0x4d2: {  	[sflag:s0] =	ssyncset.done $0x0  }
0x4d3: {  	[sflag:s0] =	ssyncadd.s32 $0xFFFFFC00  }
0x4d4: {  	_ =	swait.ge [sflag:s0], $0x400  }
0x4d5: {  	[sflag:s0] =	ssyncset.done $0x0  }
0x4d6: {  	[sflag:s0] =	ssyncadd.s32 $0xFFFFFC00  }
0x4d7: {  	_ =	swait.ge [sflag:s0], $0x400  }
0x4d8: {  	s2 =	rddreg [dreg:$0xd]  }
0x4d9: {  	s1 =	rddreg [dreg:$0xc];
	s2 =	sadd.s32 $0x1, s2  }
0x4da: {  	p0 =	sne.s32 s2, s1  }
.Ltmp6:
0x4db: {  	_ = 	snop;
	(pc) =	sbr.rel @p0 .LBB2_1-.Ltmp6, $3  }
0x4dc: {  	_ =	sdelay $0x1  }
0x4dd: {  	[sflag:s0] =	ssyncset.done $0x0  }
0x4de: {  	[sflag:s0] =	ssyncadd.s32 $0xFFFFFC00  }
0x4df: {  	_ =	sfence.sel $0x180000  }
0x4e0: {  	[bflag:$0x0] =	sbarrier.arrive $0xFFFF  }
0x4e1: {  	_ =	strace $0x90000047  }
0x4e2: {  	s0 =	stileid.u32;
	[bflag:$0x2] =	sbarrier.arrive $0xFFFF  }
0x4e3: {  	p0 =	sne.s32 s0, $0x0;
	s0 =	rddreg [dreg:$0x3]  }
0x4e4: {  	s0 =	sadd.s32 @!p0 $0x100000, s0  }
0x4e5: {  	[sflag:s0] =	ssyncadd.tile.s32 @!p0 $0x1;
	_ =	shalt  }
.Lfunc_end2:
_tile_overlayer_lowered:
.L_overlay_start_2:
0x4e6: {  	(tag) =	ssettag $0x2  }
0x4e7: {  	s0 =	rddreg [dreg:$0x0];
	s2 =	stileid.u32  }
0x4e8: {  	s1 =	rddreg [dreg:$0x1];
	p0 =	sne.s32 s2, $0x0  }
0x4e9: {  	s3 =	rddreg [dreg:$0x2];
	[bflag:$0x3] =	sbarrier.arrive $0xFFFF;
	s2 =	simm.s32 @!p0 $0x1C03  }
0x4ea: {  	[timem:s3], [sflag:s2] =	dma.local @!p0 [hbm:s0], s1  }
0x4eb: {  	s0 =	simm.s32 @!p0 $0x3  }
0x4ec: {  	_ =	swait.ge @!p0 [sflag:s0], s1  }
0x4ed: {  	s1 =	ssub.s32 @!p0 $0x0, s1;
	[sflag:s0] =	ssyncset.done @!p0 $0x0  }
0x4ee: {  	[sflag:s0] =	ssyncadd.s32 @!p0 s1  }
0x4ef: {  	[bflag:$0x3] =	sbarrier.arrive $0xFFFF  }
0x4f0: {  	_ =	shalt  }

// kernel: sparse-core-data-format-call.cloned.1.call-start
scs
called_computation_lowered:
.L_overlay_start_0:
0x0: {  	s2 =	sld [smem:$0x3FD9]  }
0x1: {  	s3 =	sld [smem:$0x3FFE];
	_ =	sdelay $0x1  }
0x2: {  	s1 =	srdreg.scid  }
0x3: {  	s0 =	sand.u32 $0x1, s1  }
0x4: {  	s15 =	sshll.u32 s0, $0xA;
	s2 =	sadd.s32 s3, s2  }
0x5: {  	s2 =	sadd.s32 s2, s15  }
0x6: {  	[smem:$0x3FC6] =	sst s2  }
0x7: {  	_ = 	snop  }
0x8: {  	s2 =	sld [smem:$0x3FD0];
	_ =	sdelay $0x2  }
0x9: {  	s16 =	simm.s32 $0xA;
	s4 =	simm.s32 $0x10  }
0xa: {  	[smem:s4], [sflag:s16] =	dma.local [hbm:s2], $0x1  }
0xb: {  	_ =	swait.eq [sflag:s16], $0x1  }
0xc: {  	[sflag:s16] =	ssyncset.done $0x0  }
0xd: {  	[sflag:s16] =	ssyncadd.s32 $0xFFFFFFFF  }
0xe: {  	s17 =	sld [smem:$0x12];
	(tm) =	ssettm $0x1  }
0xf: {  	s18 =	sld [smem:$0x3FFB];
	_ =	sdelay $0x3  }
0x10: {  	_ =	strace s18  }
0x11: {  	s3 =	sld [smem:$0x3FFC];
	_ =	sdelay $0x3  }
0x12: {  	_ =	strace s3  }
0x13: {  	s3 =	sld [smem:$0x3FFD];
	_ =	sdelay $0x3  }
0x14: {  	_ =	strace s3  }
0x15: {  	_ =	strace $0x8FFFFFFF  }
0x16: {  	s19 =	sld [smem:$0x3FDB];
	_ =	sdelay $0x1  }
0x17: {  	s20 =	simm.s32 $_scs_section_size  }
0x18: {  	s5 =	simm.s32 $_size__tile_overlayer_lowered;
	s6 =	simm.s32 $_tile_overlayer_lowered  }
0x19: {  	s23 =	simm.s32 $0x1BFF;
	s22 =	sshll.u32 s6, $0x1;
	s3 =	sadd.s32 s20, s19  }
0x1a: {  	s7 =	simm.s32 $0x0;
	s21 =	sshll.u32 s5, $0x1;
	s5 =	sadd.s32 s22, s3  }
0x1b: {  	[timem:s7], [sflag:s23] =	dma.local [hbm:s5], s21  }
0x1c: {  	_ =	swait.ge [sflag:s23], s21  }
0x1d: {  	s4 =	ssub.s32 $0x0, s21;
	[sflag:s23] =	ssyncset.done $0x0  }
0x1e: {  	[sflag:s23] =	ssyncadd.s32 s4;
	_ =	sdelay $0x1  }
0x1f: {  	s24 =	simm.s32 $0x1B8B  }
0x20: {  	_ =	swait.ge [sflag:s24], $0x1  }
0x21: {  	[sflag:s24] =	ssyncset.done $0x0  }
0x22: {  	s26 =	simm.s32 $0x1B8E;
	s25 =	sld [smem:$0x3FFE];
	[sflag:s24] =	ssyncadd.s32 $0xFFFFFFFF  }
0x23: {  	s27 =	simm.s32 $execute0_lowered;
	[smem:$0x3FD2] =	sst s26  }
0x24: {  	s5 =	sshll.u32 s27, $0x1;
	_ =	strace $0x80000049;
	[dreg:$0x1] =	wrdreg $0xFFFFFFFF  }
0x25: {  	s28 =	simm.s32 $_size_execute0_lowered;
	s3 =	sadd.s32 s3, s5;
	[dreg:$0x0] =	wrdreg $0x0  }
0x26: {  	s5 =	sshll.u32 s28, $0x1;
	[dreg:$0x2] =	wrdreg s3  }
0x27: {  	[dreg:$0x3] =	wrdreg s5  }
0x28: {  	[dreg:$0x4] =	wrdreg $0xC0  }
0x29: {  	_ =	task [dreg:s7], $0x5FFFF  }
0x2a: {  	[dreg:$0x1] =	wrdreg $0xFFFFFFFF  }
0x2b: {  	[dreg:$0x0] =	wrdreg $0x60  }
0x2c: {  	[dreg:$0x2] =	wrdreg s25  }
0x2d: {  	[dreg:$0x3] =	wrdreg s17  }
0x2e: {  	[dreg:$0x4] =	wrdreg $0x9  }
0x2f: {  	_ =	task.clear_ibuf [dreg:s7], $0x5FFFF;
	_ =	strace $0x90000049  }
0x30: {  	s29 =	simm.s32 $0x9;
	_ =	strace $0x8000004B  }
0x31: {  	_ =	swait.ge [sflag:s29], $0x1  }
0x32: {  	[sflag:s29] =	ssyncadd.s32 $0xFFFFFFFF  }
0x33: {  	_ =	strace $0x9000004B  }
0x34: {  	_ =	sfence  }
0x35: {  	s30 =	sld [smem:$0x0];
	_ =	sdelay $0x2  }
0x36: {  	s31 =	sshll.u32 s1, $0xD;
	s1 =	sshrl.u32 s1, $0x2  }
0x37: {  	s3 =	sand.u32 $0x4000, s31;
	s1 =	sadd.s32 s1, s30  }
0x38: {  	s0 =	sor.u32 s3, s0;
	s1 =	sshll.u32 s1, $0x11  }
0x39: {  	s0 =	sor.u32 s1, s0  }
0x3a: {  	s0 =	sadd.s32 $0x8F2B, s0  }
0x3b: {  	[sflag:s0] =	ssyncadd.remote.s32 $0x1  }
0x3c: {  	_ =	sfence.sel $0xFFFF  }
0x3d: {  	[dreg:$0x0] =	wrdreg $0xFFFFFFFF;
	(pc) =	sbr.abs _section_cstart, $3  }
0x3e: {  	[dreg:$0x1] =	wrdreg $0xFFFFFFFF  }
0x3f: {  	_ =	task.clear_ibuf [dreg:s7], $0x2FFFF;
	_ =	strace $0x9FFFFFFF  }
0x40: {  	(tm) =	ssettm $0x7FFFFFFF  }
0x41: {  	_ =	shalt  }
tec
execute0_lowered:
.L_overlay_start_1:
0x0: {  	(tag) =	ssettag $0x1  }
0x1: {  	s0 =	srdreg.scid  }
0x2: {  	s1 =	sshll.u32 s0, $0x4  }
0x3: {  	s6 =	rddreg [dreg:$0x0];
	s0 =	stileid.u32;
	s1 =	sand.u32 $0x10, s1  }
0x4: {  	s3 =	rddreg [dreg:$0x1];
	s1 =	sor.u32 s0, s1  }
0x5: {  	s7 =	simm.s32 $0x1;
	s8 =	simm.s32 $0x2;
	s2 =	sshll.u32 s1, $0x7  }
0x6: {  	s10 =	simm.s32 $0x0;
	s9 =	simm.s32 $0x0;
	s5 =	ssub.s32 $0x100000, s2  }
.Ltmp0:
0x7: {  	s6 =	sadd.s32 $0xC1E00, s6;
	s4 =	sand.u32 $0xF80, s5;
	(pc) =	sbr.rel .LBB1_1-.Ltmp0, $4  }
0x8: {  	s1 =	rddreg [dreg:$0x2];
	_ =	strace $0x8000004A;
	p0 =	sne.s32 s4, $0x0  }
0x9: {  	s5 =	sshrl.u32 s5, $0xC;
	s4 =	simm.s32 $0x1;
	s7 =	simm.s32 @!p0 $0x0  }
0xa: {  	[sflag:s4] =	ssyncpa.u1 $0x0;
	p0 =	por $0x0, $0x0;
	s5 =	sadd.s32 s7, s5  }
0xb: {  	[sflag:s8] =	ssyncpa.u1 $0x0;
	s8 =	smov.u32 s2;
	s7 =	sadd.s32 $0x1, s5  }
.LBB1_4:
0xc: {  	[tilespmem:s20+$0xFFFFFFFA ss:$0x81] =	vst.msk $0xff, v4  }
0xd: {  	v4 =	vld.msk [tilespmem:s21+$0xFFFFFFF0], $0xff;
	_ =	sdelay $0x3  }
0xe: {  	[tilespmem:s18+$0xFFFFFFFB ss:$0x81] =	vst.msk $0xff, v3  }
0xf: {  	v3 =	vld.msk [tilespmem:s19+$0xFFFFFFF8], $0xff;
	[tilespmem:s20+$0xFFFFFFFB ss:$0x81] =	vst.msk $0xff, v4  }
0x10: {  	v4 =	vld.msk [tilespmem:s21+$0xFFFFFFF8], $0xff;
	_ =	sdelay $0x3  }
0x11: {  	v5 =	vld.msk [tilespmem:s17+$0x0], $0xff;
	[tilespmem:s18+$0xFFFFFFFC ss:$0x81] =	vst.msk $0xff, v3  }
0x12: {  	v3 =	vld.msk [tilespmem:s19+$0x0], $0xff;
	[tilespmem:s20+$0xFFFFFFFC ss:$0x81] =	vst.msk $0xff, v4  }
0x13: {  	v4 =	vld.msk [tilespmem:s21+$0x0], $0xff;
	_ =	sdelay $0x2  }
0x14: {  	[tilespmem:s16+$0xFFFFFFFD ss:$0x81] =	vst.msk $0xff, v5  }
0x15: {  	v5 =	vld.msk [tilespmem:s17+$0x8], $0xff;
	[tilespmem:s18+$0xFFFFFFFD ss:$0x81] =	vst.msk $0xff, v3  }
0x16: {  	v3 =	vld.msk [tilespmem:s19+$0x8], $0xff;
	[tilespmem:s20+$0xFFFFFFFD ss:$0x81] =	vst.msk $0xff, v4  }
0x17: {  	v4 =	vld.msk [tilespmem:s21+$0x8], $0xff;
	_ =	sdelay $0x1  }
0x18: {  	[tilespmem:s14+$0xFFFFFFFE ss:$0x81] =	vst.msk $0xff, v2  }
0x19: {  	v2 =	vld.msk [tilespmem:s15+$0x10], $0xff;
	[tilespmem:s16+$0xFFFFFFFE ss:$0x81] =	vst.msk $0xff, v5  }
0x1a: {  	v5 =	vld.msk [tilespmem:s17+$0x10], $0xff;
	[tilespmem:s18+$0xFFFFFFFE ss:$0x81] =	vst.msk $0xff, v3  }
0x1b: {  	v3 =	vld.msk [tilespmem:s19+$0x10], $0xff;
	[tilespmem:s20+$0xFFFFFFFE ss:$0x81] =	vst.msk $0xff, v4  }
0x1c: {  	v4 =	vld.msk [tilespmem:s21+$0x10], $0xff  }
0x1d: {  	[tilespmem:s12+$0xFFFFFFFF ss:$0x81] =	vst.msk $0xff, v1  }
0x1e: {  	v1 =	vld.msk [tilespmem:s13+$0x18], $0xff;
	[tilespmem:s14+$0xFFFFFFFF ss:$0x81] =	vst.msk $0xff, v2  }
0x1f: {  	v2 =	vld.msk [tilespmem:s15+$0x18], $0xff;
	[tilespmem:s16+$0xFFFFFFFF ss:$0x81] =	vst.msk $0xff, v5  }
0x20: {  	v61 =	vld.msk [tilespmem:s17+$0x18], $0xff;
	[tilespmem:s18+$0xFFFFFFFF ss:$0x81] =	vst.msk $0xff, v3  }
0x21: {  	v62 =	vld.msk [tilespmem:s19+$0x18], $0xff;
	[tilespmem:s20+$0xFFFFFFFF ss:$0x81] =	vst.msk $0xff, v4  }
0x22: {  	[tilespmem:s11+$0x0 ss:$0x81] =	vst.msk $0xff, v0;
	v63 =	vld.msk [tilespmem:s21+$0x18], $0xff  }
0x23: {  	s28 =	sshll.u32 s10, $0x3;
	[tilespmem:s12+$0x0 ss:$0x81] =	vst.msk $0xff, v1  }
0x24: {  	s29 =	sand.u32 $0x78, s10;
	s11 =	sand.u32 $0xFFC00, s28;
	[tilespmem:s14+$0x0 ss:$0x81] =	vst.msk $0xff, v2  }
0x25: {  	s30 =	sand.u32 $0xE0000, s10;
	s11 =	sor.u32 s29, s11;
	[tilespmem:s16+$0x0 ss:$0x81] =	vst.msk $0xff, v61  }
0x26: {  	s11 =	sshrl.u32 s11, $0x3;
	s12 =	sadd.s32 s3, s30;
	[tilespmem:s18+$0x0 ss:$0x81] =	vst.msk $0xff, v62  }
0x27: {  	s31 =	sand.u32 $0x7, s10;
	s11 =	sadd.s32 s11, s12;
	[tilespmem:s20+$0x0 ss:$0x81] =	vst.msk $0xff, v63  }
0x28: {  	[hbm4b:s11+s31] =	stream.linear.scatter [tilespmem:s22], [sflag:$0x2], $0x400, $0x20;
	[tilespmem:$0x1010] =	vst v63  }
.LBB1_5:
0x29: {  	s12 =	sadd.s32 $0x1000, s8  }
0x2a: {  	p2 =	sgt.s32 s12, $0xFFFFF  }
0x2b: {  	s12 =	smov.u32 @p2 s2;
	p2 =	sne.s32 s9, s7  }
.Ltmp1:
0x2c: {  	p1 =	slt.u32 s9, $0x2;
	(pc) =	sbr.rel @!p2 .LBB1_6-.Ltmp1, $4  }
0x2d: {  	s11 =	simm.s32 @!p1 $0x2  }
0x2e: {  	s13 =	sadd.s32 $0x1, s9;
	_ =	swait.ge @!p1 [sflag:s11], $0x400  }
0x2f: {  	s10 =	smov.u32 s8;
	p0 =	por !p0, !p0;
	[sflag:s11] =	ssyncset.done @!p1 $0x0  }
0x30: {  	s9 =	smov.u32 s13;
	s8 =	smov.u32 s12;
	[sflag:s11] =	ssyncadd.s32 @!p1 $0xFFFFFC00  }
.LBB1_1:
0x31: {  	p1 =	sge.u32 s9, s5  }
0x32: {  	s31 =	sadd.s32 $0xFFFFFFFF, s9;
	s11 =	sxor.u32 @!p1 $0xFFFFFFFF, s9;
	s12 =	sshll.u32 @!p1 s8, $0x4  }
0x33: {  	s13 =	simm.s32 @!p1 $0x8;
	s11 =	sshll.u32 @!p1 s11, $0xA;
	s12 =	sand.u32 @!p1 $0xFFFFF0, s12  }
0x34: {  	s14 =	simm.s32 @!p1 $0x80;
	s11 =	sand.u32 @!p1 $0x400, s11;
	s12 =	sadd.s32 @!p1 s6, s12  }
0x35: {  	[tilespmem:s11], [sflag:$0x1] =	stream.strided.gather @!p1 [hbm4b:s12+s13], $0x400, s14, s13, $0x38;
	[tilespmem:$0x1010] =	vst v63  }
0x36: {  	p1 =	sge.u32 s31, s5  }
.Ltmp2:
0x37: {  	_ = 	snop;
	(pc) =	sbr.rel @p1 .LBB1_5-.Ltmp2, $1  }
0x38: {  	_ =	sdelay $0x3  }
0x39: {  	s11 =	simm.s32 $0x1  }
0x3a: {  	_ =	swait.ge [sflag:s4], $0x400;
	s11 =	simm.s32 @!p0 $0x0  }
0x3b: {  	[sflag:s4] =	ssyncset.done $0x0;
	s12 =	sshll.u32 s11, $0xA  }
0x3c: {  	[sflag:s4] =	ssyncadd.s32 $0xFFFFFC00;
	s20 =	sor.u32 $0x20, s12  }
0x3d: {  	v0 =	vld.msk [tilespmem:s20+$0xFFFFFFE0], $0xff  }
0x3e: {  	s11 =	smul.u32 $0x1020, s11;
	_ =	sdelay $0x1  }
0x3f: {  	s11 =	sshrl.u32 s11, $0x2  }
0x40: {  	s11 =	sor.u32 $0x807, s11  }
0x41: {  	[tilespmem:s11+$0xFFFFFFF9 ss:$0x81] =	vst.msk $0xff, v0  }
0x42: {  	v0 =	vld.msk [tilespmem:s20+$0xFFFFFFE8], $0xff  }
0x43: {  	s13 =	sadd.s32 $0x40, s20  }
0x44: {  	v1 =	vld.msk [tilespmem:s13+$0xFFFFFFE0], $0xff;
	_ =	sdelay $0x2  }
0x45: {  	[tilespmem:s11+$0xFFFFFFFA ss:$0x81] =	vst.msk $0xff, v0  }
0x46: {  	s12 =	sadd.s32 $0x8, s11;
	v0 =	vld.msk [tilespmem:s20+$0xFFFFFFF0], $0xff  }
0x47: {  	[tilespmem:s12+$0xFFFFFFF9 ss:$0x81] =	vst.msk $0xff, v1  }
0x48: {  	v1 =	vld.msk [tilespmem:s13+$0xFFFFFFE8], $0xff  }
0x49: {  	s15 =	sadd.s32 $0x40, s13  }
0x4a: {  	v2 =	vld.msk [tilespmem:s15+$0xFFFFFFE0], $0xff  }
0x4b: {  	[tilespmem:s11+$0xFFFFFFFB ss:$0x81] =	vst.msk $0xff, v0  }
0x4c: {  	v0 =	vld.msk [tilespmem:s20+$0xFFFFFFF8], $0xff  }
0x4d: {  	[tilespmem:s12+$0xFFFFFFFA ss:$0x81] =	vst.msk $0xff, v1  }
0x4e: {  	s14 =	sadd.s32 $0x8, s12;
	v1 =	vld.msk [tilespmem:s13+$0xFFFFFFF0], $0xff  }
0x4f: {  	[tilespmem:s14+$0xFFFFFFF9 ss:$0x81] =	vst.msk $0xff, v2  }
0x50: {  	s17 =	sadd.s32 $0x40, s15;
	v2 =	vld.msk [tilespmem:s15+$0xFFFFFFE8], $0xff  }
0x51: {  	[tilespmem:s11+$0xFFFFFFFC ss:$0x81] =	vst.msk $0xff, v0;
	v0 =	vld.msk [tilespmem:s17+$0xFFFFFFE0], $0xff  }
0x52: {  	v3 =	vld.msk [tilespmem:s20+$0x0], $0xff  }
0x53: {  	[tilespmem:s12+$0xFFFFFFFB ss:$0x81] =	vst.msk $0xff, v1  }
0x54: {  	v1 =	vld.msk [tilespmem:s13+$0xFFFFFFF8], $0xff  }
0x55: {  	s16 =	sadd.s32 $0x8, s14;
	[tilespmem:s14+$0xFFFFFFFA ss:$0x81] =	vst.msk $0xff, v2  }
0x56: {  	v2 =	vld.msk [tilespmem:s15+$0xFFFFFFF0], $0xff;
	[tilespmem:s16+$0xFFFFFFF9 ss:$0x81] =	vst.msk $0xff, v0  }
0x57: {  	v0 =	vld.msk [tilespmem:s17+$0xFFFFFFE8], $0xff;
	[tilespmem:s11+$0xFFFFFFFD ss:$0x81] =	vst.msk $0xff, v3  }
0x58: {  	s19 =	sadd.s32 $0x40, s17;
	v3 =	vld.msk [tilespmem:s20+$0x8], $0xff  }
0x59: {  	[tilespmem:s12+$0xFFFFFFFC ss:$0x81] =	vst.msk $0xff, v1;
	v1 =	vld.msk [tilespmem:s19+$0xFFFFFFE0], $0xff  }
0x5a: {  	v4 =	vld.msk [tilespmem:s13+$0x0], $0xff  }
0x5b: {  	[tilespmem:s14+$0xFFFFFFFB ss:$0x81] =	vst.msk $0xff, v2  }
0x5c: {  	v2 =	vld.msk [tilespmem:s15+$0xFFFFFFF8], $0xff;
	[tilespmem:s16+$0xFFFFFFFA ss:$0x81] =	vst.msk $0xff, v0  }
0x5d: {  	s18 =	sadd.s32 $0x8, s16;
	v0 =	vld.msk [tilespmem:s17+$0xFFFFFFF0], $0xff;
	[tilespmem:s11+$0xFFFFFFFE ss:$0x81] =	vst.msk $0xff, v3  }
0x5e: {  	[tilespmem:s18+$0xFFFFFFF9 ss:$0x81] =	vst.msk $0xff, v1;
	v1 =	vld.msk [tilespmem:s20+$0x10], $0xff  }
0x5f: {  	[tilespmem:s12+$0xFFFFFFFD ss:$0x81] =	vst.msk $0xff, v4;
	v3 =	vld.msk [tilespmem:s19+$0xFFFFFFE8], $0xff  }
0x60: {  	s21 =	sadd.s32 $0x40, s19;
	v4 =	vld.msk [tilespmem:s13+$0x8], $0xff  }
0x61: {  	[tilespmem:s14+$0xFFFFFFFC ss:$0x81] =	vst.msk $0xff, v2;
	v2 =	vld.msk [tilespmem:s21+$0xFFFFFFE0], $0xff  }
0x62: {  	v5 =	vld.msk [tilespmem:s15+$0x0], $0xff;
	[tilespmem:s16+$0xFFFFFFFB ss:$0x81] =	vst.msk $0xff, v0  }
0x63: {  	v6 =	vld.msk [tilespmem:s17+$0xFFFFFFF8], $0xff;
	[tilespmem:s11+$0xFFFFFFFF ss:$0x81] =	vst.msk $0xff, v1  }
0x64: {  	s22 =	sand.u32 $0x1, s9;
	[tilespmem:s18+$0xFFFFFFFA ss:$0x81] =	vst.msk $0xff, v3;
	v0 =	vld.msk [tilespmem:s20+$0x18], $0xff  }
0x65: {  	s22 =	smul.u32 $0x1020, s22;
	[tilespmem:s12+$0xFFFFFFFE ss:$0x81] =	vst.msk $0xff, v4;
	v3 =	vld.msk [tilespmem:s19+$0xFFFFFFF0], $0xff;
	s20 =	sadd.s32 $0x8, s18  }
0x66: {  	v1 =	vld.msk [tilespmem:s13+$0x10], $0xff;
	[tilespmem:s20+$0xFFFFFFF9 ss:$0x81] =	vst.msk $0xff, v2  }
0x67: {  	s22 =	sshrl.u32 s22, $0x2;
	[tilespmem:s14+$0xFFFFFFFD ss:$0x81] =	vst.msk $0xff, v5;
	v4 =	vld.msk [tilespmem:s21+$0xFFFFFFE8], $0xff  }
0x68: {  	s23 =	simm.s32 $0x28;
	s22 =	sor.u32 $0x800, s22;
	s24 =	sadd.s32 $0x40, s21;
	v2 =	vld.msk [tilespmem:s15+$0x8], $0xff;
	[tilespmem:s16+$0xFFFFFFFC ss:$0x81] =	vst.msk $0xff, v6  }
.LBB1_3:
0x69: {  	v5 =	vld.msk [tilespmem:s24+$0xFFFFFFE0], $0xff;
	[tilespmem:s11+$0x0 ss:$0x81] =	vst.msk $0xff, v0;
	s11 =	smov.u32 s12;
	s12 =	smov.u32 s14;
	s14 =	smov.u32 s16  }
0x6a: {  	s23 =	sadd.s32 $0x8, s23;
	s16 =	smov.u32 s18;
	[tilespmem:s18+$0xFFFFFFFB ss:$0x81] =	vst.msk $0xff, v3;
	v6 =	vld.msk [tilespmem:s17+$0x0], $0xff;
	s18 =	smov.u32 s20  }
0x6b: {  	p1 =	slt.u32 s23, $0x78;
	v7 =	vld.msk [tilespmem:s19+$0xFFFFFFF8], $0xff;
	[tilespmem:s11+$0xFFFFFFFF ss:$0x81] =	vst.msk $0xff, v1  }
.Ltmp3:
0x6c: {  	[tilespmem:s20+$0xFFFFFFFA ss:$0x81] =	vst.msk $0xff, v4;
	v0 =	vld.msk [tilespmem:s13+$0x18], $0xff;
	s13 =	smov.u32 s15;
	s15 =	smov.u32 s17;
	(pc) =	sbr.rel @p1 .LBB1_3-.Ltmp3, $4  }
0x6d: {  	s20 =	sadd.s32 $0x8, s20;
	s17 =	smov.u32 s19;
	s19 =	smov.u32 s21;
	v3 =	vld.msk [tilespmem:s21+$0xFFFFFFF0], $0xff;
	[tilespmem:s12+$0xFFFFFFFE ss:$0x81] =	vst.msk $0xff, v2  }
0x6e: {  	s21 =	smov.u32 s24;
	[tilespmem:s20+$0xFFFFFFF9 ss:$0x81] =	vst.msk $0xff, v5;
	v1 =	vld.msk [tilespmem:s13+$0x10], $0xff  }
0x6f: {  	v4 =	vld.msk [tilespmem:s24+$0xFFFFFFE8], $0xff;
	[tilespmem:s14+$0xFFFFFFFD ss:$0x81] =	vst.msk $0xff, v6  }
0x70: {  	s24 =	sadd.s32 $0x40, s24;
	[tilespmem:s16+$0xFFFFFFFC ss:$0x81] =	vst.msk $0xff, v7;
	v2 =	vld.msk [tilespmem:s15+$0x8], $0xff  }
.Ltmp4:
0x71: {  	_ = 	snop;
	(pc) =	sbr.rel .LBB1_4-.Ltmp4, $1  }
0x72: {  	_ =	sdelay $0x3  }
.LBB1_6:
0x73: {  	_ =	sfence.sel $0x180000  }
0x74: {  	s2 =	simm.s32 $0x1;
	[bflag:$0x0] =	sbarrier.arrive $0xFFFF  }
0x75: {  	s31 =	simm.s32 $0x2;
	[sflag:s2] =	ssyncpa.u1 $0x1  }
0x76: {  	[sflag:s31] =	ssyncpa.u1 $0x1  }
0x77: {  	p0 =	sne.s32 s0, $0x0;
	_ =	strace $0x9000004A  }
0x78: {  	s0 =	sadd.s32 @!p0 $0x100000, s1;
	[bflag:$0x2] =	sbarrier.arrive $0xFFFF  }
0x79: {  	[sflag:s0] =	ssyncadd.tile.s32 @!p0 $0x1;
	_ =	shalt  }
.Lfunc_end1:
_tile_overlayer_lowered:
.L_overlay_start_2:
0x7a: {  	(tag) =	ssettag $0x2  }
0x7b: {  	s0 =	rddreg [dreg:$0x0];
	s2 =	stileid.u32  }
0x7c: {  	s1 =	rddreg [dreg:$0x1];
	p0 =	sne.s32 s2, $0x0  }
0x7d: {  	s3 =	rddreg [dreg:$0x2];
	[bflag:$0x3] =	sbarrier.arrive $0xFFFF;
	s2 =	simm.s32 @!p0 $0x1C01  }
0x7e: {  	[timem:s3], [sflag:s2] =	dma.local @!p0 [hbm:s0], s1  }
0x7f: {  	s0 =	simm.s32 @!p0 $0x1  }
0x80: {  	_ =	swait.ge @!p0 [sflag:s0], s1  }
0x81: {  	s1 =	ssub.s32 @!p0 $0x0, s1;
	[sflag:s0] =	ssyncset.done @!p0 $0x0  }
0x82: {  	[sflag:s0] =	ssyncadd.s32 @!p0 s1  }
0x83: {  	[bflag:$0x3] =	sbarrier.arrive $0xFFFF  }
0x84: {  	_ =	shalt  }

</sc_bundles>
